<compile_context>
chip_gen: v7x
topology: tpu7x:2x2x1
jax: 0.10.2.dev20260603
libtpu: 0.0.44.dev20260713+nightly
codegen_flags: <defaults>
</compile_context>

<pallas_src>
import functools
import jax
import jax.numpy as jnp
from jax import lax
from jax.experimental import pallas as pl
from jax.experimental.pallas import tpu as pltpu
from jax.experimental.pallas import tpu_sc as plsc

B, Q, S, D = 4, 128, 8192, 2048
BLK = 2048
NBLK = S // BLK
WBLK = NBLK - 1
NSEL = 64
BS = 16
NROWS = B * NSEL * BS
_VMEM_LIM = pltpu.CompilerParams(vmem_limit_bytes=64 * 1024 * 1024)



def _kpass_body(q_ref, k_ref, sk_ref, p_ref):
    i = pl.program_id(1)
    k = k_ref[0]
    sk_ref[0] = jnp.sum(k, axis=0, keepdims=True)

    @pl.when(i == WBLK)
    def _():
        s = lax.dot_general(q_ref[0], k, (((1,), (1,)), ((), ())))
        m = jnp.max(s, axis=1, keepdims=True)
        p = jnp.exp(s - m)
        p_ref[0] = p / jnp.sum(p, axis=1, keepdims=True)


def _run_kpass(query, keys):
    return pl.pallas_call(
        _kpass_body,
        grid=(B, NBLK),
        in_specs=[
            pl.BlockSpec((1, Q, D), lambda b, i: (b, 0, 0)),
            pl.BlockSpec((1, BLK, D), lambda b, i: (b, i, 0)),
        ],
        out_specs=[
            pl.BlockSpec((1, 1, D), lambda b, i: (b * NBLK + i, 0, 0)),
            pl.BlockSpec((1, Q, BLK), lambda b, i: (b, 0, 0)),
        ],
        out_shape=[
            jax.ShapeDtypeStruct((B * NBLK, 1, D), jnp.float32),
            jax.ShapeDtypeStruct((B, Q, BLK), jnp.float32),
        ],
        compiler_params=_VMEM_LIM,
    )(query, keys)



def _vpass_body(p_ref, v_ref, sv_ref, ow_ref):
    i = pl.program_id(1)
    v = v_ref[0]
    sv_ref[0] = jnp.sum(v, axis=0, keepdims=True)

    @pl.when(i == WBLK)
    def _():
        ow_ref[0] = jnp.dot(p_ref[0], v)


def _run_vpass(pwin, values):
    return pl.pallas_call(
        _vpass_body,
        grid=(B, NBLK),
        in_specs=[
            pl.BlockSpec((1, Q, BLK), lambda b, i: (b, 0, 0)),
            pl.BlockSpec((1, BLK, D), lambda b, i: (b, i, 0)),
        ],
        out_specs=[
            pl.BlockSpec((1, 1, D), lambda b, i: (b * NBLK + i, 0, 0)),
            pl.BlockSpec((1, Q, D), lambda b, i: (b, 0, 0)),
        ],
        out_shape=[
            jax.ShapeDtypeStruct((B * NBLK, 1, D), jnp.float32),
            jax.ShapeDtypeStruct((B, Q, D), jnp.float32),
        ],
        compiler_params=_VMEM_LIM,
    )(pwin, values)



def _scores_body(means_ref, w1_ref, w2_ref, q_ref, oc_ref, tok_ref):
    dn = (((1,), (1,)), ((), ()))
    h = jnp.maximum(lax.dot_general(means_ref[...], w1_ref[...], dn), 0.0)
    ckcv = lax.dot_general(h, w2_ref[...], dn)
    ck = ckcv[:B * NBLK]
    cv = ckcv[B * NBLK:]
    NSC = Q * NBLK

    qq1 = lax.broadcasted_iota(jnp.int32, (Q, Q), 0)
    qq2 = lax.broadcasted_iota(jnp.int32, (Q, Q), 1)
    r64 = lax.broadcasted_iota(jnp.int32, (NSEL, Q), 0)
    q64 = lax.broadcasted_iota(jnp.int32, (NSEL, Q), 1)

    for b in range(B):
        qb = q_ref[b]
        ckb = ck[b * NBLK:(b + 1) * NBLK]
        cvb = cv[b * NBLK:(b + 1) * NBLK]
        logits = lax.dot_general(qb, ckb, dn)
        mx = jnp.max(logits, axis=1, keepdims=True)
        e = jnp.exp(logits - mx)
        scores = e / jnp.sum(e, axis=1, keepdims=True)
        oc_ref[b] = jnp.dot(scores, cvb)

        st = jnp.transpose(scores)
        rank_rows = []
        for c in range(NBLK):
            row_c = st[c:c + 1, :]
            r = jnp.zeros((1, Q), jnp.int32)
            for cp in range(NBLK):
                col_cp = scores[:, cp:cp + 1]
                gt = col_cp > row_c
                if cp < c:
                    tlt = qq1 <= qq2
                else:
                    tlt = qq1 < qq2
                r = r + jnp.sum(
                    jnp.where(gt | ((col_cp == row_c) & tlt), 1, 0),
                    axis=0, keepdims=True)
            rank_rows.append(r)

        idx64 = jnp.zeros((NSEL, 1), jnp.int32)
        for c in range(NBLK):
            oh = jnp.broadcast_to(rank_rows[c], (NSEL, Q)) == r64
            idx64 = idx64 + jnp.sum(
                jnp.where(oh, q64 * NBLK + c, 0), axis=1, keepdims=True)
        t16 = lax.broadcasted_iota(jnp.int32, (1, BS), 1)
        tok = idx64 * BS + t16 + b * S
        tok_ref[pl.ds(b * NSEL, NSEL), :] = tok


def _run_scores(sums_k, sums_v, query, W1, W2):
    means = jnp.concatenate(
        [sums_k.reshape(B * NBLK, D), sums_v.reshape(B * NBLK, D)],
        axis=0) * (1.0 / 2048.0)
    oc, tok = pl.pallas_call(
        _scores_body,
        out_shape=[
            jax.ShapeDtypeStruct((B, Q, D), jnp.float32),
            jax.ShapeDtypeStruct((B * NSEL, BS), jnp.int32),
        ],
        compiler_params=_VMEM_LIM,
    )(means, W1, W2, query)
    return oc, tok



def _gate_body(q_ref, wg1_ref, wg2_ref, g_ref):
    q = q_ref[...].reshape(B * Q, D)
    h = jnp.maximum(
        lax.dot_general(q, wg1_ref[...], (((1,), (1,)), ((), ()))), 0.0)
    g = lax.dot_general(h, wg2_ref[...], (((1,), (1,)), ((), ())))
    g_ref[...] = jax.nn.sigmoid(g).reshape(B, Q, 8)


def _run_gate(query, Wg1, Wg2):
    wg2p = jnp.zeros((8, D), jnp.float32).at[:3].set(Wg2)
    return pl.pallas_call(
        _gate_body,
        out_shape=jax.ShapeDtypeStruct((B, Q, 8), jnp.float32),
        compiler_params=_VMEM_LIM,
    )(query, Wg1, wg2p)



_GCH = 8
_NSLOT = 6


def _sc_gather(keys2d, values2d, tok):
    mesh = plsc.VectorSubcoreMesh(core_axis_name="c", subcore_axis_name="s")
    info = plsc.get_sparse_core_info()
    nw = info.num_cores * info.num_subcores
    rows_per_w = NROWS // nw
    nch = rows_per_w // _GCH

    @functools.partial(
        pl.kernel, mesh=mesh,
        out_type=[
            jax.ShapeDtypeStruct((NROWS, D), jnp.float32),
            jax.ShapeDtypeStruct((NROWS, D), jnp.float32),
        ],
        scratch_types=[
            pltpu.VMEM((rows_per_w,), jnp.int32),
            pltpu.VMEM((_NSLOT, _GCH, D), jnp.float32),
        ] + [pltpu.SemaphoreType.DMA] * (2 * _NSLOT),
    )
    def k(keys_hbm, values_hbm, idx_hbm, sk_hbm, sv_hbm,
          idx_v, rbuf, *sems):
        wid = lax.axis_index("s") * info.num_cores + lax.axis_index("c")
        gsem = sems[:_NSLOT]
        wsem = sems[_NSLOT:]
        base_w = wid * rows_per_w
        pltpu.sync_copy(idx_hbm.at[pl.ds(base_w, rows_per_w)], idx_v)
        nt = 2 * nch
        gathers = [None] * nt
        writes = [None] * nt
        for t in range(nt):
            sl = t % _NSLOT
            ch = t // 2
            src = keys_hbm if t % 2 == 0 else values_hbm
            if t >= _NSLOT:
                writes[t - _NSLOT].wait()
            gathers[t] = pltpu.async_copy(
                src.at[idx_v.at[pl.ds(ch * _GCH, _GCH)]], rbuf.at[sl],
                gsem[sl])
            if t >= 1:
                tp = t - 1
                slp = tp % _NSLOT
                chp = tp // 2
                dst = sk_hbm if tp % 2 == 0 else sv_hbm
                gathers[tp].wait()
                writes[tp] = pltpu.async_copy(
                    rbuf.at[slp], dst.at[pl.ds(base_w + chp * _GCH, _GCH)],
                    wsem[slp])
        tl = nt - 1
        gathers[tl].wait()
        writes[tl] = pltpu.async_copy(
            rbuf.at[tl % _NSLOT],
            sv_hbm.at[pl.ds(base_w + (tl // 2) * _GCH, _GCH)],
            wsem[tl % _NSLOT])
        for t in range(nt - _NSLOT, nt):
            writes[t].wait()

    return k(keys2d, values2d, tok.reshape(NROWS))



def _combine_body(q_ref, sk_ref, sv_ref, oc_ref, ow_ref, g_ref, out_ref):
    q = q_ref[0]
    s = lax.dot_general(q, sk_ref[0], (((1,), (1,)), ((), ())))
    m = jnp.max(s, axis=1, keepdims=True)
    p = jnp.exp(s - m)
    osel = jnp.dot(p, sv_ref[0]) / jnp.sum(p, axis=1, keepdims=True)
    g = g_ref[0]
    out_ref[0] = (g[:, 0:1] * oc_ref[0] + g[:, 1:2] * osel
                  + g[:, 2:3] * ow_ref[0])


def _run_combine(query, sk, sv, oc, ow, gates):
    return pl.pallas_call(
        _combine_body,
        grid=(B,),
        in_specs=[
            pl.BlockSpec((1, Q, D), lambda b: (b, 0, 0)),
            pl.BlockSpec((1, NSEL * BS, D), lambda b: (b, 0, 0)),
            pl.BlockSpec((1, NSEL * BS, D), lambda b: (b, 0, 0)),
            pl.BlockSpec((1, Q, D), lambda b: (b, 0, 0)),
            pl.BlockSpec((1, Q, D), lambda b: (b, 0, 0)),
            pl.BlockSpec((1, Q, 8), lambda b: (b, 0, 0)),
        ],
        out_specs=pl.BlockSpec((1, Q, D), lambda b: (b, 0, 0)),
        out_shape=jax.ShapeDtypeStruct((B, Q, D), jnp.float32),
        compiler_params=_VMEM_LIM,
    )(query, sk, sv, oc, ow, gates)



def kernel(query, keys, values, W1, W2, Wg1, Wg2):
    sums_k, pwin = _run_kpass(query, keys)
    sums_v, ow = _run_vpass(pwin, values)
    oc, tok = _run_scores(sums_k, sums_v, query, W1, W2)
    sk2d, sv2d = _sc_gather(keys.reshape(B * S, D), values.reshape(B * S, D),
                            tok)
    gates = _run_gate(query, Wg1, Wg2)
    sk = sk2d.reshape(B, NSEL * BS, D)
    sv = sv2d.reshape(B, NSEL * BS, D)
    return _run_combine(query, sk, sv, oc, ow, gates)

# --- scband reference (transcript-rebuilt; emitter-appended) ---
"""Pipeline reference for scband-nsa-60868276518926 (READ-ONLY COPY).

The authoritative reference and input builder live on the scoring server;
editing this copy changes nothing except your own understanding.
"""

import jax, jax.numpy as jnp
import numpy as np

BLOCK_LENGTH = 2048
SLIDING_STRIDE = 2048
BLOCK_SIZE = 16
NUM_SELECTED_BLOCKS = 64
WINDOW_SIZE = 2048


def _token_compression(x, W1, W2):
    B, S, _ = x.shape
    num_blocks = (S - BLOCK_LENGTH) // SLIDING_STRIDE + 1
    outs = []
    for i in range(num_blocks):
        start = i * SLIDING_STRIDE
        block = x[:, start:start + BLOCK_LENGTH, :].mean(axis=1)
        h = jnp.maximum(block @ W1.T, 0.0) @ W2.T
        outs.append(h)
    return jnp.stack(outs, axis=1)


def _token_selection(x, compression_scores):
    B, S, d = x.shape
    num_blocks = S // BLOCK_SIZE
    block_scores = compression_scores.reshape(B, num_blocks)
    _, top_blocks = jax.lax.top_k(block_scores, NUM_SELECTED_BLOCKS)
    tok_idx = (top_blocks[:, :, None] * BLOCK_SIZE + jnp.arange(BLOCK_SIZE)[None, None, :]).reshape(B, -1)
    return jnp.take_along_axis(x, tok_idx[:, :, None], axis=1)


def _forward(query, keys, values, W1, W2, Wg1, Wg2):
    ck = _token_compression(keys, W1, W2)
    cv = _token_compression(values, W1, W2)
    comp_scores = jax.nn.softmax(jnp.matmul(query, jnp.swapaxes(ck, 1, 2)), axis=2)
    sk = _token_selection(keys, comp_scores)
    sv = _token_selection(values, comp_scores)
    wk = keys[:, -WINDOW_SIZE:]
    wv = values[:, -WINDOW_SIZE:]
    gate = jax.nn.sigmoid(jnp.maximum(query @ Wg1.T, 0.0) @ Wg2.T)
    gc, gs, gw = gate[..., 0:1], gate[..., 1:2], gate[..., 2:3]
    oc = jnp.matmul(jax.nn.softmax(jnp.matmul(query, jnp.swapaxes(ck, 1, 2)), axis=2), cv)
    osel = jnp.matmul(jax.nn.softmax(jnp.matmul(query, jnp.swapaxes(sk, 1, 2)), axis=2), sv)
    ow = jnp.matmul(jax.nn.softmax(jnp.matmul(query, jnp.swapaxes(wk, 1, 2)), axis=2), wv)
    return gc * oc + gs * osel + gw * ow


def setup_inputs(seed: int = 0):
    key = jax.random.key(seed)
    ks = jax.random.split(key, 7)
    B, Q, S, d = 4, 128, 8192, 2048
    sc = 1.0 / np.sqrt(d)
    return {
        "query": jax.random.normal(ks[0], (B, Q, d), dtype=jnp.float32),
        "keys": jax.random.normal(ks[1], (B, S, d), dtype=jnp.float32),
        "values": jax.random.normal(ks[2], (B, S, d), dtype=jnp.float32),
        "W1": jax.random.normal(ks[3], (d, d), dtype=jnp.float32) * sc,
        "W2": jax.random.normal(ks[4], (d, d), dtype=jnp.float32) * sc,
        "Wg1": jax.random.normal(ks[5], (d, d), dtype=jnp.float32) * sc,
        "Wg2": jax.random.normal(ks[6], (3, d), dtype=jnp.float32) * sc,
    }


def reference(query, keys, values, W1, W2, Wg1, Wg2):
    return _forward(query, keys, values, W1, W2, Wg1, Wg2)

if __name__ == "__main__":
    import jax
    _d = setup_inputs()
    print(jax.jit(kernel)(*tuple(_d.values())))

</pallas_src>

<mosaic_0001>
#map = affine_map<(d0, d1) -> (0, 0)>
#map1 = affine_map<(d0, d1) -> (0)>
module attributes {stable_mosaic.version = 14 : i64} {
  func.func @k(%arg0: i32, %arg1: i32, %arg2: memref<32768x2048xf32, #tpu.memory_space<hbm>>, %arg3: memref<32768x2048xf32, #tpu.memory_space<hbm>>, %arg4: memref<4096xi32, #tpu.memory_space<hbm>>, %arg5: memref<4096x2048xf32, #tpu.memory_space<hbm>>, %arg6: memref<4096x2048xf32, #tpu.memory_space<hbm>>, %arg7: memref<128xi32, #tpu.memory_space<vmem>>, %arg8: memref<6x8x2048xf32, #tpu.memory_space<vmem>>, %arg9: memref<!tpu.dma_semaphore, #tpu.memory_space<semaphore_mem>>, %arg10: memref<!tpu.dma_semaphore, #tpu.memory_space<semaphore_mem>>, %arg11: memref<!tpu.dma_semaphore, #tpu.memory_space<semaphore_mem>>, %arg12: memref<!tpu.dma_semaphore, #tpu.memory_space<semaphore_mem>>, %arg13: memref<!tpu.dma_semaphore, #tpu.memory_space<semaphore_mem>>, %arg14: memref<!tpu.dma_semaphore, #tpu.memory_space<semaphore_mem>>, %arg15: memref<!tpu.dma_semaphore, #tpu.memory_space<semaphore_mem>>, %arg16: memref<!tpu.dma_semaphore, #tpu.memory_space<semaphore_mem>>, %arg17: memref<!tpu.dma_semaphore, #tpu.memory_space<semaphore_mem>>, %arg18: memref<!tpu.dma_semaphore, #tpu.memory_space<semaphore_mem>>, %arg19: memref<!tpu.dma_semaphore, #tpu.memory_space<semaphore_mem>>, %arg20: memref<!tpu.dma_semaphore, #tpu.memory_space<semaphore_mem>>) attributes {dimension_semantics = [#tpu.dimension_semantics<core_parallel>, #tpu.dimension_semantics<subcore_parallel>], iteration_bounds = array<i64: 2, 16>, scalar_prefetch = 0 : i64, scratch_operands = 14 : i64, tpu.core_type = #tpu.core_type<sc_vector_subcore>, window_params = [{transform_indices = #map}, {transform_indices = #map}, {transform_indices = #map1}, {transform_indices = #map}, {transform_indices = #map}]} {
    %mul3A = arith.constant 2 : i32
    %mul3A_0 = arith.muli %arg1, %mul3A : i32
    %add3A = arith.addi %mul3A_0, %arg0 : i32
    %mul3A_1 = arith.constant 128 : i32
    %mul3A_2 = arith.muli %add3A, %mul3A_1 : i32
    "tpu.region"() ({
      %run_scoped3A = tpu.sem_alloc : memref<!tpu.dma_semaphore, #tpu.memory_space<semaphore_mem>>
      %dma_start3A_1537 = tpu.memref_slice %arg4[%mul3A_2] : memref<4096xi32, #tpu.memory_space<hbm>> -> memref<128xi32, #tpu.memory_space<hbm>>
      %dma_start3A_1538 = tpu.memref_slice %arg4[%mul3A_2] : memref<4096xi32, #tpu.memory_space<hbm>> -> memref<128xi32, #tpu.memory_space<hbm>>
      tpu.enqueue_dma source(%dma_start3A_1538 : memref<128xi32, #tpu.memory_space<hbm>>) target(%arg7 : memref<128xi32, #tpu.memory_space<vmem>>) target_semaphore(%run_scoped3A : memref<!tpu.dma_semaphore, #tpu.memory_space<semaphore_mem>>)
      %dma_wait3A_1539 = tpu.memref_slice %arg4[%mul3A_2] : memref<4096xi32, #tpu.memory_space<hbm>> -> memref<128xi32, #tpu.memory_space<hbm>>
      %dma_wait3A_1540 = tpu.memref_slice %arg4[%mul3A_2] : memref<4096xi32, #tpu.memory_space<hbm>> -> memref<128xi32, #tpu.memory_space<hbm>>
      tpu.wait_dma2 semaphore(%run_scoped3A : memref<!tpu.dma_semaphore, #tpu.memory_space<semaphore_mem>>) src(%dma_wait3A_1540 : memref<128xi32, #tpu.memory_space<hbm>>) dst(%arg7 : memref<128xi32, #tpu.memory_space<vmem>>)
      tpu.yield
    }) : () -> ()
    %dma_start3A = arith.constant 0 : i32
    %dma_start3A_3 = arith.constant 0 : i32
    %dma_start3A_4 = arith.constant 0 : i32
    %dma_start3A_5 = tpu.memref_slice %arg8[%dma_start3A, %dma_start3A_3, %dma_start3A_4] : memref<6x8x2048xf32, #tpu.memory_space<vmem>> -> memref<1x8x2048xf32, #tpu.memory_space<vmem>>
    %dma_start3A_6 = tpu.memref_squeeze %dma_start3A_5 : memref<1x8x2048xf32, #tpu.memory_space<vmem>> -> memref<8x2048xf32, #tpu.memory_space<vmem>>
    %dma_start3A_7 = arith.constant 0 : i32
    %dma_start3A_8 = tpu.memref_slice %arg7[%dma_start3A_7] : memref<128xi32, #tpu.memory_space<vmem>> -> memref<8xi32, #tpu.memory_space<vmem>>
    %dma_start3A_9 = arith.constant 0 : i32
    %dma_start3A_10 = arith.constant 0 : i32
    %dma_start3A_11 = tpu.memref_slice %arg2[%dma_start3A_9, %dma_start3A_10] : memref<32768x2048xf32, #tpu.memory_space<hbm>> -> memref<32768x2048xf32, #tpu.memory_space<hbm>>
    tpu.enqueue_indirect_dma source(%dma_start3A_11 : memref<32768x2048xf32, #tpu.memory_space<hbm>>) target(%dma_start3A_6 : memref<8x2048xf32, #tpu.memory_space<vmem>>) offsets(%dma_start3A_8 : memref<8xi32, #tpu.memory_space<vmem>>) semaphore(%arg9 : memref<!tpu.dma_semaphore, #tpu.memory_space<semaphore_mem>>)
    %dma_start3A_12 = arith.constant 1 : i32
    %dma_start3A_13 = arith.constant 0 : i32
    %dma_start3A_14 = arith.constant 0 : i32
    %dma_start3A_15 = tpu.memref_slice %arg8[%dma_start3A_12, %dma_start3A_13, %dma_start3A_14] : memref<6x8x2048xf32, #tpu.memory_space<vmem>> -> memref<1x8x2048xf32, #tpu.memory_space<vmem>>
    %dma_start3A_16 = tpu.memref_squeeze %dma_start3A_15 : memref<1x8x2048xf32, #tpu.memory_space<vmem>> -> memref<8x2048xf32, #tpu.memory_space<vmem>>
    %dma_start3A_17 = arith.constant 0 : i32
    %dma_start3A_18 = tpu.memref_slice %arg7[%dma_start3A_17] : memref<128xi32, #tpu.memory_space<vmem>> -> memref<8xi32, #tpu.memory_space<vmem>>
    %dma_start3A_19 = arith.constant 0 : i32
    %dma_start3A_20 = arith.constant 0 : i32
    %dma_start3A_21 = tpu.memref_slice %arg3[%dma_start3A_19, %dma_start3A_20] : memref<32768x2048xf32, #tpu.memory_space<hbm>> -> memref<32768x2048xf32, #tpu.memory_space<hbm>>
    tpu.enqueue_indirect_dma source(%dma_start3A_21 : memref<32768x2048xf32, #tpu.memory_space<hbm>>) target(%dma_start3A_16 : memref<8x2048xf32, #tpu.memory_space<vmem>>) offsets(%dma_start3A_18 : memref<8xi32, #tpu.memory_space<vmem>>) semaphore(%arg10 : memref<!tpu.dma_semaphore, #tpu.memory_space<semaphore_mem>>)
    %dma_wait3A = arith.constant 0 : i32
    %dma_wait3A_22 = arith.constant 0 : i32
    %dma_wait3A_23 = arith.constant 0 : i32
    %dma_wait3A_24 = tpu.memref_slice %arg8[%dma_wait3A, %dma_wait3A_22, %dma_wait3A_23] : memref<6x8x2048xf32, #tpu.memory_space<vmem>> -> memref<1x8x2048xf32, #tpu.memory_space<vmem>>
    %dma_wait3A_25 = tpu.memref_squeeze %dma_wait3A_24 : memref<1x8x2048xf32, #tpu.memory_space<vmem>> -> memref<8x2048xf32, #tpu.memory_space<vmem>>
    %dma_wait3A_26 = arith.constant 0 : i32
    %dma_wait3A_27 = tpu.memref_slice %arg7[%dma_wait3A_26] : memref<128xi32, #tpu.memory_space<vmem>> -> memref<8xi32, #tpu.memory_space<vmem>>
    %dma_wait3A_28 = arith.constant 0 : i32
    %dma_wait3A_29 = arith.constant 0 : i32
    %dma_wait3A_30 = tpu.memref_slice %arg2[%dma_wait3A_28, %dma_wait3A_29] : memref<32768x2048xf32, #tpu.memory_space<hbm>> -> memref<32768x2048xf32, #tpu.memory_space<hbm>>
    tpu.wait_indirect_dma semaphore(%arg9 : memref<!tpu.dma_semaphore, #tpu.memory_space<semaphore_mem>>) src(%dma_wait3A_30 : memref<32768x2048xf32, #tpu.memory_space<hbm>>) dst(%dma_wait3A_25 : memref<8x2048xf32, #tpu.memory_space<vmem>>)
    %add3A_31 = arith.constant 0 : i32
    %add3A_32 = arith.addi %mul3A_2, %add3A_31 : i32
    %dma_start3A_33 = arith.constant 0 : i32
    %dma_start3A_34 = arith.constant 0 : i32
    %dma_start3A_35 = arith.constant 0 : i32
    %dma_start3A_36 = tpu.memref_slice %arg8[%dma_start3A_33, %dma_start3A_34, %dma_start3A_35] : memref<6x8x2048xf32, #tpu.memory_space<vmem>> -> memref<1x8x2048xf32, #tpu.memory_space<vmem>>
    %dma_start3A_37 = tpu.memref_squeeze %dma_start3A_36 : memref<1x8x2048xf32, #tpu.memory_space<vmem>> -> memref<8x2048xf32, #tpu.memory_space<vmem>>
    %dma_start3A_38 = arith.constant 0 : i32
    %dma_start3A_39 = tpu.memref_slice %arg5[%add3A_32, %dma_start3A_38] : memref<4096x2048xf32, #tpu.memory_space<hbm>> -> memref<8x2048xf32, #tpu.memory_space<hbm>>
    %dma_start3A_40 = arith.constant 0 : i32
    %dma_start3A_41 = tpu.memref_slice %arg5[%add3A_32, %dma_start3A_40] : memref<4096x2048xf32, #tpu.memory_space<hbm>> -> memref<8x2048xf32, #tpu.memory_space<hbm>>
    %dma_start3A_42 = arith.constant 0 : i32
    %dma_start3A_43 = arith.constant 0 : i32
    %dma_start3A_44 = tpu.memref_slice %arg8[%dma_start3A_33, %dma_start3A_42, %dma_start3A_43] : memref<6x8x2048xf32, #tpu.memory_space<vmem>> -> memref<1x8x2048xf32, #tpu.memory_space<vmem>>
    %dma_start3A_45 = tpu.memref_squeeze %dma_start3A_44 : memref<1x8x2048xf32, #tpu.memory_space<vmem>> -> memref<8x2048xf32, #tpu.memory_space<vmem>>
    tpu.enqueue_dma source(%dma_start3A_45 : memref<8x2048xf32, #tpu.memory_space<vmem>>) target(%dma_start3A_41 : memref<8x2048xf32, #tpu.memory_space<hbm>>) target_semaphore(%arg15 : memref<!tpu.dma_semaphore, #tpu.memory_space<semaphore_mem>>)
    %dma_start3A_46 = arith.constant 2 : i32
    %dma_start3A_47 = arith.constant 0 : i32
    %dma_start3A_48 = arith.constant 0 : i32
    %dma_start3A_49 = tpu.memref_slice %arg8[%dma_start3A_46, %dma_start3A_47, %dma_start3A_48] : memref<6x8x2048xf32, #tpu.memory_space<vmem>> -> memref<1x8x2048xf32, #tpu.memory_space<vmem>>
    %dma_start3A_50 = tpu.memref_squeeze %dma_start3A_49 : memref<1x8x2048xf32, #tpu.memory_space<vmem>> -> memref<8x2048xf32, #tpu.memory_space<vmem>>
    %dma_start3A_51 = arith.constant 8 : i32
    %dma_start3A_52 = tpu.memref_slice %arg7[%dma_start3A_51] : memref<128xi32, #tpu.memory_space<vmem>> -> memref<8xi32, #tpu.memory_space<vmem>>
    %dma_start3A_53 = arith.constant 0 : i32
    %dma_start3A_54 = arith.constant 0 : i32
    %dma_start3A_55 = tpu.memref_slice %arg2[%dma_start3A_53, %dma_start3A_54] : memref<32768x2048xf32, #tpu.memory_space<hbm>> -> memref<32768x2048xf32, #tpu.memory_space<hbm>>
    tpu.enqueue_indirect_dma source(%dma_start3A_55 : memref<32768x2048xf32, #tpu.memory_space<hbm>>) target(%dma_start3A_50 : memref<8x2048xf32, #tpu.memory_space<vmem>>) offsets(%dma_start3A_52 : memref<8xi32, #tpu.memory_space<vmem>>) semaphore(%arg11 : memref<!tpu.dma_semaphore, #tpu.memory_space<semaphore_mem>>)
    %dma_wait3A_56 = arith.constant 1 : i32
    %dma_wait3A_57 = arith.constant 0 : i32
    %dma_wait3A_58 = arith.constant 0 : i32
    %dma_wait3A_59 = tpu.memref_slice %arg8[%dma_wait3A_56, %dma_wait3A_57, %dma_wait3A_58] : memref<6x8x2048xf32, #tpu.memory_space<vmem>> -> memref<1x8x2048xf32, #tpu.memory_space<vmem>>
    %dma_wait3A_60 = tpu.memref_squeeze %dma_wait3A_59 : memref<1x8x2048xf32, #tpu.memory_space<vmem>> -> memref<8x2048xf32, #tpu.memory_space<vmem>>
    %dma_wait3A_61 = arith.constant 0 : i32
    %dma_wait3A_62 = tpu.memref_slice %arg7[%dma_wait3A_61] : memref<128xi32, #tpu.memory_space<vmem>> -> memref<8xi32, #tpu.memory_space<vmem>>
    %dma_wait3A_63 = arith.constant 0 : i32
    %dma_wait3A_64 = arith.constant 0 : i32
    %dma_wait3A_65 = tpu.memref_slice %arg3[%dma_wait3A_63, %dma_wait3A_64] : memref<32768x2048xf32, #tpu.memory_space<hbm>> -> memref<32768x2048xf32, #tpu.memory_space<hbm>>
    tpu.wait_indirect_dma semaphore(%arg10 : memref<!tpu.dma_semaphore, #tpu.memory_space<semaphore_mem>>) src(%dma_wait3A_65 : memref<32768x2048xf32, #tpu.memory_space<hbm>>) dst(%dma_wait3A_60 : memref<8x2048xf32, #tpu.memory_space<vmem>>)
    %add3A_66 = arith.constant 0 : i32
    %add3A_67 = arith.addi %mul3A_2, %add3A_66 : i32
    %dma_start3A_68 = arith.constant 1 : i32
    %dma_start3A_69 = arith.constant 0 : i32
    %dma_start3A_70 = arith.constant 0 : i32
    %dma_start3A_71 = tpu.memref_slice %arg8[%dma_start3A_68, %dma_start3A_69, %dma_start3A_70] : memref<6x8x2048xf32, #tpu.memory_space<vmem>> -> memref<1x8x2048xf32, #tpu.memory_space<vmem>>
    %dma_start3A_72 = tpu.memref_squeeze %dma_start3A_71 : memref<1x8x2048xf32, #tpu.memory_space<vmem>> -> memref<8x2048xf32, #tpu.memory_space<vmem>>
    %dma_start3A_73 = arith.constant 0 : i32
    %dma_start3A_74 = tpu.memref_slice %arg6[%add3A_67, %dma_start3A_73] : memref<4096x2048xf32, #tpu.memory_space<hbm>> -> memref<8x2048xf32, #tpu.memory_space<hbm>>
    %dma_start3A_75 = arith.constant 0 : i32
    %dma_start3A_76 = tpu.memref_slice %arg6[%add3A_67, %dma_start3A_75] : memref<4096x2048xf32, #tpu.memory_space<hbm>> -> memref<8x2048xf32, #tpu.memory_space<hbm>>
    %dma_start3A_77 = arith.constant 0 : i32
    %dma_start3A_78 = arith.constant 0 : i32
    %dma_start3A_79 = tpu.memref_slice %arg8[%dma_start3A_68, %dma_start3A_77, %dma_start3A_78] : memref<6x8x2048xf32, #tpu.memory_space<vmem>> -> memref<1x8x2048xf32, #tpu.memory_space<vmem>>
    %dma_start3A_80 = tpu.memref_squeeze %dma_start3A_79 : memref<1x8x2048xf32, #tpu.memory_space<vmem>> -> memref<8x2048xf32, #tpu.memory_space<vmem>>
    tpu.enqueue_dma source(%dma_start3A_80 : memref<8x2048xf32, #tpu.memory_space<vmem>>) target(%dma_start3A_76 : memref<8x2048xf32, #tpu.memory_space<hbm>>) target_semaphore(%arg16 : memref<!tpu.dma_semaphore, #tpu.memory_space<semaphore_mem>>)
    %dma_start3A_81 = arith.constant 3 : i32
    %dma_start3A_82 = arith.constant 0 : i32
    %dma_start3A_83 = arith.constant 0 : i32
    %dma_start3A_84 = tpu.memref_slice %arg8[%dma_start3A_81, %dma_start3A_82, %dma_start3A_83] : memref<6x8x2048xf32, #tpu.memory_space<vmem>> -> memref<1x8x2048xf32, #tpu.memory_space<vmem>>
    %dma_start3A_85 = tpu.memref_squeeze %dma_start3A_84 : memref<1x8x2048xf32, #tpu.memory_space<vmem>> -> memref<8x2048xf32, #tpu.memory_space<vmem>>
    %dma_start3A_86 = arith.constant 8 : i32
    %dma_start3A_87 = tpu.memref_slice %arg7[%dma_start3A_86] : memref<128xi32, #tpu.memory_space<vmem>> -> memref<8xi32, #tpu.memory_space<vmem>>
    %dma_start3A_88 = arith.constant 0 : i32
    %dma_start3A_89 = arith.constant 0 : i32
    %dma_start3A_90 = tpu.memref_slice %arg3[%dma_start3A_88, %dma_start3A_89] : memref<32768x2048xf32, #tpu.memory_space<hbm>> -> memref<32768x2048xf32, #tpu.memory_space<hbm>>
    tpu.enqueue_indirect_dma source(%dma_start3A_90 : memref<32768x2048xf32, #tpu.memory_space<hbm>>) target(%dma_start3A_85 : memref<8x2048xf32, #tpu.memory_space<vmem>>) offsets(%dma_start3A_87 : memref<8xi32, #tpu.memory_space<vmem>>) semaphore(%arg12 : memref<!tpu.dma_semaphore, #tpu.memory_space<semaphore_mem>>)
    %dma_wait3A_91 = arith.constant 2 : i32
    %dma_wait3A_92 = arith.constant 0 : i32
    %dma_wait3A_93 = arith.constant 0 : i32
    %dma_wait3A_94 = tpu.memref_slice %arg8[%dma_wait3A_91, %dma_wait3A_92, %dma_wait3A_93] : memref<6x8x2048xf32, #tpu.memory_space<vmem>> -> memref<1x8x2048xf32, #tpu.memory_space<vmem>>
    %dma_wait3A_95 = tpu.memref_squeeze %dma_wait3A_94 : memref<1x8x2048xf32, #tpu.memory_space<vmem>> -> memref<8x2048xf32, #tpu.memory_space<vmem>>
    %dma_wait3A_96 = arith.constant 8 : i32
    %dma_wait3A_97 = tpu.memref_slice %arg7[%dma_wait3A_96] : memref<128xi32, #tpu.memory_space<vmem>> -> memref<8xi32, #tpu.memory_space<vmem>>
    %dma_wait3A_98 = arith.constant 0 : i32
    %dma_wait3A_99 = arith.constant 0 : i32
    %dma_wait3A_100 = tpu.memref_slice %arg2[%dma_wait3A_98, %dma_wait3A_99] : memref<32768x2048xf32, #tpu.memory_space<hbm>> -> memref<32768x2048xf32, #tpu.memory_space<hbm>>
    tpu.wait_indirect_dma semaphore(%arg11 : memref<!tpu.dma_semaphore, #tpu.memory_space<semaphore_mem>>) src(%dma_wait3A_100 : memref<32768x2048xf32, #tpu.memory_space<hbm>>) dst(%dma_wait3A_95 : memref<8x2048xf32, #tpu.memory_space<vmem>>)
    %add3A_101 = arith.constant 8 : i32
    %add3A_102 = arith.addi %mul3A_2, %add3A_101 : i32
    %dma_start3A_103 = arith.constant 2 : i32
    %dma_start3A_104 = arith.constant 0 : i32
    %dma_start3A_105 = arith.constant 0 : i32
    %dma_start3A_106 = tpu.memref_slice %arg8[%dma_start3A_103, %dma_start3A_104, %dma_start3A_105] : memref<6x8x2048xf32, #tpu.memory_space<vmem>> -> memref<1x8x2048xf32, #tpu.memory_space<vmem>>
    %dma_start3A_107 = tpu.memref_squeeze %dma_start3A_106 : memref<1x8x2048xf32, #tpu.memory_space<vmem>> -> memref<8x2048xf32, #tpu.memory_space<vmem>>
    %dma_start3A_108 = arith.constant 0 : i32
    %dma_start3A_109 = tpu.memref_slice %arg5[%add3A_102, %dma_start3A_108] : memref<4096x2048xf32, #tpu.memory_space<hbm>> -> memref<8x2048xf32, #tpu.memory_space<hbm>>
    %dma_start3A_110 = arith.constant 0 : i32
    %dma_start3A_111 = tpu.memref_slice %arg5[%add3A_102, %dma_start3A_110] : memref<4096x2048xf32, #tpu.memory_space<hbm>> -> memref<8x2048xf32, #tpu.memory_space<hbm>>
    %dma_start3A_112 = arith.constant 0 : i32
    %dma_start3A_113 = arith.constant 0 : i32
    %dma_start3A_114 = tpu.memref_slice %arg8[%dma_start3A_103, %dma_start3A_112, %dma_start3A_113] : memref<6x8x2048xf32, #tpu.memory_space<vmem>> -> memref<1x8x2048xf32, #tpu.memory_space<vmem>>
    %dma_start3A_115 = tpu.memref_squeeze %dma_start3A_114 : memref<1x8x2048xf32, #tpu.memory_space<vmem>> -> memref<8x2048xf32, #tpu.memory_space<vmem>>
    tpu.enqueue_dma source(%dma_start3A_115 : memref<8x2048xf32, #tpu.memory_space<vmem>>) target(%dma_start3A_111 : memref<8x2048xf32, #tpu.memory_space<hbm>>) target_semaphore(%arg17 : memref<!tpu.dma_semaphore, #tpu.memory_space<semaphore_mem>>)
    %dma_start3A_116 = arith.constant 4 : i32
    %dma_start3A_117 = arith.constant 0 : i32
    %dma_start3A_118 = arith.constant 0 : i32
    %dma_start3A_119 = tpu.memref_slice %arg8[%dma_start3A_116, %dma_start3A_117, %dma_start3A_118] : memref<6x8x2048xf32, #tpu.memory_space<vmem>> -> memref<1x8x2048xf32, #tpu.memory_space<vmem>>
    %dma_start3A_120 = tpu.memref_squeeze %dma_start3A_119 : memref<1x8x2048xf32, #tpu.memory_space<vmem>> -> memref<8x2048xf32, #tpu.memory_space<vmem>>
    %dma_start3A_121 = arith.constant 16 : i32
    %dma_start3A_122 = tpu.memref_slice %arg7[%dma_start3A_121] : memref<128xi32, #tpu.memory_space<vmem>> -> memref<8xi32, #tpu.memory_space<vmem>>
    %dma_start3A_123 = arith.constant 0 : i32
    %dma_start3A_124 = arith.constant 0 : i32
    %dma_start3A_125 = tpu.memref_slice %arg2[%dma_start3A_123, %dma_start3A_124] : memref<32768x2048xf32, #tpu.memory_space<hbm>> -> memref<32768x2048xf32, #tpu.memory_space<hbm>>
    tpu.enqueue_indirect_dma source(%dma_start3A_125 : memref<32768x2048xf32, #tpu.memory_space<hbm>>) target(%dma_start3A_120 : memref<8x2048xf32, #tpu.memory_space<vmem>>) offsets(%dma_start3A_122 : memref<8xi32, #tpu.memory_space<vmem>>) semaphore(%arg13 : memref<!tpu.dma_semaphore, #tpu.memory_space<semaphore_mem>>)
    %dma_wait3A_126 = arith.constant 3 : i32
    %dma_wait3A_127 = arith.constant 0 : i32
    %dma_wait3A_128 = arith.constant 0 : i32
    %dma_wait3A_129 = tpu.memref_slice %arg8[%dma_wait3A_126, %dma_wait3A_127, %dma_wait3A_128] : memref<6x8x2048xf32, #tpu.memory_space<vmem>> -> memref<1x8x2048xf32, #tpu.memory_space<vmem>>
    %dma_wait3A_130 = tpu.memref_squeeze %dma_wait3A_129 : memref<1x8x2048xf32, #tpu.memory_space<vmem>> -> memref<8x2048xf32, #tpu.memory_space<vmem>>
    %dma_wait3A_131 = arith.constant 8 : i32
    %dma_wait3A_132 = tpu.memref_slice %arg7[%dma_wait3A_131] : memref<128xi32, #tpu.memory_space<vmem>> -> memref<8xi32, #tpu.memory_space<vmem>>
    %dma_wait3A_133 = arith.constant 0 : i32
    %dma_wait3A_134 = arith.constant 0 : i32
    %dma_wait3A_135 = tpu.memref_slice %arg3[%dma_wait3A_133, %dma_wait3A_134] : memref<32768x2048xf32, #tpu.memory_space<hbm>> -> memref<32768x2048xf32, #tpu.memory_space<hbm>>
    tpu.wait_indirect_dma semaphore(%arg12 : memref<!tpu.dma_semaphore, #tpu.memory_space<semaphore_mem>>) src(%dma_wait3A_135 : memref<32768x2048xf32, #tpu.memory_space<hbm>>) dst(%dma_wait3A_130 : memref<8x2048xf32, #tpu.memory_space<vmem>>)
    %add3A_136 = arith.constant 8 : i32
    %add3A_137 = arith.addi %mul3A_2, %add3A_136 : i32
    %dma_start3A_138 = arith.constant 3 : i32
    %dma_start3A_139 = arith.constant 0 : i32
    %dma_start3A_140 = arith.constant 0 : i32
    %dma_start3A_141 = tpu.memref_slice %arg8[%dma_start3A_138, %dma_start3A_139, %dma_start3A_140] : memref<6x8x2048xf32, #tpu.memory_space<vmem>> -> memref<1x8x2048xf32, #tpu.memory_space<vmem>>
    %dma_start3A_142 = tpu.memref_squeeze %dma_start3A_141 : memref<1x8x2048xf32, #tpu.memory_space<vmem>> -> memref<8x2048xf32, #tpu.memory_space<vmem>>
    %dma_start3A_143 = arith.constant 0 : i32
    %dma_start3A_144 = tpu.memref_slice %arg6[%add3A_137, %dma_start3A_143] : memref<4096x2048xf32, #tpu.memory_space<hbm>> -> memref<8x2048xf32, #tpu.memory_space<hbm>>
    %dma_start3A_145 = arith.constant 0 : i32
    %dma_start3A_146 = tpu.memref_slice %arg6[%add3A_137, %dma_start3A_145] : memref<4096x2048xf32, #tpu.memory_space<hbm>> -> memref<8x2048xf32, #tpu.memory_space<hbm>>
    %dma_start3A_147 = arith.constant 0 : i32
    %dma_start3A_148 = arith.constant 0 : i32
    %dma_start3A_149 = tpu.memref_slice %arg8[%dma_start3A_138, %dma_start3A_147, %dma_start3A_148] : memref<6x8x2048xf32, #tpu.memory_space<vmem>> -> memref<1x8x2048xf32, #tpu.memory_space<vmem>>
    %dma_start3A_150 = tpu.memref_squeeze %dma_start3A_149 : memref<1x8x2048xf32, #tpu.memory_space<vmem>> -> memref<8x2048xf32, #tpu.memory_space<vmem>>
    tpu.enqueue_dma source(%dma_start3A_150 : memref<8x2048xf32, #tpu.memory_space<vmem>>) target(%dma_start3A_146 : memref<8x2048xf32, #tpu.memory_space<hbm>>) target_semaphore(%arg18 : memref<!tpu.dma_semaphore, #tpu.memory_space<semaphore_mem>>)
    %dma_start3A_151 = arith.constant 5 : i32
    %dma_start3A_152 = arith.constant 0 : i32
    %dma_start3A_153 = arith.constant 0 : i32
    %dma_start3A_154 = tpu.memref_slice %arg8[%dma_start3A_151, %dma_start3A_152, %dma_start3A_153] : memref<6x8x2048xf32, #tpu.memory_space<vmem>> -> memref<1x8x2048xf32, #tpu.memory_space<vmem>>
    %dma_start3A_155 = tpu.memref_squeeze %dma_start3A_154 : memref<1x8x2048xf32, #tpu.memory_space<vmem>> -> memref<8x2048xf32, #tpu.memory_space<vmem>>
    %dma_start3A_156 = arith.constant 16 : i32
    %dma_start3A_157 = tpu.memref_slice %arg7[%dma_start3A_156] : memref<128xi32, #tpu.memory_space<vmem>> -> memref<8xi32, #tpu.memory_space<vmem>>
    %dma_start3A_158 = arith.constant 0 : i32
    %dma_start3A_159 = arith.constant 0 : i32
    %dma_start3A_160 = tpu.memref_slice %arg3[%dma_start3A_158, %dma_start3A_159] : memref<32768x2048xf32, #tpu.memory_space<hbm>> -> memref<32768x2048xf32, #tpu.memory_space<hbm>>
    tpu.enqueue_indirect_dma source(%dma_start3A_160 : memref<32768x2048xf32, #tpu.memory_space<hbm>>) target(%dma_start3A_155 : memref<8x2048xf32, #tpu.memory_space<vmem>>) offsets(%dma_start3A_157 : memref<8xi32, #tpu.memory_space<vmem>>) semaphore(%arg14 : memref<!tpu.dma_semaphore, #tpu.memory_space<semaphore_mem>>)
    %dma_wait3A_161 = arith.constant 4 : i32
    %dma_wait3A_162 = arith.constant 0 : i32
    %dma_wait3A_163 = arith.constant 0 : i32
    %dma_wait3A_164 = tpu.memref_slice %arg8[%dma_wait3A_161, %dma_wait3A_162, %dma_wait3A_163] : memref<6x8x2048xf32, #tpu.memory_space<vmem>> -> memref<1x8x2048xf32, #tpu.memory_space<vmem>>
    %dma_wait3A_165 = tpu.memref_squeeze %dma_wait3A_164 : memref<1x8x2048xf32, #tpu.memory_space<vmem>> -> memref<8x2048xf32, #tpu.memory_space<vmem>>
    %dma_wait3A_166 = arith.constant 16 : i32
    %dma_wait3A_167 = tpu.memref_slice %arg7[%dma_wait3A_166] : memref<128xi32, #tpu.memory_space<vmem>> -> memref<8xi32, #tpu.memory_space<vmem>>
    %dma_wait3A_168 = arith.constant 0 : i32
    %dma_wait3A_169 = arith.constant 0 : i32
    %dma_wait3A_170 = tpu.memref_slice %arg2[%dma_wait3A_168, %dma_wait3A_169] : memref<32768x2048xf32, #tpu.memory_space<hbm>> -> memref<32768x2048xf32, #tpu.memory_space<hbm>>
    tpu.wait_indirect_dma semaphore(%arg13 : memref<!tpu.dma_semaphore, #tpu.memory_space<semaphore_mem>>) src(%dma_wait3A_170 : memref<32768x2048xf32, #tpu.memory_space<hbm>>) dst(%dma_wait3A_165 : memref<8x2048xf32, #tpu.memory_space<vmem>>)
    %add3A_171 = arith.constant 16 : i32
    %add3A_172 = arith.addi %mul3A_2, %add3A_171 : i32
    %dma_start3A_173 = arith.constant 4 : i32
    %dma_start3A_174 = arith.constant 0 : i32
    %dma_start3A_175 = arith.constant 0 : i32
    %dma_start3A_176 = tpu.memref_slice %arg8[%dma_start3A_173, %dma_start3A_174, %dma_start3A_175] : memref<6x8x2048xf32, #tpu.memory_space<vmem>> -> memref<1x8x2048xf32, #tpu.memory_space<vmem>>
    %dma_start3A_177 = tpu.memref_squeeze %dma_start3A_176 : memref<1x8x2048xf32, #tpu.memory_space<vmem>> -> memref<8x2048xf32, #tpu.memory_space<vmem>>
    %dma_start3A_178 = arith.constant 0 : i32
    %dma_start3A_179 = tpu.memref_slice %arg5[%add3A_172, %dma_start3A_178] : memref<4096x2048xf32, #tpu.memory_space<hbm>> -> memref<8x2048xf32, #tpu.memory_space<hbm>>
    %dma_start3A_180 = arith.constant 0 : i32
    %dma_start3A_181 = tpu.memref_slice %arg5[%add3A_172, %dma_start3A_180] : memref<4096x2048xf32, #tpu.memory_space<hbm>> -> memref<8x2048xf32, #tpu.memory_space<hbm>>
    %dma_start3A_182 = arith.constant 0 : i32
    %dma_start3A_183 = arith.constant 0 : i32
    %dma_start3A_184 = tpu.memref_slice %arg8[%dma_start3A_173, %dma_start3A_182, %dma_start3A_183] : memref<6x8x2048xf32, #tpu.memory_space<vmem>> -> memref<1x8x2048xf32, #tpu.memory_space<vmem>>
    %dma_start3A_185 = tpu.memref_squeeze %dma_start3A_184 : memref<1x8x2048xf32, #tpu.memory_space<vmem>> -> memref<8x2048xf32, #tpu.memory_space<vmem>>
    tpu.enqueue_dma source(%dma_start3A_185 : memref<8x2048xf32, #tpu.memory_space<vmem>>) target(%dma_start3A_181 : memref<8x2048xf32, #tpu.memory_space<hbm>>) target_semaphore(%arg19 : memref<!tpu.dma_semaphore, #tpu.memory_space<semaphore_mem>>)
    %dma_wait3A_186 = arith.constant 0 : i32
    %dma_wait3A_187 = arith.constant 0 : i32
    %dma_wait3A_188 = arith.constant 0 : i32
    %dma_wait3A_189 = tpu.memref_slice %arg8[%dma_wait3A_186, %dma_wait3A_187, %dma_wait3A_188] : memref<6x8x2048xf32, #tpu.memory_space<vmem>> -> memref<1x8x2048xf32, #tpu.memory_space<vmem>>
    %dma_wait3A_190 = tpu.memref_squeeze %dma_wait3A_189 : memref<1x8x2048xf32, #tpu.memory_space<vmem>> -> memref<8x2048xf32, #tpu.memory_space<vmem>>
    %dma_wait3A_191 = arith.constant 0 : i32
    %dma_wait3A_192 = tpu.memref_slice %arg5[%add3A_32, %dma_wait3A_191] : memref<4096x2048xf32, #tpu.memory_space<hbm>> -> memref<8x2048xf32, #tpu.memory_space<hbm>>
    %dma_wait3A_193 = arith.constant 0 : i32
    %dma_wait3A_194 = tpu.memref_slice %arg5[%add3A_32, %dma_wait3A_193] : memref<4096x2048xf32, #tpu.memory_space<hbm>> -> memref<8x2048xf32, #tpu.memory_space<hbm>>
    %dma_wait3A_195 = arith.constant 0 : i32
    %dma_wait3A_196 = arith.constant 0 : i32
    %dma_wait3A_197 = tpu.memref_slice %arg8[%dma_wait3A_186, %dma_wait3A_195, %dma_wait3A_196] : memref<6x8x2048xf32, #tpu.memory_space<vmem>> -> memref<1x8x2048xf32, #tpu.memory_space<vmem>>
    %dma_wait3A_198 = tpu.memref_squeeze %dma_wait3A_197 : memref<1x8x2048xf32, #tpu.memory_space<vmem>> -> memref<8x2048xf32, #tpu.memory_space<vmem>>
    tpu.wait_dma2 semaphore(%arg15 : memref<!tpu.dma_semaphore, #tpu.memory_space<semaphore_mem>>) src(%dma_wait3A_198 : memref<8x2048xf32, #tpu.memory_space<vmem>>) dst(%dma_wait3A_194 : memref<8x2048xf32, #tpu.memory_space<hbm>>)
    %dma_start3A_199 = arith.constant 0 : i32
    %dma_start3A_200 = arith.constant 0 : i32
    %dma_start3A_201 = arith.constant 0 : i32
    %dma_start3A_202 = tpu.memref_slice %arg8[%dma_start3A_199, %dma_start3A_200, %dma_start3A_201] : memref<6x8x2048xf32, #tpu.memory_space<vmem>> -> memref<1x8x2048xf32, #tpu.memory_space<vmem>>
    %dma_start3A_203 = tpu.memref_squeeze %dma_start3A_202 : memref<1x8x2048xf32, #tpu.memory_space<vmem>> -> memref<8x2048xf32, #tpu.memory_space<vmem>>
    %dma_start3A_204 = arith.constant 24 : i32
    %dma_start3A_205 = tpu.memref_slice %arg7[%dma_start3A_204] : memref<128xi32, #tpu.memory_space<vmem>> -> memref<8xi32, #tpu.memory_space<vmem>>
    %dma_start3A_206 = arith.constant 0 : i32
    %dma_start3A_207 = arith.constant 0 : i32
    %dma_start3A_208 = tpu.memref_slice %arg2[%dma_start3A_206, %dma_start3A_207] : memref<32768x2048xf32, #tpu.memory_space<hbm>> -> memref<32768x2048xf32, #tpu.memory_space<hbm>>
    tpu.enqueue_indirect_dma source(%dma_start3A_208 : memref<32768x2048xf32, #tpu.memory_space<hbm>>) target(%dma_start3A_203 : memref<8x2048xf32, #tpu.memory_space<vmem>>) offsets(%dma_start3A_205 : memref<8xi32, #tpu.memory_space<vmem>>) semaphore(%arg9 : memref<!tpu.dma_semaphore, #tpu.memory_space<semaphore_mem>>)
    %dma_wait3A_209 = arith.constant 5 : i32
    %dma_wait3A_210 = arith.constant 0 : i32
    %dma_wait3A_211 = arith.constant 0 : i32
    %dma_wait3A_212 = tpu.memref_slice %arg8[%dma_wait3A_209, %dma_wait3A_210, %dma_wait3A_211] : memref<6x8x2048xf32, #tpu.memory_space<vmem>> -> memref<1x8x2048xf32, #tpu.memory_space<vmem>>
    %dma_wait3A_213 = tpu.memref_squeeze %dma_wait3A_212 : memref<1x8x2048xf32, #tpu.memory_space<vmem>> -> memref<8x2048xf32, #tpu.memory_space<vmem>>
    %dma_wait3A_214 = arith.constant 16 : i32
    %dma_wait3A_215 = tpu.memref_slice %arg7[%dma_wait3A_214] : memref<128xi32, #tpu.memory_space<vmem>> -> memref<8xi32, #tpu.memory_space<vmem>>
    %dma_wait3A_216 = arith.constant 0 : i32
    %dma_wait3A_217 = arith.constant 0 : i32
    %dma_wait3A_218 = tpu.memref_slice %arg3[%dma_wait3A_216, %dma_wait3A_217] : memref<32768x2048xf32, #tpu.memory_space<hbm>> -> memref<32768x2048xf32, #tpu.memory_space<hbm>>
    tpu.wait_indirect_dma semaphore(%arg14 : memref<!tpu.dma_semaphore, #tpu.memory_space<semaphore_mem>>) src(%dma_wait3A_218 : memref<32768x2048xf32, #tpu.memory_space<hbm>>) dst(%dma_wait3A_213 : memref<8x2048xf32, #tpu.memory_space<vmem>>)
    %add3A_219 = arith.constant 16 : i32
    %add3A_220 = arith.addi %mul3A_2, %add3A_219 : i32
    %dma_start3A_221 = arith.constant 5 : i32
    %dma_start3A_222 = arith.constant 0 : i32
    %dma_start3A_223 = arith.constant 0 : i32
    %dma_start3A_224 = tpu.memref_slice %arg8[%dma_start3A_221, %dma_start3A_222, %dma_start3A_223] : memref<6x8x2048xf32, #tpu.memory_space<vmem>> -> memref<1x8x2048xf32, #tpu.memory_space<vmem>>
    %dma_start3A_225 = tpu.memref_squeeze %dma_start3A_224 : memref<1x8x2048xf32, #tpu.memory_space<vmem>> -> memref<8x2048xf32, #tpu.memory_space<vmem>>
    %dma_start3A_226 = arith.constant 0 : i32
    %dma_start3A_227 = tpu.memref_slice %arg6[%add3A_220, %dma_start3A_226] : memref<4096x2048xf32, #tpu.memory_space<hbm>> -> memref<8x2048xf32, #tpu.memory_space<hbm>>
    %dma_start3A_228 = arith.constant 0 : i32
    %dma_start3A_229 = tpu.memref_slice %arg6[%add3A_220, %dma_start3A_228] : memref<4096x2048xf32, #tpu.memory_space<hbm>> -> memref<8x2048xf32, #tpu.memory_space<hbm>>
    %dma_start3A_230 = arith.constant 0 : i32
    %dma_start3A_231 = arith.constant 0 : i32
    %dma_start3A_232 = tpu.memref_slice %arg8[%dma_start3A_221, %dma_start3A_230, %dma_start3A_231] : memref<6x8x2048xf32, #tpu.memory_space<vmem>> -> memref<1x8x2048xf32, #tpu.memory_space<vmem>>
    %dma_start3A_233 = tpu.memref_squeeze %dma_start3A_232 : memref<1x8x2048xf32, #tpu.memory_space<vmem>> -> memref<8x2048xf32, #tpu.memory_space<vmem>>
    tpu.enqueue_dma source(%dma_start3A_233 : memref<8x2048xf32, #tpu.memory_space<vmem>>) target(%dma_start3A_229 : memref<8x2048xf32, #tpu.memory_space<hbm>>) target_semaphore(%arg20 : memref<!tpu.dma_semaphore, #tpu.memory_space<semaphore_mem>>)
    %dma_wait3A_234 = arith.constant 1 : i32
    %dma_wait3A_235 = arith.constant 0 : i32
    %dma_wait3A_236 = arith.constant 0 : i32
    %dma_wait3A_237 = tpu.memref_slice %arg8[%dma_wait3A_234, %dma_wait3A_235, %dma_wait3A_236] : memref<6x8x2048xf32, #tpu.memory_space<vmem>> -> memref<1x8x2048xf32, #tpu.memory_space<vmem>>
    %dma_wait3A_238 = tpu.memref_squeeze %dma_wait3A_237 : memref<1x8x2048xf32, #tpu.memory_space<vmem>> -> memref<8x2048xf32, #tpu.memory_space<vmem>>
    %dma_wait3A_239 = arith.constant 0 : i32
    %dma_wait3A_240 = tpu.memref_slice %arg6[%add3A_67, %dma_wait3A_239] : memref<4096x2048xf32, #tpu.memory_space<hbm>> -> memref<8x2048xf32, #tpu.memory_space<hbm>>
    %dma_wait3A_241 = arith.constant 0 : i32
    %dma_wait3A_242 = tpu.memref_slice %arg6[%add3A_67, %dma_wait3A_241] : memref<4096x2048xf32, #tpu.memory_space<hbm>> -> memref<8x2048xf32, #tpu.memory_space<hbm>>
    %dma_wait3A_243 = arith.constant 0 : i32
    %dma_wait3A_244 = arith.constant 0 : i32
    %dma_wait3A_245 = tpu.memref_slice %arg8[%dma_wait3A_234, %dma_wait3A_243, %dma_wait3A_244] : memref<6x8x2048xf32, #tpu.memory_space<vmem>> -> memref<1x8x2048xf32, #tpu.memory_space<vmem>>
    %dma_wait3A_246 = tpu.memref_squeeze %dma_wait3A_245 : memref<1x8x2048xf32, #tpu.memory_space<vmem>> -> memref<8x2048xf32, #tpu.memory_space<vmem>>
    tpu.wait_dma2 semaphore(%arg16 : memref<!tpu.dma_semaphore, #tpu.memory_space<semaphore_mem>>) src(%dma_wait3A_246 : memref<8x2048xf32, #tpu.memory_space<vmem>>) dst(%dma_wait3A_242 : memref<8x2048xf32, #tpu.memory_space<hbm>>)
    %dma_start3A_247 = arith.constant 1 : i32
    %dma_start3A_248 = arith.constant 0 : i32
    %dma_start3A_249 = arith.constant 0 : i32
    %dma_start3A_250 = tpu.memref_slice %arg8[%dma_start3A_247, %dma_start3A_248, %dma_start3A_249] : memref<6x8x2048xf32, #tpu.memory_space<vmem>> -> memref<1x8x2048xf32, #tpu.memory_space<vmem>>
    %dma_start3A_251 = tpu.memref_squeeze %dma_start3A_250 : memref<1x8x2048xf32, #tpu.memory_space<vmem>> -> memref<8x2048xf32, #tpu.memory_space<vmem>>
    %dma_start3A_252 = arith.constant 24 : i32
    %dma_start3A_253 = tpu.memref_slice %arg7[%dma_start3A_252] : memref<128xi32, #tpu.memory_space<vmem>> -> memref<8xi32, #tpu.memory_space<vmem>>
    %dma_start3A_254 = arith.constant 0 : i32
    %dma_start3A_255 = arith.constant 0 : i32
    %dma_start3A_256 = tpu.memref_slice %arg3[%dma_start3A_254, %dma_start3A_255] : memref<32768x2048xf32, #tpu.memory_space<hbm>> -> memref<32768x2048xf32, #tpu.memory_space<hbm>>
    tpu.enqueue_indirect_dma source(%dma_start3A_256 : memref<32768x2048xf32, #tpu.memory_space<hbm>>) target(%dma_start3A_251 : memref<8x2048xf32, #tpu.memory_space<vmem>>) offsets(%dma_start3A_253 : memref<8xi32, #tpu.memory_space<vmem>>) semaphore(%arg10 : memref<!tpu.dma_semaphore, #tpu.memory_space<semaphore_mem>>)
    %dma_wait3A_257 = arith.constant 0 : i32
    %dma_wait3A_258 = arith.constant 0 : i32
    %dma_wait3A_259 = arith.constant 0 : i32
    %dma_wait3A_260 = tpu.memref_slice %arg8[%dma_wait3A_257, %dma_wait3A_258, %dma_wait3A_259] : memref<6x8x2048xf32, #tpu.memory_space<vmem>> -> memref<1x8x2048xf32, #tpu.memory_space<vmem>>
    %dma_wait3A_261 = tpu.memref_squeeze %dma_wait3A_260 : memref<1x8x2048xf32, #tpu.memory_space<vmem>> -> memref<8x2048xf32, #tpu.memory_space<vmem>>
    %dma_wait3A_262 = arith.constant 24 : i32
    %dma_wait3A_263 = tpu.memref_slice %arg7[%dma_wait3A_262] : memref<128xi32, #tpu.memory_space<vmem>> -> memref<8xi32, #tpu.memory_space<vmem>>
    %dma_wait3A_264 = arith.constant 0 : i32
    %dma_wait3A_265 = arith.constant 0 : i32
    %dma_wait3A_266 = tpu.memref_slice %arg2[%dma_wait3A_264, %dma_wait3A_265] : memref<32768x2048xf32, #tpu.memory_space<hbm>> -> memref<32768x2048xf32, #tpu.memory_space<hbm>>
    tpu.wait_indirect_dma semaphore(%arg9 : memref<!tpu.dma_semaphore, #tpu.memory_space<semaphore_mem>>) src(%dma_wait3A_266 : memref<32768x2048xf32, #tpu.memory_space<hbm>>) dst(%dma_wait3A_261 : memref<8x2048xf32, #tpu.memory_space<vmem>>)
    %add3A_267 = arith.constant 24 : i32
    %add3A_268 = arith.addi %mul3A_2, %add3A_267 : i32
    %dma_start3A_269 = arith.constant 0 : i32
    %dma_start3A_270 = arith.constant 0 : i32
    %dma_start3A_271 = arith.constant 0 : i32
    %dma_start3A_272 = tpu.memref_slice %arg8[%dma_start3A_269, %dma_start3A_270, %dma_start3A_271] : memref<6x8x2048xf32, #tpu.memory_space<vmem>> -> memref<1x8x2048xf32, #tpu.memory_space<vmem>>
    %dma_start3A_273 = tpu.memref_squeeze %dma_start3A_272 : memref<1x8x2048xf32, #tpu.memory_space<vmem>> -> memref<8x2048xf32, #tpu.memory_space<vmem>>
    %dma_start3A_274 = arith.constant 0 : i32
    %dma_start3A_275 = tpu.memref_slice %arg5[%add3A_268, %dma_start3A_274] : memref<4096x2048xf32, #tpu.memory_space<hbm>> -> memref<8x2048xf32, #tpu.memory_space<hbm>>
    %dma_start3A_276 = arith.constant 0 : i32
    %dma_start3A_277 = tpu.memref_slice %arg5[%add3A_268, %dma_start3A_276] : memref<4096x2048xf32, #tpu.memory_space<hbm>> -> memref<8x2048xf32, #tpu.memory_space<hbm>>
    %dma_start3A_278 = arith.constant 0 : i32
    %dma_start3A_279 = arith.constant 0 : i32
    %dma_start3A_280 = tpu.memref_slice %arg8[%dma_start3A_269, %dma_start3A_278, %dma_start3A_279] : memref<6x8x2048xf32, #tpu.memory_space<vmem>> -> memref<1x8x2048xf32, #tpu.memory_space<vmem>>
    %dma_start3A_281 = tpu.memref_squeeze %dma_start3A_280 : memref<1x8x2048xf32, #tpu.memory_space<vmem>> -> memref<8x2048xf32, #tpu.memory_space<vmem>>
    tpu.enqueue_dma source(%dma_start3A_281 : memref<8x2048xf32, #tpu.memory_space<vmem>>) target(%dma_start3A_277 : memref<8x2048xf32, #tpu.memory_space<hbm>>) target_semaphore(%arg15 : memref<!tpu.dma_semaphore, #tpu.memory_space<semaphore_mem>>)
    %dma_wait3A_282 = arith.constant 2 : i32
    %dma_wait3A_283 = arith.constant 0 : i32
    %dma_wait3A_284 = arith.constant 0 : i32
    %dma_wait3A_285 = tpu.memref_slice %arg8[%dma_wait3A_282, %dma_wait3A_283, %dma_wait3A_284] : memref<6x8x2048xf32, #tpu.memory_space<vmem>> -> memref<1x8x2048xf32, #tpu.memory_space<vmem>>
    %dma_wait3A_286 = tpu.memref_squeeze %dma_wait3A_285 : memref<1x8x2048xf32, #tpu.memory_space<vmem>> -> memref<8x2048xf32, #tpu.memory_space<vmem>>
    %dma_wait3A_287 = arith.constant 0 : i32
    %dma_wait3A_288 = tpu.memref_slice %arg5[%add3A_102, %dma_wait3A_287] : memref<4096x2048xf32, #tpu.memory_space<hbm>> -> memref<8x2048xf32, #tpu.memory_space<hbm>>
    %dma_wait3A_289 = arith.constant 0 : i32
    %dma_wait3A_290 = tpu.memref_slice %arg5[%add3A_102, %dma_wait3A_289] : memref<4096x2048xf32, #tpu.memory_space<hbm>> -> memref<8x2048xf32, #tpu.memory_space<hbm>>
    %dma_wait3A_291 = arith.constant 0 : i32
    %dma_wait3A_292 = arith.constant 0 : i32
    %dma_wait3A_293 = tpu.memref_slice %arg8[%dma_wait3A_282, %dma_wait3A_291, %dma_wait3A_292] : memref<6x8x2048xf32, #tpu.memory_space<vmem>> -> memref<1x8x2048xf32, #tpu.memory_space<vmem>>
    %dma_wait3A_294 = tpu.memref_squeeze %dma_wait3A_293 : memref<1x8x2048xf32, #tpu.memory_space<vmem>> -> memref<8x2048xf32, #tpu.memory_space<vmem>>
    tpu.wait_dma2 semaphore(%arg17 : memref<!tpu.dma_semaphore, #tpu.memory_space<semaphore_mem>>) src(%dma_wait3A_294 : memref<8x2048xf32, #tpu.memory_space<vmem>>) dst(%dma_wait3A_290 : memref<8x2048xf32, #tpu.memory_space<hbm>>)
    %dma_start3A_295 = arith.constant 2 : i32
    %dma_start3A_296 = arith.constant 0 : i32
    %dma_start3A_297 = arith.constant 0 : i32
    %dma_start3A_298 = tpu.memref_slice %arg8[%dma_start3A_295, %dma_start3A_296, %dma_start3A_297] : memref<6x8x2048xf32, #tpu.memory_space<vmem>> -> memref<1x8x2048xf32, #tpu.memory_space<vmem>>
    %dma_start3A_299 = tpu.memref_squeeze %dma_start3A_298 : memref<1x8x2048xf32, #tpu.memory_space<vmem>> -> memref<8x2048xf32, #tpu.memory_space<vmem>>
    %dma_start3A_300 = arith.constant 32 : i32
    %dma_start3A_301 = tpu.memref_slice %arg7[%dma_start3A_300] : memref<128xi32, #tpu.memory_space<vmem>> -> memref<8xi32, #tpu.memory_space<vmem>>
    %dma_start3A_302 = arith.constant 0 : i32
    %dma_start3A_303 = arith.constant 0 : i32
    %dma_start3A_304 = tpu.memref_slice %arg2[%dma_start3A_302, %dma_start3A_303] : memref<32768x2048xf32, #tpu.memory_space<hbm>> -> memref<32768x2048xf32, #tpu.memory_space<hbm>>
    tpu.enqueue_indirect_dma source(%dma_start3A_304 : memref<32768x2048xf32, #tpu.memory_space<hbm>>) target(%dma_start3A_299 : memref<8x2048xf32, #tpu.memory_space<vmem>>) offsets(%dma_start3A_301 : memref<8xi32, #tpu.memory_space<vmem>>) semaphore(%arg11 : memref<!tpu.dma_semaphore, #tpu.memory_space<semaphore_mem>>)
    %dma_wait3A_305 = arith.constant 1 : i32
    %dma_wait3A_306 = arith.constant 0 : i32
    %dma_wait3A_307 = arith.constant 0 : i32
    %dma_wait3A_308 = tpu.memref_slice %arg8[%dma_wait3A_305, %dma_wait3A_306, %dma_wait3A_307] : memref<6x8x2048xf32, #tpu.memory_space<vmem>> -> memref<1x8x2048xf32, #tpu.memory_space<vmem>>
    %dma_wait3A_309 = tpu.memref_squeeze %dma_wait3A_308 : memref<1x8x2048xf32, #tpu.memory_space<vmem>> -> memref<8x2048xf32, #tpu.memory_space<vmem>>
    %dma_wait3A_310 = arith.constant 24 : i32
    %dma_wait3A_311 = tpu.memref_slice %arg7[%dma_wait3A_310] : memref<128xi32, #tpu.memory_space<vmem>> -> memref<8xi32, #tpu.memory_space<vmem>>
    %dma_wait3A_312 = arith.constant 0 : i32
    %dma_wait3A_313 = arith.constant 0 : i32
    %dma_wait3A_314 = tpu.memref_slice %arg3[%dma_wait3A_312, %dma_wait3A_313] : memref<32768x2048xf32, #tpu.memory_space<hbm>> -> memref<32768x2048xf32, #tpu.memory_space<hbm>>
    tpu.wait_indirect_dma semaphore(%arg10 : memref<!tpu.dma_semaphore, #tpu.memory_space<semaphore_mem>>) src(%dma_wait3A_314 : memref<32768x2048xf32, #tpu.memory_space<hbm>>) dst(%dma_wait3A_309 : memref<8x2048xf32, #tpu.memory_space<vmem>>)
    %add3A_315 = arith.constant 24 : i32
    %add3A_316 = arith.addi %mul3A_2, %add3A_315 : i32
    %dma_start3A_317 = arith.constant 1 : i32
    %dma_start3A_318 = arith.constant 0 : i32
    %dma_start3A_319 = arith.constant 0 : i32
    %dma_start3A_320 = tpu.memref_slice %arg8[%dma_start3A_317, %dma_start3A_318, %dma_start3A_319] : memref<6x8x2048xf32, #tpu.memory_space<vmem>> -> memref<1x8x2048xf32, #tpu.memory_space<vmem>>
    %dma_start3A_321 = tpu.memref_squeeze %dma_start3A_320 : memref<1x8x2048xf32, #tpu.memory_space<vmem>> -> memref<8x2048xf32, #tpu.memory_space<vmem>>
    %dma_start3A_322 = arith.constant 0 : i32
    %dma_start3A_323 = tpu.memref_slice %arg6[%add3A_316, %dma_start3A_322] : memref<4096x2048xf32, #tpu.memory_space<hbm>> -> memref<8x2048xf32, #tpu.memory_space<hbm>>
    %dma_start3A_324 = arith.constant 0 : i32
    %dma_start3A_325 = tpu.memref_slice %arg6[%add3A_316, %dma_start3A_324] : memref<4096x2048xf32, #tpu.memory_space<hbm>> -> memref<8x2048xf32, #tpu.memory_space<hbm>>
    %dma_start3A_326 = arith.constant 0 : i32
    %dma_start3A_327 = arith.constant 0 : i32
    %dma_start3A_328 = tpu.memref_slice %arg8[%dma_start3A_317, %dma_start3A_326, %dma_start3A_327] : memref<6x8x2048xf32, #tpu.memory_space<vmem>> -> memref<1x8x2048xf32, #tpu.memory_space<vmem>>
    %dma_start3A_329 = tpu.memref_squeeze %dma_start3A_328 : memref<1x8x2048xf32, #tpu.memory_space<vmem>> -> memref<8x2048xf32, #tpu.memory_space<vmem>>
    tpu.enqueue_dma source(%dma_start3A_329 : memref<8x2048xf32, #tpu.memory_space<vmem>>) target(%dma_start3A_325 : memref<8x2048xf32, #tpu.memory_space<hbm>>) target_semaphore(%arg16 : memref<!tpu.dma_semaphore, #tpu.memory_space<semaphore_mem>>)
    %dma_wait3A_330 = arith.constant 3 : i32
    %dma_wait3A_331 = arith.constant 0 : i32
    %dma_wait3A_332 = arith.constant 0 : i32
    %dma_wait3A_333 = tpu.memref_slice %arg8[%dma_wait3A_330, %dma_wait3A_331, %dma_wait3A_332] : memref<6x8x2048xf32, #tpu.memory_space<vmem>> -> memref<1x8x2048xf32, #tpu.memory_space<vmem>>
    %dma_wait3A_334 = tpu.memref_squeeze %dma_wait3A_333 : memref<1x8x2048xf32, #tpu.memory_space<vmem>> -> memref<8x2048xf32, #tpu.memory_space<vmem>>
    %dma_wait3A_335 = arith.constant 0 : i32
    %dma_wait3A_336 = tpu.memref_slice %arg6[%add3A_137, %dma_wait3A_335] : memref<4096x2048xf32, #tpu.memory_space<hbm>> -> memref<8x2048xf32, #tpu.memory_space<hbm>>
    %dma_wait3A_337 = arith.constant 0 : i32
    %dma_wait3A_338 = tpu.memref_slice %arg6[%add3A_137, %dma_wait3A_337] : memref<4096x2048xf32, #tpu.memory_space<hbm>> -> memref<8x2048xf32, #tpu.memory_space<hbm>>
    %dma_wait3A_339 = arith.constant 0 : i32
    %dma_wait3A_340 = arith.constant 0 : i32
    %dma_wait3A_341 = tpu.memref_slice %arg8[%dma_wait3A_330, %dma_wait3A_339, %dma_wait3A_340] : memref<6x8x2048xf32, #tpu.memory_space<vmem>> -> memref<1x8x2048xf32, #tpu.memory_space<vmem>>
    %dma_wait3A_342 = tpu.memref_squeeze %dma_wait3A_341 : memref<1x8x2048xf32, #tpu.memory_space<vmem>> -> memref<8x2048xf32, #tpu.memory_space<vmem>>
    tpu.wait_dma2 semaphore(%arg18 : memref<!tpu.dma_semaphore, #tpu.memory_space<semaphore_mem>>) src(%dma_wait3A_342 : memref<8x2048xf32, #tpu.memory_space<vmem>>) dst(%dma_wait3A_338 : memref<8x2048xf32, #tpu.memory_space<hbm>>)
    %dma_start3A_343 = arith.constant 3 : i32
    %dma_start3A_344 = arith.constant 0 : i32
    %dma_start3A_345 = arith.constant 0 : i32
    %dma_start3A_346 = tpu.memref_slice %arg8[%dma_start3A_343, %dma_start3A_344, %dma_start3A_345] : memref<6x8x2048xf32, #tpu.memory_space<vmem>> -> memref<1x8x2048xf32, #tpu.memory_space<vmem>>
    %dma_start3A_347 = tpu.memref_squeeze %dma_start3A_346 : memref<1x8x2048xf32, #tpu.memory_space<vmem>> -> memref<8x2048xf32, #tpu.memory_space<vmem>>
    %dma_start3A_348 = arith.constant 32 : i32
    %dma_start3A_349 = tpu.memref_slice %arg7[%dma_start3A_348] : memref<128xi32, #tpu.memory_space<vmem>> -> memref<8xi32, #tpu.memory_space<vmem>>
    %dma_start3A_350 = arith.constant 0 : i32
    %dma_start3A_351 = arith.constant 0 : i32
    %dma_start3A_352 = tpu.memref_slice %arg3[%dma_start3A_350, %dma_start3A_351] : memref<32768x2048xf32, #tpu.memory_space<hbm>> -> memref<32768x2048xf32, #tpu.memory_space<hbm>>
    tpu.enqueue_indirect_dma source(%dma_start3A_352 : memref<32768x2048xf32, #tpu.memory_space<hbm>>) target(%dma_start3A_347 : memref<8x2048xf32, #tpu.memory_space<vmem>>) offsets(%dma_start3A_349 : memref<8xi32, #tpu.memory_space<vmem>>) semaphore(%arg12 : memref<!tpu.dma_semaphore, #tpu.memory_space<semaphore_mem>>)
    %dma_wait3A_353 = arith.constant 2 : i32
    %dma_wait3A_354 = arith.constant 0 : i32
    %dma_wait3A_355 = arith.constant 0 : i32
    %dma_wait3A_356 = tpu.memref_slice %arg8[%dma_wait3A_353, %dma_wait3A_354, %dma_wait3A_355] : memref<6x8x2048xf32, #tpu.memory_space<vmem>> -> memref<1x8x2048xf32, #tpu.memory_space<vmem>>
    %dma_wait3A_357 = tpu.memref_squeeze %dma_wait3A_356 : memref<1x8x2048xf32, #tpu.memory_space<vmem>> -> memref<8x2048xf32, #tpu.memory_space<vmem>>
    %dma_wait3A_358 = arith.constant 32 : i32
    %dma_wait3A_359 = tpu.memref_slice %arg7[%dma_wait3A_358] : memref<128xi32, #tpu.memory_space<vmem>> -> memref<8xi32, #tpu.memory_space<vmem>>
    %dma_wait3A_360 = arith.constant 0 : i32
    %dma_wait3A_361 = arith.constant 0 : i32
    %dma_wait3A_362 = tpu.memref_slice %arg2[%dma_wait3A_360, %dma_wait3A_361] : memref<32768x2048xf32, #tpu.memory_space<hbm>> -> memref<32768x2048xf32, #tpu.memory_space<hbm>>
    tpu.wait_indirect_dma semaphore(%arg11 : memref<!tpu.dma_semaphore, #tpu.memory_space<semaphore_mem>>) src(%dma_wait3A_362 : memref<32768x2048xf32, #tpu.memory_space<hbm>>) dst(%dma_wait3A_357 : memref<8x2048xf32, #tpu.memory_space<vmem>>)
    %add3A_363 = arith.constant 32 : i32
    %add3A_364 = arith.addi %mul3A_2, %add3A_363 : i32
    %dma_start3A_365 = arith.constant 2 : i32
    %dma_start3A_366 = arith.constant 0 : i32
    %dma_start3A_367 = arith.constant 0 : i32
    %dma_start3A_368 = tpu.memref_slice %arg8[%dma_start3A_365, %dma_start3A_366, %dma_start3A_367] : memref<6x8x2048xf32, #tpu.memory_space<vmem>> -> memref<1x8x2048xf32, #tpu.memory_space<vmem>>
    %dma_start3A_369 = tpu.memref_squeeze %dma_start3A_368 : memref<1x8x2048xf32, #tpu.memory_space<vmem>> -> memref<8x2048xf32, #tpu.memory_space<vmem>>
    %dma_start3A_370 = arith.constant 0 : i32
    %dma_start3A_371 = tpu.memref_slice %arg5[%add3A_364, %dma_start3A_370] : memref<4096x2048xf32, #tpu.memory_space<hbm>> -> memref<8x2048xf32, #tpu.memory_space<hbm>>
    %dma_start3A_372 = arith.constant 0 : i32
    %dma_start3A_373 = tpu.memref_slice %arg5[%add3A_364, %dma_start3A_372] : memref<4096x2048xf32, #tpu.memory_space<hbm>> -> memref<8x2048xf32, #tpu.memory_space<hbm>>
    %dma_start3A_374 = arith.constant 0 : i32
    %dma_start3A_375 = arith.constant 0 : i32
    %dma_start3A_376 = tpu.memref_slice %arg8[%dma_start3A_365, %dma_start3A_374, %dma_start3A_375] : memref<6x8x2048xf32, #tpu.memory_space<vmem>> -> memref<1x8x2048xf32, #tpu.memory_space<vmem>>
    %dma_start3A_377 = tpu.memref_squeeze %dma_start3A_376 : memref<1x8x2048xf32, #tpu.memory_space<vmem>> -> memref<8x2048xf32, #tpu.memory_space<vmem>>
    tpu.enqueue_dma source(%dma_start3A_377 : memref<8x2048xf32, #tpu.memory_space<vmem>>) target(%dma_start3A_373 : memref<8x2048xf32, #tpu.memory_space<hbm>>) target_semaphore(%arg17 : memref<!tpu.dma_semaphore, #tpu.memory_space<semaphore_mem>>)
    %dma_wait3A_378 = arith.constant 4 : i32
    %dma_wait3A_379 = arith.constant 0 : i32
    %dma_wait3A_380 = arith.constant 0 : i32
    %dma_wait3A_381 = tpu.memref_slice %arg8[%dma_wait3A_378, %dma_wait3A_379, %dma_wait3A_380] : memref<6x8x2048xf32, #tpu.memory_space<vmem>> -> memref<1x8x2048xf32, #tpu.memory_space<vmem>>
    %dma_wait3A_382 = tpu.memref_squeeze %dma_wait3A_381 : memref<1x8x2048xf32, #tpu.memory_space<vmem>> -> memref<8x2048xf32, #tpu.memory_space<vmem>>
    %dma_wait3A_383 = arith.constant 0 : i32
    %dma_wait3A_384 = tpu.memref_slice %arg5[%add3A_172, %dma_wait3A_383] : memref<4096x2048xf32, #tpu.memory_space<hbm>> -> memref<8x2048xf32, #tpu.memory_space<hbm>>
    %dma_wait3A_385 = arith.constant 0 : i32
    %dma_wait3A_386 = tpu.memref_slice %arg5[%add3A_172, %dma_wait3A_385] : memref<4096x2048xf32, #tpu.memory_space<hbm>> -> memref<8x2048xf32, #tpu.memory_space<hbm>>
    %dma_wait3A_387 = arith.constant 0 : i32
    %dma_wait3A_388 = arith.constant 0 : i32
    %dma_wait3A_389 = tpu.memref_slice %arg8[%dma_wait3A_378, %dma_wait3A_387, %dma_wait3A_388] : memref<6x8x2048xf32, #tpu.memory_space<vmem>> -> memref<1x8x2048xf32, #tpu.memory_space<vmem>>
    %dma_wait3A_390 = tpu.memref_squeeze %dma_wait3A_389 : memref<1x8x2048xf32, #tpu.memory_space<vmem>> -> memref<8x2048xf32, #tpu.memory_space<vmem>>
    tpu.wait_dma2 semaphore(%arg19 : memref<!tpu.dma_semaphore, #tpu.memory_space<semaphore_mem>>) src(%dma_wait3A_390 : memref<8x2048xf32, #tpu.memory_space<vmem>>) dst(%dma_wait3A_386 : memref<8x2048xf32, #tpu.memory_space<hbm>>)
    %dma_start3A_391 = arith.constant 4 : i32
    %dma_start3A_392 = arith.constant 0 : i32
    %dma_start3A_393 = arith.constant 0 : i32
    %dma_start3A_394 = tpu.memref_slice %arg8[%dma_start3A_391, %dma_start3A_392, %dma_start3A_393] : memref<6x8x2048xf32, #tpu.memory_space<vmem>> -> memref<1x8x2048xf32, #tpu.memory_space<vmem>>
    %dma_start3A_395 = tpu.memref_squeeze %dma_start3A_394 : memref<1x8x2048xf32, #tpu.memory_space<vmem>> -> memref<8x2048xf32, #tpu.memory_space<vmem>>
    %dma_start3A_396 = arith.constant 40 : i32
    %dma_start3A_397 = tpu.memref_slice %arg7[%dma_start3A_396] : memref<128xi32, #tpu.memory_space<vmem>> -> memref<8xi32, #tpu.memory_space<vmem>>
    %dma_start3A_398 = arith.constant 0 : i32
    %dma_start3A_399 = arith.constant 0 : i32
    %dma_start3A_400 = tpu.memref_slice %arg2[%dma_start3A_398, %dma_start3A_399] : memref<32768x2048xf32, #tpu.memory_space<hbm>> -> memref<32768x2048xf32, #tpu.memory_space<hbm>>
    tpu.enqueue_indirect_dma source(%dma_start3A_400 : memref<32768x2048xf32, #tpu.memory_space<hbm>>) target(%dma_start3A_395 : memref<8x2048xf32, #tpu.memory_space<vmem>>) offsets(%dma_start3A_397 : memref<8xi32, #tpu.memory_space<vmem>>) semaphore(%arg13 : memref<!tpu.dma_semaphore, #tpu.memory_space<semaphore_mem>>)
    %dma_wait3A_401 = arith.constant 3 : i32
    %dma_wait3A_402 = arith.constant 0 : i32
    %dma_wait3A_403 = arith.constant 0 : i32
    %dma_wait3A_404 = tpu.memref_slice %arg8[%dma_wait3A_401, %dma_wait3A_402, %dma_wait3A_403] : memref<6x8x2048xf32, #tpu.memory_space<vmem>> -> memref<1x8x2048xf32, #tpu.memory_space<vmem>>
    %dma_wait3A_405 = tpu.memref_squeeze %dma_wait3A_404 : memref<1x8x2048xf32, #tpu.memory_space<vmem>> -> memref<8x2048xf32, #tpu.memory_space<vmem>>
    %dma_wait3A_406 = arith.constant 32 : i32
    %dma_wait3A_407 = tpu.memref_slice %arg7[%dma_wait3A_406] : memref<128xi32, #tpu.memory_space<vmem>> -> memref<8xi32, #tpu.memory_space<vmem>>
    %dma_wait3A_408 = arith.constant 0 : i32
    %dma_wait3A_409 = arith.constant 0 : i32
    %dma_wait3A_410 = tpu.memref_slice %arg3[%dma_wait3A_408, %dma_wait3A_409] : memref<32768x2048xf32, #tpu.memory_space<hbm>> -> memref<32768x2048xf32, #tpu.memory_space<hbm>>
    tpu.wait_indirect_dma semaphore(%arg12 : memref<!tpu.dma_semaphore, #tpu.memory_space<semaphore_mem>>) src(%dma_wait3A_410 : memref<32768x2048xf32, #tpu.memory_space<hbm>>) dst(%dma_wait3A_405 : memref<8x2048xf32, #tpu.memory_space<vmem>>)
    %add3A_411 = arith.constant 32 : i32
    %add3A_412 = arith.addi %mul3A_2, %add3A_411 : i32
    %dma_start3A_413 = arith.constant 3 : i32
    %dma_start3A_414 = arith.constant 0 : i32
    %dma_start3A_415 = arith.constant 0 : i32
    %dma_start3A_416 = tpu.memref_slice %arg8[%dma_start3A_413, %dma_start3A_414, %dma_start3A_415] : memref<6x8x2048xf32, #tpu.memory_space<vmem>> -> memref<1x8x2048xf32, #tpu.memory_space<vmem>>
    %dma_start3A_417 = tpu.memref_squeeze %dma_start3A_416 : memref<1x8x2048xf32, #tpu.memory_space<vmem>> -> memref<8x2048xf32, #tpu.memory_space<vmem>>
    %dma_start3A_418 = arith.constant 0 : i32
    %dma_start3A_419 = tpu.memref_slice %arg6[%add3A_412, %dma_start3A_418] : memref<4096x2048xf32, #tpu.memory_space<hbm>> -> memref<8x2048xf32, #tpu.memory_space<hbm>>
    %dma_start3A_420 = arith.constant 0 : i32
    %dma_start3A_421 = tpu.memref_slice %arg6[%add3A_412, %dma_start3A_420] : memref<4096x2048xf32, #tpu.memory_space<hbm>> -> memref<8x2048xf32, #tpu.memory_space<hbm>>
    %dma_start3A_422 = arith.constant 0 : i32
    %dma_start3A_423 = arith.constant 0 : i32
    %dma_start3A_424 = tpu.memref_slice %arg8[%dma_start3A_413, %dma_start3A_422, %dma_start3A_423] : memref<6x8x2048xf32, #tpu.memory_space<vmem>> -> memref<1x8x2048xf32, #tpu.memory_space<vmem>>
    %dma_start3A_425 = tpu.memref_squeeze %dma_start3A_424 : memref<1x8x2048xf32, #tpu.memory_space<vmem>> -> memref<8x2048xf32, #tpu.memory_space<vmem>>
    tpu.enqueue_dma source(%dma_start3A_425 : memref<8x2048xf32, #tpu.memory_space<vmem>>) target(%dma_start3A_421 : memref<8x2048xf32, #tpu.memory_space<hbm>>) target_semaphore(%arg18 : memref<!tpu.dma_semaphore, #tpu.memory_space<semaphore_mem>>)
    %dma_wait3A_426 = arith.constant 5 : i32
    %dma_wait3A_427 = arith.constant 0 : i32
    %dma_wait3A_428 = arith.constant 0 : i32
    %dma_wait3A_429 = tpu.memref_slice %arg8[%dma_wait3A_426, %dma_wait3A_427, %dma_wait3A_428] : memref<6x8x2048xf32, #tpu.memory_space<vmem>> -> memref<1x8x2048xf32, #tpu.memory_space<vmem>>
    %dma_wait3A_430 = tpu.memref_squeeze %dma_wait3A_429 : memref<1x8x2048xf32, #tpu.memory_space<vmem>> -> memref<8x2048xf32, #tpu.memory_space<vmem>>
    %dma_wait3A_431 = arith.constant 0 : i32
    %dma_wait3A_432 = tpu.memref_slice %arg6[%add3A_220, %dma_wait3A_431] : memref<4096x2048xf32, #tpu.memory_space<hbm>> -> memref<8x2048xf32, #tpu.memory_space<hbm>>
    %dma_wait3A_433 = arith.constant 0 : i32
    %dma_wait3A_434 = tpu.memref_slice %arg6[%add3A_220, %dma_wait3A_433] : memref<4096x2048xf32, #tpu.memory_space<hbm>> -> memref<8x2048xf32, #tpu.memory_space<hbm>>
    %dma_wait3A_435 = arith.constant 0 : i32
    %dma_wait3A_436 = arith.constant 0 : i32
    %dma_wait3A_437 = tpu.memref_slice %arg8[%dma_wait3A_426, %dma_wait3A_435, %dma_wait3A_436] : memref<6x8x2048xf32, #tpu.memory_space<vmem>> -> memref<1x8x2048xf32, #tpu.memory_space<vmem>>
    %dma_wait3A_438 = tpu.memref_squeeze %dma_wait3A_437 : memref<1x8x2048xf32, #tpu.memory_space<vmem>> -> memref<8x2048xf32, #tpu.memory_space<vmem>>
    tpu.wait_dma2 semaphore(%arg20 : memref<!tpu.dma_semaphore, #tpu.memory_space<semaphore_mem>>) src(%dma_wait3A_438 : memref<8x2048xf32, #tpu.memory_space<vmem>>) dst(%dma_wait3A_434 : memref<8x2048xf32, #tpu.memory_space<hbm>>)
    %dma_start3A_439 = arith.constant 5 : i32
    %dma_start3A_440 = arith.constant 0 : i32
    %dma_start3A_441 = arith.constant 0 : i32
    %dma_start3A_442 = tpu.memref_slice %arg8[%dma_start3A_439, %dma_start3A_440, %dma_start3A_441] : memref<6x8x2048xf32, #tpu.memory_space<vmem>> -> memref<1x8x2048xf32, #tpu.memory_space<vmem>>
    %dma_start3A_443 = tpu.memref_squeeze %dma_start3A_442 : memref<1x8x2048xf32, #tpu.memory_space<vmem>> -> memref<8x2048xf32, #tpu.memory_space<vmem>>
    %dma_start3A_444 = arith.constant 40 : i32
    %dma_start3A_445 = tpu.memref_slice %arg7[%dma_start3A_444] : memref<128xi32, #tpu.memory_space<vmem>> -> memref<8xi32, #tpu.memory_space<vmem>>
    %dma_start3A_446 = arith.constant 0 : i32
    %dma_start3A_447 = arith.constant 0 : i32
    %dma_start3A_448 = tpu.memref_slice %arg3[%dma_start3A_446, %dma_start3A_447] : memref<32768x2048xf32, #tpu.memory_space<hbm>> -> memref<32768x2048xf32, #tpu.memory_space<hbm>>
    tpu.enqueue_indirect_dma source(%dma_start3A_448 : memref<32768x2048xf32, #tpu.memory_space<hbm>>) target(%dma_start3A_443 : memref<8x2048xf32, #tpu.memory_space<vmem>>) offsets(%dma_start3A_445 : memref<8xi32, #tpu.memory_space<vmem>>) semaphore(%arg14 : memref<!tpu.dma_semaphore, #tpu.memory_space<semaphore_mem>>)
    %dma_wait3A_449 = arith.constant 4 : i32
    %dma_wait3A_450 = arith.constant 0 : i32
    %dma_wait3A_451 = arith.constant 0 : i32
    %dma_wait3A_452 = tpu.memref_slice %arg8[%dma_wait3A_449, %dma_wait3A_450, %dma_wait3A_451] : memref<6x8x2048xf32, #tpu.memory_space<vmem>> -> memref<1x8x2048xf32, #tpu.memory_space<vmem>>
    %dma_wait3A_453 = tpu.memref_squeeze %dma_wait3A_452 : memref<1x8x2048xf32, #tpu.memory_space<vmem>> -> memref<8x2048xf32, #tpu.memory_space<vmem>>
    %dma_wait3A_454 = arith.constant 40 : i32
    %dma_wait3A_455 = tpu.memref_slice %arg7[%dma_wait3A_454] : memref<128xi32, #tpu.memory_space<vmem>> -> memref<8xi32, #tpu.memory_space<vmem>>
    %dma_wait3A_456 = arith.constant 0 : i32
    %dma_wait3A_457 = arith.constant 0 : i32
    %dma_wait3A_458 = tpu.memref_slice %arg2[%dma_wait3A_456, %dma_wait3A_457] : memref<32768x2048xf32, #tpu.memory_space<hbm>> -> memref<32768x2048xf32, #tpu.memory_space<hbm>>
    tpu.wait_indirect_dma semaphore(%arg13 : memref<!tpu.dma_semaphore, #tpu.memory_space<semaphore_mem>>) src(%dma_wait3A_458 : memref<32768x2048xf32, #tpu.memory_space<hbm>>) dst(%dma_wait3A_453 : memref<8x2048xf32, #tpu.memory_space<vmem>>)
    %add3A_459 = arith.constant 40 : i32
    %add3A_460 = arith.addi %mul3A_2, %add3A_459 : i32
    %dma_start3A_461 = arith.constant 4 : i32
    %dma_start3A_462 = arith.constant 0 : i32
    %dma_start3A_463 = arith.constant 0 : i32
    %dma_start3A_464 = tpu.memref_slice %arg8[%dma_start3A_461, %dma_start3A_462, %dma_start3A_463] : memref<6x8x2048xf32, #tpu.memory_space<vmem>> -> memref<1x8x2048xf32, #tpu.memory_space<vmem>>
    %dma_start3A_465 = tpu.memref_squeeze %dma_start3A_464 : memref<1x8x2048xf32, #tpu.memory_space<vmem>> -> memref<8x2048xf32, #tpu.memory_space<vmem>>
    %dma_start3A_466 = arith.constant 0 : i32
    %dma_start3A_467 = tpu.memref_slice %arg5[%add3A_460, %dma_start3A_466] : memref<4096x2048xf32, #tpu.memory_space<hbm>> -> memref<8x2048xf32, #tpu.memory_space<hbm>>
    %dma_start3A_468 = arith.constant 0 : i32
    %dma_start3A_469 = tpu.memref_slice %arg5[%add3A_460, %dma_start3A_468] : memref<4096x2048xf32, #tpu.memory_space<hbm>> -> memref<8x2048xf32, #tpu.memory_space<hbm>>
    %dma_start3A_470 = arith.constant 0 : i32
    %dma_start3A_471 = arith.constant 0 : i32
    %dma_start3A_472 = tpu.memref_slice %arg8[%dma_start3A_461, %dma_start3A_470, %dma_start3A_471] : memref<6x8x2048xf32, #tpu.memory_space<vmem>> -> memref<1x8x2048xf32, #tpu.memory_space<vmem>>
    %dma_start3A_473 = tpu.memref_squeeze %dma_start3A_472 : memref<1x8x2048xf32, #tpu.memory_space<vmem>> -> memref<8x2048xf32, #tpu.memory_space<vmem>>
    tpu.enqueue_dma source(%dma_start3A_473 : memref<8x2048xf32, #tpu.memory_space<vmem>>) target(%dma_start3A_469 : memref<8x2048xf32, #tpu.memory_space<hbm>>) target_semaphore(%arg19 : memref<!tpu.dma_semaphore, #tpu.memory_space<semaphore_mem>>)
    %dma_wait3A_474 = arith.constant 0 : i32
    %dma_wait3A_475 = arith.constant 0 : i32
    %dma_wait3A_476 = arith.constant 0 : i32
    %dma_wait3A_477 = tpu.memref_slice %arg8[%dma_wait3A_474, %dma_wait3A_475, %dma_wait3A_476] : memref<6x8x2048xf32, #tpu.memory_space<vmem>> -> memref<1x8x2048xf32, #tpu.memory_space<vmem>>
    %dma_wait3A_478 = tpu.memref_squeeze %dma_wait3A_477 : memref<1x8x2048xf32, #tpu.memory_space<vmem>> -> memref<8x2048xf32, #tpu.memory_space<vmem>>
    %dma_wait3A_479 = arith.constant 0 : i32
    %dma_wait3A_480 = tpu.memref_slice %arg5[%add3A_268, %dma_wait3A_479] : memref<4096x2048xf32, #tpu.memory_space<hbm>> -> memref<8x2048xf32, #tpu.memory_space<hbm>>
    %dma_wait3A_481 = arith.constant 0 : i32
    %dma_wait3A_482 = tpu.memref_slice %arg5[%add3A_268, %dma_wait3A_481] : memref<4096x2048xf32, #tpu.memory_space<hbm>> -> memref<8x2048xf32, #tpu.memory_space<hbm>>
    %dma_wait3A_483 = arith.constant 0 : i32
    %dma_wait3A_484 = arith.constant 0 : i32
    %dma_wait3A_485 = tpu.memref_slice %arg8[%dma_wait3A_474, %dma_wait3A_483, %dma_wait3A_484] : memref<6x8x2048xf32, #tpu.memory_space<vmem>> -> memref<1x8x2048xf32, #tpu.memory_space<vmem>>
    %dma_wait3A_486 = tpu.memref_squeeze %dma_wait3A_485 : memref<1x8x2048xf32, #tpu.memory_space<vmem>> -> memref<8x2048xf32, #tpu.memory_space<vmem>>
    tpu.wait_dma2 semaphore(%arg15 : memref<!tpu.dma_semaphore, #tpu.memory_space<semaphore_mem>>) src(%dma_wait3A_486 : memref<8x2048xf32, #tpu.memory_space<vmem>>) dst(%dma_wait3A_482 : memref<8x2048xf32, #tpu.memory_space<hbm>>)
    %dma_start3A_487 = arith.constant 0 : i32
    %dma_start3A_488 = arith.constant 0 : i32
    %dma_start3A_489 = arith.constant 0 : i32
    %dma_start3A_490 = tpu.memref_slice %arg8[%dma_start3A_487, %dma_start3A_488, %dma_start3A_489] : memref<6x8x2048xf32, #tpu.memory_space<vmem>> -> memref<1x8x2048xf32, #tpu.memory_space<vmem>>
    %dma_start3A_491 = tpu.memref_squeeze %dma_start3A_490 : memref<1x8x2048xf32, #tpu.memory_space<vmem>> -> memref<8x2048xf32, #tpu.memory_space<vmem>>
    %dma_start3A_492 = arith.constant 48 : i32
    %dma_start3A_493 = tpu.memref_slice %arg7[%dma_start3A_492] : memref<128xi32, #tpu.memory_space<vmem>> -> memref<8xi32, #tpu.memory_space<vmem>>
    %dma_start3A_494 = arith.constant 0 : i32
    %dma_start3A_495 = arith.constant 0 : i32
    %dma_start3A_496 = tpu.memref_slice %arg2[%dma_start3A_494, %dma_start3A_495] : memref<32768x2048xf32, #tpu.memory_space<hbm>> -> memref<32768x2048xf32, #tpu.memory_space<hbm>>
    tpu.enqueue_indirect_dma source(%dma_start3A_496 : memref<32768x2048xf32, #tpu.memory_space<hbm>>) target(%dma_start3A_491 : memref<8x2048xf32, #tpu.memory_space<vmem>>) offsets(%dma_start3A_493 : memref<8xi32, #tpu.memory_space<vmem>>) semaphore(%arg9 : memref<!tpu.dma_semaphore, #tpu.memory_space<semaphore_mem>>)
    %dma_wait3A_497 = arith.constant 5 : i32
    %dma_wait3A_498 = arith.constant 0 : i32
    %dma_wait3A_499 = arith.constant 0 : i32
    %dma_wait3A_500 = tpu.memref_slice %arg8[%dma_wait3A_497, %dma_wait3A_498, %dma_wait3A_499] : memref<6x8x2048xf32, #tpu.memory_space<vmem>> -> memref<1x8x2048xf32, #tpu.memory_space<vmem>>
    %dma_wait3A_501 = tpu.memref_squeeze %dma_wait3A_500 : memref<1x8x2048xf32, #tpu.memory_space<vmem>> -> memref<8x2048xf32, #tpu.memory_space<vmem>>
    %dma_wait3A_502 = arith.constant 40 : i32
    %dma_wait3A_503 = tpu.memref_slice %arg7[%dma_wait3A_502] : memref<128xi32, #tpu.memory_space<vmem>> -> memref<8xi32, #tpu.memory_space<vmem>>
    %dma_wait3A_504 = arith.constant 0 : i32
    %dma_wait3A_505 = arith.constant 0 : i32
    %dma_wait3A_506 = tpu.memref_slice %arg3[%dma_wait3A_504, %dma_wait3A_505] : memref<32768x2048xf32, #tpu.memory_space<hbm>> -> memref<32768x2048xf32, #tpu.memory_space<hbm>>
    tpu.wait_indirect_dma semaphore(%arg14 : memref<!tpu.dma_semaphore, #tpu.memory_space<semaphore_mem>>) src(%dma_wait3A_506 : memref<32768x2048xf32, #tpu.memory_space<hbm>>) dst(%dma_wait3A_501 : memref<8x2048xf32, #tpu.memory_space<vmem>>)
    %add3A_507 = arith.constant 40 : i32
    %add3A_508 = arith.addi %mul3A_2, %add3A_507 : i32
    %dma_start3A_509 = arith.constant 5 : i32
    %dma_start3A_510 = arith.constant 0 : i32
    %dma_start3A_511 = arith.constant 0 : i32
    %dma_start3A_512 = tpu.memref_slice %arg8[%dma_start3A_509, %dma_start3A_510, %dma_start3A_511] : memref<6x8x2048xf32, #tpu.memory_space<vmem>> -> memref<1x8x2048xf32, #tpu.memory_space<vmem>>
    %dma_start3A_513 = tpu.memref_squeeze %dma_start3A_512 : memref<1x8x2048xf32, #tpu.memory_space<vmem>> -> memref<8x2048xf32, #tpu.memory_space<vmem>>
    %dma_start3A_514 = arith.constant 0 : i32
    %dma_start3A_515 = tpu.memref_slice %arg6[%add3A_508, %dma_start3A_514] : memref<4096x2048xf32, #tpu.memory_space<hbm>> -> memref<8x2048xf32, #tpu.memory_space<hbm>>
    %dma_start3A_516 = arith.constant 0 : i32
    %dma_start3A_517 = tpu.memref_slice %arg6[%add3A_508, %dma_start3A_516] : memref<4096x2048xf32, #tpu.memory_space<hbm>> -> memref<8x2048xf32, #tpu.memory_space<hbm>>
    %dma_start3A_518 = arith.constant 0 : i32
    %dma_start3A_519 = arith.constant 0 : i32
    %dma_start3A_520 = tpu.memref_slice %arg8[%dma_start3A_509, %dma_start3A_518, %dma_start3A_519] : memref<6x8x2048xf32, #tpu.memory_space<vmem>> -> memref<1x8x2048xf32, #tpu.memory_space<vmem>>
    %dma_start3A_521 = tpu.memref_squeeze %dma_start3A_520 : memref<1x8x2048xf32, #tpu.memory_space<vmem>> -> memref<8x2048xf32, #tpu.memory_space<vmem>>
    tpu.enqueue_dma source(%dma_start3A_521 : memref<8x2048xf32, #tpu.memory_space<vmem>>) target(%dma_start3A_517 : memref<8x2048xf32, #tpu.memory_space<hbm>>) target_semaphore(%arg20 : memref<!tpu.dma_semaphore, #tpu.memory_space<semaphore_mem>>)
    %dma_wait3A_522 = arith.constant 1 : i32
    %dma_wait3A_523 = arith.constant 0 : i32
    %dma_wait3A_524 = arith.constant 0 : i32
    %dma_wait3A_525 = tpu.memref_slice %arg8[%dma_wait3A_522, %dma_wait3A_523, %dma_wait3A_524] : memref<6x8x2048xf32, #tpu.memory_space<vmem>> -> memref<1x8x2048xf32, #tpu.memory_space<vmem>>
    %dma_wait3A_526 = tpu.memref_squeeze %dma_wait3A_525 : memref<1x8x2048xf32, #tpu.memory_space<vmem>> -> memref<8x2048xf32, #tpu.memory_space<vmem>>
    %dma_wait3A_527 = arith.constant 0 : i32
    %dma_wait3A_528 = tpu.memref_slice %arg6[%add3A_316, %dma_wait3A_527] : memref<4096x2048xf32, #tpu.memory_space<hbm>> -> memref<8x2048xf32, #tpu.memory_space<hbm>>
    %dma_wait3A_529 = arith.constant 0 : i32
    %dma_wait3A_530 = tpu.memref_slice %arg6[%add3A_316, %dma_wait3A_529] : memref<4096x2048xf32, #tpu.memory_space<hbm>> -> memref<8x2048xf32, #tpu.memory_space<hbm>>
    %dma_wait3A_531 = arith.constant 0 : i32
    %dma_wait3A_532 = arith.constant 0 : i32
    %dma_wait3A_533 = tpu.memref_slice %arg8[%dma_wait3A_522, %dma_wait3A_531, %dma_wait3A_532] : memref<6x8x2048xf32, #tpu.memory_space<vmem>> -> memref<1x8x2048xf32, #tpu.memory_space<vmem>>
    %dma_wait3A_534 = tpu.memref_squeeze %dma_wait3A_533 : memref<1x8x2048xf32, #tpu.memory_space<vmem>> -> memref<8x2048xf32, #tpu.memory_space<vmem>>
    tpu.wait_dma2 semaphore(%arg16 : memref<!tpu.dma_semaphore, #tpu.memory_space<semaphore_mem>>) src(%dma_wait3A_534 : memref<8x2048xf32, #tpu.memory_space<vmem>>) dst(%dma_wait3A_530 : memref<8x2048xf32, #tpu.memory_space<hbm>>)
    %dma_start3A_535 = arith.constant 1 : i32
    %dma_start3A_536 = arith.constant 0 : i32
    %dma_start3A_537 = arith.constant 0 : i32
    %dma_start3A_538 = tpu.memref_slice %arg8[%dma_start3A_535, %dma_start3A_536, %dma_start3A_537] : memref<6x8x2048xf32, #tpu.memory_space<vmem>> -> memref<1x8x2048xf32, #tpu.memory_space<vmem>>
    %dma_start3A_539 = tpu.memref_squeeze %dma_start3A_538 : memref<1x8x2048xf32, #tpu.memory_space<vmem>> -> memref<8x2048xf32, #tpu.memory_space<vmem>>
    %dma_start3A_540 = arith.constant 48 : i32
    %dma_start3A_541 = tpu.memref_slice %arg7[%dma_start3A_540] : memref<128xi32, #tpu.memory_space<vmem>> -> memref<8xi32, #tpu.memory_space<vmem>>
    %dma_start3A_542 = arith.constant 0 : i32
    %dma_start3A_543 = arith.constant 0 : i32
    %dma_start3A_544 = tpu.memref_slice %arg3[%dma_start3A_542, %dma_start3A_543] : memref<32768x2048xf32, #tpu.memory_space<hbm>> -> memref<32768x2048xf32, #tpu.memory_space<hbm>>
    tpu.enqueue_indirect_dma source(%dma_start3A_544 : memref<32768x2048xf32, #tpu.memory_space<hbm>>) target(%dma_start3A_539 : memref<8x2048xf32, #tpu.memory_space<vmem>>) offsets(%dma_start3A_541 : memref<8xi32, #tpu.memory_space<vmem>>) semaphore(%arg10 : memref<!tpu.dma_semaphore, #tpu.memory_space<semaphore_mem>>)
    %dma_wait3A_545 = arith.constant 0 : i32
    %dma_wait3A_546 = arith.constant 0 : i32
    %dma_wait3A_547 = arith.constant 0 : i32
    %dma_wait3A_548 = tpu.memref_slice %arg8[%dma_wait3A_545, %dma_wait3A_546, %dma_wait3A_547] : memref<6x8x2048xf32, #tpu.memory_space<vmem>> -> memref<1x8x2048xf32, #tpu.memory_space<vmem>>
    %dma_wait3A_549 = tpu.memref_squeeze %dma_wait3A_548 : memref<1x8x2048xf32, #tpu.memory_space<vmem>> -> memref<8x2048xf32, #tpu.memory_space<vmem>>
    %dma_wait3A_550 = arith.constant 48 : i32
    %dma_wait3A_551 = tpu.memref_slice %arg7[%dma_wait3A_550] : memref<128xi32, #tpu.memory_space<vmem>> -> memref<8xi32, #tpu.memory_space<vmem>>
    %dma_wait3A_552 = arith.constant 0 : i32
    %dma_wait3A_553 = arith.constant 0 : i32
    %dma_wait3A_554 = tpu.memref_slice %arg2[%dma_wait3A_552, %dma_wait3A_553] : memref<32768x2048xf32, #tpu.memory_space<hbm>> -> memref<32768x2048xf32, #tpu.memory_space<hbm>>
    tpu.wait_indirect_dma semaphore(%arg9 : memref<!tpu.dma_semaphore, #tpu.memory_space<semaphore_mem>>) src(%dma_wait3A_554 : memref<32768x2048xf32, #tpu.memory_space<hbm>>) dst(%dma_wait3A_549 : memref<8x2048xf32, #tpu.memory_space<vmem>>)
    %add3A_555 = arith.constant 48 : i32
    %add3A_556 = arith.addi %mul3A_2, %add3A_555 : i32
    %dma_start3A_557 = arith.constant 0 : i32
    %dma_start3A_558 = arith.constant 0 : i32
    %dma_start3A_559 = arith.constant 0 : i32
    %dma_start3A_560 = tpu.memref_slice %arg8[%dma_start3A_557, %dma_start3A_558, %dma_start3A_559] : memref<6x8x2048xf32, #tpu.memory_space<vmem>> -> memref<1x8x2048xf32, #tpu.memory_space<vmem>>
    %dma_start3A_561 = tpu.memref_squeeze %dma_start3A_560 : memref<1x8x2048xf32, #tpu.memory_space<vmem>> -> memref<8x2048xf32, #tpu.memory_space<vmem>>
    %dma_start3A_562 = arith.constant 0 : i32
    %dma_start3A_563 = tpu.memref_slice %arg5[%add3A_556, %dma_start3A_562] : memref<4096x2048xf32, #tpu.memory_space<hbm>> -> memref<8x2048xf32, #tpu.memory_space<hbm>>
    %dma_start3A_564 = arith.constant 0 : i32
    %dma_start3A_565 = tpu.memref_slice %arg5[%add3A_556, %dma_start3A_564] : memref<4096x2048xf32, #tpu.memory_space<hbm>> -> memref<8x2048xf32, #tpu.memory_space<hbm>>
    %dma_start3A_566 = arith.constant 0 : i32
    %dma_start3A_567 = arith.constant 0 : i32
    %dma_start3A_568 = tpu.memref_slice %arg8[%dma_start3A_557, %dma_start3A_566, %dma_start3A_567] : memref<6x8x2048xf32, #tpu.memory_space<vmem>> -> memref<1x8x2048xf32, #tpu.memory_space<vmem>>
    %dma_start3A_569 = tpu.memref_squeeze %dma_start3A_568 : memref<1x8x2048xf32, #tpu.memory_space<vmem>> -> memref<8x2048xf32, #tpu.memory_space<vmem>>
    tpu.enqueue_dma source(%dma_start3A_569 : memref<8x2048xf32, #tpu.memory_space<vmem>>) target(%dma_start3A_565 : memref<8x2048xf32, #tpu.memory_space<hbm>>) target_semaphore(%arg15 : memref<!tpu.dma_semaphore, #tpu.memory_space<semaphore_mem>>)
    %dma_wait3A_570 = arith.constant 2 : i32
    %dma_wait3A_571 = arith.constant 0 : i32
    %dma_wait3A_572 = arith.constant 0 : i32
    %dma_wait3A_573 = tpu.memref_slice %arg8[%dma_wait3A_570, %dma_wait3A_571, %dma_wait3A_572] : memref<6x8x2048xf32, #tpu.memory_space<vmem>> -> memref<1x8x2048xf32, #tpu.memory_space<vmem>>
    %dma_wait3A_574 = tpu.memref_squeeze %dma_wait3A_573 : memref<1x8x2048xf32, #tpu.memory_space<vmem>> -> memref<8x2048xf32, #tpu.memory_space<vmem>>
    %dma_wait3A_575 = arith.constant 0 : i32
    %dma_wait3A_576 = tpu.memref_slice %arg5[%add3A_364, %dma_wait3A_575] : memref<4096x2048xf32, #tpu.memory_space<hbm>> -> memref<8x2048xf32, #tpu.memory_space<hbm>>
    %dma_wait3A_577 = arith.constant 0 : i32
    %dma_wait3A_578 = tpu.memref_slice %arg5[%add3A_364, %dma_wait3A_577] : memref<4096x2048xf32, #tpu.memory_space<hbm>> -> memref<8x2048xf32, #tpu.memory_space<hbm>>
    %dma_wait3A_579 = arith.constant 0 : i32
    %dma_wait3A_580 = arith.constant 0 : i32
    %dma_wait3A_581 = tpu.memref_slice %arg8[%dma_wait3A_570, %dma_wait3A_579, %dma_wait3A_580] : memref<6x8x2048xf32, #tpu.memory_space<vmem>> -> memref<1x8x2048xf32, #tpu.memory_space<vmem>>
    %dma_wait3A_582 = tpu.memref_squeeze %dma_wait3A_581 : memref<1x8x2048xf32, #tpu.memory_space<vmem>> -> memref<8x2048xf32, #tpu.memory_space<vmem>>
    tpu.wait_dma2 semaphore(%arg17 : memref<!tpu.dma_semaphore, #tpu.memory_space<semaphore_mem>>) src(%dma_wait3A_582 : memref<8x2048xf32, #tpu.memory_space<vmem>>) dst(%dma_wait3A_578 : memref<8x2048xf32, #tpu.memory_space<hbm>>)
    %dma_start3A_583 = arith.constant 2 : i32
    %dma_start3A_584 = arith.constant 0 : i32
    %dma_start3A_585 = arith.constant 0 : i32
    %dma_start3A_586 = tpu.memref_slice %arg8[%dma_start3A_583, %dma_start3A_584, %dma_start3A_585] : memref<6x8x2048xf32, #tpu.memory_space<vmem>> -> memref<1x8x2048xf32, #tpu.memory_space<vmem>>
    %dma_start3A_587 = tpu.memref_squeeze %dma_start3A_586 : memref<1x8x2048xf32, #tpu.memory_space<vmem>> -> memref<8x2048xf32, #tpu.memory_space<vmem>>
    %dma_start3A_588 = arith.constant 56 : i32
    %dma_start3A_589 = tpu.memref_slice %arg7[%dma_start3A_588] : memref<128xi32, #tpu.memory_space<vmem>> -> memref<8xi32, #tpu.memory_space<vmem>>
    %dma_start3A_590 = arith.constant 0 : i32
    %dma_start3A_591 = arith.constant 0 : i32
    %dma_start3A_592 = tpu.memref_slice %arg2[%dma_start3A_590, %dma_start3A_591] : memref<32768x2048xf32, #tpu.memory_space<hbm>> -> memref<32768x2048xf32, #tpu.memory_space<hbm>>
    tpu.enqueue_indirect_dma source(%dma_start3A_592 : memref<32768x2048xf32, #tpu.memory_space<hbm>>) target(%dma_start3A_587 : memref<8x2048xf32, #tpu.memory_space<vmem>>) offsets(%dma_start3A_589 : memref<8xi32, #tpu.memory_space<vmem>>) semaphore(%arg11 : memref<!tpu.dma_semaphore, #tpu.memory_space<semaphore_mem>>)
    %dma_wait3A_593 = arith.constant 1 : i32
    %dma_wait3A_594 = arith.constant 0 : i32
    %dma_wait3A_595 = arith.constant 0 : i32
    %dma_wait3A_596 = tpu.memref_slice %arg8[%dma_wait3A_593, %dma_wait3A_594, %dma_wait3A_595] : memref<6x8x2048xf32, #tpu.memory_space<vmem>> -> memref<1x8x2048xf32, #tpu.memory_space<vmem>>
    %dma_wait3A_597 = tpu.memref_squeeze %dma_wait3A_596 : memref<1x8x2048xf32, #tpu.memory_space<vmem>> -> memref<8x2048xf32, #tpu.memory_space<vmem>>
    %dma_wait3A_598 = arith.constant 48 : i32
    %dma_wait3A_599 = tpu.memref_slice %arg7[%dma_wait3A_598] : memref<128xi32, #tpu.memory_space<vmem>> -> memref<8xi32, #tpu.memory_space<vmem>>
    %dma_wait3A_600 = arith.constant 0 : i32
    %dma_wait3A_601 = arith.constant 0 : i32
    %dma_wait3A_602 = tpu.memref_slice %arg3[%dma_wait3A_600, %dma_wait3A_601] : memref<32768x2048xf32, #tpu.memory_space<hbm>> -> memref<32768x2048xf32, #tpu.memory_space<hbm>>
    tpu.wait_indirect_dma semaphore(%arg10 : memref<!tpu.dma_semaphore, #tpu.memory_space<semaphore_mem>>) src(%dma_wait3A_602 : memref<32768x2048xf32, #tpu.memory_space<hbm>>) dst(%dma_wait3A_597 : memref<8x2048xf32, #tpu.memory_space<vmem>>)
    %add3A_603 = arith.constant 48 : i32
    %add3A_604 = arith.addi %mul3A_2, %add3A_603 : i32
    %dma_start3A_605 = arith.constant 1 : i32
    %dma_start3A_606 = arith.constant 0 : i32
    %dma_start3A_607 = arith.constant 0 : i32
    %dma_start3A_608 = tpu.memref_slice %arg8[%dma_start3A_605, %dma_start3A_606, %dma_start3A_607] : memref<6x8x2048xf32, #tpu.memory_space<vmem>> -> memref<1x8x2048xf32, #tpu.memory_space<vmem>>
    %dma_start3A_609 = tpu.memref_squeeze %dma_start3A_608 : memref<1x8x2048xf32, #tpu.memory_space<vmem>> -> memref<8x2048xf32, #tpu.memory_space<vmem>>
    %dma_start3A_610 = arith.constant 0 : i32
    %dma_start3A_611 = tpu.memref_slice %arg6[%add3A_604, %dma_start3A_610] : memref<4096x2048xf32, #tpu.memory_space<hbm>> -> memref<8x2048xf32, #tpu.memory_space<hbm>>
    %dma_start3A_612 = arith.constant 0 : i32
    %dma_start3A_613 = tpu.memref_slice %arg6[%add3A_604, %dma_start3A_612] : memref<4096x2048xf32, #tpu.memory_space<hbm>> -> memref<8x2048xf32, #tpu.memory_space<hbm>>
    %dma_start3A_614 = arith.constant 0 : i32
    %dma_start3A_615 = arith.constant 0 : i32
    %dma_start3A_616 = tpu.memref_slice %arg8[%dma_start3A_605, %dma_start3A_614, %dma_start3A_615] : memref<6x8x2048xf32, #tpu.memory_space<vmem>> -> memref<1x8x2048xf32, #tpu.memory_space<vmem>>
    %dma_start3A_617 = tpu.memref_squeeze %dma_start3A_616 : memref<1x8x2048xf32, #tpu.memory_space<vmem>> -> memref<8x2048xf32, #tpu.memory_space<vmem>>
    tpu.enqueue_dma source(%dma_start3A_617 : memref<8x2048xf32, #tpu.memory_space<vmem>>) target(%dma_start3A_613 : memref<8x2048xf32, #tpu.memory_space<hbm>>) target_semaphore(%arg16 : memref<!tpu.dma_semaphore, #tpu.memory_space<semaphore_mem>>)
    %dma_wait3A_618 = arith.constant 3 : i32
    %dma_wait3A_619 = arith.constant 0 : i32
    %dma_wait3A_620 = arith.constant 0 : i32
    %dma_wait3A_621 = tpu.memref_slice %arg8[%dma_wait3A_618, %dma_wait3A_619, %dma_wait3A_620] : memref<6x8x2048xf32, #tpu.memory_space<vmem>> -> memref<1x8x2048xf32, #tpu.memory_space<vmem>>
    %dma_wait3A_622 = tpu.memref_squeeze %dma_wait3A_621 : memref<1x8x2048xf32, #tpu.memory_space<vmem>> -> memref<8x2048xf32, #tpu.memory_space<vmem>>
    %dma_wait3A_623 = arith.constant 0 : i32
    %dma_wait3A_624 = tpu.memref_slice %arg6[%add3A_412, %dma_wait3A_623] : memref<4096x2048xf32, #tpu.memory_space<hbm>> -> memref<8x2048xf32, #tpu.memory_space<hbm>>
    %dma_wait3A_625 = arith.constant 0 : i32
    %dma_wait3A_626 = tpu.memref_slice %arg6[%add3A_412, %dma_wait3A_625] : memref<4096x2048xf32, #tpu.memory_space<hbm>> -> memref<8x2048xf32, #tpu.memory_space<hbm>>
    %dma_wait3A_627 = arith.constant 0 : i32
    %dma_wait3A_628 = arith.constant 0 : i32
    %dma_wait3A_629 = tpu.memref_slice %arg8[%dma_wait3A_618, %dma_wait3A_627, %dma_wait3A_628] : memref<6x8x2048xf32, #tpu.memory_space<vmem>> -> memref<1x8x2048xf32, #tpu.memory_space<vmem>>
    %dma_wait3A_630 = tpu.memref_squeeze %dma_wait3A_629 : memref<1x8x2048xf32, #tpu.memory_space<vmem>> -> memref<8x2048xf32, #tpu.memory_space<vmem>>
    tpu.wait_dma2 semaphore(%arg18 : memref<!tpu.dma_semaphore, #tpu.memory_space<semaphore_mem>>) src(%dma_wait3A_630 : memref<8x2048xf32, #tpu.memory_space<vmem>>) dst(%dma_wait3A_626 : memref<8x2048xf32, #tpu.memory_space<hbm>>)
    %dma_start3A_631 = arith.constant 3 : i32
    %dma_start3A_632 = arith.constant 0 : i32
    %dma_start3A_633 = arith.constant 0 : i32
    %dma_start3A_634 = tpu.memref_slice %arg8[%dma_start3A_631, %dma_start3A_632, %dma_start3A_633] : memref<6x8x2048xf32, #tpu.memory_space<vmem>> -> memref<1x8x2048xf32, #tpu.memory_space<vmem>>
    %dma_start3A_635 = tpu.memref_squeeze %dma_start3A_634 : memref<1x8x2048xf32, #tpu.memory_space<vmem>> -> memref<8x2048xf32, #tpu.memory_space<vmem>>
    %dma_start3A_636 = arith.constant 56 : i32
    %dma_start3A_637 = tpu.memref_slice %arg7[%dma_start3A_636] : memref<128xi32, #tpu.memory_space<vmem>> -> memref<8xi32, #tpu.memory_space<vmem>>
    %dma_start3A_638 = arith.constant 0 : i32
    %dma_start3A_639 = arith.constant 0 : i32
    %dma_start3A_640 = tpu.memref_slice %arg3[%dma_start3A_638, %dma_start3A_639] : memref<32768x2048xf32, #tpu.memory_space<hbm>> -> memref<32768x2048xf32, #tpu.memory_space<hbm>>
    tpu.enqueue_indirect_dma source(%dma_start3A_640 : memref<32768x2048xf32, #tpu.memory_space<hbm>>) target(%dma_start3A_635 : memref<8x2048xf32, #tpu.memory_space<vmem>>) offsets(%dma_start3A_637 : memref<8xi32, #tpu.memory_space<vmem>>) semaphore(%arg12 : memref<!tpu.dma_semaphore, #tpu.memory_space<semaphore_mem>>)
    %dma_wait3A_641 = arith.constant 2 : i32
    %dma_wait3A_642 = arith.constant 0 : i32
    %dma_wait3A_643 = arith.constant 0 : i32
    %dma_wait3A_644 = tpu.memref_slice %arg8[%dma_wait3A_641, %dma_wait3A_642, %dma_wait3A_643] : memref<6x8x2048xf32, #tpu.memory_space<vmem>> -> memref<1x8x2048xf32, #tpu.memory_space<vmem>>
    %dma_wait3A_645 = tpu.memref_squeeze %dma_wait3A_644 : memref<1x8x2048xf32, #tpu.memory_space<vmem>> -> memref<8x2048xf32, #tpu.memory_space<vmem>>
    %dma_wait3A_646 = arith.constant 56 : i32
    %dma_wait3A_647 = tpu.memref_slice %arg7[%dma_wait3A_646] : memref<128xi32, #tpu.memory_space<vmem>> -> memref<8xi32, #tpu.memory_space<vmem>>
    %dma_wait3A_648 = arith.constant 0 : i32
    %dma_wait3A_649 = arith.constant 0 : i32
    %dma_wait3A_650 = tpu.memref_slice %arg2[%dma_wait3A_648, %dma_wait3A_649] : memref<32768x2048xf32, #tpu.memory_space<hbm>> -> memref<32768x2048xf32, #tpu.memory_space<hbm>>
    tpu.wait_indirect_dma semaphore(%arg11 : memref<!tpu.dma_semaphore, #tpu.memory_space<semaphore_mem>>) src(%dma_wait3A_650 : memref<32768x2048xf32, #tpu.memory_space<hbm>>) dst(%dma_wait3A_645 : memref<8x2048xf32, #tpu.memory_space<vmem>>)
    %add3A_651 = arith.constant 56 : i32
    %add3A_652 = arith.addi %mul3A_2, %add3A_651 : i32
    %dma_start3A_653 = arith.constant 2 : i32
    %dma_start3A_654 = arith.constant 0 : i32
    %dma_start3A_655 = arith.constant 0 : i32
    %dma_start3A_656 = tpu.memref_slice %arg8[%dma_start3A_653, %dma_start3A_654, %dma_start3A_655] : memref<6x8x2048xf32, #tpu.memory_space<vmem>> -> memref<1x8x2048xf32, #tpu.memory_space<vmem>>
    %dma_start3A_657 = tpu.memref_squeeze %dma_start3A_656 : memref<1x8x2048xf32, #tpu.memory_space<vmem>> -> memref<8x2048xf32, #tpu.memory_space<vmem>>
    %dma_start3A_658 = arith.constant 0 : i32
    %dma_start3A_659 = tpu.memref_slice %arg5[%add3A_652, %dma_start3A_658] : memref<4096x2048xf32, #tpu.memory_space<hbm>> -> memref<8x2048xf32, #tpu.memory_space<hbm>>
    %dma_start3A_660 = arith.constant 0 : i32
    %dma_start3A_661 = tpu.memref_slice %arg5[%add3A_652, %dma_start3A_660] : memref<4096x2048xf32, #tpu.memory_space<hbm>> -> memref<8x2048xf32, #tpu.memory_space<hbm>>
    %dma_start3A_662 = arith.constant 0 : i32
    %dma_start3A_663 = arith.constant 0 : i32
    %dma_start3A_664 = tpu.memref_slice %arg8[%dma_start3A_653, %dma_start3A_662, %dma_start3A_663] : memref<6x8x2048xf32, #tpu.memory_space<vmem>> -> memref<1x8x2048xf32, #tpu.memory_space<vmem>>
    %dma_start3A_665 = tpu.memref_squeeze %dma_start3A_664 : memref<1x8x2048xf32, #tpu.memory_space<vmem>> -> memref<8x2048xf32, #tpu.memory_space<vmem>>
    tpu.enqueue_dma source(%dma_start3A_665 : memref<8x2048xf32, #tpu.memory_space<vmem>>) target(%dma_start3A_661 : memref<8x2048xf32, #tpu.memory_space<hbm>>) target_semaphore(%arg17 : memref<!tpu.dma_semaphore, #tpu.memory_space<semaphore_mem>>)
    %dma_wait3A_666 = arith.constant 4 : i32
    %dma_wait3A_667 = arith.constant 0 : i32
    %dma_wait3A_668 = arith.constant 0 : i32
    %dma_wait3A_669 = tpu.memref_slice %arg8[%dma_wait3A_666, %dma_wait3A_667, %dma_wait3A_668] : memref<6x8x2048xf32, #tpu.memory_space<vmem>> -> memref<1x8x2048xf32, #tpu.memory_space<vmem>>
    %dma_wait3A_670 = tpu.memref_squeeze %dma_wait3A_669 : memref<1x8x2048xf32, #tpu.memory_space<vmem>> -> memref<8x2048xf32, #tpu.memory_space<vmem>>
    %dma_wait3A_671 = arith.constant 0 : i32
    %dma_wait3A_672 = tpu.memref_slice %arg5[%add3A_460, %dma_wait3A_671] : memref<4096x2048xf32, #tpu.memory_space<hbm>> -> memref<8x2048xf32, #tpu.memory_space<hbm>>
    %dma_wait3A_673 = arith.constant 0 : i32
    %dma_wait3A_674 = tpu.memref_slice %arg5[%add3A_460, %dma_wait3A_673] : memref<4096x2048xf32, #tpu.memory_space<hbm>> -> memref<8x2048xf32, #tpu.memory_space<hbm>>
    %dma_wait3A_675 = arith.constant 0 : i32
    %dma_wait3A_676 = arith.constant 0 : i32
    %dma_wait3A_677 = tpu.memref_slice %arg8[%dma_wait3A_666, %dma_wait3A_675, %dma_wait3A_676] : memref<6x8x2048xf32, #tpu.memory_space<vmem>> -> memref<1x8x2048xf32, #tpu.memory_space<vmem>>
    %dma_wait3A_678 = tpu.memref_squeeze %dma_wait3A_677 : memref<1x8x2048xf32, #tpu.memory_space<vmem>> -> memref<8x2048xf32, #tpu.memory_space<vmem>>
    tpu.wait_dma2 semaphore(%arg19 : memref<!tpu.dma_semaphore, #tpu.memory_space<semaphore_mem>>) src(%dma_wait3A_678 : memref<8x2048xf32, #tpu.memory_space<vmem>>) dst(%dma_wait3A_674 : memref<8x2048xf32, #tpu.memory_space<hbm>>)
    %dma_start3A_679 = arith.constant 4 : i32
    %dma_start3A_680 = arith.constant 0 : i32
    %dma_start3A_681 = arith.constant 0 : i32
    %dma_start3A_682 = tpu.memref_slice %arg8[%dma_start3A_679, %dma_start3A_680, %dma_start3A_681] : memref<6x8x2048xf32, #tpu.memory_space<vmem>> -> memref<1x8x2048xf32, #tpu.memory_space<vmem>>
    %dma_start3A_683 = tpu.memref_squeeze %dma_start3A_682 : memref<1x8x2048xf32, #tpu.memory_space<vmem>> -> memref<8x2048xf32, #tpu.memory_space<vmem>>
    %dma_start3A_684 = arith.constant 64 : i32
    %dma_start3A_685 = tpu.memref_slice %arg7[%dma_start3A_684] : memref<128xi32, #tpu.memory_space<vmem>> -> memref<8xi32, #tpu.memory_space<vmem>>
    %dma_start3A_686 = arith.constant 0 : i32
    %dma_start3A_687 = arith.constant 0 : i32
    %dma_start3A_688 = tpu.memref_slice %arg2[%dma_start3A_686, %dma_start3A_687] : memref<32768x2048xf32, #tpu.memory_space<hbm>> -> memref<32768x2048xf32, #tpu.memory_space<hbm>>
    tpu.enqueue_indirect_dma source(%dma_start3A_688 : memref<32768x2048xf32, #tpu.memory_space<hbm>>) target(%dma_start3A_683 : memref<8x2048xf32, #tpu.memory_space<vmem>>) offsets(%dma_start3A_685 : memref<8xi32, #tpu.memory_space<vmem>>) semaphore(%arg13 : memref<!tpu.dma_semaphore, #tpu.memory_space<semaphore_mem>>)
    %dma_wait3A_689 = arith.constant 3 : i32
    %dma_wait3A_690 = arith.constant 0 : i32
    %dma_wait3A_691 = arith.constant 0 : i32
    %dma_wait3A_692 = tpu.memref_slice %arg8[%dma_wait3A_689, %dma_wait3A_690, %dma_wait3A_691] : memref<6x8x2048xf32, #tpu.memory_space<vmem>> -> memref<1x8x2048xf32, #tpu.memory_space<vmem>>
    %dma_wait3A_693 = tpu.memref_squeeze %dma_wait3A_692 : memref<1x8x2048xf32, #tpu.memory_space<vmem>> -> memref<8x2048xf32, #tpu.memory_space<vmem>>
    %dma_wait3A_694 = arith.constant 56 : i32
    %dma_wait3A_695 = tpu.memref_slice %arg7[%dma_wait3A_694] : memref<128xi32, #tpu.memory_space<vmem>> -> memref<8xi32, #tpu.memory_space<vmem>>
    %dma_wait3A_696 = arith.constant 0 : i32
    %dma_wait3A_697 = arith.constant 0 : i32
    %dma_wait3A_698 = tpu.memref_slice %arg3[%dma_wait3A_696, %dma_wait3A_697] : memref<32768x2048xf32, #tpu.memory_space<hbm>> -> memref<32768x2048xf32, #tpu.memory_space<hbm>>
    tpu.wait_indirect_dma semaphore(%arg12 : memref<!tpu.dma_semaphore, #tpu.memory_space<semaphore_mem>>) src(%dma_wait3A_698 : memref<32768x2048xf32, #tpu.memory_space<hbm>>) dst(%dma_wait3A_693 : memref<8x2048xf32, #tpu.memory_space<vmem>>)
    %add3A_699 = arith.constant 56 : i32
    %add3A_700 = arith.addi %mul3A_2, %add3A_699 : i32
    %dma_start3A_701 = arith.constant 3 : i32
    %dma_start3A_702 = arith.constant 0 : i32
    %dma_start3A_703 = arith.constant 0 : i32
    %dma_start3A_704 = tpu.memref_slice %arg8[%dma_start3A_701, %dma_start3A_702, %dma_start3A_703] : memref<6x8x2048xf32, #tpu.memory_space<vmem>> -> memref<1x8x2048xf32, #tpu.memory_space<vmem>>
    %dma_start3A_705 = tpu.memref_squeeze %dma_start3A_704 : memref<1x8x2048xf32, #tpu.memory_space<vmem>> -> memref<8x2048xf32, #tpu.memory_space<vmem>>
    %dma_start3A_706 = arith.constant 0 : i32
    %dma_start3A_707 = tpu.memref_slice %arg6[%add3A_700, %dma_start3A_706] : memref<4096x2048xf32, #tpu.memory_space<hbm>> -> memref<8x2048xf32, #tpu.memory_space<hbm>>
    %dma_start3A_708 = arith.constant 0 : i32
    %dma_start3A_709 = tpu.memref_slice %arg6[%add3A_700, %dma_start3A_708] : memref<4096x2048xf32, #tpu.memory_space<hbm>> -> memref<8x2048xf32, #tpu.memory_space<hbm>>
    %dma_start3A_710 = arith.constant 0 : i32
    %dma_start3A_711 = arith.constant 0 : i32
    %dma_start3A_712 = tpu.memref_slice %arg8[%dma_start3A_701, %dma_start3A_710, %dma_start3A_711] : memref<6x8x2048xf32, #tpu.memory_space<vmem>> -> memref<1x8x2048xf32, #tpu.memory_space<vmem>>
    %dma_start3A_713 = tpu.memref_squeeze %dma_start3A_712 : memref<1x8x2048xf32, #tpu.memory_space<vmem>> -> memref<8x2048xf32, #tpu.memory_space<vmem>>
    tpu.enqueue_dma source(%dma_start3A_713 : memref<8x2048xf32, #tpu.memory_space<vmem>>) target(%dma_start3A_709 : memref<8x2048xf32, #tpu.memory_space<hbm>>) target_semaphore(%arg18 : memref<!tpu.dma_semaphore, #tpu.memory_space<semaphore_mem>>)
    %dma_wait3A_714 = arith.constant 5 : i32
    %dma_wait3A_715 = arith.constant 0 : i32
    %dma_wait3A_716 = arith.constant 0 : i32
    %dma_wait3A_717 = tpu.memref_slice %arg8[%dma_wait3A_714, %dma_wait3A_715, %dma_wait3A_716] : memref<6x8x2048xf32, #tpu.memory_space<vmem>> -> memref<1x8x2048xf32, #tpu.memory_space<vmem>>
    %dma_wait3A_718 = tpu.memref_squeeze %dma_wait3A_717 : memref<1x8x2048xf32, #tpu.memory_space<vmem>> -> memref<8x2048xf32, #tpu.memory_space<vmem>>
    %dma_wait3A_719 = arith.constant 0 : i32
    %dma_wait3A_720 = tpu.memref_slice %arg6[%add3A_508, %dma_wait3A_719] : memref<4096x2048xf32, #tpu.memory_space<hbm>> -> memref<8x2048xf32, #tpu.memory_space<hbm>>
    %dma_wait3A_721 = arith.constant 0 : i32
    %dma_wait3A_722 = tpu.memref_slice %arg6[%add3A_508, %dma_wait3A_721] : memref<4096x2048xf32, #tpu.memory_space<hbm>> -> memref<8x2048xf32, #tpu.memory_space<hbm>>
    %dma_wait3A_723 = arith.constant 0 : i32
    %dma_wait3A_724 = arith.constant 0 : i32
    %dma_wait3A_725 = tpu.memref_slice %arg8[%dma_wait3A_714, %dma_wait3A_723, %dma_wait3A_724] : memref<6x8x2048xf32, #tpu.memory_space<vmem>> -> memref<1x8x2048xf32, #tpu.memory_space<vmem>>
    %dma_wait3A_726 = tpu.memref_squeeze %dma_wait3A_725 : memref<1x8x2048xf32, #tpu.memory_space<vmem>> -> memref<8x2048xf32, #tpu.memory_space<vmem>>
    tpu.wait_dma2 semaphore(%arg20 : memref<!tpu.dma_semaphore, #tpu.memory_space<semaphore_mem>>) src(%dma_wait3A_726 : memref<8x2048xf32, #tpu.memory_space<vmem>>) dst(%dma_wait3A_722 : memref<8x2048xf32, #tpu.memory_space<hbm>>)
    %dma_start3A_727 = arith.constant 5 : i32
    %dma_start3A_728 = arith.constant 0 : i32
    %dma_start3A_729 = arith.constant 0 : i32
    %dma_start3A_730 = tpu.memref_slice %arg8[%dma_start3A_727, %dma_start3A_728, %dma_start3A_729] : memref<6x8x2048xf32, #tpu.memory_space<vmem>> -> memref<1x8x2048xf32, #tpu.memory_space<vmem>>
    %dma_start3A_731 = tpu.memref_squeeze %dma_start3A_730 : memref<1x8x2048xf32, #tpu.memory_space<vmem>> -> memref<8x2048xf32, #tpu.memory_space<vmem>>
    %dma_start3A_732 = arith.constant 64 : i32
    %dma_start3A_733 = tpu.memref_slice %arg7[%dma_start3A_732] : memref<128xi32, #tpu.memory_space<vmem>> -> memref<8xi32, #tpu.memory_space<vmem>>
    %dma_start3A_734 = arith.constant 0 : i32
    %dma_start3A_735 = arith.constant 0 : i32
    %dma_start3A_736 = tpu.memref_slice %arg3[%dma_start3A_734, %dma_start3A_735] : memref<32768x2048xf32, #tpu.memory_space<hbm>> -> memref<32768x2048xf32, #tpu.memory_space<hbm>>
    tpu.enqueue_indirect_dma source(%dma_start3A_736 : memref<32768x2048xf32, #tpu.memory_space<hbm>>) target(%dma_start3A_731 : memref<8x2048xf32, #tpu.memory_space<vmem>>) offsets(%dma_start3A_733 : memref<8xi32, #tpu.memory_space<vmem>>) semaphore(%arg14 : memref<!tpu.dma_semaphore, #tpu.memory_space<semaphore_mem>>)
    %dma_wait3A_737 = arith.constant 4 : i32
    %dma_wait3A_738 = arith.constant 0 : i32
    %dma_wait3A_739 = arith.constant 0 : i32
    %dma_wait3A_740 = tpu.memref_slice %arg8[%dma_wait3A_737, %dma_wait3A_738, %dma_wait3A_739] : memref<6x8x2048xf32, #tpu.memory_space<vmem>> -> memref<1x8x2048xf32, #tpu.memory_space<vmem>>
    %dma_wait3A_741 = tpu.memref_squeeze %dma_wait3A_740 : memref<1x8x2048xf32, #tpu.memory_space<vmem>> -> memref<8x2048xf32, #tpu.memory_space<vmem>>
    %dma_wait3A_742 = arith.constant 64 : i32
    %dma_wait3A_743 = tpu.memref_slice %arg7[%dma_wait3A_742] : memref<128xi32, #tpu.memory_space<vmem>> -> memref<8xi32, #tpu.memory_space<vmem>>
    %dma_wait3A_744 = arith.constant 0 : i32
    %dma_wait3A_745 = arith.constant 0 : i32
    %dma_wait3A_746 = tpu.memref_slice %arg2[%dma_wait3A_744, %dma_wait3A_745] : memref<32768x2048xf32, #tpu.memory_space<hbm>> -> memref<32768x2048xf32, #tpu.memory_space<hbm>>
    tpu.wait_indirect_dma semaphore(%arg13 : memref<!tpu.dma_semaphore, #tpu.memory_space<semaphore_mem>>) src(%dma_wait3A_746 : memref<32768x2048xf32, #tpu.memory_space<hbm>>) dst(%dma_wait3A_741 : memref<8x2048xf32, #tpu.memory_space<vmem>>)
    %add3A_747 = arith.constant 64 : i32
    %add3A_748 = arith.addi %mul3A_2, %add3A_747 : i32
    %dma_start3A_749 = arith.constant 4 : i32
    %dma_start3A_750 = arith.constant 0 : i32
    %dma_start3A_751 = arith.constant 0 : i32
    %dma_start3A_752 = tpu.memref_slice %arg8[%dma_start3A_749, %dma_start3A_750, %dma_start3A_751] : memref<6x8x2048xf32, #tpu.memory_space<vmem>> -> memref<1x8x2048xf32, #tpu.memory_space<vmem>>
    %dma_start3A_753 = tpu.memref_squeeze %dma_start3A_752 : memref<1x8x2048xf32, #tpu.memory_space<vmem>> -> memref<8x2048xf32, #tpu.memory_space<vmem>>
    %dma_start3A_754 = arith.constant 0 : i32
    %dma_start3A_755 = tpu.memref_slice %arg5[%add3A_748, %dma_start3A_754] : memref<4096x2048xf32, #tpu.memory_space<hbm>> -> memref<8x2048xf32, #tpu.memory_space<hbm>>
    %dma_start3A_756 = arith.constant 0 : i32
    %dma_start3A_757 = tpu.memref_slice %arg5[%add3A_748, %dma_start3A_756] : memref<4096x2048xf32, #tpu.memory_space<hbm>> -> memref<8x2048xf32, #tpu.memory_space<hbm>>
    %dma_start3A_758 = arith.constant 0 : i32
    %dma_start3A_759 = arith.constant 0 : i32
    %dma_start3A_760 = tpu.memref_slice %arg8[%dma_start3A_749, %dma_start3A_758, %dma_start3A_759] : memref<6x8x2048xf32, #tpu.memory_space<vmem>> -> memref<1x8x2048xf32, #tpu.memory_space<vmem>>
    %dma_start3A_761 = tpu.memref_squeeze %dma_start3A_760 : memref<1x8x2048xf32, #tpu.memory_space<vmem>> -> memref<8x2048xf32, #tpu.memory_space<vmem>>
    tpu.enqueue_dma source(%dma_start3A_761 : memref<8x2048xf32, #tpu.memory_space<vmem>>) target(%dma_start3A_757 : memref<8x2048xf32, #tpu.memory_space<hbm>>) target_semaphore(%arg19 : memref<!tpu.dma_semaphore, #tpu.memory_space<semaphore_mem>>)
    %dma_wait3A_762 = arith.constant 0 : i32
    %dma_wait3A_763 = arith.constant 0 : i32
    %dma_wait3A_764 = arith.constant 0 : i32
    %dma_wait3A_765 = tpu.memref_slice %arg8[%dma_wait3A_762, %dma_wait3A_763, %dma_wait3A_764] : memref<6x8x2048xf32, #tpu.memory_space<vmem>> -> memref<1x8x2048xf32, #tpu.memory_space<vmem>>
    %dma_wait3A_766 = tpu.memref_squeeze %dma_wait3A_765 : memref<1x8x2048xf32, #tpu.memory_space<vmem>> -> memref<8x2048xf32, #tpu.memory_space<vmem>>
    %dma_wait3A_767 = arith.constant 0 : i32
    %dma_wait3A_768 = tpu.memref_slice %arg5[%add3A_556, %dma_wait3A_767] : memref<4096x2048xf32, #tpu.memory_space<hbm>> -> memref<8x2048xf32, #tpu.memory_space<hbm>>
    %dma_wait3A_769 = arith.constant 0 : i32
    %dma_wait3A_770 = tpu.memref_slice %arg5[%add3A_556, %dma_wait3A_769] : memref<4096x2048xf32, #tpu.memory_space<hbm>> -> memref<8x2048xf32, #tpu.memory_space<hbm>>
    %dma_wait3A_771 = arith.constant 0 : i32
    %dma_wait3A_772 = arith.constant 0 : i32
    %dma_wait3A_773 = tpu.memref_slice %arg8[%dma_wait3A_762, %dma_wait3A_771, %dma_wait3A_772] : memref<6x8x2048xf32, #tpu.memory_space<vmem>> -> memref<1x8x2048xf32, #tpu.memory_space<vmem>>
    %dma_wait3A_774 = tpu.memref_squeeze %dma_wait3A_773 : memref<1x8x2048xf32, #tpu.memory_space<vmem>> -> memref<8x2048xf32, #tpu.memory_space<vmem>>
    tpu.wait_dma2 semaphore(%arg15 : memref<!tpu.dma_semaphore, #tpu.memory_space<semaphore_mem>>) src(%dma_wait3A_774 : memref<8x2048xf32, #tpu.memory_space<vmem>>) dst(%dma_wait3A_770 : memref<8x2048xf32, #tpu.memory_space<hbm>>)
    %dma_start3A_775 = arith.constant 0 : i32
    %dma_start3A_776 = arith.constant 0 : i32
    %dma_start3A_777 = arith.constant 0 : i32
    %dma_start3A_778 = tpu.memref_slice %arg8[%dma_start3A_775, %dma_start3A_776, %dma_start3A_777] : memref<6x8x2048xf32, #tpu.memory_space<vmem>> -> memref<1x8x2048xf32, #tpu.memory_space<vmem>>
    %dma_start3A_779 = tpu.memref_squeeze %dma_start3A_778 : memref<1x8x2048xf32, #tpu.memory_space<vmem>> -> memref<8x2048xf32, #tpu.memory_space<vmem>>
    %dma_start3A_780 = arith.constant 72 : i32
    %dma_start3A_781 = tpu.memref_slice %arg7[%dma_start3A_780] : memref<128xi32, #tpu.memory_space<vmem>> -> memref<8xi32, #tpu.memory_space<vmem>>
    %dma_start3A_782 = arith.constant 0 : i32
    %dma_start3A_783 = arith.constant 0 : i32
    %dma_start3A_784 = tpu.memref_slice %arg2[%dma_start3A_782, %dma_start3A_783] : memref<32768x2048xf32, #tpu.memory_space<hbm>> -> memref<32768x2048xf32, #tpu.memory_space<hbm>>
    tpu.enqueue_indirect_dma source(%dma_start3A_784 : memref<32768x2048xf32, #tpu.memory_space<hbm>>) target(%dma_start3A_779 : memref<8x2048xf32, #tpu.memory_space<vmem>>) offsets(%dma_start3A_781 : memref<8xi32, #tpu.memory_space<vmem>>) semaphore(%arg9 : memref<!tpu.dma_semaphore, #tpu.memory_space<semaphore_mem>>)
    %dma_wait3A_785 = arith.constant 5 : i32
    %dma_wait3A_786 = arith.constant 0 : i32
    %dma_wait3A_787 = arith.constant 0 : i32
    %dma_wait3A_788 = tpu.memref_slice %arg8[%dma_wait3A_785, %dma_wait3A_786, %dma_wait3A_787] : memref<6x8x2048xf32, #tpu.memory_space<vmem>> -> memref<1x8x2048xf32, #tpu.memory_space<vmem>>
    %dma_wait3A_789 = tpu.memref_squeeze %dma_wait3A_788 : memref<1x8x2048xf32, #tpu.memory_space<vmem>> -> memref<8x2048xf32, #tpu.memory_space<vmem>>
    %dma_wait3A_790 = arith.constant 64 : i32
    %dma_wait3A_791 = tpu.memref_slice %arg7[%dma_wait3A_790] : memref<128xi32, #tpu.memory_space<vmem>> -> memref<8xi32, #tpu.memory_space<vmem>>
    %dma_wait3A_792 = arith.constant 0 : i32
    %dma_wait3A_793 = arith.constant 0 : i32
    %dma_wait3A_794 = tpu.memref_slice %arg3[%dma_wait3A_792, %dma_wait3A_793] : memref<32768x2048xf32, #tpu.memory_space<hbm>> -> memref<32768x2048xf32, #tpu.memory_space<hbm>>
    tpu.wait_indirect_dma semaphore(%arg14 : memref<!tpu.dma_semaphore, #tpu.memory_space<semaphore_mem>>) src(%dma_wait3A_794 : memref<32768x2048xf32, #tpu.memory_space<hbm>>) dst(%dma_wait3A_789 : memref<8x2048xf32, #tpu.memory_space<vmem>>)
    %add3A_795 = arith.constant 64 : i32
    %add3A_796 = arith.addi %mul3A_2, %add3A_795 : i32
    %dma_start3A_797 = arith.constant 5 : i32
    %dma_start3A_798 = arith.constant 0 : i32
    %dma_start3A_799 = arith.constant 0 : i32
    %dma_start3A_800 = tpu.memref_slice %arg8[%dma_start3A_797, %dma_start3A_798, %dma_start3A_799] : memref<6x8x2048xf32, #tpu.memory_space<vmem>> -> memref<1x8x2048xf32, #tpu.memory_space<vmem>>
    %dma_start3A_801 = tpu.memref_squeeze %dma_start3A_800 : memref<1x8x2048xf32, #tpu.memory_space<vmem>> -> memref<8x2048xf32, #tpu.memory_space<vmem>>
    %dma_start3A_802 = arith.constant 0 : i32
    %dma_start3A_803 = tpu.memref_slice %arg6[%add3A_796, %dma_start3A_802] : memref<4096x2048xf32, #tpu.memory_space<hbm>> -> memref<8x2048xf32, #tpu.memory_space<hbm>>
    %dma_start3A_804 = arith.constant 0 : i32
    %dma_start3A_805 = tpu.memref_slice %arg6[%add3A_796, %dma_start3A_804] : memref<4096x2048xf32, #tpu.memory_space<hbm>> -> memref<8x2048xf32, #tpu.memory_space<hbm>>
    %dma_start3A_806 = arith.constant 0 : i32
    %dma_start3A_807 = arith.constant 0 : i32
    %dma_start3A_808 = tpu.memref_slice %arg8[%dma_start3A_797, %dma_start3A_806, %dma_start3A_807] : memref<6x8x2048xf32, #tpu.memory_space<vmem>> -> memref<1x8x2048xf32, #tpu.memory_space<vmem>>
    %dma_start3A_809 = tpu.memref_squeeze %dma_start3A_808 : memref<1x8x2048xf32, #tpu.memory_space<vmem>> -> memref<8x2048xf32, #tpu.memory_space<vmem>>
    tpu.enqueue_dma source(%dma_start3A_809 : memref<8x2048xf32, #tpu.memory_space<vmem>>) target(%dma_start3A_805 : memref<8x2048xf32, #tpu.memory_space<hbm>>) target_semaphore(%arg20 : memref<!tpu.dma_semaphore, #tpu.memory_space<semaphore_mem>>)
    %dma_wait3A_810 = arith.constant 1 : i32
    %dma_wait3A_811 = arith.constant 0 : i32
    %dma_wait3A_812 = arith.constant 0 : i32
    %dma_wait3A_813 = tpu.memref_slice %arg8[%dma_wait3A_810, %dma_wait3A_811, %dma_wait3A_812] : memref<6x8x2048xf32, #tpu.memory_space<vmem>> -> memref<1x8x2048xf32, #tpu.memory_space<vmem>>
    %dma_wait3A_814 = tpu.memref_squeeze %dma_wait3A_813 : memref<1x8x2048xf32, #tpu.memory_space<vmem>> -> memref<8x2048xf32, #tpu.memory_space<vmem>>
    %dma_wait3A_815 = arith.constant 0 : i32
    %dma_wait3A_816 = tpu.memref_slice %arg6[%add3A_604, %dma_wait3A_815] : memref<4096x2048xf32, #tpu.memory_space<hbm>> -> memref<8x2048xf32, #tpu.memory_space<hbm>>
    %dma_wait3A_817 = arith.constant 0 : i32
    %dma_wait3A_818 = tpu.memref_slice %arg6[%add3A_604, %dma_wait3A_817] : memref<4096x2048xf32, #tpu.memory_space<hbm>> -> memref<8x2048xf32, #tpu.memory_space<hbm>>
    %dma_wait3A_819 = arith.constant 0 : i32
    %dma_wait3A_820 = arith.constant 0 : i32
    %dma_wait3A_821 = tpu.memref_slice %arg8[%dma_wait3A_810, %dma_wait3A_819, %dma_wait3A_820] : memref<6x8x2048xf32, #tpu.memory_space<vmem>> -> memref<1x8x2048xf32, #tpu.memory_space<vmem>>
    %dma_wait3A_822 = tpu.memref_squeeze %dma_wait3A_821 : memref<1x8x2048xf32, #tpu.memory_space<vmem>> -> memref<8x2048xf32, #tpu.memory_space<vmem>>
    tpu.wait_dma2 semaphore(%arg16 : memref<!tpu.dma_semaphore, #tpu.memory_space<semaphore_mem>>) src(%dma_wait3A_822 : memref<8x2048xf32, #tpu.memory_space<vmem>>) dst(%dma_wait3A_818 : memref<8x2048xf32, #tpu.memory_space<hbm>>)
    %dma_start3A_823 = arith.constant 1 : i32
    %dma_start3A_824 = arith.constant 0 : i32
    %dma_start3A_825 = arith.constant 0 : i32
    %dma_start3A_826 = tpu.memref_slice %arg8[%dma_start3A_823, %dma_start3A_824, %dma_start3A_825] : memref<6x8x2048xf32, #tpu.memory_space<vmem>> -> memref<1x8x2048xf32, #tpu.memory_space<vmem>>
    %dma_start3A_827 = tpu.memref_squeeze %dma_start3A_826 : memref<1x8x2048xf32, #tpu.memory_space<vmem>> -> memref<8x2048xf32, #tpu.memory_space<vmem>>
    %dma_start3A_828 = arith.constant 72 : i32
    %dma_start3A_829 = tpu.memref_slice %arg7[%dma_start3A_828] : memref<128xi32, #tpu.memory_space<vmem>> -> memref<8xi32, #tpu.memory_space<vmem>>
    %dma_start3A_830 = arith.constant 0 : i32
    %dma_start3A_831 = arith.constant 0 : i32
    %dma_start3A_832 = tpu.memref_slice %arg3[%dma_start3A_830, %dma_start3A_831] : memref<32768x2048xf32, #tpu.memory_space<hbm>> -> memref<32768x2048xf32, #tpu.memory_space<hbm>>
    tpu.enqueue_indirect_dma source(%dma_start3A_832 : memref<32768x2048xf32, #tpu.memory_space<hbm>>) target(%dma_start3A_827 : memref<8x2048xf32, #tpu.memory_space<vmem>>) offsets(%dma_start3A_829 : memref<8xi32, #tpu.memory_space<vmem>>) semaphore(%arg10 : memref<!tpu.dma_semaphore, #tpu.memory_space<semaphore_mem>>)
    %dma_wait3A_833 = arith.constant 0 : i32
    %dma_wait3A_834 = arith.constant 0 : i32
    %dma_wait3A_835 = arith.constant 0 : i32
    %dma_wait3A_836 = tpu.memref_slice %arg8[%dma_wait3A_833, %dma_wait3A_834, %dma_wait3A_835] : memref<6x8x2048xf32, #tpu.memory_space<vmem>> -> memref<1x8x2048xf32, #tpu.memory_space<vmem>>
    %dma_wait3A_837 = tpu.memref_squeeze %dma_wait3A_836 : memref<1x8x2048xf32, #tpu.memory_space<vmem>> -> memref<8x2048xf32, #tpu.memory_space<vmem>>
    %dma_wait3A_838 = arith.constant 72 : i32
    %dma_wait3A_839 = tpu.memref_slice %arg7[%dma_wait3A_838] : memref<128xi32, #tpu.memory_space<vmem>> -> memref<8xi32, #tpu.memory_space<vmem>>
    %dma_wait3A_840 = arith.constant 0 : i32
    %dma_wait3A_841 = arith.constant 0 : i32
    %dma_wait3A_842 = tpu.memref_slice %arg2[%dma_wait3A_840, %dma_wait3A_841] : memref<32768x2048xf32, #tpu.memory_space<hbm>> -> memref<32768x2048xf32, #tpu.memory_space<hbm>>
    tpu.wait_indirect_dma semaphore(%arg9 : memref<!tpu.dma_semaphore, #tpu.memory_space<semaphore_mem>>) src(%dma_wait3A_842 : memref<32768x2048xf32, #tpu.memory_space<hbm>>) dst(%dma_wait3A_837 : memref<8x2048xf32, #tpu.memory_space<vmem>>)
    %add3A_843 = arith.constant 72 : i32
    %add3A_844 = arith.addi %mul3A_2, %add3A_843 : i32
    %dma_start3A_845 = arith.constant 0 : i32
    %dma_start3A_846 = arith.constant 0 : i32
    %dma_start3A_847 = arith.constant 0 : i32
    %dma_start3A_848 = tpu.memref_slice %arg8[%dma_start3A_845, %dma_start3A_846, %dma_start3A_847] : memref<6x8x2048xf32, #tpu.memory_space<vmem>> -> memref<1x8x2048xf32, #tpu.memory_space<vmem>>
    %dma_start3A_849 = tpu.memref_squeeze %dma_start3A_848 : memref<1x8x2048xf32, #tpu.memory_space<vmem>> -> memref<8x2048xf32, #tpu.memory_space<vmem>>
    %dma_start3A_850 = arith.constant 0 : i32
    %dma_start3A_851 = tpu.memref_slice %arg5[%add3A_844, %dma_start3A_850] : memref<4096x2048xf32, #tpu.memory_space<hbm>> -> memref<8x2048xf32, #tpu.memory_space<hbm>>
    %dma_start3A_852 = arith.constant 0 : i32
    %dma_start3A_853 = tpu.memref_slice %arg5[%add3A_844, %dma_start3A_852] : memref<4096x2048xf32, #tpu.memory_space<hbm>> -> memref<8x2048xf32, #tpu.memory_space<hbm>>
    %dma_start3A_854 = arith.constant 0 : i32
    %dma_start3A_855 = arith.constant 0 : i32
    %dma_start3A_856 = tpu.memref_slice %arg8[%dma_start3A_845, %dma_start3A_854, %dma_start3A_855] : memref<6x8x2048xf32, #tpu.memory_space<vmem>> -> memref<1x8x2048xf32, #tpu.memory_space<vmem>>
    %dma_start3A_857 = tpu.memref_squeeze %dma_start3A_856 : memref<1x8x2048xf32, #tpu.memory_space<vmem>> -> memref<8x2048xf32, #tpu.memory_space<vmem>>
    tpu.enqueue_dma source(%dma_start3A_857 : memref<8x2048xf32, #tpu.memory_space<vmem>>) target(%dma_start3A_853 : memref<8x2048xf32, #tpu.memory_space<hbm>>) target_semaphore(%arg15 : memref<!tpu.dma_semaphore, #tpu.memory_space<semaphore_mem>>)
    %dma_wait3A_858 = arith.constant 2 : i32
    %dma_wait3A_859 = arith.constant 0 : i32
    %dma_wait3A_860 = arith.constant 0 : i32
    %dma_wait3A_861 = tpu.memref_slice %arg8[%dma_wait3A_858, %dma_wait3A_859, %dma_wait3A_860] : memref<6x8x2048xf32, #tpu.memory_space<vmem>> -> memref<1x8x2048xf32, #tpu.memory_space<vmem>>
    %dma_wait3A_862 = tpu.memref_squeeze %dma_wait3A_861 : memref<1x8x2048xf32, #tpu.memory_space<vmem>> -> memref<8x2048xf32, #tpu.memory_space<vmem>>
    %dma_wait3A_863 = arith.constant 0 : i32
    %dma_wait3A_864 = tpu.memref_slice %arg5[%add3A_652, %dma_wait3A_863] : memref<4096x2048xf32, #tpu.memory_space<hbm>> -> memref<8x2048xf32, #tpu.memory_space<hbm>>
    %dma_wait3A_865 = arith.constant 0 : i32
    %dma_wait3A_866 = tpu.memref_slice %arg5[%add3A_652, %dma_wait3A_865] : memref<4096x2048xf32, #tpu.memory_space<hbm>> -> memref<8x2048xf32, #tpu.memory_space<hbm>>
    %dma_wait3A_867 = arith.constant 0 : i32
    %dma_wait3A_868 = arith.constant 0 : i32
    %dma_wait3A_869 = tpu.memref_slice %arg8[%dma_wait3A_858, %dma_wait3A_867, %dma_wait3A_868] : memref<6x8x2048xf32, #tpu.memory_space<vmem>> -> memref<1x8x2048xf32, #tpu.memory_space<vmem>>
    %dma_wait3A_870 = tpu.memref_squeeze %dma_wait3A_869 : memref<1x8x2048xf32, #tpu.memory_space<vmem>> -> memref<8x2048xf32, #tpu.memory_space<vmem>>
    tpu.wait_dma2 semaphore(%arg17 : memref<!tpu.dma_semaphore, #tpu.memory_space<semaphore_mem>>) src(%dma_wait3A_870 : memref<8x2048xf32, #tpu.memory_space<vmem>>) dst(%dma_wait3A_866 : memref<8x2048xf32, #tpu.memory_space<hbm>>)
    %dma_start3A_871 = arith.constant 2 : i32
    %dma_start3A_872 = arith.constant 0 : i32
    %dma_start3A_873 = arith.constant 0 : i32
    %dma_start3A_874 = tpu.memref_slice %arg8[%dma_start3A_871, %dma_start3A_872, %dma_start3A_873] : memref<6x8x2048xf32, #tpu.memory_space<vmem>> -> memref<1x8x2048xf32, #tpu.memory_space<vmem>>
    %dma_start3A_875 = tpu.memref_squeeze %dma_start3A_874 : memref<1x8x2048xf32, #tpu.memory_space<vmem>> -> memref<8x2048xf32, #tpu.memory_space<vmem>>
    %dma_start3A_876 = arith.constant 80 : i32
    %dma_start3A_877 = tpu.memref_slice %arg7[%dma_start3A_876] : memref<128xi32, #tpu.memory_space<vmem>> -> memref<8xi32, #tpu.memory_space<vmem>>
    %dma_start3A_878 = arith.constant 0 : i32
    %dma_start3A_879 = arith.constant 0 : i32
    %dma_start3A_880 = tpu.memref_slice %arg2[%dma_start3A_878, %dma_start3A_879] : memref<32768x2048xf32, #tpu.memory_space<hbm>> -> memref<32768x2048xf32, #tpu.memory_space<hbm>>
    tpu.enqueue_indirect_dma source(%dma_start3A_880 : memref<32768x2048xf32, #tpu.memory_space<hbm>>) target(%dma_start3A_875 : memref<8x2048xf32, #tpu.memory_space<vmem>>) offsets(%dma_start3A_877 : memref<8xi32, #tpu.memory_space<vmem>>) semaphore(%arg11 : memref<!tpu.dma_semaphore, #tpu.memory_space<semaphore_mem>>)
    %dma_wait3A_881 = arith.constant 1 : i32
    %dma_wait3A_882 = arith.constant 0 : i32
    %dma_wait3A_883 = arith.constant 0 : i32
    %dma_wait3A_884 = tpu.memref_slice %arg8[%dma_wait3A_881, %dma_wait3A_882, %dma_wait3A_883] : memref<6x8x2048xf32, #tpu.memory_space<vmem>> -> memref<1x8x2048xf32, #tpu.memory_space<vmem>>
    %dma_wait3A_885 = tpu.memref_squeeze %dma_wait3A_884 : memref<1x8x2048xf32, #tpu.memory_space<vmem>> -> memref<8x2048xf32, #tpu.memory_space<vmem>>
    %dma_wait3A_886 = arith.constant 72 : i32
    %dma_wait3A_887 = tpu.memref_slice %arg7[%dma_wait3A_886] : memref<128xi32, #tpu.memory_space<vmem>> -> memref<8xi32, #tpu.memory_space<vmem>>
    %dma_wait3A_888 = arith.constant 0 : i32
    %dma_wait3A_889 = arith.constant 0 : i32
    %dma_wait3A_890 = tpu.memref_slice %arg3[%dma_wait3A_888, %dma_wait3A_889] : memref<32768x2048xf32, #tpu.memory_space<hbm>> -> memref<32768x2048xf32, #tpu.memory_space<hbm>>
    tpu.wait_indirect_dma semaphore(%arg10 : memref<!tpu.dma_semaphore, #tpu.memory_space<semaphore_mem>>) src(%dma_wait3A_890 : memref<32768x2048xf32, #tpu.memory_space<hbm>>) dst(%dma_wait3A_885 : memref<8x2048xf32, #tpu.memory_space<vmem>>)
    %add3A_891 = arith.constant 72 : i32
    %add3A_892 = arith.addi %mul3A_2, %add3A_891 : i32
    %dma_start3A_893 = arith.constant 1 : i32
    %dma_start3A_894 = arith.constant 0 : i32
    %dma_start3A_895 = arith.constant 0 : i32
    %dma_start3A_896 = tpu.memref_slice %arg8[%dma_start3A_893, %dma_start3A_894, %dma_start3A_895] : memref<6x8x2048xf32, #tpu.memory_space<vmem>> -> memref<1x8x2048xf32, #tpu.memory_space<vmem>>
    %dma_start3A_897 = tpu.memref_squeeze %dma_start3A_896 : memref<1x8x2048xf32, #tpu.memory_space<vmem>> -> memref<8x2048xf32, #tpu.memory_space<vmem>>
    %dma_start3A_898 = arith.constant 0 : i32
    %dma_start3A_899 = tpu.memref_slice %arg6[%add3A_892, %dma_start3A_898] : memref<4096x2048xf32, #tpu.memory_space<hbm>> -> memref<8x2048xf32, #tpu.memory_space<hbm>>
    %dma_start3A_900 = arith.constant 0 : i32
    %dma_start3A_901 = tpu.memref_slice %arg6[%add3A_892, %dma_start3A_900] : memref<4096x2048xf32, #tpu.memory_space<hbm>> -> memref<8x2048xf32, #tpu.memory_space<hbm>>
    %dma_start3A_902 = arith.constant 0 : i32
    %dma_start3A_903 = arith.constant 0 : i32
    %dma_start3A_904 = tpu.memref_slice %arg8[%dma_start3A_893, %dma_start3A_902, %dma_start3A_903] : memref<6x8x2048xf32, #tpu.memory_space<vmem>> -> memref<1x8x2048xf32, #tpu.memory_space<vmem>>
    %dma_start3A_905 = tpu.memref_squeeze %dma_start3A_904 : memref<1x8x2048xf32, #tpu.memory_space<vmem>> -> memref<8x2048xf32, #tpu.memory_space<vmem>>
    tpu.enqueue_dma source(%dma_start3A_905 : memref<8x2048xf32, #tpu.memory_space<vmem>>) target(%dma_start3A_901 : memref<8x2048xf32, #tpu.memory_space<hbm>>) target_semaphore(%arg16 : memref<!tpu.dma_semaphore, #tpu.memory_space<semaphore_mem>>)
    %dma_wait3A_906 = arith.constant 3 : i32
    %dma_wait3A_907 = arith.constant 0 : i32
    %dma_wait3A_908 = arith.constant 0 : i32
    %dma_wait3A_909 = tpu.memref_slice %arg8[%dma_wait3A_906, %dma_wait3A_907, %dma_wait3A_908] : memref<6x8x2048xf32, #tpu.memory_space<vmem>> -> memref<1x8x2048xf32, #tpu.memory_space<vmem>>
    %dma_wait3A_910 = tpu.memref_squeeze %dma_wait3A_909 : memref<1x8x2048xf32, #tpu.memory_space<vmem>> -> memref<8x2048xf32, #tpu.memory_space<vmem>>
    %dma_wait3A_911 = arith.constant 0 : i32
    %dma_wait3A_912 = tpu.memref_slice %arg6[%add3A_700, %dma_wait3A_911] : memref<4096x2048xf32, #tpu.memory_space<hbm>> -> memref<8x2048xf32, #tpu.memory_space<hbm>>
    %dma_wait3A_913 = arith.constant 0 : i32
    %dma_wait3A_914 = tpu.memref_slice %arg6[%add3A_700, %dma_wait3A_913] : memref<4096x2048xf32, #tpu.memory_space<hbm>> -> memref<8x2048xf32, #tpu.memory_space<hbm>>
    %dma_wait3A_915 = arith.constant 0 : i32
    %dma_wait3A_916 = arith.constant 0 : i32
    %dma_wait3A_917 = tpu.memref_slice %arg8[%dma_wait3A_906, %dma_wait3A_915, %dma_wait3A_916] : memref<6x8x2048xf32, #tpu.memory_space<vmem>> -> memref<1x8x2048xf32, #tpu.memory_space<vmem>>
    %dma_wait3A_918 = tpu.memref_squeeze %dma_wait3A_917 : memref<1x8x2048xf32, #tpu.memory_space<vmem>> -> memref<8x2048xf32, #tpu.memory_space<vmem>>
    tpu.wait_dma2 semaphore(%arg18 : memref<!tpu.dma_semaphore, #tpu.memory_space<semaphore_mem>>) src(%dma_wait3A_918 : memref<8x2048xf32, #tpu.memory_space<vmem>>) dst(%dma_wait3A_914 : memref<8x2048xf32, #tpu.memory_space<hbm>>)
    %dma_start3A_919 = arith.constant 3 : i32
    %dma_start3A_920 = arith.constant 0 : i32
    %dma_start3A_921 = arith.constant 0 : i32
    %dma_start3A_922 = tpu.memref_slice %arg8[%dma_start3A_919, %dma_start3A_920, %dma_start3A_921] : memref<6x8x2048xf32, #tpu.memory_space<vmem>> -> memref<1x8x2048xf32, #tpu.memory_space<vmem>>
    %dma_start3A_923 = tpu.memref_squeeze %dma_start3A_922 : memref<1x8x2048xf32, #tpu.memory_space<vmem>> -> memref<8x2048xf32, #tpu.memory_space<vmem>>
    %dma_start3A_924 = arith.constant 80 : i32
    %dma_start3A_925 = tpu.memref_slice %arg7[%dma_start3A_924] : memref<128xi32, #tpu.memory_space<vmem>> -> memref<8xi32, #tpu.memory_space<vmem>>
    %dma_start3A_926 = arith.constant 0 : i32
    %dma_start3A_927 = arith.constant 0 : i32
    %dma_start3A_928 = tpu.memref_slice %arg3[%dma_start3A_926, %dma_start3A_927] : memref<32768x2048xf32, #tpu.memory_space<hbm>> -> memref<32768x2048xf32, #tpu.memory_space<hbm>>
    tpu.enqueue_indirect_dma source(%dma_start3A_928 : memref<32768x2048xf32, #tpu.memory_space<hbm>>) target(%dma_start3A_923 : memref<8x2048xf32, #tpu.memory_space<vmem>>) offsets(%dma_start3A_925 : memref<8xi32, #tpu.memory_space<vmem>>) semaphore(%arg12 : memref<!tpu.dma_semaphore, #tpu.memory_space<semaphore_mem>>)
    %dma_wait3A_929 = arith.constant 2 : i32
    %dma_wait3A_930 = arith.constant 0 : i32
    %dma_wait3A_931 = arith.constant 0 : i32
    %dma_wait3A_932 = tpu.memref_slice %arg8[%dma_wait3A_929, %dma_wait3A_930, %dma_wait3A_931] : memref<6x8x2048xf32, #tpu.memory_space<vmem>> -> memref<1x8x2048xf32, #tpu.memory_space<vmem>>
    %dma_wait3A_933 = tpu.memref_squeeze %dma_wait3A_932 : memref<1x8x2048xf32, #tpu.memory_space<vmem>> -> memref<8x2048xf32, #tpu.memory_space<vmem>>
    %dma_wait3A_934 = arith.constant 80 : i32
    %dma_wait3A_935 = tpu.memref_slice %arg7[%dma_wait3A_934] : memref<128xi32, #tpu.memory_space<vmem>> -> memref<8xi32, #tpu.memory_space<vmem>>
    %dma_wait3A_936 = arith.constant 0 : i32
    %dma_wait3A_937 = arith.constant 0 : i32
    %dma_wait3A_938 = tpu.memref_slice %arg2[%dma_wait3A_936, %dma_wait3A_937] : memref<32768x2048xf32, #tpu.memory_space<hbm>> -> memref<32768x2048xf32, #tpu.memory_space<hbm>>
    tpu.wait_indirect_dma semaphore(%arg11 : memref<!tpu.dma_semaphore, #tpu.memory_space<semaphore_mem>>) src(%dma_wait3A_938 : memref<32768x2048xf32, #tpu.memory_space<hbm>>) dst(%dma_wait3A_933 : memref<8x2048xf32, #tpu.memory_space<vmem>>)
    %add3A_939 = arith.constant 80 : i32
    %add3A_940 = arith.addi %mul3A_2, %add3A_939 : i32
    %dma_start3A_941 = arith.constant 2 : i32
    %dma_start3A_942 = arith.constant 0 : i32
    %dma_start3A_943 = arith.constant 0 : i32
    %dma_start3A_944 = tpu.memref_slice %arg8[%dma_start3A_941, %dma_start3A_942, %dma_start3A_943] : memref<6x8x2048xf32, #tpu.memory_space<vmem>> -> memref<1x8x2048xf32, #tpu.memory_space<vmem>>
    %dma_start3A_945 = tpu.memref_squeeze %dma_start3A_944 : memref<1x8x2048xf32, #tpu.memory_space<vmem>> -> memref<8x2048xf32, #tpu.memory_space<vmem>>
    %dma_start3A_946 = arith.constant 0 : i32
    %dma_start3A_947 = tpu.memref_slice %arg5[%add3A_940, %dma_start3A_946] : memref<4096x2048xf32, #tpu.memory_space<hbm>> -> memref<8x2048xf32, #tpu.memory_space<hbm>>
    %dma_start3A_948 = arith.constant 0 : i32
    %dma_start3A_949 = tpu.memref_slice %arg5[%add3A_940, %dma_start3A_948] : memref<4096x2048xf32, #tpu.memory_space<hbm>> -> memref<8x2048xf32, #tpu.memory_space<hbm>>
    %dma_start3A_950 = arith.constant 0 : i32
    %dma_start3A_951 = arith.constant 0 : i32
    %dma_start3A_952 = tpu.memref_slice %arg8[%dma_start3A_941, %dma_start3A_950, %dma_start3A_951] : memref<6x8x2048xf32, #tpu.memory_space<vmem>> -> memref<1x8x2048xf32, #tpu.memory_space<vmem>>
    %dma_start3A_953 = tpu.memref_squeeze %dma_start3A_952 : memref<1x8x2048xf32, #tpu.memory_space<vmem>> -> memref<8x2048xf32, #tpu.memory_space<vmem>>
    tpu.enqueue_dma source(%dma_start3A_953 : memref<8x2048xf32, #tpu.memory_space<vmem>>) target(%dma_start3A_949 : memref<8x2048xf32, #tpu.memory_space<hbm>>) target_semaphore(%arg17 : memref<!tpu.dma_semaphore, #tpu.memory_space<semaphore_mem>>)
    %dma_wait3A_954 = arith.constant 4 : i32
    %dma_wait3A_955 = arith.constant 0 : i32
    %dma_wait3A_956 = arith.constant 0 : i32
    %dma_wait3A_957 = tpu.memref_slice %arg8[%dma_wait3A_954, %dma_wait3A_955, %dma_wait3A_956] : memref<6x8x2048xf32, #tpu.memory_space<vmem>> -> memref<1x8x2048xf32, #tpu.memory_space<vmem>>
    %dma_wait3A_958 = tpu.memref_squeeze %dma_wait3A_957 : memref<1x8x2048xf32, #tpu.memory_space<vmem>> -> memref<8x2048xf32, #tpu.memory_space<vmem>>
    %dma_wait3A_959 = arith.constant 0 : i32
    %dma_wait3A_960 = tpu.memref_slice %arg5[%add3A_748, %dma_wait3A_959] : memref<4096x2048xf32, #tpu.memory_space<hbm>> -> memref<8x2048xf32, #tpu.memory_space<hbm>>
    %dma_wait3A_961 = arith.constant 0 : i32
    %dma_wait3A_962 = tpu.memref_slice %arg5[%add3A_748, %dma_wait3A_961] : memref<4096x2048xf32, #tpu.memory_space<hbm>> -> memref<8x2048xf32, #tpu.memory_space<hbm>>
    %dma_wait3A_963 = arith.constant 0 : i32
    %dma_wait3A_964 = arith.constant 0 : i32
    %dma_wait3A_965 = tpu.memref_slice %arg8[%dma_wait3A_954, %dma_wait3A_963, %dma_wait3A_964] : memref<6x8x2048xf32, #tpu.memory_space<vmem>> -> memref<1x8x2048xf32, #tpu.memory_space<vmem>>
    %dma_wait3A_966 = tpu.memref_squeeze %dma_wait3A_965 : memref<1x8x2048xf32, #tpu.memory_space<vmem>> -> memref<8x2048xf32, #tpu.memory_space<vmem>>
    tpu.wait_dma2 semaphore(%arg19 : memref<!tpu.dma_semaphore, #tpu.memory_space<semaphore_mem>>) src(%dma_wait3A_966 : memref<8x2048xf32, #tpu.memory_space<vmem>>) dst(%dma_wait3A_962 : memref<8x2048xf32, #tpu.memory_space<hbm>>)
    %dma_start3A_967 = arith.constant 4 : i32
    %dma_start3A_968 = arith.constant 0 : i32
    %dma_start3A_969 = arith.constant 0 : i32
    %dma_start3A_970 = tpu.memref_slice %arg8[%dma_start3A_967, %dma_start3A_968, %dma_start3A_969] : memref<6x8x2048xf32, #tpu.memory_space<vmem>> -> memref<1x8x2048xf32, #tpu.memory_space<vmem>>
    %dma_start3A_971 = tpu.memref_squeeze %dma_start3A_970 : memref<1x8x2048xf32, #tpu.memory_space<vmem>> -> memref<8x2048xf32, #tpu.memory_space<vmem>>
    %dma_start3A_972 = arith.constant 88 : i32
    %dma_start3A_973 = tpu.memref_slice %arg7[%dma_start3A_972] : memref<128xi32, #tpu.memory_space<vmem>> -> memref<8xi32, #tpu.memory_space<vmem>>
    %dma_start3A_974 = arith.constant 0 : i32
    %dma_start3A_975 = arith.constant 0 : i32
    %dma_start3A_976 = tpu.memref_slice %arg2[%dma_start3A_974, %dma_start3A_975] : memref<32768x2048xf32, #tpu.memory_space<hbm>> -> memref<32768x2048xf32, #tpu.memory_space<hbm>>
    tpu.enqueue_indirect_dma source(%dma_start3A_976 : memref<32768x2048xf32, #tpu.memory_space<hbm>>) target(%dma_start3A_971 : memref<8x2048xf32, #tpu.memory_space<vmem>>) offsets(%dma_start3A_973 : memref<8xi32, #tpu.memory_space<vmem>>) semaphore(%arg13 : memref<!tpu.dma_semaphore, #tpu.memory_space<semaphore_mem>>)
    %dma_wait3A_977 = arith.constant 3 : i32
    %dma_wait3A_978 = arith.constant 0 : i32
    %dma_wait3A_979 = arith.constant 0 : i32
    %dma_wait3A_980 = tpu.memref_slice %arg8[%dma_wait3A_977, %dma_wait3A_978, %dma_wait3A_979] : memref<6x8x2048xf32, #tpu.memory_space<vmem>> -> memref<1x8x2048xf32, #tpu.memory_space<vmem>>
    %dma_wait3A_981 = tpu.memref_squeeze %dma_wait3A_980 : memref<1x8x2048xf32, #tpu.memory_space<vmem>> -> memref<8x2048xf32, #tpu.memory_space<vmem>>
    %dma_wait3A_982 = arith.constant 80 : i32
    %dma_wait3A_983 = tpu.memref_slice %arg7[%dma_wait3A_982] : memref<128xi32, #tpu.memory_space<vmem>> -> memref<8xi32, #tpu.memory_space<vmem>>
    %dma_wait3A_984 = arith.constant 0 : i32
    %dma_wait3A_985 = arith.constant 0 : i32
    %dma_wait3A_986 = tpu.memref_slice %arg3[%dma_wait3A_984, %dma_wait3A_985] : memref<32768x2048xf32, #tpu.memory_space<hbm>> -> memref<32768x2048xf32, #tpu.memory_space<hbm>>
    tpu.wait_indirect_dma semaphore(%arg12 : memref<!tpu.dma_semaphore, #tpu.memory_space<semaphore_mem>>) src(%dma_wait3A_986 : memref<32768x2048xf32, #tpu.memory_space<hbm>>) dst(%dma_wait3A_981 : memref<8x2048xf32, #tpu.memory_space<vmem>>)
    %add3A_987 = arith.constant 80 : i32
    %add3A_988 = arith.addi %mul3A_2, %add3A_987 : i32
    %dma_start3A_989 = arith.constant 3 : i32
    %dma_start3A_990 = arith.constant 0 : i32
    %dma_start3A_991 = arith.constant 0 : i32
    %dma_start3A_992 = tpu.memref_slice %arg8[%dma_start3A_989, %dma_start3A_990, %dma_start3A_991] : memref<6x8x2048xf32, #tpu.memory_space<vmem>> -> memref<1x8x2048xf32, #tpu.memory_space<vmem>>
    %dma_start3A_993 = tpu.memref_squeeze %dma_start3A_992 : memref<1x8x2048xf32, #tpu.memory_space<vmem>> -> memref<8x2048xf32, #tpu.memory_space<vmem>>
    %dma_start3A_994 = arith.constant 0 : i32
    %dma_start3A_995 = tpu.memref_slice %arg6[%add3A_988, %dma_start3A_994] : memref<4096x2048xf32, #tpu.memory_space<hbm>> -> memref<8x2048xf32, #tpu.memory_space<hbm>>
    %dma_start3A_996 = arith.constant 0 : i32
    %dma_start3A_997 = tpu.memref_slice %arg6[%add3A_988, %dma_start3A_996] : memref<4096x2048xf32, #tpu.memory_space<hbm>> -> memref<8x2048xf32, #tpu.memory_space<hbm>>
    %dma_start3A_998 = arith.constant 0 : i32
    %dma_start3A_999 = arith.constant 0 : i32
    %dma_start3A_1000 = tpu.memref_slice %arg8[%dma_start3A_989, %dma_start3A_998, %dma_start3A_999] : memref<6x8x2048xf32, #tpu.memory_space<vmem>> -> memref<1x8x2048xf32, #tpu.memory_space<vmem>>
    %dma_start3A_1001 = tpu.memref_squeeze %dma_start3A_1000 : memref<1x8x2048xf32, #tpu.memory_space<vmem>> -> memref<8x2048xf32, #tpu.memory_space<vmem>>
    tpu.enqueue_dma source(%dma_start3A_1001 : memref<8x2048xf32, #tpu.memory_space<vmem>>) target(%dma_start3A_997 : memref<8x2048xf32, #tpu.memory_space<hbm>>) target_semaphore(%arg18 : memref<!tpu.dma_semaphore, #tpu.memory_space<semaphore_mem>>)
    %dma_wait3A_1002 = arith.constant 5 : i32
    %dma_wait3A_1003 = arith.constant 0 : i32
    %dma_wait3A_1004 = arith.constant 0 : i32
    %dma_wait3A_1005 = tpu.memref_slice %arg8[%dma_wait3A_1002, %dma_wait3A_1003, %dma_wait3A_1004] : memref<6x8x2048xf32, #tpu.memory_space<vmem>> -> memref<1x8x2048xf32, #tpu.memory_space<vmem>>
    %dma_wait3A_1006 = tpu.memref_squeeze %dma_wait3A_1005 : memref<1x8x2048xf32, #tpu.memory_space<vmem>> -> memref<8x2048xf32, #tpu.memory_space<vmem>>
    %dma_wait3A_1007 = arith.constant 0 : i32
    %dma_wait3A_1008 = tpu.memref_slice %arg6[%add3A_796, %dma_wait3A_1007] : memref<4096x2048xf32, #tpu.memory_space<hbm>> -> memref<8x2048xf32, #tpu.memory_space<hbm>>
    %dma_wait3A_1009 = arith.constant 0 : i32
    %dma_wait3A_1010 = tpu.memref_slice %arg6[%add3A_796, %dma_wait3A_1009] : memref<4096x2048xf32, #tpu.memory_space<hbm>> -> memref<8x2048xf32, #tpu.memory_space<hbm>>
    %dma_wait3A_1011 = arith.constant 0 : i32
    %dma_wait3A_1012 = arith.constant 0 : i32
    %dma_wait3A_1013 = tpu.memref_slice %arg8[%dma_wait3A_1002, %dma_wait3A_1011, %dma_wait3A_1012] : memref<6x8x2048xf32, #tpu.memory_space<vmem>> -> memref<1x8x2048xf32, #tpu.memory_space<vmem>>
    %dma_wait3A_1014 = tpu.memref_squeeze %dma_wait3A_1013 : memref<1x8x2048xf32, #tpu.memory_space<vmem>> -> memref<8x2048xf32, #tpu.memory_space<vmem>>
    tpu.wait_dma2 semaphore(%arg20 : memref<!tpu.dma_semaphore, #tpu.memory_space<semaphore_mem>>) src(%dma_wait3A_1014 : memref<8x2048xf32, #tpu.memory_space<vmem>>) dst(%dma_wait3A_1010 : memref<8x2048xf32, #tpu.memory_space<hbm>>)
    %dma_start3A_1015 = arith.constant 5 : i32
    %dma_start3A_1016 = arith.constant 0 : i32
    %dma_start3A_1017 = arith.constant 0 : i32
    %dma_start3A_1018 = tpu.memref_slice %arg8[%dma_start3A_1015, %dma_start3A_1016, %dma_start3A_1017] : memref<6x8x2048xf32, #tpu.memory_space<vmem>> -> memref<1x8x2048xf32, #tpu.memory_space<vmem>>
    %dma_start3A_1019 = tpu.memref_squeeze %dma_start3A_1018 : memref<1x8x2048xf32, #tpu.memory_space<vmem>> -> memref<8x2048xf32, #tpu.memory_space<vmem>>
    %dma_start3A_1020 = arith.constant 88 : i32
    %dma_start3A_1021 = tpu.memref_slice %arg7[%dma_start3A_1020] : memref<128xi32, #tpu.memory_space<vmem>> -> memref<8xi32, #tpu.memory_space<vmem>>
    %dma_start3A_1022 = arith.constant 0 : i32
    %dma_start3A_1023 = arith.constant 0 : i32
    %dma_start3A_1024 = tpu.memref_slice %arg3[%dma_start3A_1022, %dma_start3A_1023] : memref<32768x2048xf32, #tpu.memory_space<hbm>> -> memref<32768x2048xf32, #tpu.memory_space<hbm>>
    tpu.enqueue_indirect_dma source(%dma_start3A_1024 : memref<32768x2048xf32, #tpu.memory_space<hbm>>) target(%dma_start3A_1019 : memref<8x2048xf32, #tpu.memory_space<vmem>>) offsets(%dma_start3A_1021 : memref<8xi32, #tpu.memory_space<vmem>>) semaphore(%arg14 : memref<!tpu.dma_semaphore, #tpu.memory_space<semaphore_mem>>)
    %dma_wait3A_1025 = arith.constant 4 : i32
    %dma_wait3A_1026 = arith.constant 0 : i32
    %dma_wait3A_1027 = arith.constant 0 : i32
    %dma_wait3A_1028 = tpu.memref_slice %arg8[%dma_wait3A_1025, %dma_wait3A_1026, %dma_wait3A_1027] : memref<6x8x2048xf32, #tpu.memory_space<vmem>> -> memref<1x8x2048xf32, #tpu.memory_space<vmem>>
    %dma_wait3A_1029 = tpu.memref_squeeze %dma_wait3A_1028 : memref<1x8x2048xf32, #tpu.memory_space<vmem>> -> memref<8x2048xf32, #tpu.memory_space<vmem>>
    %dma_wait3A_1030 = arith.constant 88 : i32
    %dma_wait3A_1031 = tpu.memref_slice %arg7[%dma_wait3A_1030] : memref<128xi32, #tpu.memory_space<vmem>> -> memref<8xi32, #tpu.memory_space<vmem>>
    %dma_wait3A_1032 = arith.constant 0 : i32
    %dma_wait3A_1033 = arith.constant 0 : i32
    %dma_wait3A_1034 = tpu.memref_slice %arg2[%dma_wait3A_1032, %dma_wait3A_1033] : memref<32768x2048xf32, #tpu.memory_space<hbm>> -> memref<32768x2048xf32, #tpu.memory_space<hbm>>
    tpu.wait_indirect_dma semaphore(%arg13 : memref<!tpu.dma_semaphore, #tpu.memory_space<semaphore_mem>>) src(%dma_wait3A_1034 : memref<32768x2048xf32, #tpu.memory_space<hbm>>) dst(%dma_wait3A_1029 : memref<8x2048xf32, #tpu.memory_space<vmem>>)
    %add3A_1035 = arith.constant 88 : i32
    %add3A_1036 = arith.addi %mul3A_2, %add3A_1035 : i32
    %dma_start3A_1037 = arith.constant 4 : i32
    %dma_start3A_1038 = arith.constant 0 : i32
    %dma_start3A_1039 = arith.constant 0 : i32
    %dma_start3A_1040 = tpu.memref_slice %arg8[%dma_start3A_1037, %dma_start3A_1038, %dma_start3A_1039] : memref<6x8x2048xf32, #tpu.memory_space<vmem>> -> memref<1x8x2048xf32, #tpu.memory_space<vmem>>
    %dma_start3A_1041 = tpu.memref_squeeze %dma_start3A_1040 : memref<1x8x2048xf32, #tpu.memory_space<vmem>> -> memref<8x2048xf32, #tpu.memory_space<vmem>>
    %dma_start3A_1042 = arith.constant 0 : i32
    %dma_start3A_1043 = tpu.memref_slice %arg5[%add3A_1036, %dma_start3A_1042] : memref<4096x2048xf32, #tpu.memory_space<hbm>> -> memref<8x2048xf32, #tpu.memory_space<hbm>>
    %dma_start3A_1044 = arith.constant 0 : i32
    %dma_start3A_1045 = tpu.memref_slice %arg5[%add3A_1036, %dma_start3A_1044] : memref<4096x2048xf32, #tpu.memory_space<hbm>> -> memref<8x2048xf32, #tpu.memory_space<hbm>>
    %dma_start3A_1046 = arith.constant 0 : i32
    %dma_start3A_1047 = arith.constant 0 : i32
    %dma_start3A_1048 = tpu.memref_slice %arg8[%dma_start3A_1037, %dma_start3A_1046, %dma_start3A_1047] : memref<6x8x2048xf32, #tpu.memory_space<vmem>> -> memref<1x8x2048xf32, #tpu.memory_space<vmem>>
    %dma_start3A_1049 = tpu.memref_squeeze %dma_start3A_1048 : memref<1x8x2048xf32, #tpu.memory_space<vmem>> -> memref<8x2048xf32, #tpu.memory_space<vmem>>
    tpu.enqueue_dma source(%dma_start3A_1049 : memref<8x2048xf32, #tpu.memory_space<vmem>>) target(%dma_start3A_1045 : memref<8x2048xf32, #tpu.memory_space<hbm>>) target_semaphore(%arg19 : memref<!tpu.dma_semaphore, #tpu.memory_space<semaphore_mem>>)
    %dma_wait3A_1050 = arith.constant 0 : i32
    %dma_wait3A_1051 = arith.constant 0 : i32
    %dma_wait3A_1052 = arith.constant 0 : i32
    %dma_wait3A_1053 = tpu.memref_slice %arg8[%dma_wait3A_1050, %dma_wait3A_1051, %dma_wait3A_1052] : memref<6x8x2048xf32, #tpu.memory_space<vmem>> -> memref<1x8x2048xf32, #tpu.memory_space<vmem>>
    %dma_wait3A_1054 = tpu.memref_squeeze %dma_wait3A_1053 : memref<1x8x2048xf32, #tpu.memory_space<vmem>> -> memref<8x2048xf32, #tpu.memory_space<vmem>>
    %dma_wait3A_1055 = arith.constant 0 : i32
    %dma_wait3A_1056 = tpu.memref_slice %arg5[%add3A_844, %dma_wait3A_1055] : memref<4096x2048xf32, #tpu.memory_space<hbm>> -> memref<8x2048xf32, #tpu.memory_space<hbm>>
    %dma_wait3A_1057 = arith.constant 0 : i32
    %dma_wait3A_1058 = tpu.memref_slice %arg5[%add3A_844, %dma_wait3A_1057] : memref<4096x2048xf32, #tpu.memory_space<hbm>> -> memref<8x2048xf32, #tpu.memory_space<hbm>>
    %dma_wait3A_1059 = arith.constant 0 : i32
    %dma_wait3A_1060 = arith.constant 0 : i32
    %dma_wait3A_1061 = tpu.memref_slice %arg8[%dma_wait3A_1050, %dma_wait3A_1059, %dma_wait3A_1060] : memref<6x8x2048xf32, #tpu.memory_space<vmem>> -> memref<1x8x2048xf32, #tpu.memory_space<vmem>>
    %dma_wait3A_1062 = tpu.memref_squeeze %dma_wait3A_1061 : memref<1x8x2048xf32, #tpu.memory_space<vmem>> -> memref<8x2048xf32, #tpu.memory_space<vmem>>
    tpu.wait_dma2 semaphore(%arg15 : memref<!tpu.dma_semaphore, #tpu.memory_space<semaphore_mem>>) src(%dma_wait3A_1062 : memref<8x2048xf32, #tpu.memory_space<vmem>>) dst(%dma_wait3A_1058 : memref<8x2048xf32, #tpu.memory_space<hbm>>)
    %dma_start3A_1063 = arith.constant 0 : i32
    %dma_start3A_1064 = arith.constant 0 : i32
    %dma_start3A_1065 = arith.constant 0 : i32
    %dma_start3A_1066 = tpu.memref_slice %arg8[%dma_start3A_1063, %dma_start3A_1064, %dma_start3A_1065] : memref<6x8x2048xf32, #tpu.memory_space<vmem>> -> memref<1x8x2048xf32, #tpu.memory_space<vmem>>
    %dma_start3A_1067 = tpu.memref_squeeze %dma_start3A_1066 : memref<1x8x2048xf32, #tpu.memory_space<vmem>> -> memref<8x2048xf32, #tpu.memory_space<vmem>>
    %dma_start3A_1068 = arith.constant 96 : i32
    %dma_start3A_1069 = tpu.memref_slice %arg7[%dma_start3A_1068] : memref<128xi32, #tpu.memory_space<vmem>> -> memref<8xi32, #tpu.memory_space<vmem>>
    %dma_start3A_1070 = arith.constant 0 : i32
    %dma_start3A_1071 = arith.constant 0 : i32
    %dma_start3A_1072 = tpu.memref_slice %arg2[%dma_start3A_1070, %dma_start3A_1071] : memref<32768x2048xf32, #tpu.memory_space<hbm>> -> memref<32768x2048xf32, #tpu.memory_space<hbm>>
    tpu.enqueue_indirect_dma source(%dma_start3A_1072 : memref<32768x2048xf32, #tpu.memory_space<hbm>>) target(%dma_start3A_1067 : memref<8x2048xf32, #tpu.memory_space<vmem>>) offsets(%dma_start3A_1069 : memref<8xi32, #tpu.memory_space<vmem>>) semaphore(%arg9 : memref<!tpu.dma_semaphore, #tpu.memory_space<semaphore_mem>>)
    %dma_wait3A_1073 = arith.constant 5 : i32
    %dma_wait3A_1074 = arith.constant 0 : i32
    %dma_wait3A_1075 = arith.constant 0 : i32
    %dma_wait3A_1076 = tpu.memref_slice %arg8[%dma_wait3A_1073, %dma_wait3A_1074, %dma_wait3A_1075] : memref<6x8x2048xf32, #tpu.memory_space<vmem>> -> memref<1x8x2048xf32, #tpu.memory_space<vmem>>
    %dma_wait3A_1077 = tpu.memref_squeeze %dma_wait3A_1076 : memref<1x8x2048xf32, #tpu.memory_space<vmem>> -> memref<8x2048xf32, #tpu.memory_space<vmem>>
    %dma_wait3A_1078 = arith.constant 88 : i32
    %dma_wait3A_1079 = tpu.memref_slice %arg7[%dma_wait3A_1078] : memref<128xi32, #tpu.memory_space<vmem>> -> memref<8xi32, #tpu.memory_space<vmem>>
    %dma_wait3A_1080 = arith.constant 0 : i32
    %dma_wait3A_1081 = arith.constant 0 : i32
    %dma_wait3A_1082 = tpu.memref_slice %arg3[%dma_wait3A_1080, %dma_wait3A_1081] : memref<32768x2048xf32, #tpu.memory_space<hbm>> -> memref<32768x2048xf32, #tpu.memory_space<hbm>>
    tpu.wait_indirect_dma semaphore(%arg14 : memref<!tpu.dma_semaphore, #tpu.memory_space<semaphore_mem>>) src(%dma_wait3A_1082 : memref<32768x2048xf32, #tpu.memory_space<hbm>>) dst(%dma_wait3A_1077 : memref<8x2048xf32, #tpu.memory_space<vmem>>)
    %add3A_1083 = arith.constant 88 : i32
    %add3A_1084 = arith.addi %mul3A_2, %add3A_1083 : i32
    %dma_start3A_1085 = arith.constant 5 : i32
    %dma_start3A_1086 = arith.constant 0 : i32
    %dma_start3A_1087 = arith.constant 0 : i32
    %dma_start3A_1088 = tpu.memref_slice %arg8[%dma_start3A_1085, %dma_start3A_1086, %dma_start3A_1087] : memref<6x8x2048xf32, #tpu.memory_space<vmem>> -> memref<1x8x2048xf32, #tpu.memory_space<vmem>>
    %dma_start3A_1089 = tpu.memref_squeeze %dma_start3A_1088 : memref<1x8x2048xf32, #tpu.memory_space<vmem>> -> memref<8x2048xf32, #tpu.memory_space<vmem>>
    %dma_start3A_1090 = arith.constant 0 : i32
    %dma_start3A_1091 = tpu.memref_slice %arg6[%add3A_1084, %dma_start3A_1090] : memref<4096x2048xf32, #tpu.memory_space<hbm>> -> memref<8x2048xf32, #tpu.memory_space<hbm>>
    %dma_start3A_1092 = arith.constant 0 : i32
    %dma_start3A_1093 = tpu.memref_slice %arg6[%add3A_1084, %dma_start3A_1092] : memref<4096x2048xf32, #tpu.memory_space<hbm>> -> memref<8x2048xf32, #tpu.memory_space<hbm>>
    %dma_start3A_1094 = arith.constant 0 : i32
    %dma_start3A_1095 = arith.constant 0 : i32
    %dma_start3A_1096 = tpu.memref_slice %arg8[%dma_start3A_1085, %dma_start3A_1094, %dma_start3A_1095] : memref<6x8x2048xf32, #tpu.memory_space<vmem>> -> memref<1x8x2048xf32, #tpu.memory_space<vmem>>
    %dma_start3A_1097 = tpu.memref_squeeze %dma_start3A_1096 : memref<1x8x2048xf32, #tpu.memory_space<vmem>> -> memref<8x2048xf32, #tpu.memory_space<vmem>>
    tpu.enqueue_dma source(%dma_start3A_1097 : memref<8x2048xf32, #tpu.memory_space<vmem>>) target(%dma_start3A_1093 : memref<8x2048xf32, #tpu.memory_space<hbm>>) target_semaphore(%arg20 : memref<!tpu.dma_semaphore, #tpu.memory_space<semaphore_mem>>)
    %dma_wait3A_1098 = arith.constant 1 : i32
    %dma_wait3A_1099 = arith.constant 0 : i32
    %dma_wait3A_1100 = arith.constant 0 : i32
    %dma_wait3A_1101 = tpu.memref_slice %arg8[%dma_wait3A_1098, %dma_wait3A_1099, %dma_wait3A_1100] : memref<6x8x2048xf32, #tpu.memory_space<vmem>> -> memref<1x8x2048xf32, #tpu.memory_space<vmem>>
    %dma_wait3A_1102 = tpu.memref_squeeze %dma_wait3A_1101 : memref<1x8x2048xf32, #tpu.memory_space<vmem>> -> memref<8x2048xf32, #tpu.memory_space<vmem>>
    %dma_wait3A_1103 = arith.constant 0 : i32
    %dma_wait3A_1104 = tpu.memref_slice %arg6[%add3A_892, %dma_wait3A_1103] : memref<4096x2048xf32, #tpu.memory_space<hbm>> -> memref<8x2048xf32, #tpu.memory_space<hbm>>
    %dma_wait3A_1105 = arith.constant 0 : i32
    %dma_wait3A_1106 = tpu.memref_slice %arg6[%add3A_892, %dma_wait3A_1105] : memref<4096x2048xf32, #tpu.memory_space<hbm>> -> memref<8x2048xf32, #tpu.memory_space<hbm>>
    %dma_wait3A_1107 = arith.constant 0 : i32
    %dma_wait3A_1108 = arith.constant 0 : i32
    %dma_wait3A_1109 = tpu.memref_slice %arg8[%dma_wait3A_1098, %dma_wait3A_1107, %dma_wait3A_1108] : memref<6x8x2048xf32, #tpu.memory_space<vmem>> -> memref<1x8x2048xf32, #tpu.memory_space<vmem>>
    %dma_wait3A_1110 = tpu.memref_squeeze %dma_wait3A_1109 : memref<1x8x2048xf32, #tpu.memory_space<vmem>> -> memref<8x2048xf32, #tpu.memory_space<vmem>>
    tpu.wait_dma2 semaphore(%arg16 : memref<!tpu.dma_semaphore, #tpu.memory_space<semaphore_mem>>) src(%dma_wait3A_1110 : memref<8x2048xf32, #tpu.memory_space<vmem>>) dst(%dma_wait3A_1106 : memref<8x2048xf32, #tpu.memory_space<hbm>>)
    %dma_start3A_1111 = arith.constant 1 : i32
    %dma_start3A_1112 = arith.constant 0 : i32
    %dma_start3A_1113 = arith.constant 0 : i32
    %dma_start3A_1114 = tpu.memref_slice %arg8[%dma_start3A_1111, %dma_start3A_1112, %dma_start3A_1113] : memref<6x8x2048xf32, #tpu.memory_space<vmem>> -> memref<1x8x2048xf32, #tpu.memory_space<vmem>>
    %dma_start3A_1115 = tpu.memref_squeeze %dma_start3A_1114 : memref<1x8x2048xf32, #tpu.memory_space<vmem>> -> memref<8x2048xf32, #tpu.memory_space<vmem>>
    %dma_start3A_1116 = arith.constant 96 : i32
    %dma_start3A_1117 = tpu.memref_slice %arg7[%dma_start3A_1116] : memref<128xi32, #tpu.memory_space<vmem>> -> memref<8xi32, #tpu.memory_space<vmem>>
    %dma_start3A_1118 = arith.constant 0 : i32
    %dma_start3A_1119 = arith.constant 0 : i32
    %dma_start3A_1120 = tpu.memref_slice %arg3[%dma_start3A_1118, %dma_start3A_1119] : memref<32768x2048xf32, #tpu.memory_space<hbm>> -> memref<32768x2048xf32, #tpu.memory_space<hbm>>
    tpu.enqueue_indirect_dma source(%dma_start3A_1120 : memref<32768x2048xf32, #tpu.memory_space<hbm>>) target(%dma_start3A_1115 : memref<8x2048xf32, #tpu.memory_space<vmem>>) offsets(%dma_start3A_1117 : memref<8xi32, #tpu.memory_space<vmem>>) semaphore(%arg10 : memref<!tpu.dma_semaphore, #tpu.memory_space<semaphore_mem>>)
    %dma_wait3A_1121 = arith.constant 0 : i32
    %dma_wait3A_1122 = arith.constant 0 : i32
    %dma_wait3A_1123 = arith.constant 0 : i32
    %dma_wait3A_1124 = tpu.memref_slice %arg8[%dma_wait3A_1121, %dma_wait3A_1122, %dma_wait3A_1123] : memref<6x8x2048xf32, #tpu.memory_space<vmem>> -> memref<1x8x2048xf32, #tpu.memory_space<vmem>>
    %dma_wait3A_1125 = tpu.memref_squeeze %dma_wait3A_1124 : memref<1x8x2048xf32, #tpu.memory_space<vmem>> -> memref<8x2048xf32, #tpu.memory_space<vmem>>
    %dma_wait3A_1126 = arith.constant 96 : i32
    %dma_wait3A_1127 = tpu.memref_slice %arg7[%dma_wait3A_1126] : memref<128xi32, #tpu.memory_space<vmem>> -> memref<8xi32, #tpu.memory_space<vmem>>
    %dma_wait3A_1128 = arith.constant 0 : i32
    %dma_wait3A_1129 = arith.constant 0 : i32
    %dma_wait3A_1130 = tpu.memref_slice %arg2[%dma_wait3A_1128, %dma_wait3A_1129] : memref<32768x2048xf32, #tpu.memory_space<hbm>> -> memref<32768x2048xf32, #tpu.memory_space<hbm>>
    tpu.wait_indirect_dma semaphore(%arg9 : memref<!tpu.dma_semaphore, #tpu.memory_space<semaphore_mem>>) src(%dma_wait3A_1130 : memref<32768x2048xf32, #tpu.memory_space<hbm>>) dst(%dma_wait3A_1125 : memref<8x2048xf32, #tpu.memory_space<vmem>>)
    %add3A_1131 = arith.constant 96 : i32
    %add3A_1132 = arith.addi %mul3A_2, %add3A_1131 : i32
    %dma_start3A_1133 = arith.constant 0 : i32
    %dma_start3A_1134 = arith.constant 0 : i32
    %dma_start3A_1135 = arith.constant 0 : i32
    %dma_start3A_1136 = tpu.memref_slice %arg8[%dma_start3A_1133, %dma_start3A_1134, %dma_start3A_1135] : memref<6x8x2048xf32, #tpu.memory_space<vmem>> -> memref<1x8x2048xf32, #tpu.memory_space<vmem>>
    %dma_start3A_1137 = tpu.memref_squeeze %dma_start3A_1136 : memref<1x8x2048xf32, #tpu.memory_space<vmem>> -> memref<8x2048xf32, #tpu.memory_space<vmem>>
    %dma_start3A_1138 = arith.constant 0 : i32
    %dma_start3A_1139 = tpu.memref_slice %arg5[%add3A_1132, %dma_start3A_1138] : memref<4096x2048xf32, #tpu.memory_space<hbm>> -> memref<8x2048xf32, #tpu.memory_space<hbm>>
    %dma_start3A_1140 = arith.constant 0 : i32
    %dma_start3A_1141 = tpu.memref_slice %arg5[%add3A_1132, %dma_start3A_1140] : memref<4096x2048xf32, #tpu.memory_space<hbm>> -> memref<8x2048xf32, #tpu.memory_space<hbm>>
    %dma_start3A_1142 = arith.constant 0 : i32
    %dma_start3A_1143 = arith.constant 0 : i32
    %dma_start3A_1144 = tpu.memref_slice %arg8[%dma_start3A_1133, %dma_start3A_1142, %dma_start3A_1143] : memref<6x8x2048xf32, #tpu.memory_space<vmem>> -> memref<1x8x2048xf32, #tpu.memory_space<vmem>>
    %dma_start3A_1145 = tpu.memref_squeeze %dma_start3A_1144 : memref<1x8x2048xf32, #tpu.memory_space<vmem>> -> memref<8x2048xf32, #tpu.memory_space<vmem>>
    tpu.enqueue_dma source(%dma_start3A_1145 : memref<8x2048xf32, #tpu.memory_space<vmem>>) target(%dma_start3A_1141 : memref<8x2048xf32, #tpu.memory_space<hbm>>) target_semaphore(%arg15 : memref<!tpu.dma_semaphore, #tpu.memory_space<semaphore_mem>>)
    %dma_wait3A_1146 = arith.constant 2 : i32
    %dma_wait3A_1147 = arith.constant 0 : i32
    %dma_wait3A_1148 = arith.constant 0 : i32
    %dma_wait3A_1149 = tpu.memref_slice %arg8[%dma_wait3A_1146, %dma_wait3A_1147, %dma_wait3A_1148] : memref<6x8x2048xf32, #tpu.memory_space<vmem>> -> memref<1x8x2048xf32, #tpu.memory_space<vmem>>
    %dma_wait3A_1150 = tpu.memref_squeeze %dma_wait3A_1149 : memref<1x8x2048xf32, #tpu.memory_space<vmem>> -> memref<8x2048xf32, #tpu.memory_space<vmem>>
    %dma_wait3A_1151 = arith.constant 0 : i32
    %dma_wait3A_1152 = tpu.memref_slice %arg5[%add3A_940, %dma_wait3A_1151] : memref<4096x2048xf32, #tpu.memory_space<hbm>> -> memref<8x2048xf32, #tpu.memory_space<hbm>>
    %dma_wait3A_1153 = arith.constant 0 : i32
    %dma_wait3A_1154 = tpu.memref_slice %arg5[%add3A_940, %dma_wait3A_1153] : memref<4096x2048xf32, #tpu.memory_space<hbm>> -> memref<8x2048xf32, #tpu.memory_space<hbm>>
    %dma_wait3A_1155 = arith.constant 0 : i32
    %dma_wait3A_1156 = arith.constant 0 : i32
    %dma_wait3A_1157 = tpu.memref_slice %arg8[%dma_wait3A_1146, %dma_wait3A_1155, %dma_wait3A_1156] : memref<6x8x2048xf32, #tpu.memory_space<vmem>> -> memref<1x8x2048xf32, #tpu.memory_space<vmem>>
    %dma_wait3A_1158 = tpu.memref_squeeze %dma_wait3A_1157 : memref<1x8x2048xf32, #tpu.memory_space<vmem>> -> memref<8x2048xf32, #tpu.memory_space<vmem>>
    tpu.wait_dma2 semaphore(%arg17 : memref<!tpu.dma_semaphore, #tpu.memory_space<semaphore_mem>>) src(%dma_wait3A_1158 : memref<8x2048xf32, #tpu.memory_space<vmem>>) dst(%dma_wait3A_1154 : memref<8x2048xf32, #tpu.memory_space<hbm>>)
    %dma_start3A_1159 = arith.constant 2 : i32
    %dma_start3A_1160 = arith.constant 0 : i32
    %dma_start3A_1161 = arith.constant 0 : i32
    %dma_start3A_1162 = tpu.memref_slice %arg8[%dma_start3A_1159, %dma_start3A_1160, %dma_start3A_1161] : memref<6x8x2048xf32, #tpu.memory_space<vmem>> -> memref<1x8x2048xf32, #tpu.memory_space<vmem>>
    %dma_start3A_1163 = tpu.memref_squeeze %dma_start3A_1162 : memref<1x8x2048xf32, #tpu.memory_space<vmem>> -> memref<8x2048xf32, #tpu.memory_space<vmem>>
    %dma_start3A_1164 = arith.constant 104 : i32
    %dma_start3A_1165 = tpu.memref_slice %arg7[%dma_start3A_1164] : memref<128xi32, #tpu.memory_space<vmem>> -> memref<8xi32, #tpu.memory_space<vmem>>
    %dma_start3A_1166 = arith.constant 0 : i32
    %dma_start3A_1167 = arith.constant 0 : i32
    %dma_start3A_1168 = tpu.memref_slice %arg2[%dma_start3A_1166, %dma_start3A_1167] : memref<32768x2048xf32, #tpu.memory_space<hbm>> -> memref<32768x2048xf32, #tpu.memory_space<hbm>>
    tpu.enqueue_indirect_dma source(%dma_start3A_1168 : memref<32768x2048xf32, #tpu.memory_space<hbm>>) target(%dma_start3A_1163 : memref<8x2048xf32, #tpu.memory_space<vmem>>) offsets(%dma_start3A_1165 : memref<8xi32, #tpu.memory_space<vmem>>) semaphore(%arg11 : memref<!tpu.dma_semaphore, #tpu.memory_space<semaphore_mem>>)
    %dma_wait3A_1169 = arith.constant 1 : i32
    %dma_wait3A_1170 = arith.constant 0 : i32
    %dma_wait3A_1171 = arith.constant 0 : i32
    %dma_wait3A_1172 = tpu.memref_slice %arg8[%dma_wait3A_1169, %dma_wait3A_1170, %dma_wait3A_1171] : memref<6x8x2048xf32, #tpu.memory_space<vmem>> -> memref<1x8x2048xf32, #tpu.memory_space<vmem>>
    %dma_wait3A_1173 = tpu.memref_squeeze %dma_wait3A_1172 : memref<1x8x2048xf32, #tpu.memory_space<vmem>> -> memref<8x2048xf32, #tpu.memory_space<vmem>>
    %dma_wait3A_1174 = arith.constant 96 : i32
    %dma_wait3A_1175 = tpu.memref_slice %arg7[%dma_wait3A_1174] : memref<128xi32, #tpu.memory_space<vmem>> -> memref<8xi32, #tpu.memory_space<vmem>>
    %dma_wait3A_1176 = arith.constant 0 : i32
    %dma_wait3A_1177 = arith.constant 0 : i32
    %dma_wait3A_1178 = tpu.memref_slice %arg3[%dma_wait3A_1176, %dma_wait3A_1177] : memref<32768x2048xf32, #tpu.memory_space<hbm>> -> memref<32768x2048xf32, #tpu.memory_space<hbm>>
    tpu.wait_indirect_dma semaphore(%arg10 : memref<!tpu.dma_semaphore, #tpu.memory_space<semaphore_mem>>) src(%dma_wait3A_1178 : memref<32768x2048xf32, #tpu.memory_space<hbm>>) dst(%dma_wait3A_1173 : memref<8x2048xf32, #tpu.memory_space<vmem>>)
    %add3A_1179 = arith.constant 96 : i32
    %add3A_1180 = arith.addi %mul3A_2, %add3A_1179 : i32
    %dma_start3A_1181 = arith.constant 1 : i32
    %dma_start3A_1182 = arith.constant 0 : i32
    %dma_start3A_1183 = arith.constant 0 : i32
    %dma_start3A_1184 = tpu.memref_slice %arg8[%dma_start3A_1181, %dma_start3A_1182, %dma_start3A_1183] : memref<6x8x2048xf32, #tpu.memory_space<vmem>> -> memref<1x8x2048xf32, #tpu.memory_space<vmem>>
    %dma_start3A_1185 = tpu.memref_squeeze %dma_start3A_1184 : memref<1x8x2048xf32, #tpu.memory_space<vmem>> -> memref<8x2048xf32, #tpu.memory_space<vmem>>
    %dma_start3A_1186 = arith.constant 0 : i32
    %dma_start3A_1187 = tpu.memref_slice %arg6[%add3A_1180, %dma_start3A_1186] : memref<4096x2048xf32, #tpu.memory_space<hbm>> -> memref<8x2048xf32, #tpu.memory_space<hbm>>
    %dma_start3A_1188 = arith.constant 0 : i32
    %dma_start3A_1189 = tpu.memref_slice %arg6[%add3A_1180, %dma_start3A_1188] : memref<4096x2048xf32, #tpu.memory_space<hbm>> -> memref<8x2048xf32, #tpu.memory_space<hbm>>
    %dma_start3A_1190 = arith.constant 0 : i32
    %dma_start3A_1191 = arith.constant 0 : i32
    %dma_start3A_1192 = tpu.memref_slice %arg8[%dma_start3A_1181, %dma_start3A_1190, %dma_start3A_1191] : memref<6x8x2048xf32, #tpu.memory_space<vmem>> -> memref<1x8x2048xf32, #tpu.memory_space<vmem>>
    %dma_start3A_1193 = tpu.memref_squeeze %dma_start3A_1192 : memref<1x8x2048xf32, #tpu.memory_space<vmem>> -> memref<8x2048xf32, #tpu.memory_space<vmem>>
    tpu.enqueue_dma source(%dma_start3A_1193 : memref<8x2048xf32, #tpu.memory_space<vmem>>) target(%dma_start3A_1189 : memref<8x2048xf32, #tpu.memory_space<hbm>>) target_semaphore(%arg16 : memref<!tpu.dma_semaphore, #tpu.memory_space<semaphore_mem>>)
    %dma_wait3A_1194 = arith.constant 3 : i32
    %dma_wait3A_1195 = arith.constant 0 : i32
    %dma_wait3A_1196 = arith.constant 0 : i32
    %dma_wait3A_1197 = tpu.memref_slice %arg8[%dma_wait3A_1194, %dma_wait3A_1195, %dma_wait3A_1196] : memref<6x8x2048xf32, #tpu.memory_space<vmem>> -> memref<1x8x2048xf32, #tpu.memory_space<vmem>>
    %dma_wait3A_1198 = tpu.memref_squeeze %dma_wait3A_1197 : memref<1x8x2048xf32, #tpu.memory_space<vmem>> -> memref<8x2048xf32, #tpu.memory_space<vmem>>
    %dma_wait3A_1199 = arith.constant 0 : i32
    %dma_wait3A_1200 = tpu.memref_slice %arg6[%add3A_988, %dma_wait3A_1199] : memref<4096x2048xf32, #tpu.memory_space<hbm>> -> memref<8x2048xf32, #tpu.memory_space<hbm>>
    %dma_wait3A_1201 = arith.constant 0 : i32
    %dma_wait3A_1202 = tpu.memref_slice %arg6[%add3A_988, %dma_wait3A_1201] : memref<4096x2048xf32, #tpu.memory_space<hbm>> -> memref<8x2048xf32, #tpu.memory_space<hbm>>
    %dma_wait3A_1203 = arith.constant 0 : i32
    %dma_wait3A_1204 = arith.constant 0 : i32
    %dma_wait3A_1205 = tpu.memref_slice %arg8[%dma_wait3A_1194, %dma_wait3A_1203, %dma_wait3A_1204] : memref<6x8x2048xf32, #tpu.memory_space<vmem>> -> memref<1x8x2048xf32, #tpu.memory_space<vmem>>
    %dma_wait3A_1206 = tpu.memref_squeeze %dma_wait3A_1205 : memref<1x8x2048xf32, #tpu.memory_space<vmem>> -> memref<8x2048xf32, #tpu.memory_space<vmem>>
    tpu.wait_dma2 semaphore(%arg18 : memref<!tpu.dma_semaphore, #tpu.memory_space<semaphore_mem>>) src(%dma_wait3A_1206 : memref<8x2048xf32, #tpu.memory_space<vmem>>) dst(%dma_wait3A_1202 : memref<8x2048xf32, #tpu.memory_space<hbm>>)
    %dma_start3A_1207 = arith.constant 3 : i32
    %dma_start3A_1208 = arith.constant 0 : i32
    %dma_start3A_1209 = arith.constant 0 : i32
    %dma_start3A_1210 = tpu.memref_slice %arg8[%dma_start3A_1207, %dma_start3A_1208, %dma_start3A_1209] : memref<6x8x2048xf32, #tpu.memory_space<vmem>> -> memref<1x8x2048xf32, #tpu.memory_space<vmem>>
    %dma_start3A_1211 = tpu.memref_squeeze %dma_start3A_1210 : memref<1x8x2048xf32, #tpu.memory_space<vmem>> -> memref<8x2048xf32, #tpu.memory_space<vmem>>
    %dma_start3A_1212 = arith.constant 104 : i32
    %dma_start3A_1213 = tpu.memref_slice %arg7[%dma_start3A_1212] : memref<128xi32, #tpu.memory_space<vmem>> -> memref<8xi32, #tpu.memory_space<vmem>>
    %dma_start3A_1214 = arith.constant 0 : i32
    %dma_start3A_1215 = arith.constant 0 : i32
    %dma_start3A_1216 = tpu.memref_slice %arg3[%dma_start3A_1214, %dma_start3A_1215] : memref<32768x2048xf32, #tpu.memory_space<hbm>> -> memref<32768x2048xf32, #tpu.memory_space<hbm>>
    tpu.enqueue_indirect_dma source(%dma_start3A_1216 : memref<32768x2048xf32, #tpu.memory_space<hbm>>) target(%dma_start3A_1211 : memref<8x2048xf32, #tpu.memory_space<vmem>>) offsets(%dma_start3A_1213 : memref<8xi32, #tpu.memory_space<vmem>>) semaphore(%arg12 : memref<!tpu.dma_semaphore, #tpu.memory_space<semaphore_mem>>)
    %dma_wait3A_1217 = arith.constant 2 : i32
    %dma_wait3A_1218 = arith.constant 0 : i32
    %dma_wait3A_1219 = arith.constant 0 : i32
    %dma_wait3A_1220 = tpu.memref_slice %arg8[%dma_wait3A_1217, %dma_wait3A_1218, %dma_wait3A_1219] : memref<6x8x2048xf32, #tpu.memory_space<vmem>> -> memref<1x8x2048xf32, #tpu.memory_space<vmem>>
    %dma_wait3A_1221 = tpu.memref_squeeze %dma_wait3A_1220 : memref<1x8x2048xf32, #tpu.memory_space<vmem>> -> memref<8x2048xf32, #tpu.memory_space<vmem>>
    %dma_wait3A_1222 = arith.constant 104 : i32
    %dma_wait3A_1223 = tpu.memref_slice %arg7[%dma_wait3A_1222] : memref<128xi32, #tpu.memory_space<vmem>> -> memref<8xi32, #tpu.memory_space<vmem>>
    %dma_wait3A_1224 = arith.constant 0 : i32
    %dma_wait3A_1225 = arith.constant 0 : i32
    %dma_wait3A_1226 = tpu.memref_slice %arg2[%dma_wait3A_1224, %dma_wait3A_1225] : memref<32768x2048xf32, #tpu.memory_space<hbm>> -> memref<32768x2048xf32, #tpu.memory_space<hbm>>
    tpu.wait_indirect_dma semaphore(%arg11 : memref<!tpu.dma_semaphore, #tpu.memory_space<semaphore_mem>>) src(%dma_wait3A_1226 : memref<32768x2048xf32, #tpu.memory_space<hbm>>) dst(%dma_wait3A_1221 : memref<8x2048xf32, #tpu.memory_space<vmem>>)
    %add3A_1227 = arith.constant 104 : i32
    %add3A_1228 = arith.addi %mul3A_2, %add3A_1227 : i32
    %dma_start3A_1229 = arith.constant 2 : i32
    %dma_start3A_1230 = arith.constant 0 : i32
    %dma_start3A_1231 = arith.constant 0 : i32
    %dma_start3A_1232 = tpu.memref_slice %arg8[%dma_start3A_1229, %dma_start3A_1230, %dma_start3A_1231] : memref<6x8x2048xf32, #tpu.memory_space<vmem>> -> memref<1x8x2048xf32, #tpu.memory_space<vmem>>
    %dma_start3A_1233 = tpu.memref_squeeze %dma_start3A_1232 : memref<1x8x2048xf32, #tpu.memory_space<vmem>> -> memref<8x2048xf32, #tpu.memory_space<vmem>>
    %dma_start3A_1234 = arith.constant 0 : i32
    %dma_start3A_1235 = tpu.memref_slice %arg5[%add3A_1228, %dma_start3A_1234] : memref<4096x2048xf32, #tpu.memory_space<hbm>> -> memref<8x2048xf32, #tpu.memory_space<hbm>>
    %dma_start3A_1236 = arith.constant 0 : i32
    %dma_start3A_1237 = tpu.memref_slice %arg5[%add3A_1228, %dma_start3A_1236] : memref<4096x2048xf32, #tpu.memory_space<hbm>> -> memref<8x2048xf32, #tpu.memory_space<hbm>>
    %dma_start3A_1238 = arith.constant 0 : i32
    %dma_start3A_1239 = arith.constant 0 : i32
    %dma_start3A_1240 = tpu.memref_slice %arg8[%dma_start3A_1229, %dma_start3A_1238, %dma_start3A_1239] : memref<6x8x2048xf32, #tpu.memory_space<vmem>> -> memref<1x8x2048xf32, #tpu.memory_space<vmem>>
    %dma_start3A_1241 = tpu.memref_squeeze %dma_start3A_1240 : memref<1x8x2048xf32, #tpu.memory_space<vmem>> -> memref<8x2048xf32, #tpu.memory_space<vmem>>
    tpu.enqueue_dma source(%dma_start3A_1241 : memref<8x2048xf32, #tpu.memory_space<vmem>>) target(%dma_start3A_1237 : memref<8x2048xf32, #tpu.memory_space<hbm>>) target_semaphore(%arg17 : memref<!tpu.dma_semaphore, #tpu.memory_space<semaphore_mem>>)
    %dma_wait3A_1242 = arith.constant 4 : i32
    %dma_wait3A_1243 = arith.constant 0 : i32
    %dma_wait3A_1244 = arith.constant 0 : i32
    %dma_wait3A_1245 = tpu.memref_slice %arg8[%dma_wait3A_1242, %dma_wait3A_1243, %dma_wait3A_1244] : memref<6x8x2048xf32, #tpu.memory_space<vmem>> -> memref<1x8x2048xf32, #tpu.memory_space<vmem>>
    %dma_wait3A_1246 = tpu.memref_squeeze %dma_wait3A_1245 : memref<1x8x2048xf32, #tpu.memory_space<vmem>> -> memref<8x2048xf32, #tpu.memory_space<vmem>>
    %dma_wait3A_1247 = arith.constant 0 : i32
    %dma_wait3A_1248 = tpu.memref_slice %arg5[%add3A_1036, %dma_wait3A_1247] : memref<4096x2048xf32, #tpu.memory_space<hbm>> -> memref<8x2048xf32, #tpu.memory_space<hbm>>
    %dma_wait3A_1249 = arith.constant 0 : i32
    %dma_wait3A_1250 = tpu.memref_slice %arg5[%add3A_1036, %dma_wait3A_1249] : memref<4096x2048xf32, #tpu.memory_space<hbm>> -> memref<8x2048xf32, #tpu.memory_space<hbm>>
    %dma_wait3A_1251 = arith.constant 0 : i32
    %dma_wait3A_1252 = arith.constant 0 : i32
    %dma_wait3A_1253 = tpu.memref_slice %arg8[%dma_wait3A_1242, %dma_wait3A_1251, %dma_wait3A_1252] : memref<6x8x2048xf32, #tpu.memory_space<vmem>> -> memref<1x8x2048xf32, #tpu.memory_space<vmem>>
    %dma_wait3A_1254 = tpu.memref_squeeze %dma_wait3A_1253 : memref<1x8x2048xf32, #tpu.memory_space<vmem>> -> memref<8x2048xf32, #tpu.memory_space<vmem>>
    tpu.wait_dma2 semaphore(%arg19 : memref<!tpu.dma_semaphore, #tpu.memory_space<semaphore_mem>>) src(%dma_wait3A_1254 : memref<8x2048xf32, #tpu.memory_space<vmem>>) dst(%dma_wait3A_1250 : memref<8x2048xf32, #tpu.memory_space<hbm>>)
    %dma_start3A_1255 = arith.constant 4 : i32
    %dma_start3A_1256 = arith.constant 0 : i32
    %dma_start3A_1257 = arith.constant 0 : i32
    %dma_start3A_1258 = tpu.memref_slice %arg8[%dma_start3A_1255, %dma_start3A_1256, %dma_start3A_1257] : memref<6x8x2048xf32, #tpu.memory_space<vmem>> -> memref<1x8x2048xf32, #tpu.memory_space<vmem>>
    %dma_start3A_1259 = tpu.memref_squeeze %dma_start3A_1258 : memref<1x8x2048xf32, #tpu.memory_space<vmem>> -> memref<8x2048xf32, #tpu.memory_space<vmem>>
    %dma_start3A_1260 = arith.constant 112 : i32
    %dma_start3A_1261 = tpu.memref_slice %arg7[%dma_start3A_1260] : memref<128xi32, #tpu.memory_space<vmem>> -> memref<8xi32, #tpu.memory_space<vmem>>
    %dma_start3A_1262 = arith.constant 0 : i32
    %dma_start3A_1263 = arith.constant 0 : i32
    %dma_start3A_1264 = tpu.memref_slice %arg2[%dma_start3A_1262, %dma_start3A_1263] : memref<32768x2048xf32, #tpu.memory_space<hbm>> -> memref<32768x2048xf32, #tpu.memory_space<hbm>>
    tpu.enqueue_indirect_dma source(%dma_start3A_1264 : memref<32768x2048xf32, #tpu.memory_space<hbm>>) target(%dma_start3A_1259 : memref<8x2048xf32, #tpu.memory_space<vmem>>) offsets(%dma_start3A_1261 : memref<8xi32, #tpu.memory_space<vmem>>) semaphore(%arg13 : memref<!tpu.dma_semaphore, #tpu.memory_space<semaphore_mem>>)
    %dma_wait3A_1265 = arith.constant 3 : i32
    %dma_wait3A_1266 = arith.constant 0 : i32
    %dma_wait3A_1267 = arith.constant 0 : i32
    %dma_wait3A_1268 = tpu.memref_slice %arg8[%dma_wait3A_1265, %dma_wait3A_1266, %dma_wait3A_1267] : memref<6x8x2048xf32, #tpu.memory_space<vmem>> -> memref<1x8x2048xf32, #tpu.memory_space<vmem>>
    %dma_wait3A_1269 = tpu.memref_squeeze %dma_wait3A_1268 : memref<1x8x2048xf32, #tpu.memory_space<vmem>> -> memref<8x2048xf32, #tpu.memory_space<vmem>>
    %dma_wait3A_1270 = arith.constant 104 : i32
    %dma_wait3A_1271 = tpu.memref_slice %arg7[%dma_wait3A_1270] : memref<128xi32, #tpu.memory_space<vmem>> -> memref<8xi32, #tpu.memory_space<vmem>>
    %dma_wait3A_1272 = arith.constant 0 : i32
    %dma_wait3A_1273 = arith.constant 0 : i32
    %dma_wait3A_1274 = tpu.memref_slice %arg3[%dma_wait3A_1272, %dma_wait3A_1273] : memref<32768x2048xf32, #tpu.memory_space<hbm>> -> memref<32768x2048xf32, #tpu.memory_space<hbm>>
    tpu.wait_indirect_dma semaphore(%arg12 : memref<!tpu.dma_semaphore, #tpu.memory_space<semaphore_mem>>) src(%dma_wait3A_1274 : memref<32768x2048xf32, #tpu.memory_space<hbm>>) dst(%dma_wait3A_1269 : memref<8x2048xf32, #tpu.memory_space<vmem>>)
    %add3A_1275 = arith.constant 104 : i32
    %add3A_1276 = arith.addi %mul3A_2, %add3A_1275 : i32
    %dma_start3A_1277 = arith.constant 3 : i32
    %dma_start3A_1278 = arith.constant 0 : i32
    %dma_start3A_1279 = arith.constant 0 : i32
    %dma_start3A_1280 = tpu.memref_slice %arg8[%dma_start3A_1277, %dma_start3A_1278, %dma_start3A_1279] : memref<6x8x2048xf32, #tpu.memory_space<vmem>> -> memref<1x8x2048xf32, #tpu.memory_space<vmem>>
    %dma_start3A_1281 = tpu.memref_squeeze %dma_start3A_1280 : memref<1x8x2048xf32, #tpu.memory_space<vmem>> -> memref<8x2048xf32, #tpu.memory_space<vmem>>
    %dma_start3A_1282 = arith.constant 0 : i32
    %dma_start3A_1283 = tpu.memref_slice %arg6[%add3A_1276, %dma_start3A_1282] : memref<4096x2048xf32, #tpu.memory_space<hbm>> -> memref<8x2048xf32, #tpu.memory_space<hbm>>
    %dma_start3A_1284 = arith.constant 0 : i32
    %dma_start3A_1285 = tpu.memref_slice %arg6[%add3A_1276, %dma_start3A_1284] : memref<4096x2048xf32, #tpu.memory_space<hbm>> -> memref<8x2048xf32, #tpu.memory_space<hbm>>
    %dma_start3A_1286 = arith.constant 0 : i32
    %dma_start3A_1287 = arith.constant 0 : i32
    %dma_start3A_1288 = tpu.memref_slice %arg8[%dma_start3A_1277, %dma_start3A_1286, %dma_start3A_1287] : memref<6x8x2048xf32, #tpu.memory_space<vmem>> -> memref<1x8x2048xf32, #tpu.memory_space<vmem>>
    %dma_start3A_1289 = tpu.memref_squeeze %dma_start3A_1288 : memref<1x8x2048xf32, #tpu.memory_space<vmem>> -> memref<8x2048xf32, #tpu.memory_space<vmem>>
    tpu.enqueue_dma source(%dma_start3A_1289 : memref<8x2048xf32, #tpu.memory_space<vmem>>) target(%dma_start3A_1285 : memref<8x2048xf32, #tpu.memory_space<hbm>>) target_semaphore(%arg18 : memref<!tpu.dma_semaphore, #tpu.memory_space<semaphore_mem>>)
    %dma_wait3A_1290 = arith.constant 5 : i32
    %dma_wait3A_1291 = arith.constant 0 : i32
    %dma_wait3A_1292 = arith.constant 0 : i32
    %dma_wait3A_1293 = tpu.memref_slice %arg8[%dma_wait3A_1290, %dma_wait3A_1291, %dma_wait3A_1292] : memref<6x8x2048xf32, #tpu.memory_space<vmem>> -> memref<1x8x2048xf32, #tpu.memory_space<vmem>>
    %dma_wait3A_1294 = tpu.memref_squeeze %dma_wait3A_1293 : memref<1x8x2048xf32, #tpu.memory_space<vmem>> -> memref<8x2048xf32, #tpu.memory_space<vmem>>
    %dma_wait3A_1295 = arith.constant 0 : i32
    %dma_wait3A_1296 = tpu.memref_slice %arg6[%add3A_1084, %dma_wait3A_1295] : memref<4096x2048xf32, #tpu.memory_space<hbm>> -> memref<8x2048xf32, #tpu.memory_space<hbm>>
    %dma_wait3A_1297 = arith.constant 0 : i32
    %dma_wait3A_1298 = tpu.memref_slice %arg6[%add3A_1084, %dma_wait3A_1297] : memref<4096x2048xf32, #tpu.memory_space<hbm>> -> memref<8x2048xf32, #tpu.memory_space<hbm>>
    %dma_wait3A_1299 = arith.constant 0 : i32
    %dma_wait3A_1300 = arith.constant 0 : i32
    %dma_wait3A_1301 = tpu.memref_slice %arg8[%dma_wait3A_1290, %dma_wait3A_1299, %dma_wait3A_1300] : memref<6x8x2048xf32, #tpu.memory_space<vmem>> -> memref<1x8x2048xf32, #tpu.memory_space<vmem>>
    %dma_wait3A_1302 = tpu.memref_squeeze %dma_wait3A_1301 : memref<1x8x2048xf32, #tpu.memory_space<vmem>> -> memref<8x2048xf32, #tpu.memory_space<vmem>>
    tpu.wait_dma2 semaphore(%arg20 : memref<!tpu.dma_semaphore, #tpu.memory_space<semaphore_mem>>) src(%dma_wait3A_1302 : memref<8x2048xf32, #tpu.memory_space<vmem>>) dst(%dma_wait3A_1298 : memref<8x2048xf32, #tpu.memory_space<hbm>>)
    %dma_start3A_1303 = arith.constant 5 : i32
    %dma_start3A_1304 = arith.constant 0 : i32
    %dma_start3A_1305 = arith.constant 0 : i32
    %dma_start3A_1306 = tpu.memref_slice %arg8[%dma_start3A_1303, %dma_start3A_1304, %dma_start3A_1305] : memref<6x8x2048xf32, #tpu.memory_space<vmem>> -> memref<1x8x2048xf32, #tpu.memory_space<vmem>>
    %dma_start3A_1307 = tpu.memref_squeeze %dma_start3A_1306 : memref<1x8x2048xf32, #tpu.memory_space<vmem>> -> memref<8x2048xf32, #tpu.memory_space<vmem>>
    %dma_start3A_1308 = arith.constant 112 : i32
    %dma_start3A_1309 = tpu.memref_slice %arg7[%dma_start3A_1308] : memref<128xi32, #tpu.memory_space<vmem>> -> memref<8xi32, #tpu.memory_space<vmem>>
    %dma_start3A_1310 = arith.constant 0 : i32
    %dma_start3A_1311 = arith.constant 0 : i32
    %dma_start3A_1312 = tpu.memref_slice %arg3[%dma_start3A_1310, %dma_start3A_1311] : memref<32768x2048xf32, #tpu.memory_space<hbm>> -> memref<32768x2048xf32, #tpu.memory_space<hbm>>
    tpu.enqueue_indirect_dma source(%dma_start3A_1312 : memref<32768x2048xf32, #tpu.memory_space<hbm>>) target(%dma_start3A_1307 : memref<8x2048xf32, #tpu.memory_space<vmem>>) offsets(%dma_start3A_1309 : memref<8xi32, #tpu.memory_space<vmem>>) semaphore(%arg14 : memref<!tpu.dma_semaphore, #tpu.memory_space<semaphore_mem>>)
    %dma_wait3A_1313 = arith.constant 4 : i32
    %dma_wait3A_1314 = arith.constant 0 : i32
    %dma_wait3A_1315 = arith.constant 0 : i32
    %dma_wait3A_1316 = tpu.memref_slice %arg8[%dma_wait3A_1313, %dma_wait3A_1314, %dma_wait3A_1315] : memref<6x8x2048xf32, #tpu.memory_space<vmem>> -> memref<1x8x2048xf32, #tpu.memory_space<vmem>>
    %dma_wait3A_1317 = tpu.memref_squeeze %dma_wait3A_1316 : memref<1x8x2048xf32, #tpu.memory_space<vmem>> -> memref<8x2048xf32, #tpu.memory_space<vmem>>
    %dma_wait3A_1318 = arith.constant 112 : i32
    %dma_wait3A_1319 = tpu.memref_slice %arg7[%dma_wait3A_1318] : memref<128xi32, #tpu.memory_space<vmem>> -> memref<8xi32, #tpu.memory_space<vmem>>
    %dma_wait3A_1320 = arith.constant 0 : i32
    %dma_wait3A_1321 = arith.constant 0 : i32
    %dma_wait3A_1322 = tpu.memref_slice %arg2[%dma_wait3A_1320, %dma_wait3A_1321] : memref<32768x2048xf32, #tpu.memory_space<hbm>> -> memref<32768x2048xf32, #tpu.memory_space<hbm>>
    tpu.wait_indirect_dma semaphore(%arg13 : memref<!tpu.dma_semaphore, #tpu.memory_space<semaphore_mem>>) src(%dma_wait3A_1322 : memref<32768x2048xf32, #tpu.memory_space<hbm>>) dst(%dma_wait3A_1317 : memref<8x2048xf32, #tpu.memory_space<vmem>>)
    %add3A_1323 = arith.constant 112 : i32
    %add3A_1324 = arith.addi %mul3A_2, %add3A_1323 : i32
    %dma_start3A_1325 = arith.constant 4 : i32
    %dma_start3A_1326 = arith.constant 0 : i32
    %dma_start3A_1327 = arith.constant 0 : i32
    %dma_start3A_1328 = tpu.memref_slice %arg8[%dma_start3A_1325, %dma_start3A_1326, %dma_start3A_1327] : memref<6x8x2048xf32, #tpu.memory_space<vmem>> -> memref<1x8x2048xf32, #tpu.memory_space<vmem>>
    %dma_start3A_1329 = tpu.memref_squeeze %dma_start3A_1328 : memref<1x8x2048xf32, #tpu.memory_space<vmem>> -> memref<8x2048xf32, #tpu.memory_space<vmem>>
    %dma_start3A_1330 = arith.constant 0 : i32
    %dma_start3A_1331 = tpu.memref_slice %arg5[%add3A_1324, %dma_start3A_1330] : memref<4096x2048xf32, #tpu.memory_space<hbm>> -> memref<8x2048xf32, #tpu.memory_space<hbm>>
    %dma_start3A_1332 = arith.constant 0 : i32
    %dma_start3A_1333 = tpu.memref_slice %arg5[%add3A_1324, %dma_start3A_1332] : memref<4096x2048xf32, #tpu.memory_space<hbm>> -> memref<8x2048xf32, #tpu.memory_space<hbm>>
    %dma_start3A_1334 = arith.constant 0 : i32
    %dma_start3A_1335 = arith.constant 0 : i32
    %dma_start3A_1336 = tpu.memref_slice %arg8[%dma_start3A_1325, %dma_start3A_1334, %dma_start3A_1335] : memref<6x8x2048xf32, #tpu.memory_space<vmem>> -> memref<1x8x2048xf32, #tpu.memory_space<vmem>>
    %dma_start3A_1337 = tpu.memref_squeeze %dma_start3A_1336 : memref<1x8x2048xf32, #tpu.memory_space<vmem>> -> memref<8x2048xf32, #tpu.memory_space<vmem>>
    tpu.enqueue_dma source(%dma_start3A_1337 : memref<8x2048xf32, #tpu.memory_space<vmem>>) target(%dma_start3A_1333 : memref<8x2048xf32, #tpu.memory_space<hbm>>) target_semaphore(%arg19 : memref<!tpu.dma_semaphore, #tpu.memory_space<semaphore_mem>>)
    %dma_wait3A_1338 = arith.constant 0 : i32
    %dma_wait3A_1339 = arith.constant 0 : i32
    %dma_wait3A_1340 = arith.constant 0 : i32
    %dma_wait3A_1341 = tpu.memref_slice %arg8[%dma_wait3A_1338, %dma_wait3A_1339, %dma_wait3A_1340] : memref<6x8x2048xf32, #tpu.memory_space<vmem>> -> memref<1x8x2048xf32, #tpu.memory_space<vmem>>
    %dma_wait3A_1342 = tpu.memref_squeeze %dma_wait3A_1341 : memref<1x8x2048xf32, #tpu.memory_space<vmem>> -> memref<8x2048xf32, #tpu.memory_space<vmem>>
    %dma_wait3A_1343 = arith.constant 0 : i32
    %dma_wait3A_1344 = tpu.memref_slice %arg5[%add3A_1132, %dma_wait3A_1343] : memref<4096x2048xf32, #tpu.memory_space<hbm>> -> memref<8x2048xf32, #tpu.memory_space<hbm>>
    %dma_wait3A_1345 = arith.constant 0 : i32
    %dma_wait3A_1346 = tpu.memref_slice %arg5[%add3A_1132, %dma_wait3A_1345] : memref<4096x2048xf32, #tpu.memory_space<hbm>> -> memref<8x2048xf32, #tpu.memory_space<hbm>>
    %dma_wait3A_1347 = arith.constant 0 : i32
    %dma_wait3A_1348 = arith.constant 0 : i32
    %dma_wait3A_1349 = tpu.memref_slice %arg8[%dma_wait3A_1338, %dma_wait3A_1347, %dma_wait3A_1348] : memref<6x8x2048xf32, #tpu.memory_space<vmem>> -> memref<1x8x2048xf32, #tpu.memory_space<vmem>>
    %dma_wait3A_1350 = tpu.memref_squeeze %dma_wait3A_1349 : memref<1x8x2048xf32, #tpu.memory_space<vmem>> -> memref<8x2048xf32, #tpu.memory_space<vmem>>
    tpu.wait_dma2 semaphore(%arg15 : memref<!tpu.dma_semaphore, #tpu.memory_space<semaphore_mem>>) src(%dma_wait3A_1350 : memref<8x2048xf32, #tpu.memory_space<vmem>>) dst(%dma_wait3A_1346 : memref<8x2048xf32, #tpu.memory_space<hbm>>)
    %dma_start3A_1351 = arith.constant 0 : i32
    %dma_start3A_1352 = arith.constant 0 : i32
    %dma_start3A_1353 = arith.constant 0 : i32
    %dma_start3A_1354 = tpu.memref_slice %arg8[%dma_start3A_1351, %dma_start3A_1352, %dma_start3A_1353] : memref<6x8x2048xf32, #tpu.memory_space<vmem>> -> memref<1x8x2048xf32, #tpu.memory_space<vmem>>
    %dma_start3A_1355 = tpu.memref_squeeze %dma_start3A_1354 : memref<1x8x2048xf32, #tpu.memory_space<vmem>> -> memref<8x2048xf32, #tpu.memory_space<vmem>>
    %dma_start3A_1356 = arith.constant 120 : i32
    %dma_start3A_1357 = tpu.memref_slice %arg7[%dma_start3A_1356] : memref<128xi32, #tpu.memory_space<vmem>> -> memref<8xi32, #tpu.memory_space<vmem>>
    %dma_start3A_1358 = arith.constant 0 : i32
    %dma_start3A_1359 = arith.constant 0 : i32
    %dma_start3A_1360 = tpu.memref_slice %arg2[%dma_start3A_1358, %dma_start3A_1359] : memref<32768x2048xf32, #tpu.memory_space<hbm>> -> memref<32768x2048xf32, #tpu.memory_space<hbm>>
    tpu.enqueue_indirect_dma source(%dma_start3A_1360 : memref<32768x2048xf32, #tpu.memory_space<hbm>>) target(%dma_start3A_1355 : memref<8x2048xf32, #tpu.memory_space<vmem>>) offsets(%dma_start3A_1357 : memref<8xi32, #tpu.memory_space<vmem>>) semaphore(%arg9 : memref<!tpu.dma_semaphore, #tpu.memory_space<semaphore_mem>>)
    %dma_wait3A_1361 = arith.constant 5 : i32
    %dma_wait3A_1362 = arith.constant 0 : i32
    %dma_wait3A_1363 = arith.constant 0 : i32
    %dma_wait3A_1364 = tpu.memref_slice %arg8[%dma_wait3A_1361, %dma_wait3A_1362, %dma_wait3A_1363] : memref<6x8x2048xf32, #tpu.memory_space<vmem>> -> memref<1x8x2048xf32, #tpu.memory_space<vmem>>
    %dma_wait3A_1365 = tpu.memref_squeeze %dma_wait3A_1364 : memref<1x8x2048xf32, #tpu.memory_space<vmem>> -> memref<8x2048xf32, #tpu.memory_space<vmem>>
    %dma_wait3A_1366 = arith.constant 112 : i32
    %dma_wait3A_1367 = tpu.memref_slice %arg7[%dma_wait3A_1366] : memref<128xi32, #tpu.memory_space<vmem>> -> memref<8xi32, #tpu.memory_space<vmem>>
    %dma_wait3A_1368 = arith.constant 0 : i32
    %dma_wait3A_1369 = arith.constant 0 : i32
    %dma_wait3A_1370 = tpu.memref_slice %arg3[%dma_wait3A_1368, %dma_wait3A_1369] : memref<32768x2048xf32, #tpu.memory_space<hbm>> -> memref<32768x2048xf32, #tpu.memory_space<hbm>>
    tpu.wait_indirect_dma semaphore(%arg14 : memref<!tpu.dma_semaphore, #tpu.memory_space<semaphore_mem>>) src(%dma_wait3A_1370 : memref<32768x2048xf32, #tpu.memory_space<hbm>>) dst(%dma_wait3A_1365 : memref<8x2048xf32, #tpu.memory_space<vmem>>)
    %add3A_1371 = arith.constant 112 : i32
    %add3A_1372 = arith.addi %mul3A_2, %add3A_1371 : i32
    %dma_start3A_1373 = arith.constant 5 : i32
    %dma_start3A_1374 = arith.constant 0 : i32
    %dma_start3A_1375 = arith.constant 0 : i32
    %dma_start3A_1376 = tpu.memref_slice %arg8[%dma_start3A_1373, %dma_start3A_1374, %dma_start3A_1375] : memref<6x8x2048xf32, #tpu.memory_space<vmem>> -> memref<1x8x2048xf32, #tpu.memory_space<vmem>>
    %dma_start3A_1377 = tpu.memref_squeeze %dma_start3A_1376 : memref<1x8x2048xf32, #tpu.memory_space<vmem>> -> memref<8x2048xf32, #tpu.memory_space<vmem>>
    %dma_start3A_1378 = arith.constant 0 : i32
    %dma_start3A_1379 = tpu.memref_slice %arg6[%add3A_1372, %dma_start3A_1378] : memref<4096x2048xf32, #tpu.memory_space<hbm>> -> memref<8x2048xf32, #tpu.memory_space<hbm>>
    %dma_start3A_1380 = arith.constant 0 : i32
    %dma_start3A_1381 = tpu.memref_slice %arg6[%add3A_1372, %dma_start3A_1380] : memref<4096x2048xf32, #tpu.memory_space<hbm>> -> memref<8x2048xf32, #tpu.memory_space<hbm>>
    %dma_start3A_1382 = arith.constant 0 : i32
    %dma_start3A_1383 = arith.constant 0 : i32
    %dma_start3A_1384 = tpu.memref_slice %arg8[%dma_start3A_1373, %dma_start3A_1382, %dma_start3A_1383] : memref<6x8x2048xf32, #tpu.memory_space<vmem>> -> memref<1x8x2048xf32, #tpu.memory_space<vmem>>
    %dma_start3A_1385 = tpu.memref_squeeze %dma_start3A_1384 : memref<1x8x2048xf32, #tpu.memory_space<vmem>> -> memref<8x2048xf32, #tpu.memory_space<vmem>>
    tpu.enqueue_dma source(%dma_start3A_1385 : memref<8x2048xf32, #tpu.memory_space<vmem>>) target(%dma_start3A_1381 : memref<8x2048xf32, #tpu.memory_space<hbm>>) target_semaphore(%arg20 : memref<!tpu.dma_semaphore, #tpu.memory_space<semaphore_mem>>)
    %dma_wait3A_1386 = arith.constant 1 : i32
    %dma_wait3A_1387 = arith.constant 0 : i32
    %dma_wait3A_1388 = arith.constant 0 : i32
    %dma_wait3A_1389 = tpu.memref_slice %arg8[%dma_wait3A_1386, %dma_wait3A_1387, %dma_wait3A_1388] : memref<6x8x2048xf32, #tpu.memory_space<vmem>> -> memref<1x8x2048xf32, #tpu.memory_space<vmem>>
    %dma_wait3A_1390 = tpu.memref_squeeze %dma_wait3A_1389 : memref<1x8x2048xf32, #tpu.memory_space<vmem>> -> memref<8x2048xf32, #tpu.memory_space<vmem>>
    %dma_wait3A_1391 = arith.constant 0 : i32
    %dma_wait3A_1392 = tpu.memref_slice %arg6[%add3A_1180, %dma_wait3A_1391] : memref<4096x2048xf32, #tpu.memory_space<hbm>> -> memref<8x2048xf32, #tpu.memory_space<hbm>>
    %dma_wait3A_1393 = arith.constant 0 : i32
    %dma_wait3A_1394 = tpu.memref_slice %arg6[%add3A_1180, %dma_wait3A_1393] : memref<4096x2048xf32, #tpu.memory_space<hbm>> -> memref<8x2048xf32, #tpu.memory_space<hbm>>
    %dma_wait3A_1395 = arith.constant 0 : i32
    %dma_wait3A_1396 = arith.constant 0 : i32
    %dma_wait3A_1397 = tpu.memref_slice %arg8[%dma_wait3A_1386, %dma_wait3A_1395, %dma_wait3A_1396] : memref<6x8x2048xf32, #tpu.memory_space<vmem>> -> memref<1x8x2048xf32, #tpu.memory_space<vmem>>
    %dma_wait3A_1398 = tpu.memref_squeeze %dma_wait3A_1397 : memref<1x8x2048xf32, #tpu.memory_space<vmem>> -> memref<8x2048xf32, #tpu.memory_space<vmem>>
    tpu.wait_dma2 semaphore(%arg16 : memref<!tpu.dma_semaphore, #tpu.memory_space<semaphore_mem>>) src(%dma_wait3A_1398 : memref<8x2048xf32, #tpu.memory_space<vmem>>) dst(%dma_wait3A_1394 : memref<8x2048xf32, #tpu.memory_space<hbm>>)
    %dma_start3A_1399 = arith.constant 1 : i32
    %dma_start3A_1400 = arith.constant 0 : i32
    %dma_start3A_1401 = arith.constant 0 : i32
    %dma_start3A_1402 = tpu.memref_slice %arg8[%dma_start3A_1399, %dma_start3A_1400, %dma_start3A_1401] : memref<6x8x2048xf32, #tpu.memory_space<vmem>> -> memref<1x8x2048xf32, #tpu.memory_space<vmem>>
    %dma_start3A_1403 = tpu.memref_squeeze %dma_start3A_1402 : memref<1x8x2048xf32, #tpu.memory_space<vmem>> -> memref<8x2048xf32, #tpu.memory_space<vmem>>
    %dma_start3A_1404 = arith.constant 120 : i32
    %dma_start3A_1405 = tpu.memref_slice %arg7[%dma_start3A_1404] : memref<128xi32, #tpu.memory_space<vmem>> -> memref<8xi32, #tpu.memory_space<vmem>>
    %dma_start3A_1406 = arith.constant 0 : i32
    %dma_start3A_1407 = arith.constant 0 : i32
    %dma_start3A_1408 = tpu.memref_slice %arg3[%dma_start3A_1406, %dma_start3A_1407] : memref<32768x2048xf32, #tpu.memory_space<hbm>> -> memref<32768x2048xf32, #tpu.memory_space<hbm>>
    tpu.enqueue_indirect_dma source(%dma_start3A_1408 : memref<32768x2048xf32, #tpu.memory_space<hbm>>) target(%dma_start3A_1403 : memref<8x2048xf32, #tpu.memory_space<vmem>>) offsets(%dma_start3A_1405 : memref<8xi32, #tpu.memory_space<vmem>>) semaphore(%arg10 : memref<!tpu.dma_semaphore, #tpu.memory_space<semaphore_mem>>)
    %dma_wait3A_1409 = arith.constant 0 : i32
    %dma_wait3A_1410 = arith.constant 0 : i32
    %dma_wait3A_1411 = arith.constant 0 : i32
    %dma_wait3A_1412 = tpu.memref_slice %arg8[%dma_wait3A_1409, %dma_wait3A_1410, %dma_wait3A_1411] : memref<6x8x2048xf32, #tpu.memory_space<vmem>> -> memref<1x8x2048xf32, #tpu.memory_space<vmem>>
    %dma_wait3A_1413 = tpu.memref_squeeze %dma_wait3A_1412 : memref<1x8x2048xf32, #tpu.memory_space<vmem>> -> memref<8x2048xf32, #tpu.memory_space<vmem>>
    %dma_wait3A_1414 = arith.constant 120 : i32
    %dma_wait3A_1415 = tpu.memref_slice %arg7[%dma_wait3A_1414] : memref<128xi32, #tpu.memory_space<vmem>> -> memref<8xi32, #tpu.memory_space<vmem>>
    %dma_wait3A_1416 = arith.constant 0 : i32
    %dma_wait3A_1417 = arith.constant 0 : i32
    %dma_wait3A_1418 = tpu.memref_slice %arg2[%dma_wait3A_1416, %dma_wait3A_1417] : memref<32768x2048xf32, #tpu.memory_space<hbm>> -> memref<32768x2048xf32, #tpu.memory_space<hbm>>
    tpu.wait_indirect_dma semaphore(%arg9 : memref<!tpu.dma_semaphore, #tpu.memory_space<semaphore_mem>>) src(%dma_wait3A_1418 : memref<32768x2048xf32, #tpu.memory_space<hbm>>) dst(%dma_wait3A_1413 : memref<8x2048xf32, #tpu.memory_space<vmem>>)
    %add3A_1419 = arith.constant 120 : i32
    %add3A_1420 = arith.addi %mul3A_2, %add3A_1419 : i32
    %dma_start3A_1421 = arith.constant 0 : i32
    %dma_start3A_1422 = arith.constant 0 : i32
    %dma_start3A_1423 = arith.constant 0 : i32
    %dma_start3A_1424 = tpu.memref_slice %arg8[%dma_start3A_1421, %dma_start3A_1422, %dma_start3A_1423] : memref<6x8x2048xf32, #tpu.memory_space<vmem>> -> memref<1x8x2048xf32, #tpu.memory_space<vmem>>
    %dma_start3A_1425 = tpu.memref_squeeze %dma_start3A_1424 : memref<1x8x2048xf32, #tpu.memory_space<vmem>> -> memref<8x2048xf32, #tpu.memory_space<vmem>>
    %dma_start3A_1426 = arith.constant 0 : i32
    %dma_start3A_1427 = tpu.memref_slice %arg5[%add3A_1420, %dma_start3A_1426] : memref<4096x2048xf32, #tpu.memory_space<hbm>> -> memref<8x2048xf32, #tpu.memory_space<hbm>>
    %dma_start3A_1428 = arith.constant 0 : i32
    %dma_start3A_1429 = tpu.memref_slice %arg5[%add3A_1420, %dma_start3A_1428] : memref<4096x2048xf32, #tpu.memory_space<hbm>> -> memref<8x2048xf32, #tpu.memory_space<hbm>>
    %dma_start3A_1430 = arith.constant 0 : i32
    %dma_start3A_1431 = arith.constant 0 : i32
    %dma_start3A_1432 = tpu.memref_slice %arg8[%dma_start3A_1421, %dma_start3A_1430, %dma_start3A_1431] : memref<6x8x2048xf32, #tpu.memory_space<vmem>> -> memref<1x8x2048xf32, #tpu.memory_space<vmem>>
    %dma_start3A_1433 = tpu.memref_squeeze %dma_start3A_1432 : memref<1x8x2048xf32, #tpu.memory_space<vmem>> -> memref<8x2048xf32, #tpu.memory_space<vmem>>
    tpu.enqueue_dma source(%dma_start3A_1433 : memref<8x2048xf32, #tpu.memory_space<vmem>>) target(%dma_start3A_1429 : memref<8x2048xf32, #tpu.memory_space<hbm>>) target_semaphore(%arg15 : memref<!tpu.dma_semaphore, #tpu.memory_space<semaphore_mem>>)
    %dma_wait3A_1434 = arith.constant 1 : i32
    %dma_wait3A_1435 = arith.constant 0 : i32
    %dma_wait3A_1436 = arith.constant 0 : i32
    %dma_wait3A_1437 = tpu.memref_slice %arg8[%dma_wait3A_1434, %dma_wait3A_1435, %dma_wait3A_1436] : memref<6x8x2048xf32, #tpu.memory_space<vmem>> -> memref<1x8x2048xf32, #tpu.memory_space<vmem>>
    %dma_wait3A_1438 = tpu.memref_squeeze %dma_wait3A_1437 : memref<1x8x2048xf32, #tpu.memory_space<vmem>> -> memref<8x2048xf32, #tpu.memory_space<vmem>>
    %dma_wait3A_1439 = arith.constant 120 : i32
    %dma_wait3A_1440 = tpu.memref_slice %arg7[%dma_wait3A_1439] : memref<128xi32, #tpu.memory_space<vmem>> -> memref<8xi32, #tpu.memory_space<vmem>>
    %dma_wait3A_1441 = arith.constant 0 : i32
    %dma_wait3A_1442 = arith.constant 0 : i32
    %dma_wait3A_1443 = tpu.memref_slice %arg3[%dma_wait3A_1441, %dma_wait3A_1442] : memref<32768x2048xf32, #tpu.memory_space<hbm>> -> memref<32768x2048xf32, #tpu.memory_space<hbm>>
    tpu.wait_indirect_dma semaphore(%arg10 : memref<!tpu.dma_semaphore, #tpu.memory_space<semaphore_mem>>) src(%dma_wait3A_1443 : memref<32768x2048xf32, #tpu.memory_space<hbm>>) dst(%dma_wait3A_1438 : memref<8x2048xf32, #tpu.memory_space<vmem>>)
    %add3A_1444 = arith.constant 120 : i32
    %add3A_1445 = arith.addi %mul3A_2, %add3A_1444 : i32
    %dma_start3A_1446 = arith.constant 1 : i32
    %dma_start3A_1447 = arith.constant 0 : i32
    %dma_start3A_1448 = arith.constant 0 : i32
    %dma_start3A_1449 = tpu.memref_slice %arg8[%dma_start3A_1446, %dma_start3A_1447, %dma_start3A_1448] : memref<6x8x2048xf32, #tpu.memory_space<vmem>> -> memref<1x8x2048xf32, #tpu.memory_space<vmem>>
    %dma_start3A_1450 = tpu.memref_squeeze %dma_start3A_1449 : memref<1x8x2048xf32, #tpu.memory_space<vmem>> -> memref<8x2048xf32, #tpu.memory_space<vmem>>
    %dma_start3A_1451 = arith.constant 0 : i32
    %dma_start3A_1452 = tpu.memref_slice %arg6[%add3A_1445, %dma_start3A_1451] : memref<4096x2048xf32, #tpu.memory_space<hbm>> -> memref<8x2048xf32, #tpu.memory_space<hbm>>
    %dma_start3A_1453 = arith.constant 0 : i32
    %dma_start3A_1454 = tpu.memref_slice %arg6[%add3A_1445, %dma_start3A_1453] : memref<4096x2048xf32, #tpu.memory_space<hbm>> -> memref<8x2048xf32, #tpu.memory_space<hbm>>
    %dma_start3A_1455 = arith.constant 0 : i32
    %dma_start3A_1456 = arith.constant 0 : i32
    %dma_start3A_1457 = tpu.memref_slice %arg8[%dma_start3A_1446, %dma_start3A_1455, %dma_start3A_1456] : memref<6x8x2048xf32, #tpu.memory_space<vmem>> -> memref<1x8x2048xf32, #tpu.memory_space<vmem>>
    %dma_start3A_1458 = tpu.memref_squeeze %dma_start3A_1457 : memref<1x8x2048xf32, #tpu.memory_space<vmem>> -> memref<8x2048xf32, #tpu.memory_space<vmem>>
    tpu.enqueue_dma source(%dma_start3A_1458 : memref<8x2048xf32, #tpu.memory_space<vmem>>) target(%dma_start3A_1454 : memref<8x2048xf32, #tpu.memory_space<hbm>>) target_semaphore(%arg16 : memref<!tpu.dma_semaphore, #tpu.memory_space<semaphore_mem>>)
    %dma_wait3A_1459 = arith.constant 2 : i32
    %dma_wait3A_1460 = arith.constant 0 : i32
    %dma_wait3A_1461 = arith.constant 0 : i32
    %dma_wait3A_1462 = tpu.memref_slice %arg8[%dma_wait3A_1459, %dma_wait3A_1460, %dma_wait3A_1461] : memref<6x8x2048xf32, #tpu.memory_space<vmem>> -> memref<1x8x2048xf32, #tpu.memory_space<vmem>>
    %dma_wait3A_1463 = tpu.memref_squeeze %dma_wait3A_1462 : memref<1x8x2048xf32, #tpu.memory_space<vmem>> -> memref<8x2048xf32, #tpu.memory_space<vmem>>
    %dma_wait3A_1464 = arith.constant 0 : i32
    %dma_wait3A_1465 = tpu.memref_slice %arg5[%add3A_1228, %dma_wait3A_1464] : memref<4096x2048xf32, #tpu.memory_space<hbm>> -> memref<8x2048xf32, #tpu.memory_space<hbm>>
    %dma_wait3A_1466 = arith.constant 0 : i32
    %dma_wait3A_1467 = tpu.memref_slice %arg5[%add3A_1228, %dma_wait3A_1466] : memref<4096x2048xf32, #tpu.memory_space<hbm>> -> memref<8x2048xf32, #tpu.memory_space<hbm>>
    %dma_wait3A_1468 = arith.constant 0 : i32
    %dma_wait3A_1469 = arith.constant 0 : i32
    %dma_wait3A_1470 = tpu.memref_slice %arg8[%dma_wait3A_1459, %dma_wait3A_1468, %dma_wait3A_1469] : memref<6x8x2048xf32, #tpu.memory_space<vmem>> -> memref<1x8x2048xf32, #tpu.memory_space<vmem>>
    %dma_wait3A_1471 = tpu.memref_squeeze %dma_wait3A_1470 : memref<1x8x2048xf32, #tpu.memory_space<vmem>> -> memref<8x2048xf32, #tpu.memory_space<vmem>>
    tpu.wait_dma2 semaphore(%arg17 : memref<!tpu.dma_semaphore, #tpu.memory_space<semaphore_mem>>) src(%dma_wait3A_1471 : memref<8x2048xf32, #tpu.memory_space<vmem>>) dst(%dma_wait3A_1467 : memref<8x2048xf32, #tpu.memory_space<hbm>>)
    %dma_wait3A_1472 = arith.constant 3 : i32
    %dma_wait3A_1473 = arith.constant 0 : i32
    %dma_wait3A_1474 = arith.constant 0 : i32
    %dma_wait3A_1475 = tpu.memref_slice %arg8[%dma_wait3A_1472, %dma_wait3A_1473, %dma_wait3A_1474] : memref<6x8x2048xf32, #tpu.memory_space<vmem>> -> memref<1x8x2048xf32, #tpu.memory_space<vmem>>
    %dma_wait3A_1476 = tpu.memref_squeeze %dma_wait3A_1475 : memref<1x8x2048xf32, #tpu.memory_space<vmem>> -> memref<8x2048xf32, #tpu.memory_space<vmem>>
    %dma_wait3A_1477 = arith.constant 0 : i32
    %dma_wait3A_1478 = tpu.memref_slice %arg6[%add3A_1276, %dma_wait3A_1477] : memref<4096x2048xf32, #tpu.memory_space<hbm>> -> memref<8x2048xf32, #tpu.memory_space<hbm>>
    %dma_wait3A_1479 = arith.constant 0 : i32
    %dma_wait3A_1480 = tpu.memref_slice %arg6[%add3A_1276, %dma_wait3A_1479] : memref<4096x2048xf32, #tpu.memory_space<hbm>> -> memref<8x2048xf32, #tpu.memory_space<hbm>>
    %dma_wait3A_1481 = arith.constant 0 : i32
    %dma_wait3A_1482 = arith.constant 0 : i32
    %dma_wait3A_1483 = tpu.memref_slice %arg8[%dma_wait3A_1472, %dma_wait3A_1481, %dma_wait3A_1482] : memref<6x8x2048xf32, #tpu.memory_space<vmem>> -> memref<1x8x2048xf32, #tpu.memory_space<vmem>>
    %dma_wait3A_1484 = tpu.memref_squeeze %dma_wait3A_1483 : memref<1x8x2048xf32, #tpu.memory_space<vmem>> -> memref<8x2048xf32, #tpu.memory_space<vmem>>
    tpu.wait_dma2 semaphore(%arg18 : memref<!tpu.dma_semaphore, #tpu.memory_space<semaphore_mem>>) src(%dma_wait3A_1484 : memref<8x2048xf32, #tpu.memory_space<vmem>>) dst(%dma_wait3A_1480 : memref<8x2048xf32, #tpu.memory_space<hbm>>)
    %dma_wait3A_1485 = arith.constant 4 : i32
    %dma_wait3A_1486 = arith.constant 0 : i32
    %dma_wait3A_1487 = arith.constant 0 : i32
    %dma_wait3A_1488 = tpu.memref_slice %arg8[%dma_wait3A_1485, %dma_wait3A_1486, %dma_wait3A_1487] : memref<6x8x2048xf32, #tpu.memory_space<vmem>> -> memref<1x8x2048xf32, #tpu.memory_space<vmem>>
    %dma_wait3A_1489 = tpu.memref_squeeze %dma_wait3A_1488 : memref<1x8x2048xf32, #tpu.memory_space<vmem>> -> memref<8x2048xf32, #tpu.memory_space<vmem>>
    %dma_wait3A_1490 = arith.constant 0 : i32
    %dma_wait3A_1491 = tpu.memref_slice %arg5[%add3A_1324, %dma_wait3A_1490] : memref<4096x2048xf32, #tpu.memory_space<hbm>> -> memref<8x2048xf32, #tpu.memory_space<hbm>>
    %dma_wait3A_1492 = arith.constant 0 : i32
    %dma_wait3A_1493 = tpu.memref_slice %arg5[%add3A_1324, %dma_wait3A_1492] : memref<4096x2048xf32, #tpu.memory_space<hbm>> -> memref<8x2048xf32, #tpu.memory_space<hbm>>
    %dma_wait3A_1494 = arith.constant 0 : i32
    %dma_wait3A_1495 = arith.constant 0 : i32
    %dma_wait3A_1496 = tpu.memref_slice %arg8[%dma_wait3A_1485, %dma_wait3A_1494, %dma_wait3A_1495] : memref<6x8x2048xf32, #tpu.memory_space<vmem>> -> memref<1x8x2048xf32, #tpu.memory_space<vmem>>
    %dma_wait3A_1497 = tpu.memref_squeeze %dma_wait3A_1496 : memref<1x8x2048xf32, #tpu.memory_space<vmem>> -> memref<8x2048xf32, #tpu.memory_space<vmem>>
    tpu.wait_dma2 semaphore(%arg19 : memref<!tpu.dma_semaphore, #tpu.memory_space<semaphore_mem>>) src(%dma_wait3A_1497 : memref<8x2048xf32, #tpu.memory_space<vmem>>) dst(%dma_wait3A_1493 : memref<8x2048xf32, #tpu.memory_space<hbm>>)
    %dma_wait3A_1498 = arith.constant 5 : i32
    %dma_wait3A_1499 = arith.constant 0 : i32
    %dma_wait3A_1500 = arith.constant 0 : i32
    %dma_wait3A_1501 = tpu.memref_slice %arg8[%dma_wait3A_1498, %dma_wait3A_1499, %dma_wait3A_1500] : memref<6x8x2048xf32, #tpu.memory_space<vmem>> -> memref<1x8x2048xf32, #tpu.memory_space<vmem>>
    %dma_wait3A_1502 = tpu.memref_squeeze %dma_wait3A_1501 : memref<1x8x2048xf32, #tpu.memory_space<vmem>> -> memref<8x2048xf32, #tpu.memory_space<vmem>>
    %dma_wait3A_1503 = arith.constant 0 : i32
    %dma_wait3A_1504 = tpu.memref_slice %arg6[%add3A_1372, %dma_wait3A_1503] : memref<4096x2048xf32, #tpu.memory_space<hbm>> -> memref<8x2048xf32, #tpu.memory_space<hbm>>
    %dma_wait3A_1505 = arith.constant 0 : i32
    %dma_wait3A_1506 = tpu.memref_slice %arg6[%add3A_1372, %dma_wait3A_1505] : memref<4096x2048xf32, #tpu.memory_space<hbm>> -> memref<8x2048xf32, #tpu.memory_space<hbm>>
    %dma_wait3A_1507 = arith.constant 0 : i32
    %dma_wait3A_1508 = arith.constant 0 : i32
    %dma_wait3A_1509 = tpu.memref_slice %arg8[%dma_wait3A_1498, %dma_wait3A_1507, %dma_wait3A_1508] : memref<6x8x2048xf32, #tpu.memory_space<vmem>> -> memref<1x8x2048xf32, #tpu.memory_space<vmem>>
    %dma_wait3A_1510 = tpu.memref_squeeze %dma_wait3A_1509 : memref<1x8x2048xf32, #tpu.memory_space<vmem>> -> memref<8x2048xf32, #tpu.memory_space<vmem>>
    tpu.wait_dma2 semaphore(%arg20 : memref<!tpu.dma_semaphore, #tpu.memory_space<semaphore_mem>>) src(%dma_wait3A_1510 : memref<8x2048xf32, #tpu.memory_space<vmem>>) dst(%dma_wait3A_1506 : memref<8x2048xf32, #tpu.memory_space<hbm>>)
    %dma_wait3A_1511 = arith.constant 0 : i32
    %dma_wait3A_1512 = arith.constant 0 : i32
    %dma_wait3A_1513 = arith.constant 0 : i32
    %dma_wait3A_1514 = tpu.memref_slice %arg8[%dma_wait3A_1511, %dma_wait3A_1512, %dma_wait3A_1513] : memref<6x8x2048xf32, #tpu.memory_space<vmem>> -> memref<1x8x2048xf32, #tpu.memory_space<vmem>>
    %dma_wait3A_1515 = tpu.memref_squeeze %dma_wait3A_1514 : memref<1x8x2048xf32, #tpu.memory_space<vmem>> -> memref<8x2048xf32, #tpu.memory_space<vmem>>
    %dma_wait3A_1516 = arith.constant 0 : i32
    %dma_wait3A_1517 = tpu.memref_slice %arg5[%add3A_1420, %dma_wait3A_1516] : memref<4096x2048xf32, #tpu.memory_space<hbm>> -> memref<8x2048xf32, #tpu.memory_space<hbm>>
    %dma_wait3A_1518 = arith.constant 0 : i32
    %dma_wait3A_1519 = tpu.memref_slice %arg5[%add3A_1420, %dma_wait3A_1518] : memref<4096x2048xf32, #tpu.memory_space<hbm>> -> memref<8x2048xf32, #tpu.memory_space<hbm>>
    %dma_wait3A_1520 = arith.constant 0 : i32
    %dma_wait3A_1521 = arith.constant 0 : i32
    %dma_wait3A_1522 = tpu.memref_slice %arg8[%dma_wait3A_1511, %dma_wait3A_1520, %dma_wait3A_1521] : memref<6x8x2048xf32, #tpu.memory_space<vmem>> -> memref<1x8x2048xf32, #tpu.memory_space<vmem>>
    %dma_wait3A_1523 = tpu.memref_squeeze %dma_wait3A_1522 : memref<1x8x2048xf32, #tpu.memory_space<vmem>> -> memref<8x2048xf32, #tpu.memory_space<vmem>>
    tpu.wait_dma2 semaphore(%arg15 : memref<!tpu.dma_semaphore, #tpu.memory_space<semaphore_mem>>) src(%dma_wait3A_1523 : memref<8x2048xf32, #tpu.memory_space<vmem>>) dst(%dma_wait3A_1519 : memref<8x2048xf32, #tpu.memory_space<hbm>>)
    %dma_wait3A_1524 = arith.constant 1 : i32
    %dma_wait3A_1525 = arith.constant 0 : i32
    %dma_wait3A_1526 = arith.constant 0 : i32
    %dma_wait3A_1527 = tpu.memref_slice %arg8[%dma_wait3A_1524, %dma_wait3A_1525, %dma_wait3A_1526] : memref<6x8x2048xf32, #tpu.memory_space<vmem>> -> memref<1x8x2048xf32, #tpu.memory_space<vmem>>
    %dma_wait3A_1528 = tpu.memref_squeeze %dma_wait3A_1527 : memref<1x8x2048xf32, #tpu.memory_space<vmem>> -> memref<8x2048xf32, #tpu.memory_space<vmem>>
    %dma_wait3A_1529 = arith.constant 0 : i32
    %dma_wait3A_1530 = tpu.memref_slice %arg6[%add3A_1445, %dma_wait3A_1529] : memref<4096x2048xf32, #tpu.memory_space<hbm>> -> memref<8x2048xf32, #tpu.memory_space<hbm>>
    %dma_wait3A_1531 = arith.constant 0 : i32
    %dma_wait3A_1532 = tpu.memref_slice %arg6[%add3A_1445, %dma_wait3A_1531] : memref<4096x2048xf32, #tpu.memory_space<hbm>> -> memref<8x2048xf32, #tpu.memory_space<hbm>>
    %dma_wait3A_1533 = arith.constant 0 : i32
    %dma_wait3A_1534 = arith.constant 0 : i32
    %dma_wait3A_1535 = tpu.memref_slice %arg8[%dma_wait3A_1524, %dma_wait3A_1533, %dma_wait3A_1534] : memref<6x8x2048xf32, #tpu.memory_space<vmem>> -> memref<1x8x2048xf32, #tpu.memory_space<vmem>>
    %dma_wait3A_1536 = tpu.memref_squeeze %dma_wait3A_1535 : memref<1x8x2048xf32, #tpu.memory_space<vmem>> -> memref<8x2048xf32, #tpu.memory_space<vmem>>
    tpu.wait_dma2 semaphore(%arg16 : memref<!tpu.dma_semaphore, #tpu.memory_space<semaphore_mem>>) src(%dma_wait3A_1536 : memref<8x2048xf32, #tpu.memory_space<vmem>>) dst(%dma_wait3A_1532 : memref<8x2048xf32, #tpu.memory_space<hbm>>)
    return
  }
}

module attributes {stable_mosaic.version = 14 : i64} {
  func.func @_kpass_body(%arg0: i32, %arg1: i32, %arg2: memref<1x128x2048xf32, #tpu.memory_space<vmem>>, %arg3: memref<1x2048x2048xf32, #tpu.memory_space<vmem>>, %arg4: memref<1x1x2048xf32, #tpu.memory_space<vmem>>, %arg5: memref<1x128x2048xf32, #tpu.memory_space<vmem>>) attributes {dimension_semantics = [#tpu.dimension_semantics<arbitrary>, #tpu.dimension_semantics<arbitrary>], iteration_bounds = array<i64: 4, 4>, scalar_prefetch = 0 : i64, scratch_operands = 0 : i64, tpu.core_type = #tpu.core_type<tc>, window_params = [{transform_indices = @transform_0, window_bounds = array<i64: 1, 128, 2048>}, {transform_indices = @transform_1, window_bounds = array<i64: 1, 2048, 2048>}, {transform_indices = @transform_2, window_bounds = array<i64: 1, 1, 2048>}, {transform_indices = @transform_3, window_bounds = array<i64: 1, 128, 2048>}]} {
    %get3A = arith.constant 0 : index
    %get3A_0 = arith.constant 0 : index
    %get3A_1 = arith.constant 0 : index
    %get3A_2 = vector.load %arg3[%get3A, %get3A_0, %get3A_1] : memref<1x2048x2048xf32, #tpu.memory_space<vmem>>, vector<1x2048x2048xf32>
    %get3A_3 = vector.shape_cast %get3A_2 : vector<1x2048x2048xf32> to vector<2048x2048xf32>
    %reduce_sum3A = arith.constant dense<0.000000e+00> : vector<2048xf32>
    %reduce_sum3A_4 = vector.multi_reduction <add>, %get3A_3, %reduce_sum3A [0] : vector<2048x2048xf32> to vector<2048xf32>
    %broadcast_in_dim3A = vector.shape_cast %reduce_sum3A_4 : vector<2048xf32> to vector<1x2048xf32>
    %swap3A = arith.constant 0 : index
    %swap3A_5 = arith.constant 0 : index
    %swap3A_6 = arith.constant 0 : index
    %swap3A_7 = vector.load %arg4[%swap3A, %swap3A_5, %swap3A_6] : memref<1x1x2048xf32, #tpu.memory_space<vmem>>, vector<1x1x2048xf32>
    %swap3A_8 = vector.shape_cast %swap3A_7 : vector<1x1x2048xf32> to vector<1x2048xf32>
    %swap3A_9 = vector.shape_cast %broadcast_in_dim3A : vector<1x2048xf32> to vector<1x1x2048xf32>
    tpu.vector_store %arg4[%swap3A, %swap3A_5, %swap3A_6], %swap3A_9 {strides = array<i32>} : memref<1x1x2048xf32, #tpu.memory_space<vmem>>, vector<1x1x2048xf32>,
    %eq3A = arith.constant 3 : i32
    %eq3A_10 = arith.cmpi eq, %arg1, %eq3A : i32
    %convert_element_type3A = arith.extui %eq3A_10 : i1 to i32
    %cond3A = arith.constant 0 : i32
    %cond3A_11 = arith.cmpi ne, %convert_element_type3A, %cond3A : i32
    scf.if %cond3A_11 {
      %get3A_12 = arith.constant 0 : index
      %get3A_13 = arith.constant 0 : index
      %get3A_14 = arith.constant 0 : index
      %get3A_15 = vector.load %arg2[%get3A_12, %get3A_13, %get3A_14] : memref<1x128x2048xf32, #tpu.memory_space<vmem>>, vector<1x128x2048xf32>
      %get3A_16 = vector.shape_cast %get3A_15 : vector<1x128x2048xf32> to vector<128x2048xf32>
      %dot_general3A = arith.constant dense<0.000000e+00> : vector<128x2048xf32>
      %dot_general3A_17 = tpu.matmul %get3A_16, %get3A_3, %dot_general3A {dimension_numbers = #tpu.dot_dimension_numbers<[1], [1], [0], [0], [0, 0, 1, 0], [], []>, transpose_lhs_hint = false} : vector<128x2048xf32>, vector<2048x2048xf32>, vector<128x2048xf32> -> vector<128x2048xf32>
      %reduce_max3A = arith.constant dense<0xFF800000> : vector<128xf32>
      %reduce_max3A_18 = vector.multi_reduction <maximumf>, %dot_general3A_17, %reduce_max3A [1] : vector<128x2048xf32> to vector<128xf32>
      %broadcast_in_dim3A_19 = vector.shape_cast %reduce_max3A_18 : vector<128xf32> to vector<128x1xf32>
      %sub3A = vector.broadcast %broadcast_in_dim3A_19 : vector<128x1xf32> to vector<128x2048xf32>
      %sub3A_20 = arith.subf %dot_general3A_17, %sub3A : vector<128x2048xf32>
      %exp3A = math.exp %sub3A_20 : vector<128x2048xf32>
      %reduce_sum3A_21 = arith.constant dense<0.000000e+00> : vector<128xf32>
      %reduce_sum3A_22 = vector.multi_reduction <add>, %exp3A, %reduce_sum3A_21 [1] : vector<128x2048xf32> to vector<128xf32>
      %broadcast_in_dim3A_23 = vector.shape_cast %reduce_sum3A_22 : vector<128xf32> to vector<128x1xf32>
      %div3A = vector.broadcast %broadcast_in_dim3A_23 : vector<128x1xf32> to vector<128x2048xf32>
      %div3A_24 = arith.divf %exp3A, %div3A : vector<128x2048xf32>
      %swap3A_25 = arith.constant 0 : index
      %swap3A_26 = arith.constant 0 : index
      %swap3A_27 = arith.constant 0 : index
      %swap3A_28 = vector.load %arg5[%swap3A_25, %swap3A_26, %swap3A_27] : memref<1x128x2048xf32, #tpu.memory_space<vmem>>, vector<1x128x2048xf32>
      %swap3A_29 = vector.shape_cast %swap3A_28 : vector<1x128x2048xf32> to vector<128x2048xf32>
      %swap3A_30 = vector.shape_cast %div3A_24 : vector<128x2048xf32> to vector<1x128x2048xf32>
      tpu.vector_store %arg5[%swap3A_25, %swap3A_26, %swap3A_27], %swap3A_30 {strides = array<i32>} : memref<1x128x2048xf32, #tpu.memory_space<vmem>>, vector<1x128x2048xf32>,
    } else {
    }
    return
  }
  func.func @transform_0(%arg0: i32, %arg1: i32) -> (i32, i32, i32) {
    %c0_i32 = arith.constant 0 : i32
    %c0_i32_0 = arith.constant 0 : i32
    %c0_i32_1 = arith.constant 0 : i32
    return %arg0, %c0_i32, %c0_i32_0 : i32, i32, i32
  }
  func.func @transform_1(%arg0: i32, %arg1: i32) -> (i32, i32, i32) {
    %c0_i32 = arith.constant 0 : i32
    %c0_i32_0 = arith.constant 0 : i32
    return %arg0, %arg1, %c0_i32 : i32, i32, i32
  }
  func.func @transform_2(%arg0: i32, %arg1: i32) -> (i32, i32, i32) {
    %mul3A = arith.constant 4 : i32
    %mul3A_0 = arith.muli %arg0, %mul3A : i32
    %add3A = arith.addi %mul3A_0, %arg1 : i32
    %c0_i32 = arith.constant 0 : i32
    %c0_i32_1 = arith.constant 0 : i32
    %c0_i32_2 = arith.constant 0 : i32
    return %add3A, %c0_i32, %c0_i32_1 : i32, i32, i32
  }
  func.func @transform_3(%arg0: i32, %arg1: i32) -> (i32, i32, i32) {
    %c0_i32 = arith.constant 0 : i32
    %c0_i32_0 = arith.constant 0 : i32
    %c0_i32_1 = arith.constant 0 : i32
    return %arg0, %c0_i32, %c0_i32_0 : i32, i32, i32
  }
}

module attributes {stable_mosaic.version = 14 : i64} {
  func.func @_vpass_body(%arg0: i32, %arg1: i32, %arg2: memref<1x128x2048xf32, #tpu.memory_space<vmem>>, %arg3: memref<1x2048x2048xf32, #tpu.memory_space<vmem>>, %arg4: memref<1x1x2048xf32, #tpu.memory_space<vmem>>, %arg5: memref<1x128x2048xf32, #tpu.memory_space<vmem>>) attributes {dimension_semantics = [#tpu.dimension_semantics<arbitrary>, #tpu.dimension_semantics<arbitrary>], iteration_bounds = array<i64: 4, 4>, scalar_prefetch = 0 : i64, scratch_operands = 0 : i64, tpu.core_type = #tpu.core_type<tc>, window_params = [{transform_indices = @transform_0, window_bounds = array<i64: 1, 128, 2048>}, {transform_indices = @transform_1, window_bounds = array<i64: 1, 2048, 2048>}, {transform_indices = @transform_2, window_bounds = array<i64: 1, 1, 2048>}, {transform_indices = @transform_3, window_bounds = array<i64: 1, 128, 2048>}]} {
    %get3A = arith.constant 0 : index
    %get3A_0 = arith.constant 0 : index
    %get3A_1 = arith.constant 0 : index
    %get3A_2 = vector.load %arg3[%get3A, %get3A_0, %get3A_1] : memref<1x2048x2048xf32, #tpu.memory_space<vmem>>, vector<1x2048x2048xf32>
    %get3A_3 = vector.shape_cast %get3A_2 : vector<1x2048x2048xf32> to vector<2048x2048xf32>
    %reduce_sum3A = arith.constant dense<0.000000e+00> : vector<2048xf32>
    %reduce_sum3A_4 = vector.multi_reduction <add>, %get3A_3, %reduce_sum3A [0] : vector<2048x2048xf32> to vector<2048xf32>
    %broadcast_in_dim3A = vector.shape_cast %reduce_sum3A_4 : vector<2048xf32> to vector<1x2048xf32>
    %swap3A = arith.constant 0 : index
    %swap3A_5 = arith.constant 0 : index
    %swap3A_6 = arith.constant 0 : index
    %swap3A_7 = vector.load %arg4[%swap3A, %swap3A_5, %swap3A_6] : memref<1x1x2048xf32, #tpu.memory_space<vmem>>, vector<1x1x2048xf32>
    %swap3A_8 = vector.shape_cast %swap3A_7 : vector<1x1x2048xf32> to vector<1x2048xf32>
    %swap3A_9 = vector.shape_cast %broadcast_in_dim3A : vector<1x2048xf32> to vector<1x1x2048xf32>
    tpu.vector_store %arg4[%swap3A, %swap3A_5, %swap3A_6], %swap3A_9 {strides = array<i32>} : memref<1x1x2048xf32, #tpu.memory_space<vmem>>, vector<1x1x2048xf32>,
    %eq3A = arith.constant 3 : i32
    %eq3A_10 = arith.cmpi eq, %arg1, %eq3A : i32
    %convert_element_type3A = arith.extui %eq3A_10 : i1 to i32
    %cond3A = arith.constant 0 : i32
    %cond3A_11 = arith.cmpi ne, %convert_element_type3A, %cond3A : i32
    scf.if %cond3A_11 {
      %get3A_12 = arith.constant 0 : index
      %get3A_13 = arith.constant 0 : index
      %get3A_14 = arith.constant 0 : index
      %get3A_15 = vector.load %arg2[%get3A_12, %get3A_13, %get3A_14] : memref<1x128x2048xf32, #tpu.memory_space<vmem>>, vector<1x128x2048xf32>
      %get3A_16 = vector.shape_cast %get3A_15 : vector<1x128x2048xf32> to vector<128x2048xf32>
      %dot_general3A = arith.constant dense<0.000000e+00> : vector<128x2048xf32>
      %dot_general3A_17 = tpu.matmul %get3A_16, %get3A_3, %dot_general3A {dimension_numbers = #tpu.dot_dimension_numbers<[1], [0], [0], [1], [0, 0, 1, 1], [], []>, transpose_lhs_hint = false} : vector<128x2048xf32>, vector<2048x2048xf32>, vector<128x2048xf32> -> vector<128x2048xf32>
      %swap3A_18 = arith.constant 0 : index
      %swap3A_19 = arith.constant 0 : index
      %swap3A_20 = arith.constant 0 : index
      %swap3A_21 = vector.load %arg5[%swap3A_18, %swap3A_19, %swap3A_20] : memref<1x128x2048xf32, #tpu.memory_space<vmem>>, vector<1x128x2048xf32>
      %swap3A_22 = vector.shape_cast %swap3A_21 : vector<1x128x2048xf32> to vector<128x2048xf32>
      %swap3A_23 = vector.shape_cast %dot_general3A_17 : vector<128x2048xf32> to vector<1x128x2048xf32>
      tpu.vector_store %arg5[%swap3A_18, %swap3A_19, %swap3A_20], %swap3A_23 {strides = array<i32>} : memref<1x128x2048xf32, #tpu.memory_space<vmem>>, vector<1x128x2048xf32>,
    } else {
    }
    return
  }
  func.func @transform_0(%arg0: i32, %arg1: i32) -> (i32, i32, i32) {
    %c0_i32 = arith.constant 0 : i32
    %c0_i32_0 = arith.constant 0 : i32
    %c0_i32_1 = arith.constant 0 : i32
    return %arg0, %c0_i32, %c0_i32_0 : i32, i32, i32
  }
  func.func @transform_1(%arg0: i32, %arg1: i32) -> (i32, i32, i32) {
    %c0_i32 = arith.constant 0 : i32
    %c0_i32_0 = arith.constant 0 : i32
    return %arg0, %arg1, %c0_i32 : i32, i32, i32
  }
  func.func @transform_2(%arg0: i32, %arg1: i32) -> (i32, i32, i32) {
    %mul3A = arith.constant 4 : i32
    %mul3A_0 = arith.muli %arg0, %mul3A : i32
    %add3A = arith.addi %mul3A_0, %arg1 : i32
    %c0_i32 = arith.constant 0 : i32
    %c0_i32_1 = arith.constant 0 : i32
    %c0_i32_2 = arith.constant 0 : i32
    return %add3A, %c0_i32, %c0_i32_1 : i32, i32, i32
  }
  func.func @transform_3(%arg0: i32, %arg1: i32) -> (i32, i32, i32) {
    %c0_i32 = arith.constant 0 : i32
    %c0_i32_0 = arith.constant 0 : i32
    %c0_i32_1 = arith.constant 0 : i32
    return %arg0, %c0_i32, %c0_i32_0 : i32, i32, i32
  }
}

module attributes {stable_mosaic.version = 14 : i64} {
  func.func @_scores_body(%arg0: memref<32x2048xf32, #tpu.memory_space<vmem>>, %arg1: memref<2048x2048xf32, #tpu.memory_space<vmem>>, %arg2: memref<2048x2048xf32, #tpu.memory_space<vmem>>, %arg3: memref<4x128x2048xf32, #tpu.memory_space<vmem>>, %arg4: memref<4x128x2048xf32, #tpu.memory_space<vmem>>, %arg5: memref<256x16xi32, #tpu.memory_space<vmem>>) attributes {dimension_semantics = [], scalar_prefetch = 0 : i64, scratch_operands = 0 : i64, tpu.core_type = #tpu.core_type<tc>} {
    %get3A = arith.constant 0 : index
    %get3A_0 = arith.constant 0 : index
    %get3A_1 = vector.load %arg0[%get3A, %get3A_0] : memref<32x2048xf32, #tpu.memory_space<vmem>>, vector<32x2048xf32>
    %get3A_2 = arith.constant 0 : index
    %get3A_3 = arith.constant 0 : index
    %get3A_4 = vector.load %arg1[%get3A_2, %get3A_3] : memref<2048x2048xf32, #tpu.memory_space<vmem>>, vector<2048x2048xf32>
    %dot_general3A = arith.constant dense<0.000000e+00> : vector<32x2048xf32>
    %dot_general3A_5 = tpu.matmul %get3A_1, %get3A_4, %dot_general3A {dimension_numbers = #tpu.dot_dimension_numbers<[1], [1], [0], [0], [0, 0, 1, 0], [], []>, transpose_lhs_hint = false} : vector<32x2048xf32>, vector<2048x2048xf32>, vector<32x2048xf32> -> vector<32x2048xf32>
    %max3A = arith.constant 0.000000e+00 : f32
    %max3A_6 = vector.broadcast %max3A : f32 to vector<32x2048xf32>
    %max3A_7 = arith.maximumf %dot_general3A_5, %max3A_6 : vector<32x2048xf32>
    %get3A_8 = arith.constant 0 : index
    %get3A_9 = arith.constant 0 : index
    %get3A_10 = vector.load %arg2[%get3A_8, %get3A_9] : memref<2048x2048xf32, #tpu.memory_space<vmem>>, vector<2048x2048xf32>
    %dot_general3A_11 = arith.constant dense<0.000000e+00> : vector<32x2048xf32>
    %dot_general3A_12 = tpu.matmul %max3A_7, %get3A_10, %dot_general3A_11 {dimension_numbers = #tpu.dot_dimension_numbers<[1], [1], [0], [0], [0, 0, 1, 0], [], []>, transpose_lhs_hint = false} : vector<32x2048xf32>, vector<2048x2048xf32>, vector<32x2048xf32> -> vector<32x2048xf32>
    %slice3A = vector.extract_strided_slice %dot_general3A_12 {offsets = [0, 0], sizes = [16, 2048], strides = [1, 1]} : vector<32x2048xf32> to vector<16x2048xf32>
    %slice3A_13 = vector.extract_strided_slice %dot_general3A_12 {offsets = [16, 0], sizes = [16, 2048], strides = [1, 1]} : vector<32x2048xf32> to vector<16x2048xf32>
    %iota3A = tpu.iota {dimensions = array<i32: 0>} : vector<128x128xi32>
    %iota3A_14 = tpu.iota {dimensions = array<i32: 1>} : vector<128x128xi32>
    %iota3A_15 = tpu.iota {dimensions = array<i32: 0>} : vector<64x128xi32>
    %iota3A_16 = tpu.iota {dimensions = array<i32: 1>} : vector<64x128xi32>
    %get3A_17 = arith.constant 0 : index
    %get3A_18 = arith.constant 0 : index
    %get3A_19 = arith.constant 0 : index
    %get3A_20 = vector.load %arg3[%get3A_17, %get3A_18, %get3A_19] : memref<4x128x2048xf32, #tpu.memory_space<vmem>>, vector<1x128x2048xf32>
    %get3A_21 = vector.shape_cast %get3A_20 : vector<1x128x2048xf32> to vector<128x2048xf32>
    %slice3A_22 = vector.extract_strided_slice %slice3A {offsets = [0, 0], sizes = [4, 2048], strides = [1, 1]} : vector<16x2048xf32> to vector<4x2048xf32>
    %slice3A_23 = vector.extract_strided_slice %slice3A_13 {offsets = [0, 0], sizes = [4, 2048], strides = [1, 1]} : vector<16x2048xf32> to vector<4x2048xf32>
    %dot_general3A_24 = arith.constant dense<0.000000e+00> : vector<128x4xf32>
    %dot_general3A_25 = tpu.matmul %get3A_21, %slice3A_22, %dot_general3A_24 {dimension_numbers = #tpu.dot_dimension_numbers<[1], [1], [0], [0], [0, 0, 1, 0], [], []>, transpose_lhs_hint = false} : vector<128x2048xf32>, vector<4x2048xf32>, vector<128x4xf32> -> vector<128x4xf32>
    %reduce_max3A = arith.constant dense<0xFF800000> : vector<128xf32>
    %reduce_max3A_26 = vector.multi_reduction <maximumf>, %dot_general3A_25, %reduce_max3A [1] : vector<128x4xf32> to vector<128xf32>
    %broadcast_in_dim3A = vector.shape_cast %reduce_max3A_26 : vector<128xf32> to vector<128x1xf32>
    %sub3A = vector.broadcast %broadcast_in_dim3A : vector<128x1xf32> to vector<128x4xf32>
    %sub3A_27 = arith.subf %dot_general3A_25, %sub3A : vector<128x4xf32>
    %exp3A = math.exp %sub3A_27 : vector<128x4xf32>
    %reduce_sum3A = arith.constant dense<0.000000e+00> : vector<128xf32>
    %reduce_sum3A_28 = vector.multi_reduction <add>, %exp3A, %reduce_sum3A [1] : vector<128x4xf32> to vector<128xf32>
    %broadcast_in_dim3A_29 = vector.shape_cast %reduce_sum3A_28 : vector<128xf32> to vector<128x1xf32>
    %div3A = vector.broadcast %broadcast_in_dim3A_29 : vector<128x1xf32> to vector<128x4xf32>
    %div3A_30 = arith.divf %exp3A, %div3A : vector<128x4xf32>
    %dot_general3A_31 = arith.constant dense<0.000000e+00> : vector<128x2048xf32>
    %dot_general3A_32 = tpu.matmul %div3A_30, %slice3A_23, %dot_general3A_31 {dimension_numbers = #tpu.dot_dimension_numbers<[1], [0], [0], [1], [0, 0, 1, 1], [], []>, transpose_lhs_hint = false} : vector<128x4xf32>, vector<4x2048xf32>, vector<128x2048xf32> -> vector<128x2048xf32>
    %swap3A = arith.constant 0 : index
    %swap3A_33 = arith.constant 0 : index
    %swap3A_34 = arith.constant 0 : index
    %swap3A_35 = vector.load %arg4[%swap3A, %swap3A_33, %swap3A_34] : memref<4x128x2048xf32, #tpu.memory_space<vmem>>, vector<1x128x2048xf32>
    %swap3A_36 = vector.shape_cast %swap3A_35 : vector<1x128x2048xf32> to vector<128x2048xf32>
    %swap3A_37 = vector.shape_cast %dot_general3A_32 : vector<128x2048xf32> to vector<1x128x2048xf32>
    tpu.vector_store %arg4[%swap3A, %swap3A_33, %swap3A_34], %swap3A_37 {strides = array<i32>} : memref<4x128x2048xf32, #tpu.memory_space<vmem>>, vector<1x128x2048xf32>,
    %transpose3A = tpu.transpose %div3A_30, [1, 0] : vector<128x4xf32> -> vector<4x128xf32>
    %slice3A_38 = vector.extract_strided_slice %transpose3A {offsets = [0, 0], sizes = [1, 128], strides = [1, 1]} : vector<4x128xf32> to vector<1x128xf32>
    %broadcast_in_dim3A_39 = arith.constant 0 : i32
    %broadcast_in_dim3A_40 = vector.broadcast %broadcast_in_dim3A_39 : i32 to vector<1x128xi32>
    %slice3A_41 = vector.extract_strided_slice %div3A_30 {offsets = [0, 0], sizes = [128, 1], strides = [1, 1]} : vector<128x4xf32> to vector<128x1xf32>
    %gt3A = vector.broadcast %slice3A_41 : vector<128x1xf32> to vector<128x128xf32>
    %gt3A_42 = vector.broadcast %slice3A_38 : vector<1x128xf32> to vector<128x128xf32>
    %gt3A_43 = arith.cmpf ogt, %gt3A, %gt3A_42 : vector<128x128xf32>
    %lt3A = arith.cmpi slt, %iota3A, %iota3A_14 : vector<128x128xi32>
    %eq3A = vector.broadcast %slice3A_41 : vector<128x1xf32> to vector<128x128xf32>
    %eq3A_44 = vector.broadcast %slice3A_38 : vector<1x128xf32> to vector<128x128xf32>
    %eq3A_45 = arith.cmpf oeq, %eq3A, %eq3A_44 : vector<128x128xf32>
    %and3A = arith.andi %eq3A_45, %lt3A : vector<128x128xi1>
    %or3A = arith.ori %gt3A_43, %and3A : vector<128x128xi1>
    %jit3A = arith.constant 1 : i32
    %jit3A_46 = arith.constant 0 : i32
    %broadcast_in_dim3A_47 = vector.broadcast %jit3A : i32 to vector<128x128xi32>
    %broadcast_in_dim3A_48 = vector.broadcast %jit3A_46 : i32 to vector<128x128xi32>
    %select_n3A = arith.select %or3A, %broadcast_in_dim3A_47, %broadcast_in_dim3A_48 : vector<128x128xi1>, vector<128x128xi32>
    %reduce_sum3A_49 = arith.constant dense<0> : vector<128xi32>
    %reduce_sum3A_50 = vector.multi_reduction <add>, %select_n3A, %reduce_sum3A_49 [0] : vector<128x128xi32> to vector<128xi32>
    %broadcast_in_dim3A_51 = vector.shape_cast %reduce_sum3A_50 : vector<128xi32> to vector<1x128xi32>
    %add3A = arith.addi %broadcast_in_dim3A_40, %broadcast_in_dim3A_51 : vector<1x128xi32>
    %slice3A_52 = vector.extract_strided_slice %div3A_30 {offsets = [0, 1], sizes = [128, 1], strides = [1, 1]} : vector<128x4xf32> to vector<128x1xf32>
    %gt3A_53 = vector.broadcast %slice3A_52 : vector<128x1xf32> to vector<128x128xf32>
    %gt3A_54 = vector.broadcast %slice3A_38 : vector<1x128xf32> to vector<128x128xf32>
    %gt3A_55 = arith.cmpf ogt, %gt3A_53, %gt3A_54 : vector<128x128xf32>
    %lt3A_56 = arith.cmpi slt, %iota3A, %iota3A_14 : vector<128x128xi32>
    %eq3A_57 = vector.broadcast %slice3A_52 : vector<128x1xf32> to vector<128x128xf32>
    %eq3A_58 = vector.broadcast %slice3A_38 : vector<1x128xf32> to vector<128x128xf32>
    %eq3A_59 = arith.cmpf oeq, %eq3A_57, %eq3A_58 : vector<128x128xf32>
    %and3A_60 = arith.andi %eq3A_59, %lt3A_56 : vector<128x128xi1>
    %or3A_61 = arith.ori %gt3A_55, %and3A_60 : vector<128x128xi1>
    %jit3A_62 = arith.constant 1 : i32
    %jit3A_63 = arith.constant 0 : i32
    %broadcast_in_dim3A_64 = vector.broadcast %jit3A_62 : i32 to vector<128x128xi32>
    %broadcast_in_dim3A_65 = vector.broadcast %jit3A_63 : i32 to vector<128x128xi32>
    %select_n3A_66 = arith.select %or3A_61, %broadcast_in_dim3A_64, %broadcast_in_dim3A_65 : vector<128x128xi1>, vector<128x128xi32>
    %reduce_sum3A_67 = arith.constant dense<0> : vector<128xi32>
    %reduce_sum3A_68 = vector.multi_reduction <add>, %select_n3A_66, %reduce_sum3A_67 [0] : vector<128x128xi32> to vector<128xi32>
    %broadcast_in_dim3A_69 = vector.shape_cast %reduce_sum3A_68 : vector<128xi32> to vector<1x128xi32>
    %add3A_70 = arith.addi %add3A, %broadcast_in_dim3A_69 : vector<1x128xi32>
    %slice3A_71 = vector.extract_strided_slice %div3A_30 {offsets = [0, 2], sizes = [128, 1], strides = [1, 1]} : vector<128x4xf32> to vector<128x1xf32>
    %gt3A_72 = vector.broadcast %slice3A_71 : vector<128x1xf32> to vector<128x128xf32>
    %gt3A_73 = vector.broadcast %slice3A_38 : vector<1x128xf32> to vector<128x128xf32>
    %gt3A_74 = arith.cmpf ogt, %gt3A_72, %gt3A_73 : vector<128x128xf32>
    %lt3A_75 = arith.cmpi slt, %iota3A, %iota3A_14 : vector<128x128xi32>
    %eq3A_76 = vector.broadcast %slice3A_71 : vector<128x1xf32> to vector<128x128xf32>
    %eq3A_77 = vector.broadcast %slice3A_38 : vector<1x128xf32> to vector<128x128xf32>
    %eq3A_78 = arith.cmpf oeq, %eq3A_76, %eq3A_77 : vector<128x128xf32>
    %and3A_79 = arith.andi %eq3A_78, %lt3A_75 : vector<128x128xi1>
    %or3A_80 = arith.ori %gt3A_74, %and3A_79 : vector<128x128xi1>
    %jit3A_81 = arith.constant 1 : i32
    %jit3A_82 = arith.constant 0 : i32
    %broadcast_in_dim3A_83 = vector.broadcast %jit3A_81 : i32 to vector<128x128xi32>
    %broadcast_in_dim3A_84 = vector.broadcast %jit3A_82 : i32 to vector<128x128xi32>
    %select_n3A_85 = arith.select %or3A_80, %broadcast_in_dim3A_83, %broadcast_in_dim3A_84 : vector<128x128xi1>, vector<128x128xi32>
    %reduce_sum3A_86 = arith.constant dense<0> : vector<128xi32>
    %reduce_sum3A_87 = vector.multi_reduction <add>, %select_n3A_85, %reduce_sum3A_86 [0] : vector<128x128xi32> to vector<128xi32>
    %broadcast_in_dim3A_88 = vector.shape_cast %reduce_sum3A_87 : vector<128xi32> to vector<1x128xi32>
    %add3A_89 = arith.addi %add3A_70, %broadcast_in_dim3A_88 : vector<1x128xi32>
    %slice3A_90 = vector.extract_strided_slice %div3A_30 {offsets = [0, 3], sizes = [128, 1], strides = [1, 1]} : vector<128x4xf32> to vector<128x1xf32>
    %gt3A_91 = vector.broadcast %slice3A_90 : vector<128x1xf32> to vector<128x128xf32>
    %gt3A_92 = vector.broadcast %slice3A_38 : vector<1x128xf32> to vector<128x128xf32>
    %gt3A_93 = arith.cmpf ogt, %gt3A_91, %gt3A_92 : vector<128x128xf32>
    %lt3A_94 = arith.cmpi slt, %iota3A, %iota3A_14 : vector<128x128xi32>
    %eq3A_95 = vector.broadcast %slice3A_90 : vector<128x1xf32> to vector<128x128xf32>
    %eq3A_96 = vector.broadcast %slice3A_38 : vector<1x128xf32> to vector<128x128xf32>
    %eq3A_97 = arith.cmpf oeq, %eq3A_95, %eq3A_96 : vector<128x128xf32>
    %and3A_98 = arith.andi %eq3A_97, %lt3A_94 : vector<128x128xi1>
    %or3A_99 = arith.ori %gt3A_93, %and3A_98 : vector<128x128xi1>
    %jit3A_100 = arith.constant 1 : i32
    %jit3A_101 = arith.constant 0 : i32
    %broadcast_in_dim3A_102 = vector.broadcast %jit3A_100 : i32 to vector<128x128xi32>
    %broadcast_in_dim3A_103 = vector.broadcast %jit3A_101 : i32 to vector<128x128xi32>
    %select_n3A_104 = arith.select %or3A_99, %broadcast_in_dim3A_102, %broadcast_in_dim3A_103 : vector<128x128xi1>, vector<128x128xi32>
    %reduce_sum3A_105 = arith.constant dense<0> : vector<128xi32>
    %reduce_sum3A_106 = vector.multi_reduction <add>, %select_n3A_104, %reduce_sum3A_105 [0] : vector<128x128xi32> to vector<128xi32>
    %broadcast_in_dim3A_107 = vector.shape_cast %reduce_sum3A_106 : vector<128xi32> to vector<1x128xi32>
    %add3A_108 = arith.addi %add3A_89, %broadcast_in_dim3A_107 : vector<1x128xi32>
    %slice3A_109 = vector.extract_strided_slice %transpose3A {offsets = [1, 0], sizes = [1, 128], strides = [1, 1]} : vector<4x128xf32> to vector<1x128xf32>
    %broadcast_in_dim3A_110 = arith.constant 0 : i32
    %broadcast_in_dim3A_111 = vector.broadcast %broadcast_in_dim3A_110 : i32 to vector<1x128xi32>
    %slice3A_112 = vector.extract_strided_slice %div3A_30 {offsets = [0, 0], sizes = [128, 1], strides = [1, 1]} : vector<128x4xf32> to vector<128x1xf32>
    %gt3A_113 = vector.broadcast %slice3A_112 : vector<128x1xf32> to vector<128x128xf32>
    %gt3A_114 = vector.broadcast %slice3A_109 : vector<1x128xf32> to vector<128x128xf32>
    %gt3A_115 = arith.cmpf ogt, %gt3A_113, %gt3A_114 : vector<128x128xf32>
    %le3A = arith.cmpi sle, %iota3A, %iota3A_14 : vector<128x128xi32>
    %eq3A_116 = vector.broadcast %slice3A_112 : vector<128x1xf32> to vector<128x128xf32>
    %eq3A_117 = vector.broadcast %slice3A_109 : vector<1x128xf32> to vector<128x128xf32>
    %eq3A_118 = arith.cmpf oeq, %eq3A_116, %eq3A_117 : vector<128x128xf32>
    %and3A_119 = arith.andi %eq3A_118, %le3A : vector<128x128xi1>
    %or3A_120 = arith.ori %gt3A_115, %and3A_119 : vector<128x128xi1>
    %jit3A_121 = arith.constant 1 : i32
    %jit3A_122 = arith.constant 0 : i32
    %broadcast_in_dim3A_123 = vector.broadcast %jit3A_121 : i32 to vector<128x128xi32>
    %broadcast_in_dim3A_124 = vector.broadcast %jit3A_122 : i32 to vector<128x128xi32>
    %select_n3A_125 = arith.select %or3A_120, %broadcast_in_dim3A_123, %broadcast_in_dim3A_124 : vector<128x128xi1>, vector<128x128xi32>
    %reduce_sum3A_126 = arith.constant dense<0> : vector<128xi32>
    %reduce_sum3A_127 = vector.multi_reduction <add>, %select_n3A_125, %reduce_sum3A_126 [0] : vector<128x128xi32> to vector<128xi32>
    %broadcast_in_dim3A_128 = vector.shape_cast %reduce_sum3A_127 : vector<128xi32> to vector<1x128xi32>
    %add3A_129 = arith.addi %broadcast_in_dim3A_111, %broadcast_in_dim3A_128 : vector<1x128xi32>
    %slice3A_130 = vector.extract_strided_slice %div3A_30 {offsets = [0, 1], sizes = [128, 1], strides = [1, 1]} : vector<128x4xf32> to vector<128x1xf32>
    %gt3A_131 = vector.broadcast %slice3A_130 : vector<128x1xf32> to vector<128x128xf32>
    %gt3A_132 = vector.broadcast %slice3A_109 : vector<1x128xf32> to vector<128x128xf32>
    %gt3A_133 = arith.cmpf ogt, %gt3A_131, %gt3A_132 : vector<128x128xf32>
    %lt3A_134 = arith.cmpi slt, %iota3A, %iota3A_14 : vector<128x128xi32>
    %eq3A_135 = vector.broadcast %slice3A_130 : vector<128x1xf32> to vector<128x128xf32>
    %eq3A_136 = vector.broadcast %slice3A_109 : vector<1x128xf32> to vector<128x128xf32>
    %eq3A_137 = arith.cmpf oeq, %eq3A_135, %eq3A_136 : vector<128x128xf32>
    %and3A_138 = arith.andi %eq3A_137, %lt3A_134 : vector<128x128xi1>
    %or3A_139 = arith.ori %gt3A_133, %and3A_138 : vector<128x128xi1>
    %jit3A_140 = arith.constant 1 : i32
    %jit3A_141 = arith.constant 0 : i32
    %broadcast_in_dim3A_142 = vector.broadcast %jit3A_140 : i32 to vector<128x128xi32>
    %broadcast_in_dim3A_143 = vector.broadcast %jit3A_141 : i32 to vector<128x128xi32>
    %select_n3A_144 = arith.select %or3A_139, %broadcast_in_dim3A_142, %broadcast_in_dim3A_143 : vector<128x128xi1>, vector<128x128xi32>
    %reduce_sum3A_145 = arith.constant dense<0> : vector<128xi32>
    %reduce_sum3A_146 = vector.multi_reduction <add>, %select_n3A_144, %reduce_sum3A_145 [0] : vector<128x128xi32> to vector<128xi32>
    %broadcast_in_dim3A_147 = vector.shape_cast %reduce_sum3A_146 : vector<128xi32> to vector<1x128xi32>
    %add3A_148 = arith.addi %add3A_129, %broadcast_in_dim3A_147 : vector<1x128xi32>
    %slice3A_149 = vector.extract_strided_slice %div3A_30 {offsets = [0, 2], sizes = [128, 1], strides = [1, 1]} : vector<128x4xf32> to vector<128x1xf32>
    %gt3A_150 = vector.broadcast %slice3A_149 : vector<128x1xf32> to vector<128x128xf32>
    %gt3A_151 = vector.broadcast %slice3A_109 : vector<1x128xf32> to vector<128x128xf32>
    %gt3A_152 = arith.cmpf ogt, %gt3A_150, %gt3A_151 : vector<128x128xf32>
    %lt3A_153 = arith.cmpi slt, %iota3A, %iota3A_14 : vector<128x128xi32>
    %eq3A_154 = vector.broadcast %slice3A_149 : vector<128x1xf32> to vector<128x128xf32>
    %eq3A_155 = vector.broadcast %slice3A_109 : vector<1x128xf32> to vector<128x128xf32>
    %eq3A_156 = arith.cmpf oeq, %eq3A_154, %eq3A_155 : vector<128x128xf32>
    %and3A_157 = arith.andi %eq3A_156, %lt3A_153 : vector<128x128xi1>
    %or3A_158 = arith.ori %gt3A_152, %and3A_157 : vector<128x128xi1>
    %jit3A_159 = arith.constant 1 : i32
    %jit3A_160 = arith.constant 0 : i32
    %broadcast_in_dim3A_161 = vector.broadcast %jit3A_159 : i32 to vector<128x128xi32>
    %broadcast_in_dim3A_162 = vector.broadcast %jit3A_160 : i32 to vector<128x128xi32>
    %select_n3A_163 = arith.select %or3A_158, %broadcast_in_dim3A_161, %broadcast_in_dim3A_162 : vector<128x128xi1>, vector<128x128xi32>
    %reduce_sum3A_164 = arith.constant dense<0> : vector<128xi32>
    %reduce_sum3A_165 = vector.multi_reduction <add>, %select_n3A_163, %reduce_sum3A_164 [0] : vector<128x128xi32> to vector<128xi32>
    %broadcast_in_dim3A_166 = vector.shape_cast %reduce_sum3A_165 : vector<128xi32> to vector<1x128xi32>
    %add3A_167 = arith.addi %add3A_148, %broadcast_in_dim3A_166 : vector<1x128xi32>
    %slice3A_168 = vector.extract_strided_slice %div3A_30 {offsets = [0, 3], sizes = [128, 1], strides = [1, 1]} : vector<128x4xf32> to vector<128x1xf32>
    %gt3A_169 = vector.broadcast %slice3A_168 : vector<128x1xf32> to vector<128x128xf32>
    %gt3A_170 = vector.broadcast %slice3A_109 : vector<1x128xf32> to vector<128x128xf32>
    %gt3A_171 = arith.cmpf ogt, %gt3A_169, %gt3A_170 : vector<128x128xf32>
    %lt3A_172 = arith.cmpi slt, %iota3A, %iota3A_14 : vector<128x128xi32>
    %eq3A_173 = vector.broadcast %slice3A_168 : vector<128x1xf32> to vector<128x128xf32>
    %eq3A_174 = vector.broadcast %slice3A_109 : vector<1x128xf32> to vector<128x128xf32>
    %eq3A_175 = arith.cmpf oeq, %eq3A_173, %eq3A_174 : vector<128x128xf32>
    %and3A_176 = arith.andi %eq3A_175, %lt3A_172 : vector<128x128xi1>
    %or3A_177 = arith.ori %gt3A_171, %and3A_176 : vector<128x128xi1>
    %jit3A_178 = arith.constant 1 : i32
    %jit3A_179 = arith.constant 0 : i32
    %broadcast_in_dim3A_180 = vector.broadcast %jit3A_178 : i32 to vector<128x128xi32>
    %broadcast_in_dim3A_181 = vector.broadcast %jit3A_179 : i32 to vector<128x128xi32>
    %select_n3A_182 = arith.select %or3A_177, %broadcast_in_dim3A_180, %broadcast_in_dim3A_181 : vector<128x128xi1>, vector<128x128xi32>
    %reduce_sum3A_183 = arith.constant dense<0> : vector<128xi32>
    %reduce_sum3A_184 = vector.multi_reduction <add>, %select_n3A_182, %reduce_sum3A_183 [0] : vector<128x128xi32> to vector<128xi32>
    %broadcast_in_dim3A_185 = vector.shape_cast %reduce_sum3A_184 : vector<128xi32> to vector<1x128xi32>
    %add3A_186 = arith.addi %add3A_167, %broadcast_in_dim3A_185 : vector<1x128xi32>
    %slice3A_187 = vector.extract_strided_slice %transpose3A {offsets = [2, 0], sizes = [1, 128], strides = [1, 1]} : vector<4x128xf32> to vector<1x128xf32>
    %broadcast_in_dim3A_188 = arith.constant 0 : i32
    %broadcast_in_dim3A_189 = vector.broadcast %broadcast_in_dim3A_188 : i32 to vector<1x128xi32>
    %slice3A_190 = vector.extract_strided_slice %div3A_30 {offsets = [0, 0], sizes = [128, 1], strides = [1, 1]} : vector<128x4xf32> to vector<128x1xf32>
    %gt3A_191 = vector.broadcast %slice3A_190 : vector<128x1xf32> to vector<128x128xf32>
    %gt3A_192 = vector.broadcast %slice3A_187 : vector<1x128xf32> to vector<128x128xf32>
    %gt3A_193 = arith.cmpf ogt, %gt3A_191, %gt3A_192 : vector<128x128xf32>
    %le3A_194 = arith.cmpi sle, %iota3A, %iota3A_14 : vector<128x128xi32>
    %eq3A_195 = vector.broadcast %slice3A_190 : vector<128x1xf32> to vector<128x128xf32>
    %eq3A_196 = vector.broadcast %slice3A_187 : vector<1x128xf32> to vector<128x128xf32>
    %eq3A_197 = arith.cmpf oeq, %eq3A_195, %eq3A_196 : vector<128x128xf32>
    %and3A_198 = arith.andi %eq3A_197, %le3A_194 : vector<128x128xi1>
    %or3A_199 = arith.ori %gt3A_193, %and3A_198 : vector<128x128xi1>
    %jit3A_200 = arith.constant 1 : i32
    %jit3A_201 = arith.constant 0 : i32
    %broadcast_in_dim3A_202 = vector.broadcast %jit3A_200 : i32 to vector<128x128xi32>
    %broadcast_in_dim3A_203 = vector.broadcast %jit3A_201 : i32 to vector<128x128xi32>
    %select_n3A_204 = arith.select %or3A_199, %broadcast_in_dim3A_202, %broadcast_in_dim3A_203 : vector<128x128xi1>, vector<128x128xi32>
    %reduce_sum3A_205 = arith.constant dense<0> : vector<128xi32>
    %reduce_sum3A_206 = vector.multi_reduction <add>, %select_n3A_204, %reduce_sum3A_205 [0] : vector<128x128xi32> to vector<128xi32>
    %broadcast_in_dim3A_207 = vector.shape_cast %reduce_sum3A_206 : vector<128xi32> to vector<1x128xi32>
    %add3A_208 = arith.addi %broadcast_in_dim3A_189, %broadcast_in_dim3A_207 : vector<1x128xi32>
    %slice3A_209 = vector.extract_strided_slice %div3A_30 {offsets = [0, 1], sizes = [128, 1], strides = [1, 1]} : vector<128x4xf32> to vector<128x1xf32>
    %gt3A_210 = vector.broadcast %slice3A_209 : vector<128x1xf32> to vector<128x128xf32>
    %gt3A_211 = vector.broadcast %slice3A_187 : vector<1x128xf32> to vector<128x128xf32>
    %gt3A_212 = arith.cmpf ogt, %gt3A_210, %gt3A_211 : vector<128x128xf32>
    %le3A_213 = arith.cmpi sle, %iota3A, %iota3A_14 : vector<128x128xi32>
    %eq3A_214 = vector.broadcast %slice3A_209 : vector<128x1xf32> to vector<128x128xf32>
    %eq3A_215 = vector.broadcast %slice3A_187 : vector<1x128xf32> to vector<128x128xf32>
    %eq3A_216 = arith.cmpf oeq, %eq3A_214, %eq3A_215 : vector<128x128xf32>
    %and3A_217 = arith.andi %eq3A_216, %le3A_213 : vector<128x128xi1>
    %or3A_218 = arith.ori %gt3A_212, %and3A_217 : vector<128x128xi1>
    %jit3A_219 = arith.constant 1 : i32
    %jit3A_220 = arith.constant 0 : i32
    %broadcast_in_dim3A_221 = vector.broadcast %jit3A_219 : i32 to vector<128x128xi32>
    %broadcast_in_dim3A_222 = vector.broadcast %jit3A_220 : i32 to vector<128x128xi32>
    %select_n3A_223 = arith.select %or3A_218, %broadcast_in_dim3A_221, %broadcast_in_dim3A_222 : vector<128x128xi1>, vector<128x128xi32>
    %reduce_sum3A_224 = arith.constant dense<0> : vector<128xi32>
    %reduce_sum3A_225 = vector.multi_reduction <add>, %select_n3A_223, %reduce_sum3A_224 [0] : vector<128x128xi32> to vector<128xi32>
    %broadcast_in_dim3A_226 = vector.shape_cast %reduce_sum3A_225 : vector<128xi32> to vector<1x128xi32>
    %add3A_227 = arith.addi %add3A_208, %broadcast_in_dim3A_226 : vector<1x128xi32>
    %slice3A_228 = vector.extract_strided_slice %div3A_30 {offsets = [0, 2], sizes = [128, 1], strides = [1, 1]} : vector<128x4xf32> to vector<128x1xf32>
    %gt3A_229 = vector.broadcast %slice3A_228 : vector<128x1xf32> to vector<128x128xf32>
    %gt3A_230 = vector.broadcast %slice3A_187 : vector<1x128xf32> to vector<128x128xf32>
    %gt3A_231 = arith.cmpf ogt, %gt3A_229, %gt3A_230 : vector<128x128xf32>
    %lt3A_232 = arith.cmpi slt, %iota3A, %iota3A_14 : vector<128x128xi32>
    %eq3A_233 = vector.broadcast %slice3A_228 : vector<128x1xf32> to vector<128x128xf32>
    %eq3A_234 = vector.broadcast %slice3A_187 : vector<1x128xf32> to vector<128x128xf32>
    %eq3A_235 = arith.cmpf oeq, %eq3A_233, %eq3A_234 : vector<128x128xf32>
    %and3A_236 = arith.andi %eq3A_235, %lt3A_232 : vector<128x128xi1>
    %or3A_237 = arith.ori %gt3A_231, %and3A_236 : vector<128x128xi1>
    %jit3A_238 = arith.constant 1 : i32
    %jit3A_239 = arith.constant 0 : i32
    %broadcast_in_dim3A_240 = vector.broadcast %jit3A_238 : i32 to vector<128x128xi32>
    %broadcast_in_dim3A_241 = vector.broadcast %jit3A_239 : i32 to vector<128x128xi32>
    %select_n3A_242 = arith.select %or3A_237, %broadcast_in_dim3A_240, %broadcast_in_dim3A_241 : vector<128x128xi1>, vector<128x128xi32>
    %reduce_sum3A_243 = arith.constant dense<0> : vector<128xi32>
    %reduce_sum3A_244 = vector.multi_reduction <add>, %select_n3A_242, %reduce_sum3A_243 [0] : vector<128x128xi32> to vector<128xi32>
    %broadcast_in_dim3A_245 = vector.shape_cast %reduce_sum3A_244 : vector<128xi32> to vector<1x128xi32>
    %add3A_246 = arith.addi %add3A_227, %broadcast_in_dim3A_245 : vector<1x128xi32>
    %slice3A_247 = vector.extract_strided_slice %div3A_30 {offsets = [0, 3], sizes = [128, 1], strides = [1, 1]} : vector<128x4xf32> to vector<128x1xf32>
    %gt3A_248 = vector.broadcast %slice3A_247 : vector<128x1xf32> to vector<128x128xf32>
    %gt3A_249 = vector.broadcast %slice3A_187 : vector<1x128xf32> to vector<128x128xf32>
    %gt3A_250 = arith.cmpf ogt, %gt3A_248, %gt3A_249 : vector<128x128xf32>
    %lt3A_251 = arith.cmpi slt, %iota3A, %iota3A_14 : vector<128x128xi32>
    %eq3A_252 = vector.broadcast %slice3A_247 : vector<128x1xf32> to vector<128x128xf32>
    %eq3A_253 = vector.broadcast %slice3A_187 : vector<1x128xf32> to vector<128x128xf32>
    %eq3A_254 = arith.cmpf oeq, %eq3A_252, %eq3A_253 : vector<128x128xf32>
    %and3A_255 = arith.andi %eq3A_254, %lt3A_251 : vector<128x128xi1>
    %or3A_256 = arith.ori %gt3A_250, %and3A_255 : vector<128x128xi1>
    %jit3A_257 = arith.constant 1 : i32
    %jit3A_258 = arith.constant 0 : i32
    %broadcast_in_dim3A_259 = vector.broadcast %jit3A_257 : i32 to vector<128x128xi32>
    %broadcast_in_dim3A_260 = vector.broadcast %jit3A_258 : i32 to vector<128x128xi32>
    %select_n3A_261 = arith.select %or3A_256, %broadcast_in_dim3A_259, %broadcast_in_dim3A_260 : vector<128x128xi1>, vector<128x128xi32>
    %reduce_sum3A_262 = arith.constant dense<0> : vector<128xi32>
    %reduce_sum3A_263 = vector.multi_reduction <add>, %select_n3A_261, %reduce_sum3A_262 [0] : vector<128x128xi32> to vector<128xi32>
    %broadcast_in_dim3A_264 = vector.shape_cast %reduce_sum3A_263 : vector<128xi32> to vector<1x128xi32>
    %add3A_265 = arith.addi %add3A_246, %broadcast_in_dim3A_264 : vector<1x128xi32>
    %slice3A_266 = vector.extract_strided_slice %transpose3A {offsets = [3, 0], sizes = [1, 128], strides = [1, 1]} : vector<4x128xf32> to vector<1x128xf32>
    %broadcast_in_dim3A_267 = arith.constant 0 : i32
    %broadcast_in_dim3A_268 = vector.broadcast %broadcast_in_dim3A_267 : i32 to vector<1x128xi32>
    %slice3A_269 = vector.extract_strided_slice %div3A_30 {offsets = [0, 0], sizes = [128, 1], strides = [1, 1]} : vector<128x4xf32> to vector<128x1xf32>
    %gt3A_270 = vector.broadcast %slice3A_269 : vector<128x1xf32> to vector<128x128xf32>
    %gt3A_271 = vector.broadcast %slice3A_266 : vector<1x128xf32> to vector<128x128xf32>
    %gt3A_272 = arith.cmpf ogt, %gt3A_270, %gt3A_271 : vector<128x128xf32>
    %le3A_273 = arith.cmpi sle, %iota3A, %iota3A_14 : vector<128x128xi32>
    %eq3A_274 = vector.broadcast %slice3A_269 : vector<128x1xf32> to vector<128x128xf32>
    %eq3A_275 = vector.broadcast %slice3A_266 : vector<1x128xf32> to vector<128x128xf32>
    %eq3A_276 = arith.cmpf oeq, %eq3A_274, %eq3A_275 : vector<128x128xf32>
    %and3A_277 = arith.andi %eq3A_276, %le3A_273 : vector<128x128xi1>
    %or3A_278 = arith.ori %gt3A_272, %and3A_277 : vector<128x128xi1>
    %jit3A_279 = arith.constant 1 : i32
    %jit3A_280 = arith.constant 0 : i32
    %broadcast_in_dim3A_281 = vector.broadcast %jit3A_279 : i32 to vector<128x128xi32>
    %broadcast_in_dim3A_282 = vector.broadcast %jit3A_280 : i32 to vector<128x128xi32>
    %select_n3A_283 = arith.select %or3A_278, %broadcast_in_dim3A_281, %broadcast_in_dim3A_282 : vector<128x128xi1>, vector<128x128xi32>
    %reduce_sum3A_284 = arith.constant dense<0> : vector<128xi32>
    %reduce_sum3A_285 = vector.multi_reduction <add>, %select_n3A_283, %reduce_sum3A_284 [0] : vector<128x128xi32> to vector<128xi32>
    %broadcast_in_dim3A_286 = vector.shape_cast %reduce_sum3A_285 : vector<128xi32> to vector<1x128xi32>
    %add3A_287 = arith.addi %broadcast_in_dim3A_268, %broadcast_in_dim3A_286 : vector<1x128xi32>
    %slice3A_288 = vector.extract_strided_slice %div3A_30 {offsets = [0, 1], sizes = [128, 1], strides = [1, 1]} : vector<128x4xf32> to vector<128x1xf32>
    %gt3A_289 = vector.broadcast %slice3A_288 : vector<128x1xf32> to vector<128x128xf32>
    %gt3A_290 = vector.broadcast %slice3A_266 : vector<1x128xf32> to vector<128x128xf32>
    %gt3A_291 = arith.cmpf ogt, %gt3A_289, %gt3A_290 : vector<128x128xf32>
    %le3A_292 = arith.cmpi sle, %iota3A, %iota3A_14 : vector<128x128xi32>
    %eq3A_293 = vector.broadcast %slice3A_288 : vector<128x1xf32> to vector<128x128xf32>
    %eq3A_294 = vector.broadcast %slice3A_266 : vector<1x128xf32> to vector<128x128xf32>
    %eq3A_295 = arith.cmpf oeq, %eq3A_293, %eq3A_294 : vector<128x128xf32>
    %and3A_296 = arith.andi %eq3A_295, %le3A_292 : vector<128x128xi1>
    %or3A_297 = arith.ori %gt3A_291, %and3A_296 : vector<128x128xi1>
    %jit3A_298 = arith.constant 1 : i32
    %jit3A_299 = arith.constant 0 : i32
    %broadcast_in_dim3A_300 = vector.broadcast %jit3A_298 : i32 to vector<128x128xi32>
    %broadcast_in_dim3A_301 = vector.broadcast %jit3A_299 : i32 to vector<128x128xi32>
    %select_n3A_302 = arith.select %or3A_297, %broadcast_in_dim3A_300, %broadcast_in_dim3A_301 : vector<128x128xi1>, vector<128x128xi32>
    %reduce_sum3A_303 = arith.constant dense<0> : vector<128xi32>
    %reduce_sum3A_304 = vector.multi_reduction <add>, %select_n3A_302, %reduce_sum3A_303 [0] : vector<128x128xi32> to vector<128xi32>
    %broadcast_in_dim3A_305 = vector.shape_cast %reduce_sum3A_304 : vector<128xi32> to vector<1x128xi32>
    %add3A_306 = arith.addi %add3A_287, %broadcast_in_dim3A_305 : vector<1x128xi32>
    %slice3A_307 = vector.extract_strided_slice %div3A_30 {offsets = [0, 2], sizes = [128, 1], strides = [1, 1]} : vector<128x4xf32> to vector<128x1xf32>
    %gt3A_308 = vector.broadcast %slice3A_307 : vector<128x1xf32> to vector<128x128xf32>
    %gt3A_309 = vector.broadcast %slice3A_266 : vector<1x128xf32> to vector<128x128xf32>
    %gt3A_310 = arith.cmpf ogt, %gt3A_308, %gt3A_309 : vector<128x128xf32>
    %le3A_311 = arith.cmpi sle, %iota3A, %iota3A_14 : vector<128x128xi32>
    %eq3A_312 = vector.broadcast %slice3A_307 : vector<128x1xf32> to vector<128x128xf32>
    %eq3A_313 = vector.broadcast %slice3A_266 : vector<1x128xf32> to vector<128x128xf32>
    %eq3A_314 = arith.cmpf oeq, %eq3A_312, %eq3A_313 : vector<128x128xf32>
    %and3A_315 = arith.andi %eq3A_314, %le3A_311 : vector<128x128xi1>
    %or3A_316 = arith.ori %gt3A_310, %and3A_315 : vector<128x128xi1>
    %jit3A_317 = arith.constant 1 : i32
    %jit3A_318 = arith.constant 0 : i32
    %broadcast_in_dim3A_319 = vector.broadcast %jit3A_317 : i32 to vector<128x128xi32>
    %broadcast_in_dim3A_320 = vector.broadcast %jit3A_318 : i32 to vector<128x128xi32>
    %select_n3A_321 = arith.select %or3A_316, %broadcast_in_dim3A_319, %broadcast_in_dim3A_320 : vector<128x128xi1>, vector<128x128xi32>
    %reduce_sum3A_322 = arith.constant dense<0> : vector<128xi32>
    %reduce_sum3A_323 = vector.multi_reduction <add>, %select_n3A_321, %reduce_sum3A_322 [0] : vector<128x128xi32> to vector<128xi32>
    %broadcast_in_dim3A_324 = vector.shape_cast %reduce_sum3A_323 : vector<128xi32> to vector<1x128xi32>
    %add3A_325 = arith.addi %add3A_306, %broadcast_in_dim3A_324 : vector<1x128xi32>
    %slice3A_326 = vector.extract_strided_slice %div3A_30 {offsets = [0, 3], sizes = [128, 1], strides = [1, 1]} : vector<128x4xf32> to vector<128x1xf32>
    %gt3A_327 = vector.broadcast %slice3A_326 : vector<128x1xf32> to vector<128x128xf32>
    %gt3A_328 = vector.broadcast %slice3A_266 : vector<1x128xf32> to vector<128x128xf32>
    %gt3A_329 = arith.cmpf ogt, %gt3A_327, %gt3A_328 : vector<128x128xf32>
    %lt3A_330 = arith.cmpi slt, %iota3A, %iota3A_14 : vector<128x128xi32>
    %eq3A_331 = vector.broadcast %slice3A_326 : vector<128x1xf32> to vector<128x128xf32>
    %eq3A_332 = vector.broadcast %slice3A_266 : vector<1x128xf32> to vector<128x128xf32>
    %eq3A_333 = arith.cmpf oeq, %eq3A_331, %eq3A_332 : vector<128x128xf32>
    %and3A_334 = arith.andi %eq3A_333, %lt3A_330 : vector<128x128xi1>
    %or3A_335 = arith.ori %gt3A_329, %and3A_334 : vector<128x128xi1>
    %jit3A_336 = arith.constant 1 : i32
    %jit3A_337 = arith.constant 0 : i32
    %broadcast_in_dim3A_338 = vector.broadcast %jit3A_336 : i32 to vector<128x128xi32>
    %broadcast_in_dim3A_339 = vector.broadcast %jit3A_337 : i32 to vector<128x128xi32>
    %select_n3A_340 = arith.select %or3A_335, %broadcast_in_dim3A_338, %broadcast_in_dim3A_339 : vector<128x128xi1>, vector<128x128xi32>
    %reduce_sum3A_341 = arith.constant dense<0> : vector<128xi32>
    %reduce_sum3A_342 = vector.multi_reduction <add>, %select_n3A_340, %reduce_sum3A_341 [0] : vector<128x128xi32> to vector<128xi32>
    %broadcast_in_dim3A_343 = vector.shape_cast %reduce_sum3A_342 : vector<128xi32> to vector<1x128xi32>
    %add3A_344 = arith.addi %add3A_325, %broadcast_in_dim3A_343 : vector<1x128xi32>
    %broadcast_in_dim3A_345 = arith.constant 0 : i32
    %broadcast_in_dim3A_346 = vector.broadcast %broadcast_in_dim3A_345 : i32 to vector<64x1xi32>
    %broadcast_in_dim3A_347 = vector.shape_cast %add3A_108 : vector<1x128xi32> to vector<1x128xi32>
    %broadcast_in_dim3A_348 = vector.broadcast %broadcast_in_dim3A_347 : vector<1x128xi32> to vector<64x128xi32>
    %eq3A_349 = arith.cmpi eq, %broadcast_in_dim3A_348, %iota3A_15 : vector<64x128xi32>
    %mul3A = arith.constant 4 : i32
    %mul3A_350 = vector.broadcast %mul3A : i32 to vector<64x128xi32>
    %mul3A_351 = arith.muli %iota3A_16, %mul3A_350 : vector<64x128xi32>
    %add3A_352 = arith.constant 0 : i32
    %add3A_353 = vector.broadcast %add3A_352 : i32 to vector<64x128xi32>
    %add3A_354 = arith.addi %mul3A_351, %add3A_353 : vector<64x128xi32>
    %jit3A_355 = arith.constant 0 : i32
    %broadcast_in_dim3A_356 = vector.broadcast %jit3A_355 : i32 to vector<64x128xi32>
    %select_n3A_357 = arith.select %eq3A_349, %add3A_354, %broadcast_in_dim3A_356 : vector<64x128xi1>, vector<64x128xi32>
    %reduce_sum3A_358 = arith.constant dense<0> : vector<64xi32>
    %reduce_sum3A_359 = vector.multi_reduction <add>, %select_n3A_357, %reduce_sum3A_358 [1] : vector<64x128xi32> to vector<64xi32>
    %broadcast_in_dim3A_360 = vector.shape_cast %reduce_sum3A_359 : vector<64xi32> to vector<64x1xi32>
    %add3A_361 = arith.addi %broadcast_in_dim3A_346, %broadcast_in_dim3A_360 : vector<64x1xi32>
    %broadcast_in_dim3A_362 = vector.shape_cast %add3A_186 : vector<1x128xi32> to vector<1x128xi32>
    %broadcast_in_dim3A_363 = vector.broadcast %broadcast_in_dim3A_362 : vector<1x128xi32> to vector<64x128xi32>
    %eq3A_364 = arith.cmpi eq, %broadcast_in_dim3A_363, %iota3A_15 : vector<64x128xi32>
    %mul3A_365 = arith.constant 4 : i32
    %mul3A_366 = vector.broadcast %mul3A_365 : i32 to vector<64x128xi32>
    %mul3A_367 = arith.muli %iota3A_16, %mul3A_366 : vector<64x128xi32>
    %add3A_368 = arith.constant 1 : i32
    %add3A_369 = vector.broadcast %add3A_368 : i32 to vector<64x128xi32>
    %add3A_370 = arith.addi %mul3A_367, %add3A_369 : vector<64x128xi32>
    %jit3A_371 = arith.constant 0 : i32
    %broadcast_in_dim3A_372 = vector.broadcast %jit3A_371 : i32 to vector<64x128xi32>
    %select_n3A_373 = arith.select %eq3A_364, %add3A_370, %broadcast_in_dim3A_372 : vector<64x128xi1>, vector<64x128xi32>
    %reduce_sum3A_374 = arith.constant dense<0> : vector<64xi32>
    %reduce_sum3A_375 = vector.multi_reduction <add>, %select_n3A_373, %reduce_sum3A_374 [1] : vector<64x128xi32> to vector<64xi32>
    %broadcast_in_dim3A_376 = vector.shape_cast %reduce_sum3A_375 : vector<64xi32> to vector<64x1xi32>
    %add3A_377 = arith.addi %add3A_361, %broadcast_in_dim3A_376 : vector<64x1xi32>
    %broadcast_in_dim3A_378 = vector.shape_cast %add3A_265 : vector<1x128xi32> to vector<1x128xi32>
    %broadcast_in_dim3A_379 = vector.broadcast %broadcast_in_dim3A_378 : vector<1x128xi32> to vector<64x128xi32>
    %eq3A_380 = arith.cmpi eq, %broadcast_in_dim3A_379, %iota3A_15 : vector<64x128xi32>
    %mul3A_381 = arith.constant 4 : i32
    %mul3A_382 = vector.broadcast %mul3A_381 : i32 to vector<64x128xi32>
    %mul3A_383 = arith.muli %iota3A_16, %mul3A_382 : vector<64x128xi32>
    %add3A_384 = arith.constant 2 : i32
    %add3A_385 = vector.broadcast %add3A_384 : i32 to vector<64x128xi32>
    %add3A_386 = arith.addi %mul3A_383, %add3A_385 : vector<64x128xi32>
    %jit3A_387 = arith.constant 0 : i32
    %broadcast_in_dim3A_388 = vector.broadcast %jit3A_387 : i32 to vector<64x128xi32>
    %select_n3A_389 = arith.select %eq3A_380, %add3A_386, %broadcast_in_dim3A_388 : vector<64x128xi1>, vector<64x128xi32>
    %reduce_sum3A_390 = arith.constant dense<0> : vector<64xi32>
    %reduce_sum3A_391 = vector.multi_reduction <add>, %select_n3A_389, %reduce_sum3A_390 [1] : vector<64x128xi32> to vector<64xi32>
    %broadcast_in_dim3A_392 = vector.shape_cast %reduce_sum3A_391 : vector<64xi32> to vector<64x1xi32>
    %add3A_393 = arith.addi %add3A_377, %broadcast_in_dim3A_392 : vector<64x1xi32>
    %broadcast_in_dim3A_394 = vector.shape_cast %add3A_344 : vector<1x128xi32> to vector<1x128xi32>
    %broadcast_in_dim3A_395 = vector.broadcast %broadcast_in_dim3A_394 : vector<1x128xi32> to vector<64x128xi32>
    %eq3A_396 = arith.cmpi eq, %broadcast_in_dim3A_395, %iota3A_15 : vector<64x128xi32>
    %mul3A_397 = arith.constant 4 : i32
    %mul3A_398 = vector.broadcast %mul3A_397 : i32 to vector<64x128xi32>
    %mul3A_399 = arith.muli %iota3A_16, %mul3A_398 : vector<64x128xi32>
    %add3A_400 = arith.constant 3 : i32
    %add3A_401 = vector.broadcast %add3A_400 : i32 to vector<64x128xi32>
    %add3A_402 = arith.addi %mul3A_399, %add3A_401 : vector<64x128xi32>
    %jit3A_403 = arith.constant 0 : i32
    %broadcast_in_dim3A_404 = vector.broadcast %jit3A_403 : i32 to vector<64x128xi32>
    %select_n3A_405 = arith.select %eq3A_396, %add3A_402, %broadcast_in_dim3A_404 : vector<64x128xi1>, vector<64x128xi32>
    %reduce_sum3A_406 = arith.constant dense<0> : vector<64xi32>
    %reduce_sum3A_407 = vector.multi_reduction <add>, %select_n3A_405, %reduce_sum3A_406 [1] : vector<64x128xi32> to vector<64xi32>
    %broadcast_in_dim3A_408 = vector.shape_cast %reduce_sum3A_407 : vector<64xi32> to vector<64x1xi32>
    %add3A_409 = arith.addi %add3A_393, %broadcast_in_dim3A_408 : vector<64x1xi32>
    %iota3A_410 = tpu.iota {dimensions = array<i32: 1>} : vector<1x16xi32>
    %mul3A_411 = arith.constant 16 : i32
    %mul3A_412 = vector.broadcast %mul3A_411 : i32 to vector<64x1xi32>
    %mul3A_413 = arith.muli %add3A_409, %mul3A_412 : vector<64x1xi32>
    %add3A_414 = vector.broadcast %mul3A_413 : vector<64x1xi32> to vector<64x16xi32>
    %add3A_415 = vector.broadcast %iota3A_410 : vector<1x16xi32> to vector<64x16xi32>
    %add3A_416 = arith.addi %add3A_414, %add3A_415 : vector<64x16xi32>
    %add3A_417 = arith.constant 0 : i32
    %add3A_418 = vector.broadcast %add3A_417 : i32 to vector<64x16xi32>
    %add3A_419 = arith.addi %add3A_416, %add3A_418 : vector<64x16xi32>
    %swap3A_420 = arith.constant 0 : index
    %swap3A_421 = arith.constant 0 : index
    %swap3A_422 = vector.load %arg5[%swap3A_420, %swap3A_421] : memref<256x16xi32, #tpu.memory_space<vmem>>, vector<64x16xi32>
    tpu.vector_store %arg5[%swap3A_420, %swap3A_421], %add3A_419 {strides = array<i32>} : memref<256x16xi32, #tpu.memory_space<vmem>>, vector<64x16xi32>,
    %get3A_423 = arith.constant 1 : index
    %get3A_424 = arith.constant 0 : index
    %get3A_425 = arith.constant 0 : index
    %get3A_426 = vector.load %arg3[%get3A_423, %get3A_424, %get3A_425] : memref<4x128x2048xf32, #tpu.memory_space<vmem>>, vector<1x128x2048xf32>
    %get3A_427 = vector.shape_cast %get3A_426 : vector<1x128x2048xf32> to vector<128x2048xf32>
    %slice3A_428 = vector.extract_strided_slice %slice3A {offsets = [4, 0], sizes = [4, 2048], strides = [1, 1]} : vector<16x2048xf32> to vector<4x2048xf32>
    %slice3A_429 = vector.extract_strided_slice %slice3A_13 {offsets = [4, 0], sizes = [4, 2048], strides = [1, 1]} : vector<16x2048xf32> to vector<4x2048xf32>
    %dot_general3A_430 = arith.constant dense<0.000000e+00> : vector<128x4xf32>
    %dot_general3A_431 = tpu.matmul %get3A_427, %slice3A_428, %dot_general3A_430 {dimension_numbers = #tpu.dot_dimension_numbers<[1], [1], [0], [0], [0, 0, 1, 0], [], []>, transpose_lhs_hint = false} : vector<128x2048xf32>, vector<4x2048xf32>, vector<128x4xf32> -> vector<128x4xf32>
    %reduce_max3A_432 = arith.constant dense<0xFF800000> : vector<128xf32>
    %reduce_max3A_433 = vector.multi_reduction <maximumf>, %dot_general3A_431, %reduce_max3A_432 [1] : vector<128x4xf32> to vector<128xf32>
    %broadcast_in_dim3A_434 = vector.shape_cast %reduce_max3A_433 : vector<128xf32> to vector<128x1xf32>
    %sub3A_435 = vector.broadcast %broadcast_in_dim3A_434 : vector<128x1xf32> to vector<128x4xf32>
    %sub3A_436 = arith.subf %dot_general3A_431, %sub3A_435 : vector<128x4xf32>
    %exp3A_437 = math.exp %sub3A_436 : vector<128x4xf32>
    %reduce_sum3A_438 = arith.constant dense<0.000000e+00> : vector<128xf32>
    %reduce_sum3A_439 = vector.multi_reduction <add>, %exp3A_437, %reduce_sum3A_438 [1] : vector<128x4xf32> to vector<128xf32>
    %broadcast_in_dim3A_440 = vector.shape_cast %reduce_sum3A_439 : vector<128xf32> to vector<128x1xf32>
    %div3A_441 = vector.broadcast %broadcast_in_dim3A_440 : vector<128x1xf32> to vector<128x4xf32>
    %div3A_442 = arith.divf %exp3A_437, %div3A_441 : vector<128x4xf32>
    %dot_general3A_443 = arith.constant dense<0.000000e+00> : vector<128x2048xf32>
    %dot_general3A_444 = tpu.matmul %div3A_442, %slice3A_429, %dot_general3A_443 {dimension_numbers = #tpu.dot_dimension_numbers<[1], [0], [0], [1], [0, 0, 1, 1], [], []>, transpose_lhs_hint = false} : vector<128x4xf32>, vector<4x2048xf32>, vector<128x2048xf32> -> vector<128x2048xf32>
    %swap3A_445 = arith.constant 1 : index
    %swap3A_446 = arith.constant 0 : index
    %swap3A_447 = arith.constant 0 : index
    %swap3A_448 = vector.load %arg4[%swap3A_445, %swap3A_446, %swap3A_447] : memref<4x128x2048xf32, #tpu.memory_space<vmem>>, vector<1x128x2048xf32>
    %swap3A_449 = vector.shape_cast %swap3A_448 : vector<1x128x2048xf32> to vector<128x2048xf32>
    %swap3A_450 = vector.shape_cast %dot_general3A_444 : vector<128x2048xf32> to vector<1x128x2048xf32>
    tpu.vector_store %arg4[%swap3A_445, %swap3A_446, %swap3A_447], %swap3A_450 {strides = array<i32>} : memref<4x128x2048xf32, #tpu.memory_space<vmem>>, vector<1x128x2048xf32>,
    %transpose3A_451 = tpu.transpose %div3A_442, [1, 0] : vector<128x4xf32> -> vector<4x128xf32>
    %slice3A_452 = vector.extract_strided_slice %transpose3A_451 {offsets = [0, 0], sizes = [1, 128], strides = [1, 1]} : vector<4x128xf32> to vector<1x128xf32>
    %broadcast_in_dim3A_453 = arith.constant 0 : i32
    %broadcast_in_dim3A_454 = vector.broadcast %broadcast_in_dim3A_453 : i32 to vector<1x128xi32>
    %slice3A_455 = vector.extract_strided_slice %div3A_442 {offsets = [0, 0], sizes = [128, 1], strides = [1, 1]} : vector<128x4xf32> to vector<128x1xf32>
    %gt3A_456 = vector.broadcast %slice3A_455 : vector<128x1xf32> to vector<128x128xf32>
    %gt3A_457 = vector.broadcast %slice3A_452 : vector<1x128xf32> to vector<128x128xf32>
    %gt3A_458 = arith.cmpf ogt, %gt3A_456, %gt3A_457 : vector<128x128xf32>
    %lt3A_459 = arith.cmpi slt, %iota3A, %iota3A_14 : vector<128x128xi32>
    %eq3A_460 = vector.broadcast %slice3A_455 : vector<128x1xf32> to vector<128x128xf32>
    %eq3A_461 = vector.broadcast %slice3A_452 : vector<1x128xf32> to vector<128x128xf32>
    %eq3A_462 = arith.cmpf oeq, %eq3A_460, %eq3A_461 : vector<128x128xf32>
    %and3A_463 = arith.andi %eq3A_462, %lt3A_459 : vector<128x128xi1>
    %or3A_464 = arith.ori %gt3A_458, %and3A_463 : vector<128x128xi1>
    %jit3A_465 = arith.constant 1 : i32
    %jit3A_466 = arith.constant 0 : i32
    %broadcast_in_dim3A_467 = vector.broadcast %jit3A_465 : i32 to vector<128x128xi32>
    %broadcast_in_dim3A_468 = vector.broadcast %jit3A_466 : i32 to vector<128x128xi32>
    %select_n3A_469 = arith.select %or3A_464, %broadcast_in_dim3A_467, %broadcast_in_dim3A_468 : vector<128x128xi1>, vector<128x128xi32>
    %reduce_sum3A_470 = arith.constant dense<0> : vector<128xi32>
    %reduce_sum3A_471 = vector.multi_reduction <add>, %select_n3A_469, %reduce_sum3A_470 [0] : vector<128x128xi32> to vector<128xi32>
    %broadcast_in_dim3A_472 = vector.shape_cast %reduce_sum3A_471 : vector<128xi32> to vector<1x128xi32>
    %add3A_473 = arith.addi %broadcast_in_dim3A_454, %broadcast_in_dim3A_472 : vector<1x128xi32>
    %slice3A_474 = vector.extract_strided_slice %div3A_442 {offsets = [0, 1], sizes = [128, 1], strides = [1, 1]} : vector<128x4xf32> to vector<128x1xf32>
    %gt3A_475 = vector.broadcast %slice3A_474 : vector<128x1xf32> to vector<128x128xf32>
    %gt3A_476 = vector.broadcast %slice3A_452 : vector<1x128xf32> to vector<128x128xf32>
    %gt3A_477 = arith.cmpf ogt, %gt3A_475, %gt3A_476 : vector<128x128xf32>
    %lt3A_478 = arith.cmpi slt, %iota3A, %iota3A_14 : vector<128x128xi32>
    %eq3A_479 = vector.broadcast %slice3A_474 : vector<128x1xf32> to vector<128x128xf32>
    %eq3A_480 = vector.broadcast %slice3A_452 : vector<1x128xf32> to vector<128x128xf32>
    %eq3A_481 = arith.cmpf oeq, %eq3A_479, %eq3A_480 : vector<128x128xf32>
    %and3A_482 = arith.andi %eq3A_481, %lt3A_478 : vector<128x128xi1>
    %or3A_483 = arith.ori %gt3A_477, %and3A_482 : vector<128x128xi1>
    %jit3A_484 = arith.constant 1 : i32
    %jit3A_485 = arith.constant 0 : i32
    %broadcast_in_dim3A_486 = vector.broadcast %jit3A_484 : i32 to vector<128x128xi32>
    %broadcast_in_dim3A_487 = vector.broadcast %jit3A_485 : i32 to vector<128x128xi32>
    %select_n3A_488 = arith.select %or3A_483, %broadcast_in_dim3A_486, %broadcast_in_dim3A_487 : vector<128x128xi1>, vector<128x128xi32>
    %reduce_sum3A_489 = arith.constant dense<0> : vector<128xi32>
    %reduce_sum3A_490 = vector.multi_reduction <add>, %select_n3A_488, %reduce_sum3A_489 [0] : vector<128x128xi32> to vector<128xi32>
    %broadcast_in_dim3A_491 = vector.shape_cast %reduce_sum3A_490 : vector<128xi32> to vector<1x128xi32>
    %add3A_492 = arith.addi %add3A_473, %broadcast_in_dim3A_491 : vector<1x128xi32>
    %slice3A_493 = vector.extract_strided_slice %div3A_442 {offsets = [0, 2], sizes = [128, 1], strides = [1, 1]} : vector<128x4xf32> to vector<128x1xf32>
    %gt3A_494 = vector.broadcast %slice3A_493 : vector<128x1xf32> to vector<128x128xf32>
    %gt3A_495 = vector.broadcast %slice3A_452 : vector<1x128xf32> to vector<128x128xf32>
    %gt3A_496 = arith.cmpf ogt, %gt3A_494, %gt3A_495 : vector<128x128xf32>
    %lt3A_497 = arith.cmpi slt, %iota3A, %iota3A_14 : vector<128x128xi32>
    %eq3A_498 = vector.broadcast %slice3A_493 : vector<128x1xf32> to vector<128x128xf32>
    %eq3A_499 = vector.broadcast %slice3A_452 : vector<1x128xf32> to vector<128x128xf32>
    %eq3A_500 = arith.cmpf oeq, %eq3A_498, %eq3A_499 : vector<128x128xf32>
    %and3A_501 = arith.andi %eq3A_500, %lt3A_497 : vector<128x128xi1>
    %or3A_502 = arith.ori %gt3A_496, %and3A_501 : vector<128x128xi1>
    %jit3A_503 = arith.constant 1 : i32
    %jit3A_504 = arith.constant 0 : i32
    %broadcast_in_dim3A_505 = vector.broadcast %jit3A_503 : i32 to vector<128x128xi32>
    %broadcast_in_dim3A_506 = vector.broadcast %jit3A_504 : i32 to vector<128x128xi32>
    %select_n3A_507 = arith.select %or3A_502, %broadcast_in_dim3A_505, %broadcast_in_dim3A_506 : vector<128x128xi1>, vector<128x128xi32>
    %reduce_sum3A_508 = arith.constant dense<0> : vector<128xi32>
    %reduce_sum3A_509 = vector.multi_reduction <add>, %select_n3A_507, %reduce_sum3A_508 [0] : vector<128x128xi32> to vector<128xi32>
    %broadcast_in_dim3A_510 = vector.shape_cast %reduce_sum3A_509 : vector<128xi32> to vector<1x128xi32>
    %add3A_511 = arith.addi %add3A_492, %broadcast_in_dim3A_510 : vector<1x128xi32>
    %slice3A_512 = vector.extract_strided_slice %div3A_442 {offsets = [0, 3], sizes = [128, 1], strides = [1, 1]} : vector<128x4xf32> to vector<128x1xf32>
    %gt3A_513 = vector.broadcast %slice3A_512 : vector<128x1xf32> to vector<128x128xf32>
    %gt3A_514 = vector.broadcast %slice3A_452 : vector<1x128xf32> to vector<128x128xf32>
    %gt3A_515 = arith.cmpf ogt, %gt3A_513, %gt3A_514 : vector<128x128xf32>
    %lt3A_516 = arith.cmpi slt, %iota3A, %iota3A_14 : vector<128x128xi32>
    %eq3A_517 = vector.broadcast %slice3A_512 : vector<128x1xf32> to vector<128x128xf32>
    %eq3A_518 = vector.broadcast %slice3A_452 : vector<1x128xf32> to vector<128x128xf32>
    %eq3A_519 = arith.cmpf oeq, %eq3A_517, %eq3A_518 : vector<128x128xf32>
    %and3A_520 = arith.andi %eq3A_519, %lt3A_516 : vector<128x128xi1>
    %or3A_521 = arith.ori %gt3A_515, %and3A_520 : vector<128x128xi1>
    %jit3A_522 = arith.constant 1 : i32
    %jit3A_523 = arith.constant 0 : i32
    %broadcast_in_dim3A_524 = vector.broadcast %jit3A_522 : i32 to vector<128x128xi32>
    %broadcast_in_dim3A_525 = vector.broadcast %jit3A_523 : i32 to vector<128x128xi32>
    %select_n3A_526 = arith.select %or3A_521, %broadcast_in_dim3A_524, %broadcast_in_dim3A_525 : vector<128x128xi1>, vector<128x128xi32>
    %reduce_sum3A_527 = arith.constant dense<0> : vector<128xi32>
    %reduce_sum3A_528 = vector.multi_reduction <add>, %select_n3A_526, %reduce_sum3A_527 [0] : vector<128x128xi32> to vector<128xi32>
    %broadcast_in_dim3A_529 = vector.shape_cast %reduce_sum3A_528 : vector<128xi32> to vector<1x128xi32>
    %add3A_530 = arith.addi %add3A_511, %broadcast_in_dim3A_529 : vector<1x128xi32>
    %slice3A_531 = vector.extract_strided_slice %transpose3A_451 {offsets = [1, 0], sizes = [1, 128], strides = [1, 1]} : vector<4x128xf32> to vector<1x128xf32>
    %broadcast_in_dim3A_532 = arith.constant 0 : i32
    %broadcast_in_dim3A_533 = vector.broadcast %broadcast_in_dim3A_532 : i32 to vector<1x128xi32>
    %slice3A_534 = vector.extract_strided_slice %div3A_442 {offsets = [0, 0], sizes = [128, 1], strides = [1, 1]} : vector<128x4xf32> to vector<128x1xf32>
    %gt3A_535 = vector.broadcast %slice3A_534 : vector<128x1xf32> to vector<128x128xf32>
    %gt3A_536 = vector.broadcast %slice3A_531 : vector<1x128xf32> to vector<128x128xf32>
    %gt3A_537 = arith.cmpf ogt, %gt3A_535, %gt3A_536 : vector<128x128xf32>
    %le3A_538 = arith.cmpi sle, %iota3A, %iota3A_14 : vector<128x128xi32>
    %eq3A_539 = vector.broadcast %slice3A_534 : vector<128x1xf32> to vector<128x128xf32>
    %eq3A_540 = vector.broadcast %slice3A_531 : vector<1x128xf32> to vector<128x128xf32>
    %eq3A_541 = arith.cmpf oeq, %eq3A_539, %eq3A_540 : vector<128x128xf32>
    %and3A_542 = arith.andi %eq3A_541, %le3A_538 : vector<128x128xi1>
    %or3A_543 = arith.ori %gt3A_537, %and3A_542 : vector<128x128xi1>
    %jit3A_544 = arith.constant 1 : i32
    %jit3A_545 = arith.constant 0 : i32
    %broadcast_in_dim3A_546 = vector.broadcast %jit3A_544 : i32 to vector<128x128xi32>
    %broadcast_in_dim3A_547 = vector.broadcast %jit3A_545 : i32 to vector<128x128xi32>
    %select_n3A_548 = arith.select %or3A_543, %broadcast_in_dim3A_546, %broadcast_in_dim3A_547 : vector<128x128xi1>, vector<128x128xi32>
    %reduce_sum3A_549 = arith.constant dense<0> : vector<128xi32>
    %reduce_sum3A_550 = vector.multi_reduction <add>, %select_n3A_548, %reduce_sum3A_549 [0] : vector<128x128xi32> to vector<128xi32>
    %broadcast_in_dim3A_551 = vector.shape_cast %reduce_sum3A_550 : vector<128xi32> to vector<1x128xi32>
    %add3A_552 = arith.addi %broadcast_in_dim3A_533, %broadcast_in_dim3A_551 : vector<1x128xi32>
    %slice3A_553 = vector.extract_strided_slice %div3A_442 {offsets = [0, 1], sizes = [128, 1], strides = [1, 1]} : vector<128x4xf32> to vector<128x1xf32>
    %gt3A_554 = vector.broadcast %slice3A_553 : vector<128x1xf32> to vector<128x128xf32>
    %gt3A_555 = vector.broadcast %slice3A_531 : vector<1x128xf32> to vector<128x128xf32>
    %gt3A_556 = arith.cmpf ogt, %gt3A_554, %gt3A_555 : vector<128x128xf32>
    %lt3A_557 = arith.cmpi slt, %iota3A, %iota3A_14 : vector<128x128xi32>
    %eq3A_558 = vector.broadcast %slice3A_553 : vector<128x1xf32> to vector<128x128xf32>
    %eq3A_559 = vector.broadcast %slice3A_531 : vector<1x128xf32> to vector<128x128xf32>
    %eq3A_560 = arith.cmpf oeq, %eq3A_558, %eq3A_559 : vector<128x128xf32>
    %and3A_561 = arith.andi %eq3A_560, %lt3A_557 : vector<128x128xi1>
    %or3A_562 = arith.ori %gt3A_556, %and3A_561 : vector<128x128xi1>
    %jit3A_563 = arith.constant 1 : i32
    %jit3A_564 = arith.constant 0 : i32
    %broadcast_in_dim3A_565 = vector.broadcast %jit3A_563 : i32 to vector<128x128xi32>
    %broadcast_in_dim3A_566 = vector.broadcast %jit3A_564 : i32 to vector<128x128xi32>
    %select_n3A_567 = arith.select %or3A_562, %broadcast_in_dim3A_565, %broadcast_in_dim3A_566 : vector<128x128xi1>, vector<128x128xi32>
    %reduce_sum3A_568 = arith.constant dense<0> : vector<128xi32>
    %reduce_sum3A_569 = vector.multi_reduction <add>, %select_n3A_567, %reduce_sum3A_568 [0] : vector<128x128xi32> to vector<128xi32>
    %broadcast_in_dim3A_570 = vector.shape_cast %reduce_sum3A_569 : vector<128xi32> to vector<1x128xi32>
    %add3A_571 = arith.addi %add3A_552, %broadcast_in_dim3A_570 : vector<1x128xi32>
    %slice3A_572 = vector.extract_strided_slice %div3A_442 {offsets = [0, 2], sizes = [128, 1], strides = [1, 1]} : vector<128x4xf32> to vector<128x1xf32>
    %gt3A_573 = vector.broadcast %slice3A_572 : vector<128x1xf32> to vector<128x128xf32>
    %gt3A_574 = vector.broadcast %slice3A_531 : vector<1x128xf32> to vector<128x128xf32>
    %gt3A_575 = arith.cmpf ogt, %gt3A_573, %gt3A_574 : vector<128x128xf32>
    %lt3A_576 = arith.cmpi slt, %iota3A, %iota3A_14 : vector<128x128xi32>
    %eq3A_577 = vector.broadcast %slice3A_572 : vector<128x1xf32> to vector<128x128xf32>
    %eq3A_578 = vector.broadcast %slice3A_531 : vector<1x128xf32> to vector<128x128xf32>
    %eq3A_579 = arith.cmpf oeq, %eq3A_577, %eq3A_578 : vector<128x128xf32>
    %and3A_580 = arith.andi %eq3A_579, %lt3A_576 : vector<128x128xi1>
    %or3A_581 = arith.ori %gt3A_575, %and3A_580 : vector<128x128xi1>
    %jit3A_582 = arith.constant 1 : i32
    %jit3A_583 = arith.constant 0 : i32
    %broadcast_in_dim3A_584 = vector.broadcast %jit3A_582 : i32 to vector<128x128xi32>
    %broadcast_in_dim3A_585 = vector.broadcast %jit3A_583 : i32 to vector<128x128xi32>
    %select_n3A_586 = arith.select %or3A_581, %broadcast_in_dim3A_584, %broadcast_in_dim3A_585 : vector<128x128xi1>, vector<128x128xi32>
    %reduce_sum3A_587 = arith.constant dense<0> : vector<128xi32>
    %reduce_sum3A_588 = vector.multi_reduction <add>, %select_n3A_586, %reduce_sum3A_587 [0] : vector<128x128xi32> to vector<128xi32>
    %broadcast_in_dim3A_589 = vector.shape_cast %reduce_sum3A_588 : vector<128xi32> to vector<1x128xi32>
    %add3A_590 = arith.addi %add3A_571, %broadcast_in_dim3A_589 : vector<1x128xi32>
    %slice3A_591 = vector.extract_strided_slice %div3A_442 {offsets = [0, 3], sizes = [128, 1], strides = [1, 1]} : vector<128x4xf32> to vector<128x1xf32>
    %gt3A_592 = vector.broadcast %slice3A_591 : vector<128x1xf32> to vector<128x128xf32>
    %gt3A_593 = vector.broadcast %slice3A_531 : vector<1x128xf32> to vector<128x128xf32>
    %gt3A_594 = arith.cmpf ogt, %gt3A_592, %gt3A_593 : vector<128x128xf32>
    %lt3A_595 = arith.cmpi slt, %iota3A, %iota3A_14 : vector<128x128xi32>
    %eq3A_596 = vector.broadcast %slice3A_591 : vector<128x1xf32> to vector<128x128xf32>
    %eq3A_597 = vector.broadcast %slice3A_531 : vector<1x128xf32> to vector<128x128xf32>
    %eq3A_598 = arith.cmpf oeq, %eq3A_596, %eq3A_597 : vector<128x128xf32>
    %and3A_599 = arith.andi %eq3A_598, %lt3A_595 : vector<128x128xi1>
    %or3A_600 = arith.ori %gt3A_594, %and3A_599 : vector<128x128xi1>
    %jit3A_601 = arith.constant 1 : i32
    %jit3A_602 = arith.constant 0 : i32
    %broadcast_in_dim3A_603 = vector.broadcast %jit3A_601 : i32 to vector<128x128xi32>
    %broadcast_in_dim3A_604 = vector.broadcast %jit3A_602 : i32 to vector<128x128xi32>
    %select_n3A_605 = arith.select %or3A_600, %broadcast_in_dim3A_603, %broadcast_in_dim3A_604 : vector<128x128xi1>, vector<128x128xi32>
    %reduce_sum3A_606 = arith.constant dense<0> : vector<128xi32>
    %reduce_sum3A_607 = vector.multi_reduction <add>, %select_n3A_605, %reduce_sum3A_606 [0] : vector<128x128xi32> to vector<128xi32>
    %broadcast_in_dim3A_608 = vector.shape_cast %reduce_sum3A_607 : vector<128xi32> to vector<1x128xi32>
    %add3A_609 = arith.addi %add3A_590, %broadcast_in_dim3A_608 : vector<1x128xi32>
    %slice3A_610 = vector.extract_strided_slice %transpose3A_451 {offsets = [2, 0], sizes = [1, 128], strides = [1, 1]} : vector<4x128xf32> to vector<1x128xf32>
    %broadcast_in_dim3A_611 = arith.constant 0 : i32
    %broadcast_in_dim3A_612 = vector.broadcast %broadcast_in_dim3A_611 : i32 to vector<1x128xi32>
    %slice3A_613 = vector.extract_strided_slice %div3A_442 {offsets = [0, 0], sizes = [128, 1], strides = [1, 1]} : vector<128x4xf32> to vector<128x1xf32>
    %gt3A_614 = vector.broadcast %slice3A_613 : vector<128x1xf32> to vector<128x128xf32>
    %gt3A_615 = vector.broadcast %slice3A_610 : vector<1x128xf32> to vector<128x128xf32>
    %gt3A_616 = arith.cmpf ogt, %gt3A_614, %gt3A_615 : vector<128x128xf32>
    %le3A_617 = arith.cmpi sle, %iota3A, %iota3A_14 : vector<128x128xi32>
    %eq3A_618 = vector.broadcast %slice3A_613 : vector<128x1xf32> to vector<128x128xf32>
    %eq3A_619 = vector.broadcast %slice3A_610 : vector<1x128xf32> to vector<128x128xf32>
    %eq3A_620 = arith.cmpf oeq, %eq3A_618, %eq3A_619 : vector<128x128xf32>
    %and3A_621 = arith.andi %eq3A_620, %le3A_617 : vector<128x128xi1>
    %or3A_622 = arith.ori %gt3A_616, %and3A_621 : vector<128x128xi1>
    %jit3A_623 = arith.constant 1 : i32
    %jit3A_624 = arith.constant 0 : i32
    %broadcast_in_dim3A_625 = vector.broadcast %jit3A_623 : i32 to vector<128x128xi32>
    %broadcast_in_dim3A_626 = vector.broadcast %jit3A_624 : i32 to vector<128x128xi32>
    %select_n3A_627 = arith.select %or3A_622, %broadcast_in_dim3A_625, %broadcast_in_dim3A_626 : vector<128x128xi1>, vector<128x128xi32>
    %reduce_sum3A_628 = arith.constant dense<0> : vector<128xi32>
    %reduce_sum3A_629 = vector.multi_reduction <add>, %select_n3A_627, %reduce_sum3A_628 [0] : vector<128x128xi32> to vector<128xi32>
    %broadcast_in_dim3A_630 = vector.shape_cast %reduce_sum3A_629 : vector<128xi32> to vector<1x128xi32>
    %add3A_631 = arith.addi %broadcast_in_dim3A_612, %broadcast_in_dim3A_630 : vector<1x128xi32>
    %slice3A_632 = vector.extract_strided_slice %div3A_442 {offsets = [0, 1], sizes = [128, 1], strides = [1, 1]} : vector<128x4xf32> to vector<128x1xf32>
    %gt3A_633 = vector.broadcast %slice3A_632 : vector<128x1xf32> to vector<128x128xf32>
    %gt3A_634 = vector.broadcast %slice3A_610 : vector<1x128xf32> to vector<128x128xf32>
    %gt3A_635 = arith.cmpf ogt, %gt3A_633, %gt3A_634 : vector<128x128xf32>
    %le3A_636 = arith.cmpi sle, %iota3A, %iota3A_14 : vector<128x128xi32>
    %eq3A_637 = vector.broadcast %slice3A_632 : vector<128x1xf32> to vector<128x128xf32>
    %eq3A_638 = vector.broadcast %slice3A_610 : vector<1x128xf32> to vector<128x128xf32>
    %eq3A_639 = arith.cmpf oeq, %eq3A_637, %eq3A_638 : vector<128x128xf32>
    %and3A_640 = arith.andi %eq3A_639, %le3A_636 : vector<128x128xi1>
    %or3A_641 = arith.ori %gt3A_635, %and3A_640 : vector<128x128xi1>
    %jit3A_642 = arith.constant 1 : i32
    %jit3A_643 = arith.constant 0 : i32
    %broadcast_in_dim3A_644 = vector.broadcast %jit3A_642 : i32 to vector<128x128xi32>
    %broadcast_in_dim3A_645 = vector.broadcast %jit3A_643 : i32 to vector<128x128xi32>
    %select_n3A_646 = arith.select %or3A_641, %broadcast_in_dim3A_644, %broadcast_in_dim3A_645 : vector<128x128xi1>, vector<128x128xi32>
    %reduce_sum3A_647 = arith.constant dense<0> : vector<128xi32>
    %reduce_sum3A_648 = vector.multi_reduction <add>, %select_n3A_646, %reduce_sum3A_647 [0] : vector<128x128xi32> to vector<128xi32>
    %broadcast_in_dim3A_649 = vector.shape_cast %reduce_sum3A_648 : vector<128xi32> to vector<1x128xi32>
    %add3A_650 = arith.addi %add3A_631, %broadcast_in_dim3A_649 : vector<1x128xi32>
    %slice3A_651 = vector.extract_strided_slice %div3A_442 {offsets = [0, 2], sizes = [128, 1], strides = [1, 1]} : vector<128x4xf32> to vector<128x1xf32>
    %gt3A_652 = vector.broadcast %slice3A_651 : vector<128x1xf32> to vector<128x128xf32>
    %gt3A_653 = vector.broadcast %slice3A_610 : vector<1x128xf32> to vector<128x128xf32>
    %gt3A_654 = arith.cmpf ogt, %gt3A_652, %gt3A_653 : vector<128x128xf32>
    %lt3A_655 = arith.cmpi slt, %iota3A, %iota3A_14 : vector<128x128xi32>
    %eq3A_656 = vector.broadcast %slice3A_651 : vector<128x1xf32> to vector<128x128xf32>
    %eq3A_657 = vector.broadcast %slice3A_610 : vector<1x128xf32> to vector<128x128xf32>
    %eq3A_658 = arith.cmpf oeq, %eq3A_656, %eq3A_657 : vector<128x128xf32>
    %and3A_659 = arith.andi %eq3A_658, %lt3A_655 : vector<128x128xi1>
    %or3A_660 = arith.ori %gt3A_654, %and3A_659 : vector<128x128xi1>
    %jit3A_661 = arith.constant 1 : i32
    %jit3A_662 = arith.constant 0 : i32
    %broadcast_in_dim3A_663 = vector.broadcast %jit3A_661 : i32 to vector<128x128xi32>
    %broadcast_in_dim3A_664 = vector.broadcast %jit3A_662 : i32 to vector<128x128xi32>
    %select_n3A_665 = arith.select %or3A_660, %broadcast_in_dim3A_663, %broadcast_in_dim3A_664 : vector<128x128xi1>, vector<128x128xi32>
    %reduce_sum3A_666 = arith.constant dense<0> : vector<128xi32>
    %reduce_sum3A_667 = vector.multi_reduction <add>, %select_n3A_665, %reduce_sum3A_666 [0] : vector<128x128xi32> to vector<128xi32>
    %broadcast_in_dim3A_668 = vector.shape_cast %reduce_sum3A_667 : vector<128xi32> to vector<1x128xi32>
    %add3A_669 = arith.addi %add3A_650, %broadcast_in_dim3A_668 : vector<1x128xi32>
    %slice3A_670 = vector.extract_strided_slice %div3A_442 {offsets = [0, 3], sizes = [128, 1], strides = [1, 1]} : vector<128x4xf32> to vector<128x1xf32>
    %gt3A_671 = vector.broadcast %slice3A_670 : vector<128x1xf32> to vector<128x128xf32>
    %gt3A_672 = vector.broadcast %slice3A_610 : vector<1x128xf32> to vector<128x128xf32>
    %gt3A_673 = arith.cmpf ogt, %gt3A_671, %gt3A_672 : vector<128x128xf32>
    %lt3A_674 = arith.cmpi slt, %iota3A, %iota3A_14 : vector<128x128xi32>
    %eq3A_675 = vector.broadcast %slice3A_670 : vector<128x1xf32> to vector<128x128xf32>
    %eq3A_676 = vector.broadcast %slice3A_610 : vector<1x128xf32> to vector<128x128xf32>
    %eq3A_677 = arith.cmpf oeq, %eq3A_675, %eq3A_676 : vector<128x128xf32>
    %and3A_678 = arith.andi %eq3A_677, %lt3A_674 : vector<128x128xi1>
    %or3A_679 = arith.ori %gt3A_673, %and3A_678 : vector<128x128xi1>
    %jit3A_680 = arith.constant 1 : i32
    %jit3A_681 = arith.constant 0 : i32
    %broadcast_in_dim3A_682 = vector.broadcast %jit3A_680 : i32 to vector<128x128xi32>
    %broadcast_in_dim3A_683 = vector.broadcast %jit3A_681 : i32 to vector<128x128xi32>
    %select_n3A_684 = arith.select %or3A_679, %broadcast_in_dim3A_682, %broadcast_in_dim3A_683 : vector<128x128xi1>, vector<128x128xi32>
    %reduce_sum3A_685 = arith.constant dense<0> : vector<128xi32>
    %reduce_sum3A_686 = vector.multi_reduction <add>, %select_n3A_684, %reduce_sum3A_685 [0] : vector<128x128xi32> to vector<128xi32>
    %broadcast_in_dim3A_687 = vector.shape_cast %reduce_sum3A_686 : vector<128xi32> to vector<1x128xi32>
    %add3A_688 = arith.addi %add3A_669, %broadcast_in_dim3A_687 : vector<1x128xi32>
    %slice3A_689 = vector.extract_strided_slice %transpose3A_451 {offsets = [3, 0], sizes = [1, 128], strides = [1, 1]} : vector<4x128xf32> to vector<1x128xf32>
    %broadcast_in_dim3A_690 = arith.constant 0 : i32
    %broadcast_in_dim3A_691 = vector.broadcast %broadcast_in_dim3A_690 : i32 to vector<1x128xi32>
    %slice3A_692 = vector.extract_strided_slice %div3A_442 {offsets = [0, 0], sizes = [128, 1], strides = [1, 1]} : vector<128x4xf32> to vector<128x1xf32>
    %gt3A_693 = vector.broadcast %slice3A_692 : vector<128x1xf32> to vector<128x128xf32>
    %gt3A_694 = vector.broadcast %slice3A_689 : vector<1x128xf32> to vector<128x128xf32>
    %gt3A_695 = arith.cmpf ogt, %gt3A_693, %gt3A_694 : vector<128x128xf32>
    %le3A_696 = arith.cmpi sle, %iota3A, %iota3A_14 : vector<128x128xi32>
    %eq3A_697 = vector.broadcast %slice3A_692 : vector<128x1xf32> to vector<128x128xf32>
    %eq3A_698 = vector.broadcast %slice3A_689 : vector<1x128xf32> to vector<128x128xf32>
    %eq3A_699 = arith.cmpf oeq, %eq3A_697, %eq3A_698 : vector<128x128xf32>
    %and3A_700 = arith.andi %eq3A_699, %le3A_696 : vector<128x128xi1>
    %or3A_701 = arith.ori %gt3A_695, %and3A_700 : vector<128x128xi1>
    %jit3A_702 = arith.constant 1 : i32
    %jit3A_703 = arith.constant 0 : i32
    %broadcast_in_dim3A_704 = vector.broadcast %jit3A_702 : i32 to vector<128x128xi32>
    %broadcast_in_dim3A_705 = vector.broadcast %jit3A_703 : i32 to vector<128x128xi32>
    %select_n3A_706 = arith.select %or3A_701, %broadcast_in_dim3A_704, %broadcast_in_dim3A_705 : vector<128x128xi1>, vector<128x128xi32>
    %reduce_sum3A_707 = arith.constant dense<0> : vector<128xi32>
    %reduce_sum3A_708 = vector.multi_reduction <add>, %select_n3A_706, %reduce_sum3A_707 [0] : vector<128x128xi32> to vector<128xi32>
    %broadcast_in_dim3A_709 = vector.shape_cast %reduce_sum3A_708 : vector<128xi32> to vector<1x128xi32>
    %add3A_710 = arith.addi %broadcast_in_dim3A_691, %broadcast_in_dim3A_709 : vector<1x128xi32>
    %slice3A_711 = vector.extract_strided_slice %div3A_442 {offsets = [0, 1], sizes = [128, 1], strides = [1, 1]} : vector<128x4xf32> to vector<128x1xf32>
    %gt3A_712 = vector.broadcast %slice3A_711 : vector<128x1xf32> to vector<128x128xf32>
    %gt3A_713 = vector.broadcast %slice3A_689 : vector<1x128xf32> to vector<128x128xf32>
    %gt3A_714 = arith.cmpf ogt, %gt3A_712, %gt3A_713 : vector<128x128xf32>
    %le3A_715 = arith.cmpi sle, %iota3A, %iota3A_14 : vector<128x128xi32>
    %eq3A_716 = vector.broadcast %slice3A_711 : vector<128x1xf32> to vector<128x128xf32>
    %eq3A_717 = vector.broadcast %slice3A_689 : vector<1x128xf32> to vector<128x128xf32>
    %eq3A_718 = arith.cmpf oeq, %eq3A_716, %eq3A_717 : vector<128x128xf32>
    %and3A_719 = arith.andi %eq3A_718, %le3A_715 : vector<128x128xi1>
    %or3A_720 = arith.ori %gt3A_714, %and3A_719 : vector<128x128xi1>
    %jit3A_721 = arith.constant 1 : i32
    %jit3A_722 = arith.constant 0 : i32
    %broadcast_in_dim3A_723 = vector.broadcast %jit3A_721 : i32 to vector<128x128xi32>
    %broadcast_in_dim3A_724 = vector.broadcast %jit3A_722 : i32 to vector<128x128xi32>
    %select_n3A_725 = arith.select %or3A_720, %broadcast_in_dim3A_723, %broadcast_in_dim3A_724 : vector<128x128xi1>, vector<128x128xi32>
    %reduce_sum3A_726 = arith.constant dense<0> : vector<128xi32>
    %reduce_sum3A_727 = vector.multi_reduction <add>, %select_n3A_725, %reduce_sum3A_726 [0] : vector<128x128xi32> to vector<128xi32>
    %broadcast_in_dim3A_728 = vector.shape_cast %reduce_sum3A_727 : vector<128xi32> to vector<1x128xi32>
    %add3A_729 = arith.addi %add3A_710, %broadcast_in_dim3A_728 : vector<1x128xi32>
    %slice3A_730 = vector.extract_strided_slice %div3A_442 {offsets = [0, 2], sizes = [128, 1], strides = [1, 1]} : vector<128x4xf32> to vector<128x1xf32>
    %gt3A_731 = vector.broadcast %slice3A_730 : vector<128x1xf32> to vector<128x128xf32>
    %gt3A_732 = vector.broadcast %slice3A_689 : vector<1x128xf32> to vector<128x128xf32>
    %gt3A_733 = arith.cmpf ogt, %gt3A_731, %gt3A_732 : vector<128x128xf32>
    %le3A_734 = arith.cmpi sle, %iota3A, %iota3A_14 : vector<128x128xi32>
    %eq3A_735 = vector.broadcast %slice3A_730 : vector<128x1xf32> to vector<128x128xf32>
    %eq3A_736 = vector.broadcast %slice3A_689 : vector<1x128xf32> to vector<128x128xf32>
    %eq3A_737 = arith.cmpf oeq, %eq3A_735, %eq3A_736 : vector<128x128xf32>
    %and3A_738 = arith.andi %eq3A_737, %le3A_734 : vector<128x128xi1>
    %or3A_739 = arith.ori %gt3A_733, %and3A_738 : vector<128x128xi1>
    %jit3A_740 = arith.constant 1 : i32
    %jit3A_741 = arith.constant 0 : i32
    %broadcast_in_dim3A_742 = vector.broadcast %jit3A_740 : i32 to vector<128x128xi32>
    %broadcast_in_dim3A_743 = vector.broadcast %jit3A_741 : i32 to vector<128x128xi32>
    %select_n3A_744 = arith.select %or3A_739, %broadcast_in_dim3A_742, %broadcast_in_dim3A_743 : vector<128x128xi1>, vector<128x128xi32>
    %reduce_sum3A_745 = arith.constant dense<0> : vector<128xi32>
    %reduce_sum3A_746 = vector.multi_reduction <add>, %select_n3A_744, %reduce_sum3A_745 [0] : vector<128x128xi32> to vector<128xi32>
    %broadcast_in_dim3A_747 = vector.shape_cast %reduce_sum3A_746 : vector<128xi32> to vector<1x128xi32>
    %add3A_748 = arith.addi %add3A_729, %broadcast_in_dim3A_747 : vector<1x128xi32>
    %slice3A_749 = vector.extract_strided_slice %div3A_442 {offsets = [0, 3], sizes = [128, 1], strides = [1, 1]} : vector<128x4xf32> to vector<128x1xf32>
    %gt3A_750 = vector.broadcast %slice3A_749 : vector<128x1xf32> to vector<128x128xf32>
    %gt3A_751 = vector.broadcast %slice3A_689 : vector<1x128xf32> to vector<128x128xf32>
    %gt3A_752 = arith.cmpf ogt, %gt3A_750, %gt3A_751 : vector<128x128xf32>
    %lt3A_753 = arith.cmpi slt, %iota3A, %iota3A_14 : vector<128x128xi32>
    %eq3A_754 = vector.broadcast %slice3A_749 : vector<128x1xf32> to vector<128x128xf32>
    %eq3A_755 = vector.broadcast %slice3A_689 : vector<1x128xf32> to vector<128x128xf32>
    %eq3A_756 = arith.cmpf oeq, %eq3A_754, %eq3A_755 : vector<128x128xf32>
    %and3A_757 = arith.andi %eq3A_756, %lt3A_753 : vector<128x128xi1>
    %or3A_758 = arith.ori %gt3A_752, %and3A_757 : vector<128x128xi1>
    %jit3A_759 = arith.constant 1 : i32
    %jit3A_760 = arith.constant 0 : i32
    %broadcast_in_dim3A_761 = vector.broadcast %jit3A_759 : i32 to vector<128x128xi32>
    %broadcast_in_dim3A_762 = vector.broadcast %jit3A_760 : i32 to vector<128x128xi32>
    %select_n3A_763 = arith.select %or3A_758, %broadcast_in_dim3A_761, %broadcast_in_dim3A_762 : vector<128x128xi1>, vector<128x128xi32>
    %reduce_sum3A_764 = arith.constant dense<0> : vector<128xi32>
    %reduce_sum3A_765 = vector.multi_reduction <add>, %select_n3A_763, %reduce_sum3A_764 [0] : vector<128x128xi32> to vector<128xi32>
    %broadcast_in_dim3A_766 = vector.shape_cast %reduce_sum3A_765 : vector<128xi32> to vector<1x128xi32>
    %add3A_767 = arith.addi %add3A_748, %broadcast_in_dim3A_766 : vector<1x128xi32>
    %broadcast_in_dim3A_768 = arith.constant 0 : i32
    %broadcast_in_dim3A_769 = vector.broadcast %broadcast_in_dim3A_768 : i32 to vector<64x1xi32>
    %broadcast_in_dim3A_770 = vector.shape_cast %add3A_530 : vector<1x128xi32> to vector<1x128xi32>
    %broadcast_in_dim3A_771 = vector.broadcast %broadcast_in_dim3A_770 : vector<1x128xi32> to vector<64x128xi32>
    %eq3A_772 = arith.cmpi eq, %broadcast_in_dim3A_771, %iota3A_15 : vector<64x128xi32>
    %mul3A_773 = arith.constant 4 : i32
    %mul3A_774 = vector.broadcast %mul3A_773 : i32 to vector<64x128xi32>
    %mul3A_775 = arith.muli %iota3A_16, %mul3A_774 : vector<64x128xi32>
    %add3A_776 = arith.constant 0 : i32
    %add3A_777 = vector.broadcast %add3A_776 : i32 to vector<64x128xi32>
    %add3A_778 = arith.addi %mul3A_775, %add3A_777 : vector<64x128xi32>
    %jit3A_779 = arith.constant 0 : i32
    %broadcast_in_dim3A_780 = vector.broadcast %jit3A_779 : i32 to vector<64x128xi32>
    %select_n3A_781 = arith.select %eq3A_772, %add3A_778, %broadcast_in_dim3A_780 : vector<64x128xi1>, vector<64x128xi32>
    %reduce_sum3A_782 = arith.constant dense<0> : vector<64xi32>
    %reduce_sum3A_783 = vector.multi_reduction <add>, %select_n3A_781, %reduce_sum3A_782 [1] : vector<64x128xi32> to vector<64xi32>
    %broadcast_in_dim3A_784 = vector.shape_cast %reduce_sum3A_783 : vector<64xi32> to vector<64x1xi32>
    %add3A_785 = arith.addi %broadcast_in_dim3A_769, %broadcast_in_dim3A_784 : vector<64x1xi32>
    %broadcast_in_dim3A_786 = vector.shape_cast %add3A_609 : vector<1x128xi32> to vector<1x128xi32>
    %broadcast_in_dim3A_787 = vector.broadcast %broadcast_in_dim3A_786 : vector<1x128xi32> to vector<64x128xi32>
    %eq3A_788 = arith.cmpi eq, %broadcast_in_dim3A_787, %iota3A_15 : vector<64x128xi32>
    %mul3A_789 = arith.constant 4 : i32
    %mul3A_790 = vector.broadcast %mul3A_789 : i32 to vector<64x128xi32>
    %mul3A_791 = arith.muli %iota3A_16, %mul3A_790 : vector<64x128xi32>
    %add3A_792 = arith.constant 1 : i32
    %add3A_793 = vector.broadcast %add3A_792 : i32 to vector<64x128xi32>
    %add3A_794 = arith.addi %mul3A_791, %add3A_793 : vector<64x128xi32>
    %jit3A_795 = arith.constant 0 : i32
    %broadcast_in_dim3A_796 = vector.broadcast %jit3A_795 : i32 to vector<64x128xi32>
    %select_n3A_797 = arith.select %eq3A_788, %add3A_794, %broadcast_in_dim3A_796 : vector<64x128xi1>, vector<64x128xi32>
    %reduce_sum3A_798 = arith.constant dense<0> : vector<64xi32>
    %reduce_sum3A_799 = vector.multi_reduction <add>, %select_n3A_797, %reduce_sum3A_798 [1] : vector<64x128xi32> to vector<64xi32>
    %broadcast_in_dim3A_800 = vector.shape_cast %reduce_sum3A_799 : vector<64xi32> to vector<64x1xi32>
    %add3A_801 = arith.addi %add3A_785, %broadcast_in_dim3A_800 : vector<64x1xi32>
    %broadcast_in_dim3A_802 = vector.shape_cast %add3A_688 : vector<1x128xi32> to vector<1x128xi32>
    %broadcast_in_dim3A_803 = vector.broadcast %broadcast_in_dim3A_802 : vector<1x128xi32> to vector<64x128xi32>
    %eq3A_804 = arith.cmpi eq, %broadcast_in_dim3A_803, %iota3A_15 : vector<64x128xi32>
    %mul3A_805 = arith.constant 4 : i32
    %mul3A_806 = vector.broadcast %mul3A_805 : i32 to vector<64x128xi32>
    %mul3A_807 = arith.muli %iota3A_16, %mul3A_806 : vector<64x128xi32>
    %add3A_808 = arith.constant 2 : i32
    %add3A_809 = vector.broadcast %add3A_808 : i32 to vector<64x128xi32>
    %add3A_810 = arith.addi %mul3A_807, %add3A_809 : vector<64x128xi32>
    %jit3A_811 = arith.constant 0 : i32
    %broadcast_in_dim3A_812 = vector.broadcast %jit3A_811 : i32 to vector<64x128xi32>
    %select_n3A_813 = arith.select %eq3A_804, %add3A_810, %broadcast_in_dim3A_812 : vector<64x128xi1>, vector<64x128xi32>
    %reduce_sum3A_814 = arith.constant dense<0> : vector<64xi32>
    %reduce_sum3A_815 = vector.multi_reduction <add>, %select_n3A_813, %reduce_sum3A_814 [1] : vector<64x128xi32> to vector<64xi32>
    %broadcast_in_dim3A_816 = vector.shape_cast %reduce_sum3A_815 : vector<64xi32> to vector<64x1xi32>
    %add3A_817 = arith.addi %add3A_801, %broadcast_in_dim3A_816 : vector<64x1xi32>
    %broadcast_in_dim3A_818 = vector.shape_cast %add3A_767 : vector<1x128xi32> to vector<1x128xi32>
    %broadcast_in_dim3A_819 = vector.broadcast %broadcast_in_dim3A_818 : vector<1x128xi32> to vector<64x128xi32>
    %eq3A_820 = arith.cmpi eq, %broadcast_in_dim3A_819, %iota3A_15 : vector<64x128xi32>
    %mul3A_821 = arith.constant 4 : i32
    %mul3A_822 = vector.broadcast %mul3A_821 : i32 to vector<64x128xi32>
    %mul3A_823 = arith.muli %iota3A_16, %mul3A_822 : vector<64x128xi32>
    %add3A_824 = arith.constant 3 : i32
    %add3A_825 = vector.broadcast %add3A_824 : i32 to vector<64x128xi32>
    %add3A_826 = arith.addi %mul3A_823, %add3A_825 : vector<64x128xi32>
    %jit3A_827 = arith.constant 0 : i32
    %broadcast_in_dim3A_828 = vector.broadcast %jit3A_827 : i32 to vector<64x128xi32>
    %select_n3A_829 = arith.select %eq3A_820, %add3A_826, %broadcast_in_dim3A_828 : vector<64x128xi1>, vector<64x128xi32>
    %reduce_sum3A_830 = arith.constant dense<0> : vector<64xi32>
    %reduce_sum3A_831 = vector.multi_reduction <add>, %select_n3A_829, %reduce_sum3A_830 [1] : vector<64x128xi32> to vector<64xi32>
    %broadcast_in_dim3A_832 = vector.shape_cast %reduce_sum3A_831 : vector<64xi32> to vector<64x1xi32>
    %add3A_833 = arith.addi %add3A_817, %broadcast_in_dim3A_832 : vector<64x1xi32>
    %iota3A_834 = tpu.iota {dimensions = array<i32: 1>} : vector<1x16xi32>
    %mul3A_835 = arith.constant 16 : i32
    %mul3A_836 = vector.broadcast %mul3A_835 : i32 to vector<64x1xi32>
    %mul3A_837 = arith.muli %add3A_833, %mul3A_836 : vector<64x1xi32>
    %add3A_838 = vector.broadcast %mul3A_837 : vector<64x1xi32> to vector<64x16xi32>
    %add3A_839 = vector.broadcast %iota3A_834 : vector<1x16xi32> to vector<64x16xi32>
    %add3A_840 = arith.addi %add3A_838, %add3A_839 : vector<64x16xi32>
    %add3A_841 = arith.constant 8192 : i32
    %add3A_842 = vector.broadcast %add3A_841 : i32 to vector<64x16xi32>
    %add3A_843 = arith.addi %add3A_840, %add3A_842 : vector<64x16xi32>
    %swap3A_844 = arith.constant 64 : index
    %swap3A_845 = arith.constant 0 : index
    %swap3A_846 = vector.load %arg5[%swap3A_844, %swap3A_845] : memref<256x16xi32, #tpu.memory_space<vmem>>, vector<64x16xi32>
    tpu.vector_store %arg5[%swap3A_844, %swap3A_845], %add3A_843 {strides = array<i32>} : memref<256x16xi32, #tpu.memory_space<vmem>>, vector<64x16xi32>,
    %get3A_847 = arith.constant 2 : index
    %get3A_848 = arith.constant 0 : index
    %get3A_849 = arith.constant 0 : index
    %get3A_850 = vector.load %arg3[%get3A_847, %get3A_848, %get3A_849] : memref<4x128x2048xf32, #tpu.memory_space<vmem>>, vector<1x128x2048xf32>
    %get3A_851 = vector.shape_cast %get3A_850 : vector<1x128x2048xf32> to vector<128x2048xf32>
    %slice3A_852 = vector.extract_strided_slice %slice3A {offsets = [8, 0], sizes = [4, 2048], strides = [1, 1]} : vector<16x2048xf32> to vector<4x2048xf32>
    %slice3A_853 = vector.extract_strided_slice %slice3A_13 {offsets = [8, 0], sizes = [4, 2048], strides = [1, 1]} : vector<16x2048xf32> to vector<4x2048xf32>
    %dot_general3A_854 = arith.constant dense<0.000000e+00> : vector<128x4xf32>
    %dot_general3A_855 = tpu.matmul %get3A_851, %slice3A_852, %dot_general3A_854 {dimension_numbers = #tpu.dot_dimension_numbers<[1], [1], [0], [0], [0, 0, 1, 0], [], []>, transpose_lhs_hint = false} : vector<128x2048xf32>, vector<4x2048xf32>, vector<128x4xf32> -> vector<128x4xf32>
    %reduce_max3A_856 = arith.constant dense<0xFF800000> : vector<128xf32>
    %reduce_max3A_857 = vector.multi_reduction <maximumf>, %dot_general3A_855, %reduce_max3A_856 [1] : vector<128x4xf32> to vector<128xf32>
    %broadcast_in_dim3A_858 = vector.shape_cast %reduce_max3A_857 : vector<128xf32> to vector<128x1xf32>
    %sub3A_859 = vector.broadcast %broadcast_in_dim3A_858 : vector<128x1xf32> to vector<128x4xf32>
    %sub3A_860 = arith.subf %dot_general3A_855, %sub3A_859 : vector<128x4xf32>
    %exp3A_861 = math.exp %sub3A_860 : vector<128x4xf32>
    %reduce_sum3A_862 = arith.constant dense<0.000000e+00> : vector<128xf32>
    %reduce_sum3A_863 = vector.multi_reduction <add>, %exp3A_861, %reduce_sum3A_862 [1] : vector<128x4xf32> to vector<128xf32>
    %broadcast_in_dim3A_864 = vector.shape_cast %reduce_sum3A_863 : vector<128xf32> to vector<128x1xf32>
    %div3A_865 = vector.broadcast %broadcast_in_dim3A_864 : vector<128x1xf32> to vector<128x4xf32>
    %div3A_866 = arith.divf %exp3A_861, %div3A_865 : vector<128x4xf32>
    %dot_general3A_867 = arith.constant dense<0.000000e+00> : vector<128x2048xf32>
    %dot_general3A_868 = tpu.matmul %div3A_866, %slice3A_853, %dot_general3A_867 {dimension_numbers = #tpu.dot_dimension_numbers<[1], [0], [0], [1], [0, 0, 1, 1], [], []>, transpose_lhs_hint = false} : vector<128x4xf32>, vector<4x2048xf32>, vector<128x2048xf32> -> vector<128x2048xf32>
    %swap3A_869 = arith.constant 2 : index
    %swap3A_870 = arith.constant 0 : index
    %swap3A_871 = arith.constant 0 : index
    %swap3A_872 = vector.load %arg4[%swap3A_869, %swap3A_870, %swap3A_871] : memref<4x128x2048xf32, #tpu.memory_space<vmem>>, vector<1x128x2048xf32>
    %swap3A_873 = vector.shape_cast %swap3A_872 : vector<1x128x2048xf32> to vector<128x2048xf32>
    %swap3A_874 = vector.shape_cast %dot_general3A_868 : vector<128x2048xf32> to vector<1x128x2048xf32>
    tpu.vector_store %arg4[%swap3A_869, %swap3A_870, %swap3A_871], %swap3A_874 {strides = array<i32>} : memref<4x128x2048xf32, #tpu.memory_space<vmem>>, vector<1x128x2048xf32>,
    %transpose3A_875 = tpu.transpose %div3A_866, [1, 0] : vector<128x4xf32> -> vector<4x128xf32>
    %slice3A_876 = vector.extract_strided_slice %transpose3A_875 {offsets = [0, 0], sizes = [1, 128], strides = [1, 1]} : vector<4x128xf32> to vector<1x128xf32>
    %broadcast_in_dim3A_877 = arith.constant 0 : i32
    %broadcast_in_dim3A_878 = vector.broadcast %broadcast_in_dim3A_877 : i32 to vector<1x128xi32>
    %slice3A_879 = vector.extract_strided_slice %div3A_866 {offsets = [0, 0], sizes = [128, 1], strides = [1, 1]} : vector<128x4xf32> to vector<128x1xf32>
    %gt3A_880 = vector.broadcast %slice3A_879 : vector<128x1xf32> to vector<128x128xf32>
    %gt3A_881 = vector.broadcast %slice3A_876 : vector<1x128xf32> to vector<128x128xf32>
    %gt3A_882 = arith.cmpf ogt, %gt3A_880, %gt3A_881 : vector<128x128xf32>
    %lt3A_883 = arith.cmpi slt, %iota3A, %iota3A_14 : vector<128x128xi32>
    %eq3A_884 = vector.broadcast %slice3A_879 : vector<128x1xf32> to vector<128x128xf32>
    %eq3A_885 = vector.broadcast %slice3A_876 : vector<1x128xf32> to vector<128x128xf32>
    %eq3A_886 = arith.cmpf oeq, %eq3A_884, %eq3A_885 : vector<128x128xf32>
    %and3A_887 = arith.andi %eq3A_886, %lt3A_883 : vector<128x128xi1>
    %or3A_888 = arith.ori %gt3A_882, %and3A_887 : vector<128x128xi1>
    %jit3A_889 = arith.constant 1 : i32
    %jit3A_890 = arith.constant 0 : i32
    %broadcast_in_dim3A_891 = vector.broadcast %jit3A_889 : i32 to vector<128x128xi32>
    %broadcast_in_dim3A_892 = vector.broadcast %jit3A_890 : i32 to vector<128x128xi32>
    %select_n3A_893 = arith.select %or3A_888, %broadcast_in_dim3A_891, %broadcast_in_dim3A_892 : vector<128x128xi1>, vector<128x128xi32>
    %reduce_sum3A_894 = arith.constant dense<0> : vector<128xi32>
    %reduce_sum3A_895 = vector.multi_reduction <add>, %select_n3A_893, %reduce_sum3A_894 [0] : vector<128x128xi32> to vector<128xi32>
    %broadcast_in_dim3A_896 = vector.shape_cast %reduce_sum3A_895 : vector<128xi32> to vector<1x128xi32>
    %add3A_897 = arith.addi %broadcast_in_dim3A_878, %broadcast_in_dim3A_896 : vector<1x128xi32>
    %slice3A_898 = vector.extract_strided_slice %div3A_866 {offsets = [0, 1], sizes = [128, 1], strides = [1, 1]} : vector<128x4xf32> to vector<128x1xf32>
    %gt3A_899 = vector.broadcast %slice3A_898 : vector<128x1xf32> to vector<128x128xf32>
    %gt3A_900 = vector.broadcast %slice3A_876 : vector<1x128xf32> to vector<128x128xf32>
    %gt3A_901 = arith.cmpf ogt, %gt3A_899, %gt3A_900 : vector<128x128xf32>
    %lt3A_902 = arith.cmpi slt, %iota3A, %iota3A_14 : vector<128x128xi32>
    %eq3A_903 = vector.broadcast %slice3A_898 : vector<128x1xf32> to vector<128x128xf32>
    %eq3A_904 = vector.broadcast %slice3A_876 : vector<1x128xf32> to vector<128x128xf32>
    %eq3A_905 = arith.cmpf oeq, %eq3A_903, %eq3A_904 : vector<128x128xf32>
    %and3A_906 = arith.andi %eq3A_905, %lt3A_902 : vector<128x128xi1>
    %or3A_907 = arith.ori %gt3A_901, %and3A_906 : vector<128x128xi1>
    %jit3A_908 = arith.constant 1 : i32
    %jit3A_909 = arith.constant 0 : i32
    %broadcast_in_dim3A_910 = vector.broadcast %jit3A_908 : i32 to vector<128x128xi32>
    %broadcast_in_dim3A_911 = vector.broadcast %jit3A_909 : i32 to vector<128x128xi32>
    %select_n3A_912 = arith.select %or3A_907, %broadcast_in_dim3A_910, %broadcast_in_dim3A_911 : vector<128x128xi1>, vector<128x128xi32>
    %reduce_sum3A_913 = arith.constant dense<0> : vector<128xi32>
    %reduce_sum3A_914 = vector.multi_reduction <add>, %select_n3A_912, %reduce_sum3A_913 [0] : vector<128x128xi32> to vector<128xi32>
    %broadcast_in_dim3A_915 = vector.shape_cast %reduce_sum3A_914 : vector<128xi32> to vector<1x128xi32>
    %add3A_916 = arith.addi %add3A_897, %broadcast_in_dim3A_915 : vector<1x128xi32>
    %slice3A_917 = vector.extract_strided_slice %div3A_866 {offsets = [0, 2], sizes = [128, 1], strides = [1, 1]} : vector<128x4xf32> to vector<128x1xf32>
    %gt3A_918 = vector.broadcast %slice3A_917 : vector<128x1xf32> to vector<128x128xf32>
    %gt3A_919 = vector.broadcast %slice3A_876 : vector<1x128xf32> to vector<128x128xf32>
    %gt3A_920 = arith.cmpf ogt, %gt3A_918, %gt3A_919 : vector<128x128xf32>
    %lt3A_921 = arith.cmpi slt, %iota3A, %iota3A_14 : vector<128x128xi32>
    %eq3A_922 = vector.broadcast %slice3A_917 : vector<128x1xf32> to vector<128x128xf32>
    %eq3A_923 = vector.broadcast %slice3A_876 : vector<1x128xf32> to vector<128x128xf32>
    %eq3A_924 = arith.cmpf oeq, %eq3A_922, %eq3A_923 : vector<128x128xf32>
    %and3A_925 = arith.andi %eq3A_924, %lt3A_921 : vector<128x128xi1>
    %or3A_926 = arith.ori %gt3A_920, %and3A_925 : vector<128x128xi1>
    %jit3A_927 = arith.constant 1 : i32
    %jit3A_928 = arith.constant 0 : i32
    %broadcast_in_dim3A_929 = vector.broadcast %jit3A_927 : i32 to vector<128x128xi32>
    %broadcast_in_dim3A_930 = vector.broadcast %jit3A_928 : i32 to vector<128x128xi32>
    %select_n3A_931 = arith.select %or3A_926, %broadcast_in_dim3A_929, %broadcast_in_dim3A_930 : vector<128x128xi1>, vector<128x128xi32>
    %reduce_sum3A_932 = arith.constant dense<0> : vector<128xi32>
    %reduce_sum3A_933 = vector.multi_reduction <add>, %select_n3A_931, %reduce_sum3A_932 [0] : vector<128x128xi32> to vector<128xi32>
    %broadcast_in_dim3A_934 = vector.shape_cast %reduce_sum3A_933 : vector<128xi32> to vector<1x128xi32>
    %add3A_935 = arith.addi %add3A_916, %broadcast_in_dim3A_934 : vector<1x128xi32>
    %slice3A_936 = vector.extract_strided_slice %div3A_866 {offsets = [0, 3], sizes = [128, 1], strides = [1, 1]} : vector<128x4xf32> to vector<128x1xf32>
    %gt3A_937 = vector.broadcast %slice3A_936 : vector<128x1xf32> to vector<128x128xf32>
    %gt3A_938 = vector.broadcast %slice3A_876 : vector<1x128xf32> to vector<128x128xf32>
    %gt3A_939 = arith.cmpf ogt, %gt3A_937, %gt3A_938 : vector<128x128xf32>
    %lt3A_940 = arith.cmpi slt, %iota3A, %iota3A_14 : vector<128x128xi32>
    %eq3A_941 = vector.broadcast %slice3A_936 : vector<128x1xf32> to vector<128x128xf32>
    %eq3A_942 = vector.broadcast %slice3A_876 : vector<1x128xf32> to vector<128x128xf32>
    %eq3A_943 = arith.cmpf oeq, %eq3A_941, %eq3A_942 : vector<128x128xf32>
    %and3A_944 = arith.andi %eq3A_943, %lt3A_940 : vector<128x128xi1>
    %or3A_945 = arith.ori %gt3A_939, %and3A_944 : vector<128x128xi1>
    %jit3A_946 = arith.constant 1 : i32
    %jit3A_947 = arith.constant 0 : i32
    %broadcast_in_dim3A_948 = vector.broadcast %jit3A_946 : i32 to vector<128x128xi32>
    %broadcast_in_dim3A_949 = vector.broadcast %jit3A_947 : i32 to vector<128x128xi32>
    %select_n3A_950 = arith.select %or3A_945, %broadcast_in_dim3A_948, %broadcast_in_dim3A_949 : vector<128x128xi1>, vector<128x128xi32>
    %reduce_sum3A_951 = arith.constant dense<0> : vector<128xi32>
    %reduce_sum3A_952 = vector.multi_reduction <add>, %select_n3A_950, %reduce_sum3A_951 [0] : vector<128x128xi32> to vector<128xi32>
    %broadcast_in_dim3A_953 = vector.shape_cast %reduce_sum3A_952 : vector<128xi32> to vector<1x128xi32>
    %add3A_954 = arith.addi %add3A_935, %broadcast_in_dim3A_953 : vector<1x128xi32>
    %slice3A_955 = vector.extract_strided_slice %transpose3A_875 {offsets = [1, 0], sizes = [1, 128], strides = [1, 1]} : vector<4x128xf32> to vector<1x128xf32>
    %broadcast_in_dim3A_956 = arith.constant 0 : i32
    %broadcast_in_dim3A_957 = vector.broadcast %broadcast_in_dim3A_956 : i32 to vector<1x128xi32>
    %slice3A_958 = vector.extract_strided_slice %div3A_866 {offsets = [0, 0], sizes = [128, 1], strides = [1, 1]} : vector<128x4xf32> to vector<128x1xf32>
    %gt3A_959 = vector.broadcast %slice3A_958 : vector<128x1xf32> to vector<128x128xf32>
    %gt3A_960 = vector.broadcast %slice3A_955 : vector<1x128xf32> to vector<128x128xf32>
    %gt3A_961 = arith.cmpf ogt, %gt3A_959, %gt3A_960 : vector<128x128xf32>
    %le3A_962 = arith.cmpi sle, %iota3A, %iota3A_14 : vector<128x128xi32>
    %eq3A_963 = vector.broadcast %slice3A_958 : vector<128x1xf32> to vector<128x128xf32>
    %eq3A_964 = vector.broadcast %slice3A_955 : vector<1x128xf32> to vector<128x128xf32>
    %eq3A_965 = arith.cmpf oeq, %eq3A_963, %eq3A_964 : vector<128x128xf32>
    %and3A_966 = arith.andi %eq3A_965, %le3A_962 : vector<128x128xi1>
    %or3A_967 = arith.ori %gt3A_961, %and3A_966 : vector<128x128xi1>
    %jit3A_968 = arith.constant 1 : i32
    %jit3A_969 = arith.constant 0 : i32
    %broadcast_in_dim3A_970 = vector.broadcast %jit3A_968 : i32 to vector<128x128xi32>
    %broadcast_in_dim3A_971 = vector.broadcast %jit3A_969 : i32 to vector<128x128xi32>
    %select_n3A_972 = arith.select %or3A_967, %broadcast_in_dim3A_970, %broadcast_in_dim3A_971 : vector<128x128xi1>, vector<128x128xi32>
    %reduce_sum3A_973 = arith.constant dense<0> : vector<128xi32>
    %reduce_sum3A_974 = vector.multi_reduction <add>, %select_n3A_972, %reduce_sum3A_973 [0] : vector<128x128xi32> to vector<128xi32>
    %broadcast_in_dim3A_975 = vector.shape_cast %reduce_sum3A_974 : vector<128xi32> to vector<1x128xi32>
    %add3A_976 = arith.addi %broadcast_in_dim3A_957, %broadcast_in_dim3A_975 : vector<1x128xi32>
    %slice3A_977 = vector.extract_strided_slice %div3A_866 {offsets = [0, 1], sizes = [128, 1], strides = [1, 1]} : vector<128x4xf32> to vector<128x1xf32>
    %gt3A_978 = vector.broadcast %slice3A_977 : vector<128x1xf32> to vector<128x128xf32>
    %gt3A_979 = vector.broadcast %slice3A_955 : vector<1x128xf32> to vector<128x128xf32>
    %gt3A_980 = arith.cmpf ogt, %gt3A_978, %gt3A_979 : vector<128x128xf32>
    %lt3A_981 = arith.cmpi slt, %iota3A, %iota3A_14 : vector<128x128xi32>
    %eq3A_982 = vector.broadcast %slice3A_977 : vector<128x1xf32> to vector<128x128xf32>
    %eq3A_983 = vector.broadcast %slice3A_955 : vector<1x128xf32> to vector<128x128xf32>
    %eq3A_984 = arith.cmpf oeq, %eq3A_982, %eq3A_983 : vector<128x128xf32>
    %and3A_985 = arith.andi %eq3A_984, %lt3A_981 : vector<128x128xi1>
    %or3A_986 = arith.ori %gt3A_980, %and3A_985 : vector<128x128xi1>
    %jit3A_987 = arith.constant 1 : i32
    %jit3A_988 = arith.constant 0 : i32
    %broadcast_in_dim3A_989 = vector.broadcast %jit3A_987 : i32 to vector<128x128xi32>
    %broadcast_in_dim3A_990 = vector.broadcast %jit3A_988 : i32 to vector<128x128xi32>
    %select_n3A_991 = arith.select %or3A_986, %broadcast_in_dim3A_989, %broadcast_in_dim3A_990 : vector<128x128xi1>, vector<128x128xi32>
    %reduce_sum3A_992 = arith.constant dense<0> : vector<128xi32>
    %reduce_sum3A_993 = vector.multi_reduction <add>, %select_n3A_991, %reduce_sum3A_992 [0] : vector<128x128xi32> to vector<128xi32>
    %broadcast_in_dim3A_994 = vector.shape_cast %reduce_sum3A_993 : vector<128xi32> to vector<1x128xi32>
    %add3A_995 = arith.addi %add3A_976, %broadcast_in_dim3A_994 : vector<1x128xi32>
    %slice3A_996 = vector.extract_strided_slice %div3A_866 {offsets = [0, 2], sizes = [128, 1], strides = [1, 1]} : vector<128x4xf32> to vector<128x1xf32>
    %gt3A_997 = vector.broadcast %slice3A_996 : vector<128x1xf32> to vector<128x128xf32>
    %gt3A_998 = vector.broadcast %slice3A_955 : vector<1x128xf32> to vector<128x128xf32>
    %gt3A_999 = arith.cmpf ogt, %gt3A_997, %gt3A_998 : vector<128x128xf32>
    %lt3A_1000 = arith.cmpi slt, %iota3A, %iota3A_14 : vector<128x128xi32>
    %eq3A_1001 = vector.broadcast %slice3A_996 : vector<128x1xf32> to vector<128x128xf32>
    %eq3A_1002 = vector.broadcast %slice3A_955 : vector<1x128xf32> to vector<128x128xf32>
    %eq3A_1003 = arith.cmpf oeq, %eq3A_1001, %eq3A_1002 : vector<128x128xf32>
    %and3A_1004 = arith.andi %eq3A_1003, %lt3A_1000 : vector<128x128xi1>
    %or3A_1005 = arith.ori %gt3A_999, %and3A_1004 : vector<128x128xi1>
    %jit3A_1006 = arith.constant 1 : i32
    %jit3A_1007 = arith.constant 0 : i32
    %broadcast_in_dim3A_1008 = vector.broadcast %jit3A_1006 : i32 to vector<128x128xi32>
    %broadcast_in_dim3A_1009 = vector.broadcast %jit3A_1007 : i32 to vector<128x128xi32>
    %select_n3A_1010 = arith.select %or3A_1005, %broadcast_in_dim3A_1008, %broadcast_in_dim3A_1009 : vector<128x128xi1>, vector<128x128xi32>
    %reduce_sum3A_1011 = arith.constant dense<0> : vector<128xi32>
    %reduce_sum3A_1012 = vector.multi_reduction <add>, %select_n3A_1010, %reduce_sum3A_1011 [0] : vector<128x128xi32> to vector<128xi32>
    %broadcast_in_dim3A_1013 = vector.shape_cast %reduce_sum3A_1012 : vector<128xi32> to vector<1x128xi32>
    %add3A_1014 = arith.addi %add3A_995, %broadcast_in_dim3A_1013 : vector<1x128xi32>
    %slice3A_1015 = vector.extract_strided_slice %div3A_866 {offsets = [0, 3], sizes = [128, 1], strides = [1, 1]} : vector<128x4xf32> to vector<128x1xf32>
    %gt3A_1016 = vector.broadcast %slice3A_1015 : vector<128x1xf32> to vector<128x128xf32>
    %gt3A_1017 = vector.broadcast %slice3A_955 : vector<1x128xf32> to vector<128x128xf32>
    %gt3A_1018 = arith.cmpf ogt, %gt3A_1016, %gt3A_1017 : vector<128x128xf32>
    %lt3A_1019 = arith.cmpi slt, %iota3A, %iota3A_14 : vector<128x128xi32>
    %eq3A_1020 = vector.broadcast %slice3A_1015 : vector<128x1xf32> to vector<128x128xf32>
    %eq3A_1021 = vector.broadcast %slice3A_955 : vector<1x128xf32> to vector<128x128xf32>
    %eq3A_1022 = arith.cmpf oeq, %eq3A_1020, %eq3A_1021 : vector<128x128xf32>
    %and3A_1023 = arith.andi %eq3A_1022, %lt3A_1019 : vector<128x128xi1>
    %or3A_1024 = arith.ori %gt3A_1018, %and3A_1023 : vector<128x128xi1>
    %jit3A_1025 = arith.constant 1 : i32
    %jit3A_1026 = arith.constant 0 : i32
    %broadcast_in_dim3A_1027 = vector.broadcast %jit3A_1025 : i32 to vector<128x128xi32>
    %broadcast_in_dim3A_1028 = vector.broadcast %jit3A_1026 : i32 to vector<128x128xi32>
    %select_n3A_1029 = arith.select %or3A_1024, %broadcast_in_dim3A_1027, %broadcast_in_dim3A_1028 : vector<128x128xi1>, vector<128x128xi32>
    %reduce_sum3A_1030 = arith.constant dense<0> : vector<128xi32>
    %reduce_sum3A_1031 = vector.multi_reduction <add>, %select_n3A_1029, %reduce_sum3A_1030 [0] : vector<128x128xi32> to vector<128xi32>
    %broadcast_in_dim3A_1032 = vector.shape_cast %reduce_sum3A_1031 : vector<128xi32> to vector<1x128xi32>
    %add3A_1033 = arith.addi %add3A_1014, %broadcast_in_dim3A_1032 : vector<1x128xi32>
    %slice3A_1034 = vector.extract_strided_slice %transpose3A_875 {offsets = [2, 0], sizes = [1, 128], strides = [1, 1]} : vector<4x128xf32> to vector<1x128xf32>
    %broadcast_in_dim3A_1035 = arith.constant 0 : i32
    %broadcast_in_dim3A_1036 = vector.broadcast %broadcast_in_dim3A_1035 : i32 to vector<1x128xi32>
    %slice3A_1037 = vector.extract_strided_slice %div3A_866 {offsets = [0, 0], sizes = [128, 1], strides = [1, 1]} : vector<128x4xf32> to vector<128x1xf32>
    %gt3A_1038 = vector.broadcast %slice3A_1037 : vector<128x1xf32> to vector<128x128xf32>
    %gt3A_1039 = vector.broadcast %slice3A_1034 : vector<1x128xf32> to vector<128x128xf32>
    %gt3A_1040 = arith.cmpf ogt, %gt3A_1038, %gt3A_1039 : vector<128x128xf32>
    %le3A_1041 = arith.cmpi sle, %iota3A, %iota3A_14 : vector<128x128xi32>
    %eq3A_1042 = vector.broadcast %slice3A_1037 : vector<128x1xf32> to vector<128x128xf32>
    %eq3A_1043 = vector.broadcast %slice3A_1034 : vector<1x128xf32> to vector<128x128xf32>
    %eq3A_1044 = arith.cmpf oeq, %eq3A_1042, %eq3A_1043 : vector<128x128xf32>
    %and3A_1045 = arith.andi %eq3A_1044, %le3A_1041 : vector<128x128xi1>
    %or3A_1046 = arith.ori %gt3A_1040, %and3A_1045 : vector<128x128xi1>
    %jit3A_1047 = arith.constant 1 : i32
    %jit3A_1048 = arith.constant 0 : i32
    %broadcast_in_dim3A_1049 = vector.broadcast %jit3A_1047 : i32 to vector<128x128xi32>
    %broadcast_in_dim3A_1050 = vector.broadcast %jit3A_1048 : i32 to vector<128x128xi32>
    %select_n3A_1051 = arith.select %or3A_1046, %broadcast_in_dim3A_1049, %broadcast_in_dim3A_1050 : vector<128x128xi1>, vector<128x128xi32>
    %reduce_sum3A_1052 = arith.constant dense<0> : vector<128xi32>
    %reduce_sum3A_1053 = vector.multi_reduction <add>, %select_n3A_1051, %reduce_sum3A_1052 [0] : vector<128x128xi32> to vector<128xi32>
    %broadcast_in_dim3A_1054 = vector.shape_cast %reduce_sum3A_1053 : vector<128xi32> to vector<1x128xi32>
    %add3A_1055 = arith.addi %broadcast_in_dim3A_1036, %broadcast_in_dim3A_1054 : vector<1x128xi32>
    %slice3A_1056 = vector.extract_strided_slice %div3A_866 {offsets = [0, 1], sizes = [128, 1], strides = [1, 1]} : vector<128x4xf32> to vector<128x1xf32>
    %gt3A_1057 = vector.broadcast %slice3A_1056 : vector<128x1xf32> to vector<128x128xf32>
    %gt3A_1058 = vector.broadcast %slice3A_1034 : vector<1x128xf32> to vector<128x128xf32>
    %gt3A_1059 = arith.cmpf ogt, %gt3A_1057, %gt3A_1058 : vector<128x128xf32>
    %le3A_1060 = arith.cmpi sle, %iota3A, %iota3A_14 : vector<128x128xi32>
    %eq3A_1061 = vector.broadcast %slice3A_1056 : vector<128x1xf32> to vector<128x128xf32>
    %eq3A_1062 = vector.broadcast %slice3A_1034 : vector<1x128xf32> to vector<128x128xf32>
    %eq3A_1063 = arith.cmpf oeq, %eq3A_1061, %eq3A_1062 : vector<128x128xf32>
    %and3A_1064 = arith.andi %eq3A_1063, %le3A_1060 : vector<128x128xi1>
    %or3A_1065 = arith.ori %gt3A_1059, %and3A_1064 : vector<128x128xi1>
    %jit3A_1066 = arith.constant 1 : i32
    %jit3A_1067 = arith.constant 0 : i32
    %broadcast_in_dim3A_1068 = vector.broadcast %jit3A_1066 : i32 to vector<128x128xi32>
    %broadcast_in_dim3A_1069 = vector.broadcast %jit3A_1067 : i32 to vector<128x128xi32>
    %select_n3A_1070 = arith.select %or3A_1065, %broadcast_in_dim3A_1068, %broadcast_in_dim3A_1069 : vector<128x128xi1>, vector<128x128xi32>
    %reduce_sum3A_1071 = arith.constant dense<0> : vector<128xi32>
    %reduce_sum3A_1072 = vector.multi_reduction <add>, %select_n3A_1070, %reduce_sum3A_1071 [0] : vector<128x128xi32> to vector<128xi32>
    %broadcast_in_dim3A_1073 = vector.shape_cast %reduce_sum3A_1072 : vector<128xi32> to vector<1x128xi32>
    %add3A_1074 = arith.addi %add3A_1055, %broadcast_in_dim3A_1073 : vector<1x128xi32>
    %slice3A_1075 = vector.extract_strided_slice %div3A_866 {offsets = [0, 2], sizes = [128, 1], strides = [1, 1]} : vector<128x4xf32> to vector<128x1xf32>
    %gt3A_1076 = vector.broadcast %slice3A_1075 : vector<128x1xf32> to vector<128x128xf32>
    %gt3A_1077 = vector.broadcast %slice3A_1034 : vector<1x128xf32> to vector<128x128xf32>
    %gt3A_1078 = arith.cmpf ogt, %gt3A_1076, %gt3A_1077 : vector<128x128xf32>
    %lt3A_1079 = arith.cmpi slt, %iota3A, %iota3A_14 : vector<128x128xi32>
    %eq3A_1080 = vector.broadcast %slice3A_1075 : vector<128x1xf32> to vector<128x128xf32>
    %eq3A_1081 = vector.broadcast %slice3A_1034 : vector<1x128xf32> to vector<128x128xf32>
    %eq3A_1082 = arith.cmpf oeq, %eq3A_1080, %eq3A_1081 : vector<128x128xf32>
    %and3A_1083 = arith.andi %eq3A_1082, %lt3A_1079 : vector<128x128xi1>
    %or3A_1084 = arith.ori %gt3A_1078, %and3A_1083 : vector<128x128xi1>
    %jit3A_1085 = arith.constant 1 : i32
    %jit3A_1086 = arith.constant 0 : i32
    %broadcast_in_dim3A_1087 = vector.broadcast %jit3A_1085 : i32 to vector<128x128xi32>
    %broadcast_in_dim3A_1088 = vector.broadcast %jit3A_1086 : i32 to vector<128x128xi32>
    %select_n3A_1089 = arith.select %or3A_1084, %broadcast_in_dim3A_1087, %broadcast_in_dim3A_1088 : vector<128x128xi1>, vector<128x128xi32>
    %reduce_sum3A_1090 = arith.constant dense<0> : vector<128xi32>
    %reduce_sum3A_1091 = vector.multi_reduction <add>, %select_n3A_1089, %reduce_sum3A_1090 [0] : vector<128x128xi32> to vector<128xi32>
    %broadcast_in_dim3A_1092 = vector.shape_cast %reduce_sum3A_1091 : vector<128xi32> to vector<1x128xi32>
    %add3A_1093 = arith.addi %add3A_1074, %broadcast_in_dim3A_1092 : vector<1x128xi32>
    %slice3A_1094 = vector.extract_strided_slice %div3A_866 {offsets = [0, 3], sizes = [128, 1], strides = [1, 1]} : vector<128x4xf32> to vector<128x1xf32>
    %gt3A_1095 = vector.broadcast %slice3A_1094 : vector<128x1xf32> to vector<128x128xf32>
    %gt3A_1096 = vector.broadcast %slice3A_1034 : vector<1x128xf32> to vector<128x128xf32>
    %gt3A_1097 = arith.cmpf ogt, %gt3A_1095, %gt3A_1096 : vector<128x128xf32>
    %lt3A_1098 = arith.cmpi slt, %iota3A, %iota3A_14 : vector<128x128xi32>
    %eq3A_1099 = vector.broadcast %slice3A_1094 : vector<128x1xf32> to vector<128x128xf32>
    %eq3A_1100 = vector.broadcast %slice3A_1034 : vector<1x128xf32> to vector<128x128xf32>
    %eq3A_1101 = arith.cmpf oeq, %eq3A_1099, %eq3A_1100 : vector<128x128xf32>
    %and3A_1102 = arith.andi %eq3A_1101, %lt3A_1098 : vector<128x128xi1>
    %or3A_1103 = arith.ori %gt3A_1097, %and3A_1102 : vector<128x128xi1>
    %jit3A_1104 = arith.constant 1 : i32
    %jit3A_1105 = arith.constant 0 : i32
    %broadcast_in_dim3A_1106 = vector.broadcast %jit3A_1104 : i32 to vector<128x128xi32>
    %broadcast_in_dim3A_1107 = vector.broadcast %jit3A_1105 : i32 to vector<128x128xi32>
    %select_n3A_1108 = arith.select %or3A_1103, %broadcast_in_dim3A_1106, %broadcast_in_dim3A_1107 : vector<128x128xi1>, vector<128x128xi32>
    %reduce_sum3A_1109 = arith.constant dense<0> : vector<128xi32>
    %reduce_sum3A_1110 = vector.multi_reduction <add>, %select_n3A_1108, %reduce_sum3A_1109 [0] : vector<128x128xi32> to vector<128xi32>
    %broadcast_in_dim3A_1111 = vector.shape_cast %reduce_sum3A_1110 : vector<128xi32> to vector<1x128xi32>
    %add3A_1112 = arith.addi %add3A_1093, %broadcast_in_dim3A_1111 : vector<1x128xi32>
    %slice3A_1113 = vector.extract_strided_slice %transpose3A_875 {offsets = [3, 0], sizes = [1, 128], strides = [1, 1]} : vector<4x128xf32> to vector<1x128xf32>
    %broadcast_in_dim3A_1114 = arith.constant 0 : i32
    %broadcast_in_dim3A_1115 = vector.broadcast %broadcast_in_dim3A_1114 : i32 to vector<1x128xi32>
    %slice3A_1116 = vector.extract_strided_slice %div3A_866 {offsets = [0, 0], sizes = [128, 1], strides = [1, 1]} : vector<128x4xf32> to vector<128x1xf32>
    %gt3A_1117 = vector.broadcast %slice3A_1116 : vector<128x1xf32> to vector<128x128xf32>
    %gt3A_1118 = vector.broadcast %slice3A_1113 : vector<1x128xf32> to vector<128x128xf32>
    %gt3A_1119 = arith.cmpf ogt, %gt3A_1117, %gt3A_1118 : vector<128x128xf32>
    %le3A_1120 = arith.cmpi sle, %iota3A, %iota3A_14 : vector<128x128xi32>
    %eq3A_1121 = vector.broadcast %slice3A_1116 : vector<128x1xf32> to vector<128x128xf32>
    %eq3A_1122 = vector.broadcast %slice3A_1113 : vector<1x128xf32> to vector<128x128xf32>
    %eq3A_1123 = arith.cmpf oeq, %eq3A_1121, %eq3A_1122 : vector<128x128xf32>
    %and3A_1124 = arith.andi %eq3A_1123, %le3A_1120 : vector<128x128xi1>
    %or3A_1125 = arith.ori %gt3A_1119, %and3A_1124 : vector<128x128xi1>
    %jit3A_1126 = arith.constant 1 : i32
    %jit3A_1127 = arith.constant 0 : i32
    %broadcast_in_dim3A_1128 = vector.broadcast %jit3A_1126 : i32 to vector<128x128xi32>
    %broadcast_in_dim3A_1129 = vector.broadcast %jit3A_1127 : i32 to vector<128x128xi32>
    %select_n3A_1130 = arith.select %or3A_1125, %broadcast_in_dim3A_1128, %broadcast_in_dim3A_1129 : vector<128x128xi1>, vector<128x128xi32>
    %reduce_sum3A_1131 = arith.constant dense<0> : vector<128xi32>
    %reduce_sum3A_1132 = vector.multi_reduction <add>, %select_n3A_1130, %reduce_sum3A_1131 [0] : vector<128x128xi32> to vector<128xi32>
    %broadcast_in_dim3A_1133 = vector.shape_cast %reduce_sum3A_1132 : vector<128xi32> to vector<1x128xi32>
    %add3A_1134 = arith.addi %broadcast_in_dim3A_1115, %broadcast_in_dim3A_1133 : vector<1x128xi32>
    %slice3A_1135 = vector.extract_strided_slice %div3A_866 {offsets = [0, 1], sizes = [128, 1], strides = [1, 1]} : vector<128x4xf32> to vector<128x1xf32>
    %gt3A_1136 = vector.broadcast %slice3A_1135 : vector<128x1xf32> to vector<128x128xf32>
    %gt3A_1137 = vector.broadcast %slice3A_1113 : vector<1x128xf32> to vector<128x128xf32>
    %gt3A_1138 = arith.cmpf ogt, %gt3A_1136, %gt3A_1137 : vector<128x128xf32>
    %le3A_1139 = arith.cmpi sle, %iota3A, %iota3A_14 : vector<128x128xi32>
    %eq3A_1140 = vector.broadcast %slice3A_1135 : vector<128x1xf32> to vector<128x128xf32>
    %eq3A_1141 = vector.broadcast %slice3A_1113 : vector<1x128xf32> to vector<128x128xf32>
    %eq3A_1142 = arith.cmpf oeq, %eq3A_1140, %eq3A_1141 : vector<128x128xf32>
    %and3A_1143 = arith.andi %eq3A_1142, %le3A_1139 : vector<128x128xi1>
    %or3A_1144 = arith.ori %gt3A_1138, %and3A_1143 : vector<128x128xi1>
    %jit3A_1145 = arith.constant 1 : i32
    %jit3A_1146 = arith.constant 0 : i32
    %broadcast_in_dim3A_1147 = vector.broadcast %jit3A_1145 : i32 to vector<128x128xi32>
    %broadcast_in_dim3A_1148 = vector.broadcast %jit3A_1146 : i32 to vector<128x128xi32>
    %select_n3A_1149 = arith.select %or3A_1144, %broadcast_in_dim3A_1147, %broadcast_in_dim3A_1148 : vector<128x128xi1>, vector<128x128xi32>
    %reduce_sum3A_1150 = arith.constant dense<0> : vector<128xi32>
    %reduce_sum3A_1151 = vector.multi_reduction <add>, %select_n3A_1149, %reduce_sum3A_1150 [0] : vector<128x128xi32> to vector<128xi32>
    %broadcast_in_dim3A_1152 = vector.shape_cast %reduce_sum3A_1151 : vector<128xi32> to vector<1x128xi32>
    %add3A_1153 = arith.addi %add3A_1134, %broadcast_in_dim3A_1152 : vector<1x128xi32>
    %slice3A_1154 = vector.extract_strided_slice %div3A_866 {offsets = [0, 2], sizes = [128, 1], strides = [1, 1]} : vector<128x4xf32> to vector<128x1xf32>
    %gt3A_1155 = vector.broadcast %slice3A_1154 : vector<128x1xf32> to vector<128x128xf32>
    %gt3A_1156 = vector.broadcast %slice3A_1113 : vector<1x128xf32> to vector<128x128xf32>
    %gt3A_1157 = arith.cmpf ogt, %gt3A_1155, %gt3A_1156 : vector<128x128xf32>
    %le3A_1158 = arith.cmpi sle, %iota3A, %iota3A_14 : vector<128x128xi32>
    %eq3A_1159 = vector.broadcast %slice3A_1154 : vector<128x1xf32> to vector<128x128xf32>
    %eq3A_1160 = vector.broadcast %slice3A_1113 : vector<1x128xf32> to vector<128x128xf32>
    %eq3A_1161 = arith.cmpf oeq, %eq3A_1159, %eq3A_1160 : vector<128x128xf32>
    %and3A_1162 = arith.andi %eq3A_1161, %le3A_1158 : vector<128x128xi1>
    %or3A_1163 = arith.ori %gt3A_1157, %and3A_1162 : vector<128x128xi1>
    %jit3A_1164 = arith.constant 1 : i32
    %jit3A_1165 = arith.constant 0 : i32
    %broadcast_in_dim3A_1166 = vector.broadcast %jit3A_1164 : i32 to vector<128x128xi32>
    %broadcast_in_dim3A_1167 = vector.broadcast %jit3A_1165 : i32 to vector<128x128xi32>
    %select_n3A_1168 = arith.select %or3A_1163, %broadcast_in_dim3A_1166, %broadcast_in_dim3A_1167 : vector<128x128xi1>, vector<128x128xi32>
    %reduce_sum3A_1169 = arith.constant dense<0> : vector<128xi32>
    %reduce_sum3A_1170 = vector.multi_reduction <add>, %select_n3A_1168, %reduce_sum3A_1169 [0] : vector<128x128xi32> to vector<128xi32>
    %broadcast_in_dim3A_1171 = vector.shape_cast %reduce_sum3A_1170 : vector<128xi32> to vector<1x128xi32>
    %add3A_1172 = arith.addi %add3A_1153, %broadcast_in_dim3A_1171 : vector<1x128xi32>
    %slice3A_1173 = vector.extract_strided_slice %div3A_866 {offsets = [0, 3], sizes = [128, 1], strides = [1, 1]} : vector<128x4xf32> to vector<128x1xf32>
    %gt3A_1174 = vector.broadcast %slice3A_1173 : vector<128x1xf32> to vector<128x128xf32>
    %gt3A_1175 = vector.broadcast %slice3A_1113 : vector<1x128xf32> to vector<128x128xf32>
    %gt3A_1176 = arith.cmpf ogt, %gt3A_1174, %gt3A_1175 : vector<128x128xf32>
    %lt3A_1177 = arith.cmpi slt, %iota3A, %iota3A_14 : vector<128x128xi32>
    %eq3A_1178 = vector.broadcast %slice3A_1173 : vector<128x1xf32> to vector<128x128xf32>
    %eq3A_1179 = vector.broadcast %slice3A_1113 : vector<1x128xf32> to vector<128x128xf32>
    %eq3A_1180 = arith.cmpf oeq, %eq3A_1178, %eq3A_1179 : vector<128x128xf32>
    %and3A_1181 = arith.andi %eq3A_1180, %lt3A_1177 : vector<128x128xi1>
    %or3A_1182 = arith.ori %gt3A_1176, %and3A_1181 : vector<128x128xi1>
    %jit3A_1183 = arith.constant 1 : i32
    %jit3A_1184 = arith.constant 0 : i32
    %broadcast_in_dim3A_1185 = vector.broadcast %jit3A_1183 : i32 to vector<128x128xi32>
    %broadcast_in_dim3A_1186 = vector.broadcast %jit3A_1184 : i32 to vector<128x128xi32>
    %select_n3A_1187 = arith.select %or3A_1182, %broadcast_in_dim3A_1185, %broadcast_in_dim3A_1186 : vector<128x128xi1>, vector<128x128xi32>
    %reduce_sum3A_1188 = arith.constant dense<0> : vector<128xi32>
    %reduce_sum3A_1189 = vector.multi_reduction <add>, %select_n3A_1187, %reduce_sum3A_1188 [0] : vector<128x128xi32> to vector<128xi32>
    %broadcast_in_dim3A_1190 = vector.shape_cast %reduce_sum3A_1189 : vector<128xi32> to vector<1x128xi32>
    %add3A_1191 = arith.addi %add3A_1172, %broadcast_in_dim3A_1190 : vector<1x128xi32>
    %broadcast_in_dim3A_1192 = arith.constant 0 : i32
    %broadcast_in_dim3A_1193 = vector.broadcast %broadcast_in_dim3A_1192 : i32 to vector<64x1xi32>
    %broadcast_in_dim3A_1194 = vector.shape_cast %add3A_954 : vector<1x128xi32> to vector<1x128xi32>
    %broadcast_in_dim3A_1195 = vector.broadcast %broadcast_in_dim3A_1194 : vector<1x128xi32> to vector<64x128xi32>
    %eq3A_1196 = arith.cmpi eq, %broadcast_in_dim3A_1195, %iota3A_15 : vector<64x128xi32>
    %mul3A_1197 = arith.constant 4 : i32
    %mul3A_1198 = vector.broadcast %mul3A_1197 : i32 to vector<64x128xi32>
    %mul3A_1199 = arith.muli %iota3A_16, %mul3A_1198 : vector<64x128xi32>
    %add3A_1200 = arith.constant 0 : i32
    %add3A_1201 = vector.broadcast %add3A_1200 : i32 to vector<64x128xi32>
    %add3A_1202 = arith.addi %mul3A_1199, %add3A_1201 : vector<64x128xi32>
    %jit3A_1203 = arith.constant 0 : i32
    %broadcast_in_dim3A_1204 = vector.broadcast %jit3A_1203 : i32 to vector<64x128xi32>
    %select_n3A_1205 = arith.select %eq3A_1196, %add3A_1202, %broadcast_in_dim3A_1204 : vector<64x128xi1>, vector<64x128xi32>
    %reduce_sum3A_1206 = arith.constant dense<0> : vector<64xi32>
    %reduce_sum3A_1207 = vector.multi_reduction <add>, %select_n3A_1205, %reduce_sum3A_1206 [1] : vector<64x128xi32> to vector<64xi32>
    %broadcast_in_dim3A_1208 = vector.shape_cast %reduce_sum3A_1207 : vector<64xi32> to vector<64x1xi32>
    %add3A_1209 = arith.addi %broadcast_in_dim3A_1193, %broadcast_in_dim3A_1208 : vector<64x1xi32>
    %broadcast_in_dim3A_1210 = vector.shape_cast %add3A_1033 : vector<1x128xi32> to vector<1x128xi32>
    %broadcast_in_dim3A_1211 = vector.broadcast %broadcast_in_dim3A_1210 : vector<1x128xi32> to vector<64x128xi32>
    %eq3A_1212 = arith.cmpi eq, %broadcast_in_dim3A_1211, %iota3A_15 : vector<64x128xi32>
    %mul3A_1213 = arith.constant 4 : i32
    %mul3A_1214 = vector.broadcast %mul3A_1213 : i32 to vector<64x128xi32>
    %mul3A_1215 = arith.muli %iota3A_16, %mul3A_1214 : vector<64x128xi32>
    %add3A_1216 = arith.constant 1 : i32
    %add3A_1217 = vector.broadcast %add3A_1216 : i32 to vector<64x128xi32>
    %add3A_1218 = arith.addi %mul3A_1215, %add3A_1217 : vector<64x128xi32>
    %jit3A_1219 = arith.constant 0 : i32
    %broadcast_in_dim3A_1220 = vector.broadcast %jit3A_1219 : i32 to vector<64x128xi32>
    %select_n3A_1221 = arith.select %eq3A_1212, %add3A_1218, %broadcast_in_dim3A_1220 : vector<64x128xi1>, vector<64x128xi32>
    %reduce_sum3A_1222 = arith.constant dense<0> : vector<64xi32>
    %reduce_sum3A_1223 = vector.multi_reduction <add>, %select_n3A_1221, %reduce_sum3A_1222 [1] : vector<64x128xi32> to vector<64xi32>
    %broadcast_in_dim3A_1224 = vector.shape_cast %reduce_sum3A_1223 : vector<64xi32> to vector<64x1xi32>
    %add3A_1225 = arith.addi %add3A_1209, %broadcast_in_dim3A_1224 : vector<64x1xi32>
    %broadcast_in_dim3A_1226 = vector.shape_cast %add3A_1112 : vector<1x128xi32> to vector<1x128xi32>
    %broadcast_in_dim3A_1227 = vector.broadcast %broadcast_in_dim3A_1226 : vector<1x128xi32> to vector<64x128xi32>
    %eq3A_1228 = arith.cmpi eq, %broadcast_in_dim3A_1227, %iota3A_15 : vector<64x128xi32>
    %mul3A_1229 = arith.constant 4 : i32
    %mul3A_1230 = vector.broadcast %mul3A_1229 : i32 to vector<64x128xi32>
    %mul3A_1231 = arith.muli %iota3A_16, %mul3A_1230 : vector<64x128xi32>
    %add3A_1232 = arith.constant 2 : i32
    %add3A_1233 = vector.broadcast %add3A_1232 : i32 to vector<64x128xi32>
    %add3A_1234 = arith.addi %mul3A_1231, %add3A_1233 : vector<64x128xi32>
    %jit3A_1235 = arith.constant 0 : i32
    %broadcast_in_dim3A_1236 = vector.broadcast %jit3A_1235 : i32 to vector<64x128xi32>
    %select_n3A_1237 = arith.select %eq3A_1228, %add3A_1234, %broadcast_in_dim3A_1236 : vector<64x128xi1>, vector<64x128xi32>
    %reduce_sum3A_1238 = arith.constant dense<0> : vector<64xi32>
    %reduce_sum3A_1239 = vector.multi_reduction <add>, %select_n3A_1237, %reduce_sum3A_1238 [1] : vector<64x128xi32> to vector<64xi32>
    %broadcast_in_dim3A_1240 = vector.shape_cast %reduce_sum3A_1239 : vector<64xi32> to vector<64x1xi32>
    %add3A_1241 = arith.addi %add3A_1225, %broadcast_in_dim3A_1240 : vector<64x1xi32>
    %broadcast_in_dim3A_1242 = vector.shape_cast %add3A_1191 : vector<1x128xi32> to vector<1x128xi32>
    %broadcast_in_dim3A_1243 = vector.broadcast %broadcast_in_dim3A_1242 : vector<1x128xi32> to vector<64x128xi32>
    %eq3A_1244 = arith.cmpi eq, %broadcast_in_dim3A_1243, %iota3A_15 : vector<64x128xi32>
    %mul3A_1245 = arith.constant 4 : i32
    %mul3A_1246 = vector.broadcast %mul3A_1245 : i32 to vector<64x128xi32>
    %mul3A_1247 = arith.muli %iota3A_16, %mul3A_1246 : vector<64x128xi32>
    %add3A_1248 = arith.constant 3 : i32
    %add3A_1249 = vector.broadcast %add3A_1248 : i32 to vector<64x128xi32>
    %add3A_1250 = arith.addi %mul3A_1247, %add3A_1249 : vector<64x128xi32>
    %jit3A_1251 = arith.constant 0 : i32
    %broadcast_in_dim3A_1252 = vector.broadcast %jit3A_1251 : i32 to vector<64x128xi32>
    %select_n3A_1253 = arith.select %eq3A_1244, %add3A_1250, %broadcast_in_dim3A_1252 : vector<64x128xi1>, vector<64x128xi32>
    %reduce_sum3A_1254 = arith.constant dense<0> : vector<64xi32>
    %reduce_sum3A_1255 = vector.multi_reduction <add>, %select_n3A_1253, %reduce_sum3A_1254 [1] : vector<64x128xi32> to vector<64xi32>
    %broadcast_in_dim3A_1256 = vector.shape_cast %reduce_sum3A_1255 : vector<64xi32> to vector<64x1xi32>
    %add3A_1257 = arith.addi %add3A_1241, %broadcast_in_dim3A_1256 : vector<64x1xi32>
    %iota3A_1258 = tpu.iota {dimensions = array<i32: 1>} : vector<1x16xi32>
    %mul3A_1259 = arith.constant 16 : i32
    %mul3A_1260 = vector.broadcast %mul3A_1259 : i32 to vector<64x1xi32>
    %mul3A_1261 = arith.muli %add3A_1257, %mul3A_1260 : vector<64x1xi32>
    %add3A_1262 = vector.broadcast %mul3A_1261 : vector<64x1xi32> to vector<64x16xi32>
    %add3A_1263 = vector.broadcast %iota3A_1258 : vector<1x16xi32> to vector<64x16xi32>
    %add3A_1264 = arith.addi %add3A_1262, %add3A_1263 : vector<64x16xi32>
    %add3A_1265 = arith.constant 16384 : i32
    %add3A_1266 = vector.broadcast %add3A_1265 : i32 to vector<64x16xi32>
    %add3A_1267 = arith.addi %add3A_1264, %add3A_1266 : vector<64x16xi32>
    %swap3A_1268 = arith.constant 128 : index
    %swap3A_1269 = arith.constant 0 : index
    %swap3A_1270 = vector.load %arg5[%swap3A_1268, %swap3A_1269] : memref<256x16xi32, #tpu.memory_space<vmem>>, vector<64x16xi32>
    tpu.vector_store %arg5[%swap3A_1268, %swap3A_1269], %add3A_1267 {strides = array<i32>} : memref<256x16xi32, #tpu.memory_space<vmem>>, vector<64x16xi32>,
    %get3A_1271 = arith.constant 3 : index
    %get3A_1272 = arith.constant 0 : index
    %get3A_1273 = arith.constant 0 : index
    %get3A_1274 = vector.load %arg3[%get3A_1271, %get3A_1272, %get3A_1273] : memref<4x128x2048xf32, #tpu.memory_space<vmem>>, vector<1x128x2048xf32>
    %get3A_1275 = vector.shape_cast %get3A_1274 : vector<1x128x2048xf32> to vector<128x2048xf32>
    %slice3A_1276 = vector.extract_strided_slice %slice3A {offsets = [12, 0], sizes = [4, 2048], strides = [1, 1]} : vector<16x2048xf32> to vector<4x2048xf32>
    %slice3A_1277 = vector.extract_strided_slice %slice3A_13 {offsets = [12, 0], sizes = [4, 2048], strides = [1, 1]} : vector<16x2048xf32> to vector<4x2048xf32>
    %dot_general3A_1278 = arith.constant dense<0.000000e+00> : vector<128x4xf32>
    %dot_general3A_1279 = tpu.matmul %get3A_1275, %slice3A_1276, %dot_general3A_1278 {dimension_numbers = #tpu.dot_dimension_numbers<[1], [1], [0], [0], [0, 0, 1, 0], [], []>, transpose_lhs_hint = false} : vector<128x2048xf32>, vector<4x2048xf32>, vector<128x4xf32> -> vector<128x4xf32>
    %reduce_max3A_1280 = arith.constant dense<0xFF800000> : vector<128xf32>
    %reduce_max3A_1281 = vector.multi_reduction <maximumf>, %dot_general3A_1279, %reduce_max3A_1280 [1] : vector<128x4xf32> to vector<128xf32>
    %broadcast_in_dim3A_1282 = vector.shape_cast %reduce_max3A_1281 : vector<128xf32> to vector<128x1xf32>
    %sub3A_1283 = vector.broadcast %broadcast_in_dim3A_1282 : vector<128x1xf32> to vector<128x4xf32>
    %sub3A_1284 = arith.subf %dot_general3A_1279, %sub3A_1283 : vector<128x4xf32>
    %exp3A_1285 = math.exp %sub3A_1284 : vector<128x4xf32>
    %reduce_sum3A_1286 = arith.constant dense<0.000000e+00> : vector<128xf32>
    %reduce_sum3A_1287 = vector.multi_reduction <add>, %exp3A_1285, %reduce_sum3A_1286 [1] : vector<128x4xf32> to vector<128xf32>
    %broadcast_in_dim3A_1288 = vector.shape_cast %reduce_sum3A_1287 : vector<128xf32> to vector<128x1xf32>
    %div3A_1289 = vector.broadcast %broadcast_in_dim3A_1288 : vector<128x1xf32> to vector<128x4xf32>
    %div3A_1290 = arith.divf %exp3A_1285, %div3A_1289 : vector<128x4xf32>
    %dot_general3A_1291 = arith.constant dense<0.000000e+00> : vector<128x2048xf32>
    %dot_general3A_1292 = tpu.matmul %div3A_1290, %slice3A_1277, %dot_general3A_1291 {dimension_numbers = #tpu.dot_dimension_numbers<[1], [0], [0], [1], [0, 0, 1, 1], [], []>, transpose_lhs_hint = false} : vector<128x4xf32>, vector<4x2048xf32>, vector<128x2048xf32> -> vector<128x2048xf32>
    %swap3A_1293 = arith.constant 3 : index
    %swap3A_1294 = arith.constant 0 : index
    %swap3A_1295 = arith.constant 0 : index
    %swap3A_1296 = vector.load %arg4[%swap3A_1293, %swap3A_1294, %swap3A_1295] : memref<4x128x2048xf32, #tpu.memory_space<vmem>>, vector<1x128x2048xf32>
    %swap3A_1297 = vector.shape_cast %swap3A_1296 : vector<1x128x2048xf32> to vector<128x2048xf32>
    %swap3A_1298 = vector.shape_cast %dot_general3A_1292 : vector<128x2048xf32> to vector<1x128x2048xf32>
    tpu.vector_store %arg4[%swap3A_1293, %swap3A_1294, %swap3A_1295], %swap3A_1298 {strides = array<i32>} : memref<4x128x2048xf32, #tpu.memory_space<vmem>>, vector<1x128x2048xf32>,
    %transpose3A_1299 = tpu.transpose %div3A_1290, [1, 0] : vector<128x4xf32> -> vector<4x128xf32>
    %slice3A_1300 = vector.extract_strided_slice %transpose3A_1299 {offsets = [0, 0], sizes = [1, 128], strides = [1, 1]} : vector<4x128xf32> to vector<1x128xf32>
    %broadcast_in_dim3A_1301 = arith.constant 0 : i32
    %broadcast_in_dim3A_1302 = vector.broadcast %broadcast_in_dim3A_1301 : i32 to vector<1x128xi32>
    %slice3A_1303 = vector.extract_strided_slice %div3A_1290 {offsets = [0, 0], sizes = [128, 1], strides = [1, 1]} : vector<128x4xf32> to vector<128x1xf32>
    %gt3A_1304 = vector.broadcast %slice3A_1303 : vector<128x1xf32> to vector<128x128xf32>
    %gt3A_1305 = vector.broadcast %slice3A_1300 : vector<1x128xf32> to vector<128x128xf32>
    %gt3A_1306 = arith.cmpf ogt, %gt3A_1304, %gt3A_1305 : vector<128x128xf32>
    %lt3A_1307 = arith.cmpi slt, %iota3A, %iota3A_14 : vector<128x128xi32>
    %eq3A_1308 = vector.broadcast %slice3A_1303 : vector<128x1xf32> to vector<128x128xf32>
    %eq3A_1309 = vector.broadcast %slice3A_1300 : vector<1x128xf32> to vector<128x128xf32>
    %eq3A_1310 = arith.cmpf oeq, %eq3A_1308, %eq3A_1309 : vector<128x128xf32>
    %and3A_1311 = arith.andi %eq3A_1310, %lt3A_1307 : vector<128x128xi1>
    %or3A_1312 = arith.ori %gt3A_1306, %and3A_1311 : vector<128x128xi1>
    %jit3A_1313 = arith.constant 1 : i32
    %jit3A_1314 = arith.constant 0 : i32
    %broadcast_in_dim3A_1315 = vector.broadcast %jit3A_1313 : i32 to vector<128x128xi32>
    %broadcast_in_dim3A_1316 = vector.broadcast %jit3A_1314 : i32 to vector<128x128xi32>
    %select_n3A_1317 = arith.select %or3A_1312, %broadcast_in_dim3A_1315, %broadcast_in_dim3A_1316 : vector<128x128xi1>, vector<128x128xi32>
    %reduce_sum3A_1318 = arith.constant dense<0> : vector<128xi32>
    %reduce_sum3A_1319 = vector.multi_reduction <add>, %select_n3A_1317, %reduce_sum3A_1318 [0] : vector<128x128xi32> to vector<128xi32>
    %broadcast_in_dim3A_1320 = vector.shape_cast %reduce_sum3A_1319 : vector<128xi32> to vector<1x128xi32>
    %add3A_1321 = arith.addi %broadcast_in_dim3A_1302, %broadcast_in_dim3A_1320 : vector<1x128xi32>
    %slice3A_1322 = vector.extract_strided_slice %div3A_1290 {offsets = [0, 1], sizes = [128, 1], strides = [1, 1]} : vector<128x4xf32> to vector<128x1xf32>
    %gt3A_1323 = vector.broadcast %slice3A_1322 : vector<128x1xf32> to vector<128x128xf32>
    %gt3A_1324 = vector.broadcast %slice3A_1300 : vector<1x128xf32> to vector<128x128xf32>
    %gt3A_1325 = arith.cmpf ogt, %gt3A_1323, %gt3A_1324 : vector<128x128xf32>
    %lt3A_1326 = arith.cmpi slt, %iota3A, %iota3A_14 : vector<128x128xi32>
    %eq3A_1327 = vector.broadcast %slice3A_1322 : vector<128x1xf32> to vector<128x128xf32>
    %eq3A_1328 = vector.broadcast %slice3A_1300 : vector<1x128xf32> to vector<128x128xf32>
    %eq3A_1329 = arith.cmpf oeq, %eq3A_1327, %eq3A_1328 : vector<128x128xf32>
    %and3A_1330 = arith.andi %eq3A_1329, %lt3A_1326 : vector<128x128xi1>
    %or3A_1331 = arith.ori %gt3A_1325, %and3A_1330 : vector<128x128xi1>
    %jit3A_1332 = arith.constant 1 : i32
    %jit3A_1333 = arith.constant 0 : i32
    %broadcast_in_dim3A_1334 = vector.broadcast %jit3A_1332 : i32 to vector<128x128xi32>
    %broadcast_in_dim3A_1335 = vector.broadcast %jit3A_1333 : i32 to vector<128x128xi32>
    %select_n3A_1336 = arith.select %or3A_1331, %broadcast_in_dim3A_1334, %broadcast_in_dim3A_1335 : vector<128x128xi1>, vector<128x128xi32>
    %reduce_sum3A_1337 = arith.constant dense<0> : vector<128xi32>
    %reduce_sum3A_1338 = vector.multi_reduction <add>, %select_n3A_1336, %reduce_sum3A_1337 [0] : vector<128x128xi32> to vector<128xi32>
    %broadcast_in_dim3A_1339 = vector.shape_cast %reduce_sum3A_1338 : vector<128xi32> to vector<1x128xi32>
    %add3A_1340 = arith.addi %add3A_1321, %broadcast_in_dim3A_1339 : vector<1x128xi32>
    %slice3A_1341 = vector.extract_strided_slice %div3A_1290 {offsets = [0, 2], sizes = [128, 1], strides = [1, 1]} : vector<128x4xf32> to vector<128x1xf32>
    %gt3A_1342 = vector.broadcast %slice3A_1341 : vector<128x1xf32> to vector<128x128xf32>
    %gt3A_1343 = vector.broadcast %slice3A_1300 : vector<1x128xf32> to vector<128x128xf32>
    %gt3A_1344 = arith.cmpf ogt, %gt3A_1342, %gt3A_1343 : vector<128x128xf32>
    %lt3A_1345 = arith.cmpi slt, %iota3A, %iota3A_14 : vector<128x128xi32>
    %eq3A_1346 = vector.broadcast %slice3A_1341 : vector<128x1xf32> to vector<128x128xf32>
    %eq3A_1347 = vector.broadcast %slice3A_1300 : vector<1x128xf32> to vector<128x128xf32>
    %eq3A_1348 = arith.cmpf oeq, %eq3A_1346, %eq3A_1347 : vector<128x128xf32>
    %and3A_1349 = arith.andi %eq3A_1348, %lt3A_1345 : vector<128x128xi1>
    %or3A_1350 = arith.ori %gt3A_1344, %and3A_1349 : vector<128x128xi1>
    %jit3A_1351 = arith.constant 1 : i32
    %jit3A_1352 = arith.constant 0 : i32
    %broadcast_in_dim3A_1353 = vector.broadcast %jit3A_1351 : i32 to vector<128x128xi32>
    %broadcast_in_dim3A_1354 = vector.broadcast %jit3A_1352 : i32 to vector<128x128xi32>
    %select_n3A_1355 = arith.select %or3A_1350, %broadcast_in_dim3A_1353, %broadcast_in_dim3A_1354 : vector<128x128xi1>, vector<128x128xi32>
    %reduce_sum3A_1356 = arith.constant dense<0> : vector<128xi32>
    %reduce_sum3A_1357 = vector.multi_reduction <add>, %select_n3A_1355, %reduce_sum3A_1356 [0] : vector<128x128xi32> to vector<128xi32>
    %broadcast_in_dim3A_1358 = vector.shape_cast %reduce_sum3A_1357 : vector<128xi32> to vector<1x128xi32>
    %add3A_1359 = arith.addi %add3A_1340, %broadcast_in_dim3A_1358 : vector<1x128xi32>
    %slice3A_1360 = vector.extract_strided_slice %div3A_1290 {offsets = [0, 3], sizes = [128, 1], strides = [1, 1]} : vector<128x4xf32> to vector<128x1xf32>
    %gt3A_1361 = vector.broadcast %slice3A_1360 : vector<128x1xf32> to vector<128x128xf32>
    %gt3A_1362 = vector.broadcast %slice3A_1300 : vector<1x128xf32> to vector<128x128xf32>
    %gt3A_1363 = arith.cmpf ogt, %gt3A_1361, %gt3A_1362 : vector<128x128xf32>
    %lt3A_1364 = arith.cmpi slt, %iota3A, %iota3A_14 : vector<128x128xi32>
    %eq3A_1365 = vector.broadcast %slice3A_1360 : vector<128x1xf32> to vector<128x128xf32>
    %eq3A_1366 = vector.broadcast %slice3A_1300 : vector<1x128xf32> to vector<128x128xf32>
    %eq3A_1367 = arith.cmpf oeq, %eq3A_1365, %eq3A_1366 : vector<128x128xf32>
    %and3A_1368 = arith.andi %eq3A_1367, %lt3A_1364 : vector<128x128xi1>
    %or3A_1369 = arith.ori %gt3A_1363, %and3A_1368 : vector<128x128xi1>
    %jit3A_1370 = arith.constant 1 : i32
    %jit3A_1371 = arith.constant 0 : i32
    %broadcast_in_dim3A_1372 = vector.broadcast %jit3A_1370 : i32 to vector<128x128xi32>
    %broadcast_in_dim3A_1373 = vector.broadcast %jit3A_1371 : i32 to vector<128x128xi32>
    %select_n3A_1374 = arith.select %or3A_1369, %broadcast_in_dim3A_1372, %broadcast_in_dim3A_1373 : vector<128x128xi1>, vector<128x128xi32>
    %reduce_sum3A_1375 = arith.constant dense<0> : vector<128xi32>
    %reduce_sum3A_1376 = vector.multi_reduction <add>, %select_n3A_1374, %reduce_sum3A_1375 [0] : vector<128x128xi32> to vector<128xi32>
    %broadcast_in_dim3A_1377 = vector.shape_cast %reduce_sum3A_1376 : vector<128xi32> to vector<1x128xi32>
    %add3A_1378 = arith.addi %add3A_1359, %broadcast_in_dim3A_1377 : vector<1x128xi32>
    %slice3A_1379 = vector.extract_strided_slice %transpose3A_1299 {offsets = [1, 0], sizes = [1, 128], strides = [1, 1]} : vector<4x128xf32> to vector<1x128xf32>
    %broadcast_in_dim3A_1380 = arith.constant 0 : i32
    %broadcast_in_dim3A_1381 = vector.broadcast %broadcast_in_dim3A_1380 : i32 to vector<1x128xi32>
    %slice3A_1382 = vector.extract_strided_slice %div3A_1290 {offsets = [0, 0], sizes = [128, 1], strides = [1, 1]} : vector<128x4xf32> to vector<128x1xf32>
    %gt3A_1383 = vector.broadcast %slice3A_1382 : vector<128x1xf32> to vector<128x128xf32>
    %gt3A_1384 = vector.broadcast %slice3A_1379 : vector<1x128xf32> to vector<128x128xf32>
    %gt3A_1385 = arith.cmpf ogt, %gt3A_1383, %gt3A_1384 : vector<128x128xf32>
    %le3A_1386 = arith.cmpi sle, %iota3A, %iota3A_14 : vector<128x128xi32>
    %eq3A_1387 = vector.broadcast %slice3A_1382 : vector<128x1xf32> to vector<128x128xf32>
    %eq3A_1388 = vector.broadcast %slice3A_1379 : vector<1x128xf32> to vector<128x128xf32>
    %eq3A_1389 = arith.cmpf oeq, %eq3A_1387, %eq3A_1388 : vector<128x128xf32>
    %and3A_1390 = arith.andi %eq3A_1389, %le3A_1386 : vector<128x128xi1>
    %or3A_1391 = arith.ori %gt3A_1385, %and3A_1390 : vector<128x128xi1>
    %jit3A_1392 = arith.constant 1 : i32
    %jit3A_1393 = arith.constant 0 : i32
    %broadcast_in_dim3A_1394 = vector.broadcast %jit3A_1392 : i32 to vector<128x128xi32>
    %broadcast_in_dim3A_1395 = vector.broadcast %jit3A_1393 : i32 to vector<128x128xi32>
    %select_n3A_1396 = arith.select %or3A_1391, %broadcast_in_dim3A_1394, %broadcast_in_dim3A_1395 : vector<128x128xi1>, vector<128x128xi32>
    %reduce_sum3A_1397 = arith.constant dense<0> : vector<128xi32>
    %reduce_sum3A_1398 = vector.multi_reduction <add>, %select_n3A_1396, %reduce_sum3A_1397 [0] : vector<128x128xi32> to vector<128xi32>
    %broadcast_in_dim3A_1399 = vector.shape_cast %reduce_sum3A_1398 : vector<128xi32> to vector<1x128xi32>
    %add3A_1400 = arith.addi %broadcast_in_dim3A_1381, %broadcast_in_dim3A_1399 : vector<1x128xi32>
    %slice3A_1401 = vector.extract_strided_slice %div3A_1290 {offsets = [0, 1], sizes = [128, 1], strides = [1, 1]} : vector<128x4xf32> to vector<128x1xf32>
    %gt3A_1402 = vector.broadcast %slice3A_1401 : vector<128x1xf32> to vector<128x128xf32>
    %gt3A_1403 = vector.broadcast %slice3A_1379 : vector<1x128xf32> to vector<128x128xf32>
    %gt3A_1404 = arith.cmpf ogt, %gt3A_1402, %gt3A_1403 : vector<128x128xf32>
    %lt3A_1405 = arith.cmpi slt, %iota3A, %iota3A_14 : vector<128x128xi32>
    %eq3A_1406 = vector.broadcast %slice3A_1401 : vector<128x1xf32> to vector<128x128xf32>
    %eq3A_1407 = vector.broadcast %slice3A_1379 : vector<1x128xf32> to vector<128x128xf32>
    %eq3A_1408 = arith.cmpf oeq, %eq3A_1406, %eq3A_1407 : vector<128x128xf32>
    %and3A_1409 = arith.andi %eq3A_1408, %lt3A_1405 : vector<128x128xi1>
    %or3A_1410 = arith.ori %gt3A_1404, %and3A_1409 : vector<128x128xi1>
    %jit3A_1411 = arith.constant 1 : i32
    %jit3A_1412 = arith.constant 0 : i32
    %broadcast_in_dim3A_1413 = vector.broadcast %jit3A_1411 : i32 to vector<128x128xi32>
    %broadcast_in_dim3A_1414 = vector.broadcast %jit3A_1412 : i32 to vector<128x128xi32>
    %select_n3A_1415 = arith.select %or3A_1410, %broadcast_in_dim3A_1413, %broadcast_in_dim3A_1414 : vector<128x128xi1>, vector<128x128xi32>
    %reduce_sum3A_1416 = arith.constant dense<0> : vector<128xi32>
    %reduce_sum3A_1417 = vector.multi_reduction <add>, %select_n3A_1415, %reduce_sum3A_1416 [0] : vector<128x128xi32> to vector<128xi32>
    %broadcast_in_dim3A_1418 = vector.shape_cast %reduce_sum3A_1417 : vector<128xi32> to vector<1x128xi32>
    %add3A_1419 = arith.addi %add3A_1400, %broadcast_in_dim3A_1418 : vector<1x128xi32>
    %slice3A_1420 = vector.extract_strided_slice %div3A_1290 {offsets = [0, 2], sizes = [128, 1], strides = [1, 1]} : vector<128x4xf32> to vector<128x1xf32>
    %gt3A_1421 = vector.broadcast %slice3A_1420 : vector<128x1xf32> to vector<128x128xf32>
    %gt3A_1422 = vector.broadcast %slice3A_1379 : vector<1x128xf32> to vector<128x128xf32>
    %gt3A_1423 = arith.cmpf ogt, %gt3A_1421, %gt3A_1422 : vector<128x128xf32>
    %lt3A_1424 = arith.cmpi slt, %iota3A, %iota3A_14 : vector<128x128xi32>
    %eq3A_1425 = vector.broadcast %slice3A_1420 : vector<128x1xf32> to vector<128x128xf32>
    %eq3A_1426 = vector.broadcast %slice3A_1379 : vector<1x128xf32> to vector<128x128xf32>
    %eq3A_1427 = arith.cmpf oeq, %eq3A_1425, %eq3A_1426 : vector<128x128xf32>
    %and3A_1428 = arith.andi %eq3A_1427, %lt3A_1424 : vector<128x128xi1>
    %or3A_1429 = arith.ori %gt3A_1423, %and3A_1428 : vector<128x128xi1>
    %jit3A_1430 = arith.constant 1 : i32
    %jit3A_1431 = arith.constant 0 : i32
    %broadcast_in_dim3A_1432 = vector.broadcast %jit3A_1430 : i32 to vector<128x128xi32>
    %broadcast_in_dim3A_1433 = vector.broadcast %jit3A_1431 : i32 to vector<128x128xi32>
    %select_n3A_1434 = arith.select %or3A_1429, %broadcast_in_dim3A_1432, %broadcast_in_dim3A_1433 : vector<128x128xi1>, vector<128x128xi32>
    %reduce_sum3A_1435 = arith.constant dense<0> : vector<128xi32>
    %reduce_sum3A_1436 = vector.multi_reduction <add>, %select_n3A_1434, %reduce_sum3A_1435 [0] : vector<128x128xi32> to vector<128xi32>
    %broadcast_in_dim3A_1437 = vector.shape_cast %reduce_sum3A_1436 : vector<128xi32> to vector<1x128xi32>
    %add3A_1438 = arith.addi %add3A_1419, %broadcast_in_dim3A_1437 : vector<1x128xi32>
    %slice3A_1439 = vector.extract_strided_slice %div3A_1290 {offsets = [0, 3], sizes = [128, 1], strides = [1, 1]} : vector<128x4xf32> to vector<128x1xf32>
    %gt3A_1440 = vector.broadcast %slice3A_1439 : vector<128x1xf32> to vector<128x128xf32>
    %gt3A_1441 = vector.broadcast %slice3A_1379 : vector<1x128xf32> to vector<128x128xf32>
    %gt3A_1442 = arith.cmpf ogt, %gt3A_1440, %gt3A_1441 : vector<128x128xf32>
    %lt3A_1443 = arith.cmpi slt, %iota3A, %iota3A_14 : vector<128x128xi32>
    %eq3A_1444 = vector.broadcast %slice3A_1439 : vector<128x1xf32> to vector<128x128xf32>
    %eq3A_1445 = vector.broadcast %slice3A_1379 : vector<1x128xf32> to vector<128x128xf32>
    %eq3A_1446 = arith.cmpf oeq, %eq3A_1444, %eq3A_1445 : vector<128x128xf32>
    %and3A_1447 = arith.andi %eq3A_1446, %lt3A_1443 : vector<128x128xi1>
    %or3A_1448 = arith.ori %gt3A_1442, %and3A_1447 : vector<128x128xi1>
    %jit3A_1449 = arith.constant 1 : i32
    %jit3A_1450 = arith.constant 0 : i32
    %broadcast_in_dim3A_1451 = vector.broadcast %jit3A_1449 : i32 to vector<128x128xi32>
    %broadcast_in_dim3A_1452 = vector.broadcast %jit3A_1450 : i32 to vector<128x128xi32>
    %select_n3A_1453 = arith.select %or3A_1448, %broadcast_in_dim3A_1451, %broadcast_in_dim3A_1452 : vector<128x128xi1>, vector<128x128xi32>
    %reduce_sum3A_1454 = arith.constant dense<0> : vector<128xi32>
    %reduce_sum3A_1455 = vector.multi_reduction <add>, %select_n3A_1453, %reduce_sum3A_1454 [0] : vector<128x128xi32> to vector<128xi32>
    %broadcast_in_dim3A_1456 = vector.shape_cast %reduce_sum3A_1455 : vector<128xi32> to vector<1x128xi32>
    %add3A_1457 = arith.addi %add3A_1438, %broadcast_in_dim3A_1456 : vector<1x128xi32>
    %slice3A_1458 = vector.extract_strided_slice %transpose3A_1299 {offsets = [2, 0], sizes = [1, 128], strides = [1, 1]} : vector<4x128xf32> to vector<1x128xf32>
    %broadcast_in_dim3A_1459 = arith.constant 0 : i32
    %broadcast_in_dim3A_1460 = vector.broadcast %broadcast_in_dim3A_1459 : i32 to vector<1x128xi32>
    %slice3A_1461 = vector.extract_strided_slice %div3A_1290 {offsets = [0, 0], sizes = [128, 1], strides = [1, 1]} : vector<128x4xf32> to vector<128x1xf32>
    %gt3A_1462 = vector.broadcast %slice3A_1461 : vector<128x1xf32> to vector<128x128xf32>
    %gt3A_1463 = vector.broadcast %slice3A_1458 : vector<1x128xf32> to vector<128x128xf32>
    %gt3A_1464 = arith.cmpf ogt, %gt3A_1462, %gt3A_1463 : vector<128x128xf32>
    %le3A_1465 = arith.cmpi sle, %iota3A, %iota3A_14 : vector<128x128xi32>
    %eq3A_1466 = vector.broadcast %slice3A_1461 : vector<128x1xf32> to vector<128x128xf32>
    %eq3A_1467 = vector.broadcast %slice3A_1458 : vector<1x128xf32> to vector<128x128xf32>
    %eq3A_1468 = arith.cmpf oeq, %eq3A_1466, %eq3A_1467 : vector<128x128xf32>
    %and3A_1469 = arith.andi %eq3A_1468, %le3A_1465 : vector<128x128xi1>
    %or3A_1470 = arith.ori %gt3A_1464, %and3A_1469 : vector<128x128xi1>
    %jit3A_1471 = arith.constant 1 : i32
    %jit3A_1472 = arith.constant 0 : i32
    %broadcast_in_dim3A_1473 = vector.broadcast %jit3A_1471 : i32 to vector<128x128xi32>
    %broadcast_in_dim3A_1474 = vector.broadcast %jit3A_1472 : i32 to vector<128x128xi32>
    %select_n3A_1475 = arith.select %or3A_1470, %broadcast_in_dim3A_1473, %broadcast_in_dim3A_1474 : vector<128x128xi1>, vector<128x128xi32>
    %reduce_sum3A_1476 = arith.constant dense<0> : vector<128xi32>
    %reduce_sum3A_1477 = vector.multi_reduction <add>, %select_n3A_1475, %reduce_sum3A_1476 [0] : vector<128x128xi32> to vector<128xi32>
    %broadcast_in_dim3A_1478 = vector.shape_cast %reduce_sum3A_1477 : vector<128xi32> to vector<1x128xi32>
    %add3A_1479 = arith.addi %broadcast_in_dim3A_1460, %broadcast_in_dim3A_1478 : vector<1x128xi32>
    %slice3A_1480 = vector.extract_strided_slice %div3A_1290 {offsets = [0, 1], sizes = [128, 1], strides = [1, 1]} : vector<128x4xf32> to vector<128x1xf32>
    %gt3A_1481 = vector.broadcast %slice3A_1480 : vector<128x1xf32> to vector<128x128xf32>
    %gt3A_1482 = vector.broadcast %slice3A_1458 : vector<1x128xf32> to vector<128x128xf32>
    %gt3A_1483 = arith.cmpf ogt, %gt3A_1481, %gt3A_1482 : vector<128x128xf32>
    %le3A_1484 = arith.cmpi sle, %iota3A, %iota3A_14 : vector<128x128xi32>
    %eq3A_1485 = vector.broadcast %slice3A_1480 : vector<128x1xf32> to vector<128x128xf32>
    %eq3A_1486 = vector.broadcast %slice3A_1458 : vector<1x128xf32> to vector<128x128xf32>
    %eq3A_1487 = arith.cmpf oeq, %eq3A_1485, %eq3A_1486 : vector<128x128xf32>
    %and3A_1488 = arith.andi %eq3A_1487, %le3A_1484 : vector<128x128xi1>
    %or3A_1489 = arith.ori %gt3A_1483, %and3A_1488 : vector<128x128xi1>
    %jit3A_1490 = arith.constant 1 : i32
    %jit3A_1491 = arith.constant 0 : i32
    %broadcast_in_dim3A_1492 = vector.broadcast %jit3A_1490 : i32 to vector<128x128xi32>
    %broadcast_in_dim3A_1493 = vector.broadcast %jit3A_1491 : i32 to vector<128x128xi32>
    %select_n3A_1494 = arith.select %or3A_1489, %broadcast_in_dim3A_1492, %broadcast_in_dim3A_1493 : vector<128x128xi1>, vector<128x128xi32>
    %reduce_sum3A_1495 = arith.constant dense<0> : vector<128xi32>
    %reduce_sum3A_1496 = vector.multi_reduction <add>, %select_n3A_1494, %reduce_sum3A_1495 [0] : vector<128x128xi32> to vector<128xi32>
    %broadcast_in_dim3A_1497 = vector.shape_cast %reduce_sum3A_1496 : vector<128xi32> to vector<1x128xi32>
    %add3A_1498 = arith.addi %add3A_1479, %broadcast_in_dim3A_1497 : vector<1x128xi32>
    %slice3A_1499 = vector.extract_strided_slice %div3A_1290 {offsets = [0, 2], sizes = [128, 1], strides = [1, 1]} : vector<128x4xf32> to vector<128x1xf32>
    %gt3A_1500 = vector.broadcast %slice3A_1499 : vector<128x1xf32> to vector<128x128xf32>
    %gt3A_1501 = vector.broadcast %slice3A_1458 : vector<1x128xf32> to vector<128x128xf32>
    %gt3A_1502 = arith.cmpf ogt, %gt3A_1500, %gt3A_1501 : vector<128x128xf32>
    %lt3A_1503 = arith.cmpi slt, %iota3A, %iota3A_14 : vector<128x128xi32>
    %eq3A_1504 = vector.broadcast %slice3A_1499 : vector<128x1xf32> to vector<128x128xf32>
    %eq3A_1505 = vector.broadcast %slice3A_1458 : vector<1x128xf32> to vector<128x128xf32>
    %eq3A_1506 = arith.cmpf oeq, %eq3A_1504, %eq3A_1505 : vector<128x128xf32>
    %and3A_1507 = arith.andi %eq3A_1506, %lt3A_1503 : vector<128x128xi1>
    %or3A_1508 = arith.ori %gt3A_1502, %and3A_1507 : vector<128x128xi1>
    %jit3A_1509 = arith.constant 1 : i32
    %jit3A_1510 = arith.constant 0 : i32
    %broadcast_in_dim3A_1511 = vector.broadcast %jit3A_1509 : i32 to vector<128x128xi32>
    %broadcast_in_dim3A_1512 = vector.broadcast %jit3A_1510 : i32 to vector<128x128xi32>
    %select_n3A_1513 = arith.select %or3A_1508, %broadcast_in_dim3A_1511, %broadcast_in_dim3A_1512 : vector<128x128xi1>, vector<128x128xi32>
    %reduce_sum3A_1514 = arith.constant dense<0> : vector<128xi32>
    %reduce_sum3A_1515 = vector.multi_reduction <add>, %select_n3A_1513, %reduce_sum3A_1514 [0] : vector<128x128xi32> to vector<128xi32>
    %broadcast_in_dim3A_1516 = vector.shape_cast %reduce_sum3A_1515 : vector<128xi32> to vector<1x128xi32>
    %add3A_1517 = arith.addi %add3A_1498, %broadcast_in_dim3A_1516 : vector<1x128xi32>
    %slice3A_1518 = vector.extract_strided_slice %div3A_1290 {offsets = [0, 3], sizes = [128, 1], strides = [1, 1]} : vector<128x4xf32> to vector<128x1xf32>
    %gt3A_1519 = vector.broadcast %slice3A_1518 : vector<128x1xf32> to vector<128x128xf32>
    %gt3A_1520 = vector.broadcast %slice3A_1458 : vector<1x128xf32> to vector<128x128xf32>
    %gt3A_1521 = arith.cmpf ogt, %gt3A_1519, %gt3A_1520 : vector<128x128xf32>
    %lt3A_1522 = arith.cmpi slt, %iota3A, %iota3A_14 : vector<128x128xi32>
    %eq3A_1523 = vector.broadcast %slice3A_1518 : vector<128x1xf32> to vector<128x128xf32>
    %eq3A_1524 = vector.broadcast %slice3A_1458 : vector<1x128xf32> to vector<128x128xf32>
    %eq3A_1525 = arith.cmpf oeq, %eq3A_1523, %eq3A_1524 : vector<128x128xf32>
    %and3A_1526 = arith.andi %eq3A_1525, %lt3A_1522 : vector<128x128xi1>
    %or3A_1527 = arith.ori %gt3A_1521, %and3A_1526 : vector<128x128xi1>
    %jit3A_1528 = arith.constant 1 : i32
    %jit3A_1529 = arith.constant 0 : i32
    %broadcast_in_dim3A_1530 = vector.broadcast %jit3A_1528 : i32 to vector<128x128xi32>
    %broadcast_in_dim3A_1531 = vector.broadcast %jit3A_1529 : i32 to vector<128x128xi32>
    %select_n3A_1532 = arith.select %or3A_1527, %broadcast_in_dim3A_1530, %broadcast_in_dim3A_1531 : vector<128x128xi1>, vector<128x128xi32>
    %reduce_sum3A_1533 = arith.constant dense<0> : vector<128xi32>
    %reduce_sum3A_1534 = vector.multi_reduction <add>, %select_n3A_1532, %reduce_sum3A_1533 [0] : vector<128x128xi32> to vector<128xi32>
    %broadcast_in_dim3A_1535 = vector.shape_cast %reduce_sum3A_1534 : vector<128xi32> to vector<1x128xi32>
    %add3A_1536 = arith.addi %add3A_1517, %broadcast_in_dim3A_1535 : vector<1x128xi32>
    %slice3A_1537 = vector.extract_strided_slice %transpose3A_1299 {offsets = [3, 0], sizes = [1, 128], strides = [1, 1]} : vector<4x128xf32> to vector<1x128xf32>
    %broadcast_in_dim3A_1538 = arith.constant 0 : i32
    %broadcast_in_dim3A_1539 = vector.broadcast %broadcast_in_dim3A_1538 : i32 to vector<1x128xi32>
    %slice3A_1540 = vector.extract_strided_slice %div3A_1290 {offsets = [0, 0], sizes = [128, 1], strides = [1, 1]} : vector<128x4xf32> to vector<128x1xf32>
    %gt3A_1541 = vector.broadcast %slice3A_1540 : vector<128x1xf32> to vector<128x128xf32>
    %gt3A_1542 = vector.broadcast %slice3A_1537 : vector<1x128xf32> to vector<128x128xf32>
    %gt3A_1543 = arith.cmpf ogt, %gt3A_1541, %gt3A_1542 : vector<128x128xf32>
    %le3A_1544 = arith.cmpi sle, %iota3A, %iota3A_14 : vector<128x128xi32>
    %eq3A_1545 = vector.broadcast %slice3A_1540 : vector<128x1xf32> to vector<128x128xf32>
    %eq3A_1546 = vector.broadcast %slice3A_1537 : vector<1x128xf32> to vector<128x128xf32>
    %eq3A_1547 = arith.cmpf oeq, %eq3A_1545, %eq3A_1546 : vector<128x128xf32>
    %and3A_1548 = arith.andi %eq3A_1547, %le3A_1544 : vector<128x128xi1>
    %or3A_1549 = arith.ori %gt3A_1543, %and3A_1548 : vector<128x128xi1>
    %jit3A_1550 = arith.constant 1 : i32
    %jit3A_1551 = arith.constant 0 : i32
    %broadcast_in_dim3A_1552 = vector.broadcast %jit3A_1550 : i32 to vector<128x128xi32>
    %broadcast_in_dim3A_1553 = vector.broadcast %jit3A_1551 : i32 to vector<128x128xi32>
    %select_n3A_1554 = arith.select %or3A_1549, %broadcast_in_dim3A_1552, %broadcast_in_dim3A_1553 : vector<128x128xi1>, vector<128x128xi32>
    %reduce_sum3A_1555 = arith.constant dense<0> : vector<128xi32>
    %reduce_sum3A_1556 = vector.multi_reduction <add>, %select_n3A_1554, %reduce_sum3A_1555 [0] : vector<128x128xi32> to vector<128xi32>
    %broadcast_in_dim3A_1557 = vector.shape_cast %reduce_sum3A_1556 : vector<128xi32> to vector<1x128xi32>
    %add3A_1558 = arith.addi %broadcast_in_dim3A_1539, %broadcast_in_dim3A_1557 : vector<1x128xi32>
    %slice3A_1559 = vector.extract_strided_slice %div3A_1290 {offsets = [0, 1], sizes = [128, 1], strides = [1, 1]} : vector<128x4xf32> to vector<128x1xf32>
    %gt3A_1560 = vector.broadcast %slice3A_1559 : vector<128x1xf32> to vector<128x128xf32>
    %gt3A_1561 = vector.broadcast %slice3A_1537 : vector<1x128xf32> to vector<128x128xf32>
    %gt3A_1562 = arith.cmpf ogt, %gt3A_1560, %gt3A_1561 : vector<128x128xf32>
    %le3A_1563 = arith.cmpi sle, %iota3A, %iota3A_14 : vector<128x128xi32>
    %eq3A_1564 = vector.broadcast %slice3A_1559 : vector<128x1xf32> to vector<128x128xf32>
    %eq3A_1565 = vector.broadcast %slice3A_1537 : vector<1x128xf32> to vector<128x128xf32>
    %eq3A_1566 = arith.cmpf oeq, %eq3A_1564, %eq3A_1565 : vector<128x128xf32>
    %and3A_1567 = arith.andi %eq3A_1566, %le3A_1563 : vector<128x128xi1>
    %or3A_1568 = arith.ori %gt3A_1562, %and3A_1567 : vector<128x128xi1>
    %jit3A_1569 = arith.constant 1 : i32
    %jit3A_1570 = arith.constant 0 : i32
    %broadcast_in_dim3A_1571 = vector.broadcast %jit3A_1569 : i32 to vector<128x128xi32>
    %broadcast_in_dim3A_1572 = vector.broadcast %jit3A_1570 : i32 to vector<128x128xi32>
    %select_n3A_1573 = arith.select %or3A_1568, %broadcast_in_dim3A_1571, %broadcast_in_dim3A_1572 : vector<128x128xi1>, vector<128x128xi32>
    %reduce_sum3A_1574 = arith.constant dense<0> : vector<128xi32>
    %reduce_sum3A_1575 = vector.multi_reduction <add>, %select_n3A_1573, %reduce_sum3A_1574 [0] : vector<128x128xi32> to vector<128xi32>
    %broadcast_in_dim3A_1576 = vector.shape_cast %reduce_sum3A_1575 : vector<128xi32> to vector<1x128xi32>
    %add3A_1577 = arith.addi %add3A_1558, %broadcast_in_dim3A_1576 : vector<1x128xi32>
    %slice3A_1578 = vector.extract_strided_slice %div3A_1290 {offsets = [0, 2], sizes = [128, 1], strides = [1, 1]} : vector<128x4xf32> to vector<128x1xf32>
    %gt3A_1579 = vector.broadcast %slice3A_1578 : vector<128x1xf32> to vector<128x128xf32>
    %gt3A_1580 = vector.broadcast %slice3A_1537 : vector<1x128xf32> to vector<128x128xf32>
    %gt3A_1581 = arith.cmpf ogt, %gt3A_1579, %gt3A_1580 : vector<128x128xf32>
    %le3A_1582 = arith.cmpi sle, %iota3A, %iota3A_14 : vector<128x128xi32>
    %eq3A_1583 = vector.broadcast %slice3A_1578 : vector<128x1xf32> to vector<128x128xf32>
    %eq3A_1584 = vector.broadcast %slice3A_1537 : vector<1x128xf32> to vector<128x128xf32>
    %eq3A_1585 = arith.cmpf oeq, %eq3A_1583, %eq3A_1584 : vector<128x128xf32>
    %and3A_1586 = arith.andi %eq3A_1585, %le3A_1582 : vector<128x128xi1>
    %or3A_1587 = arith.ori %gt3A_1581, %and3A_1586 : vector<128x128xi1>
    %jit3A_1588 = arith.constant 1 : i32
    %jit3A_1589 = arith.constant 0 : i32
    %broadcast_in_dim3A_1590 = vector.broadcast %jit3A_1588 : i32 to vector<128x128xi32>
    %broadcast_in_dim3A_1591 = vector.broadcast %jit3A_1589 : i32 to vector<128x128xi32>
    %select_n3A_1592 = arith.select %or3A_1587, %broadcast_in_dim3A_1590, %broadcast_in_dim3A_1591 : vector<128x128xi1>, vector<128x128xi32>
    %reduce_sum3A_1593 = arith.constant dense<0> : vector<128xi32>
    %reduce_sum3A_1594 = vector.multi_reduction <add>, %select_n3A_1592, %reduce_sum3A_1593 [0] : vector<128x128xi32> to vector<128xi32>
    %broadcast_in_dim3A_1595 = vector.shape_cast %reduce_sum3A_1594 : vector<128xi32> to vector<1x128xi32>
    %add3A_1596 = arith.addi %add3A_1577, %broadcast_in_dim3A_1595 : vector<1x128xi32>
    %slice3A_1597 = vector.extract_strided_slice %div3A_1290 {offsets = [0, 3], sizes = [128, 1], strides = [1, 1]} : vector<128x4xf32> to vector<128x1xf32>
    %gt3A_1598 = vector.broadcast %slice3A_1597 : vector<128x1xf32> to vector<128x128xf32>
    %gt3A_1599 = vector.broadcast %slice3A_1537 : vector<1x128xf32> to vector<128x128xf32>
    %gt3A_1600 = arith.cmpf ogt, %gt3A_1598, %gt3A_1599 : vector<128x128xf32>
    %lt3A_1601 = arith.cmpi slt, %iota3A, %iota3A_14 : vector<128x128xi32>
    %eq3A_1602 = vector.broadcast %slice3A_1597 : vector<128x1xf32> to vector<128x128xf32>
    %eq3A_1603 = vector.broadcast %slice3A_1537 : vector<1x128xf32> to vector<128x128xf32>
    %eq3A_1604 = arith.cmpf oeq, %eq3A_1602, %eq3A_1603 : vector<128x128xf32>
    %and3A_1605 = arith.andi %eq3A_1604, %lt3A_1601 : vector<128x128xi1>
    %or3A_1606 = arith.ori %gt3A_1600, %and3A_1605 : vector<128x128xi1>
    %jit3A_1607 = arith.constant 1 : i32
    %jit3A_1608 = arith.constant 0 : i32
    %broadcast_in_dim3A_1609 = vector.broadcast %jit3A_1607 : i32 to vector<128x128xi32>
    %broadcast_in_dim3A_1610 = vector.broadcast %jit3A_1608 : i32 to vector<128x128xi32>
    %select_n3A_1611 = arith.select %or3A_1606, %broadcast_in_dim3A_1609, %broadcast_in_dim3A_1610 : vector<128x128xi1>, vector<128x128xi32>
    %reduce_sum3A_1612 = arith.constant dense<0> : vector<128xi32>
    %reduce_sum3A_1613 = vector.multi_reduction <add>, %select_n3A_1611, %reduce_sum3A_1612 [0] : vector<128x128xi32> to vector<128xi32>
    %broadcast_in_dim3A_1614 = vector.shape_cast %reduce_sum3A_1613 : vector<128xi32> to vector<1x128xi32>
    %add3A_1615 = arith.addi %add3A_1596, %broadcast_in_dim3A_1614 : vector<1x128xi32>
    %broadcast_in_dim3A_1616 = arith.constant 0 : i32
    %broadcast_in_dim3A_1617 = vector.broadcast %broadcast_in_dim3A_1616 : i32 to vector<64x1xi32>
    %broadcast_in_dim3A_1618 = vector.shape_cast %add3A_1378 : vector<1x128xi32> to vector<1x128xi32>
    %broadcast_in_dim3A_1619 = vector.broadcast %broadcast_in_dim3A_1618 : vector<1x128xi32> to vector<64x128xi32>
    %eq3A_1620 = arith.cmpi eq, %broadcast_in_dim3A_1619, %iota3A_15 : vector<64x128xi32>
    %mul3A_1621 = arith.constant 4 : i32
    %mul3A_1622 = vector.broadcast %mul3A_1621 : i32 to vector<64x128xi32>
    %mul3A_1623 = arith.muli %iota3A_16, %mul3A_1622 : vector<64x128xi32>
    %add3A_1624 = arith.constant 0 : i32
    %add3A_1625 = vector.broadcast %add3A_1624 : i32 to vector<64x128xi32>
    %add3A_1626 = arith.addi %mul3A_1623, %add3A_1625 : vector<64x128xi32>
    %jit3A_1627 = arith.constant 0 : i32
    %broadcast_in_dim3A_1628 = vector.broadcast %jit3A_1627 : i32 to vector<64x128xi32>
    %select_n3A_1629 = arith.select %eq3A_1620, %add3A_1626, %broadcast_in_dim3A_1628 : vector<64x128xi1>, vector<64x128xi32>
    %reduce_sum3A_1630 = arith.constant dense<0> : vector<64xi32>
    %reduce_sum3A_1631 = vector.multi_reduction <add>, %select_n3A_1629, %reduce_sum3A_1630 [1] : vector<64x128xi32> to vector<64xi32>
    %broadcast_in_dim3A_1632 = vector.shape_cast %reduce_sum3A_1631 : vector<64xi32> to vector<64x1xi32>
    %add3A_1633 = arith.addi %broadcast_in_dim3A_1617, %broadcast_in_dim3A_1632 : vector<64x1xi32>
    %broadcast_in_dim3A_1634 = vector.shape_cast %add3A_1457 : vector<1x128xi32> to vector<1x128xi32>
    %broadcast_in_dim3A_1635 = vector.broadcast %broadcast_in_dim3A_1634 : vector<1x128xi32> to vector<64x128xi32>
    %eq3A_1636 = arith.cmpi eq, %broadcast_in_dim3A_1635, %iota3A_15 : vector<64x128xi32>
    %mul3A_1637 = arith.constant 4 : i32
    %mul3A_1638 = vector.broadcast %mul3A_1637 : i32 to vector<64x128xi32>
    %mul3A_1639 = arith.muli %iota3A_16, %mul3A_1638 : vector<64x128xi32>
    %add3A_1640 = arith.constant 1 : i32
    %add3A_1641 = vector.broadcast %add3A_1640 : i32 to vector<64x128xi32>
    %add3A_1642 = arith.addi %mul3A_1639, %add3A_1641 : vector<64x128xi32>
    %jit3A_1643 = arith.constant 0 : i32
    %broadcast_in_dim3A_1644 = vector.broadcast %jit3A_1643 : i32 to vector<64x128xi32>
    %select_n3A_1645 = arith.select %eq3A_1636, %add3A_1642, %broadcast_in_dim3A_1644 : vector<64x128xi1>, vector<64x128xi32>
    %reduce_sum3A_1646 = arith.constant dense<0> : vector<64xi32>
    %reduce_sum3A_1647 = vector.multi_reduction <add>, %select_n3A_1645, %reduce_sum3A_1646 [1] : vector<64x128xi32> to vector<64xi32>
    %broadcast_in_dim3A_1648 = vector.shape_cast %reduce_sum3A_1647 : vector<64xi32> to vector<64x1xi32>
    %add3A_1649 = arith.addi %add3A_1633, %broadcast_in_dim3A_1648 : vector<64x1xi32>
    %broadcast_in_dim3A_1650 = vector.shape_cast %add3A_1536 : vector<1x128xi32> to vector<1x128xi32>
    %broadcast_in_dim3A_1651 = vector.broadcast %broadcast_in_dim3A_1650 : vector<1x128xi32> to vector<64x128xi32>
    %eq3A_1652 = arith.cmpi eq, %broadcast_in_dim3A_1651, %iota3A_15 : vector<64x128xi32>
    %mul3A_1653 = arith.constant 4 : i32
    %mul3A_1654 = vector.broadcast %mul3A_1653 : i32 to vector<64x128xi32>
    %mul3A_1655 = arith.muli %iota3A_16, %mul3A_1654 : vector<64x128xi32>
    %add3A_1656 = arith.constant 2 : i32
    %add3A_1657 = vector.broadcast %add3A_1656 : i32 to vector<64x128xi32>
    %add3A_1658 = arith.addi %mul3A_1655, %add3A_1657 : vector<64x128xi32>
    %jit3A_1659 = arith.constant 0 : i32
    %broadcast_in_dim3A_1660 = vector.broadcast %jit3A_1659 : i32 to vector<64x128xi32>
    %select_n3A_1661 = arith.select %eq3A_1652, %add3A_1658, %broadcast_in_dim3A_1660 : vector<64x128xi1>, vector<64x128xi32>
    %reduce_sum3A_1662 = arith.constant dense<0> : vector<64xi32>
    %reduce_sum3A_1663 = vector.multi_reduction <add>, %select_n3A_1661, %reduce_sum3A_1662 [1] : vector<64x128xi32> to vector<64xi32>
    %broadcast_in_dim3A_1664 = vector.shape_cast %reduce_sum3A_1663 : vector<64xi32> to vector<64x1xi32>
    %add3A_1665 = arith.addi %add3A_1649, %broadcast_in_dim3A_1664 : vector<64x1xi32>
    %broadcast_in_dim3A_1666 = vector.shape_cast %add3A_1615 : vector<1x128xi32> to vector<1x128xi32>
    %broadcast_in_dim3A_1667 = vector.broadcast %broadcast_in_dim3A_1666 : vector<1x128xi32> to vector<64x128xi32>
    %eq3A_1668 = arith.cmpi eq, %broadcast_in_dim3A_1667, %iota3A_15 : vector<64x128xi32>
    %mul3A_1669 = arith.constant 4 : i32
    %mul3A_1670 = vector.broadcast %mul3A_1669 : i32 to vector<64x128xi32>
    %mul3A_1671 = arith.muli %iota3A_16, %mul3A_1670 : vector<64x128xi32>
    %add3A_1672 = arith.constant 3 : i32
    %add3A_1673 = vector.broadcast %add3A_1672 : i32 to vector<64x128xi32>
    %add3A_1674 = arith.addi %mul3A_1671, %add3A_1673 : vector<64x128xi32>
    %jit3A_1675 = arith.constant 0 : i32
    %broadcast_in_dim3A_1676 = vector.broadcast %jit3A_1675 : i32 to vector<64x128xi32>
    %select_n3A_1677 = arith.select %eq3A_1668, %add3A_1674, %broadcast_in_dim3A_1676 : vector<64x128xi1>, vector<64x128xi32>
    %reduce_sum3A_1678 = arith.constant dense<0> : vector<64xi32>
    %reduce_sum3A_1679 = vector.multi_reduction <add>, %select_n3A_1677, %reduce_sum3A_1678 [1] : vector<64x128xi32> to vector<64xi32>
    %broadcast_in_dim3A_1680 = vector.shape_cast %reduce_sum3A_1679 : vector<64xi32> to vector<64x1xi32>
    %add3A_1681 = arith.addi %add3A_1665, %broadcast_in_dim3A_1680 : vector<64x1xi32>
    %iota3A_1682 = tpu.iota {dimensions = array<i32: 1>} : vector<1x16xi32>
    %mul3A_1683 = arith.constant 16 : i32
    %mul3A_1684 = vector.broadcast %mul3A_1683 : i32 to vector<64x1xi32>
    %mul3A_1685 = arith.muli %add3A_1681, %mul3A_1684 : vector<64x1xi32>
    %add3A_1686 = vector.broadcast %mul3A_1685 : vector<64x1xi32> to vector<64x16xi32>
    %add3A_1687 = vector.broadcast %iota3A_1682 : vector<1x16xi32> to vector<64x16xi32>
    %add3A_1688 = arith.addi %add3A_1686, %add3A_1687 : vector<64x16xi32>
    %add3A_1689 = arith.constant 24576 : i32
    %add3A_1690 = vector.broadcast %add3A_1689 : i32 to vector<64x16xi32>
    %add3A_1691 = arith.addi %add3A_1688, %add3A_1690 : vector<64x16xi32>
    %swap3A_1692 = arith.constant 192 : index
    %swap3A_1693 = arith.constant 0 : index
    %swap3A_1694 = vector.load %arg5[%swap3A_1692, %swap3A_1693] : memref<256x16xi32, #tpu.memory_space<vmem>>, vector<64x16xi32>
    tpu.vector_store %arg5[%swap3A_1692, %swap3A_1693], %add3A_1691 {strides = array<i32>} : memref<256x16xi32, #tpu.memory_space<vmem>>, vector<64x16xi32>,
    return
  }
}

module attributes {stable_mosaic.version = 14 : i64} {
  func.func @_gate_body(%arg0: memref<4x128x2048xf32, #tpu.memory_space<vmem>>, %arg1: memref<2048x2048xf32, #tpu.memory_space<vmem>>, %arg2: memref<8x2048xf32, #tpu.memory_space<vmem>>, %arg3: memref<4x128x8xf32, #tpu.memory_space<vmem>>) attributes {dimension_semantics = [], scalar_prefetch = 0 : i64, scratch_operands = 0 : i64, tpu.core_type = #tpu.core_type<tc>} {
    %get3A = arith.constant 0 : index
    %get3A_0 = arith.constant 0 : index
    %get3A_1 = arith.constant 0 : index
    %get3A_2 = vector.load %arg0[%get3A, %get3A_0, %get3A_1] : memref<4x128x2048xf32, #tpu.memory_space<vmem>>, vector<4x128x2048xf32>
    %reshape3A = vector.shape_cast %get3A_2 : vector<4x128x2048xf32> to vector<512x2048xf32>
    %get3A_3 = arith.constant 0 : index
    %get3A_4 = arith.constant 0 : index
    %get3A_5 = vector.load %arg1[%get3A_3, %get3A_4] : memref<2048x2048xf32, #tpu.memory_space<vmem>>, vector<2048x2048xf32>
    %dot_general3A = arith.constant dense<0.000000e+00> : vector<512x2048xf32>
    %dot_general3A_6 = tpu.matmul %reshape3A, %get3A_5, %dot_general3A {dimension_numbers = #tpu.dot_dimension_numbers<[1], [1], [0], [0], [0, 0, 1, 0], [], []>, transpose_lhs_hint = false} : vector<512x2048xf32>, vector<2048x2048xf32>, vector<512x2048xf32> -> vector<512x2048xf32>
    %max3A = arith.constant 0.000000e+00 : f32
    %max3A_7 = vector.broadcast %max3A : f32 to vector<512x2048xf32>
    %max3A_8 = arith.maximumf %dot_general3A_6, %max3A_7 : vector<512x2048xf32>
    %get3A_9 = arith.constant 0 : index
    %get3A_10 = arith.constant 0 : index
    %get3A_11 = vector.load %arg2[%get3A_9, %get3A_10] : memref<8x2048xf32, #tpu.memory_space<vmem>>, vector<8x2048xf32>
    %dot_general3A_12 = arith.constant dense<0.000000e+00> : vector<512x8xf32>
    %dot_general3A_13 = tpu.matmul %max3A_8, %get3A_11, %dot_general3A_12 {dimension_numbers = #tpu.dot_dimension_numbers<[1], [1], [0], [0], [0, 0, 1, 0], [], []>, transpose_lhs_hint = false} : vector<512x2048xf32>, vector<8x2048xf32>, vector<512x8xf32> -> vector<512x8xf32>
    %logistic3A = arith.negf %dot_general3A_13 : vector<512x8xf32>
    %logistic3A_14 = math.exp %logistic3A : vector<512x8xf32>
    %logistic3A_15 = arith.constant 1.000000e+00 : f32
    %logistic3A_16 = vector.broadcast %logistic3A_15 : f32 to vector<512x8xf32>
    %logistic3A_17 = arith.addf %logistic3A_16, %logistic3A_14 : vector<512x8xf32>
    %logistic3A_18 = arith.divf %logistic3A_16, %logistic3A_17 : vector<512x8xf32>
    %reshape3A_19 = vector.shape_cast %logistic3A_18 : vector<512x8xf32> to vector<4x128x8xf32>
    %swap3A = arith.constant 0 : index
    %swap3A_20 = arith.constant 0 : index
    %swap3A_21 = arith.constant 0 : index
    %swap3A_22 = vector.load %arg3[%swap3A, %swap3A_20, %swap3A_21] : memref<4x128x8xf32, #tpu.memory_space<vmem>>, vector<4x128x8xf32>
    tpu.vector_store %arg3[%swap3A, %swap3A_20, %swap3A_21], %reshape3A_19 {strides = array<i32>} : memref<4x128x8xf32, #tpu.memory_space<vmem>>, vector<4x128x8xf32>,
    return
  }
}

module attributes {stable_mosaic.version = 14 : i64} {
  func.func @_combine_body(%arg0: i32, %arg1: memref<1x128x2048xf32, #tpu.memory_space<vmem>>, %arg2: memref<1x1024x2048xf32, #tpu.memory_space<vmem>>, %arg3: memref<1x1024x2048xf32, #tpu.memory_space<vmem>>, %arg4: memref<1x128x2048xf32, #tpu.memory_space<vmem>>, %arg5: memref<1x128x2048xf32, #tpu.memory_space<vmem>>, %arg6: memref<1x128x8xf32, #tpu.memory_space<vmem>>, %arg7: memref<1x128x2048xf32, #tpu.memory_space<vmem>>) attributes {dimension_semantics = [#tpu.dimension_semantics<arbitrary>], iteration_bounds = array<i64: 4>, scalar_prefetch = 0 : i64, scratch_operands = 0 : i64, tpu.core_type = #tpu.core_type<tc>, window_params = [{transform_indices = @transform_0, window_bounds = array<i64: 1, 128, 2048>}, {transform_indices = @transform_1, window_bounds = array<i64: 1, 1024, 2048>}, {transform_indices = @transform_2, window_bounds = array<i64: 1, 1024, 2048>}, {transform_indices = @transform_3, window_bounds = array<i64: 1, 128, 2048>}, {transform_indices = @transform_4, window_bounds = array<i64: 1, 128, 2048>}, {transform_indices = @transform_5, window_bounds = array<i64: 1, 128, 8>}, {transform_indices = @transform_6, window_bounds = array<i64: 1, 128, 2048>}]} {
    %get3A = arith.constant 0 : index
    %get3A_0 = arith.constant 0 : index
    %get3A_1 = arith.constant 0 : index
    %get3A_2 = vector.load %arg1[%get3A, %get3A_0, %get3A_1] : memref<1x128x2048xf32, #tpu.memory_space<vmem>>, vector<1x128x2048xf32>
    %get3A_3 = vector.shape_cast %get3A_2 : vector<1x128x2048xf32> to vector<128x2048xf32>
    %get3A_4 = arith.constant 0 : index
    %get3A_5 = arith.constant 0 : index
    %get3A_6 = arith.constant 0 : index
    %get3A_7 = vector.load %arg2[%get3A_4, %get3A_5, %get3A_6] : memref<1x1024x2048xf32, #tpu.memory_space<vmem>>, vector<1x1024x2048xf32>
    %get3A_8 = vector.shape_cast %get3A_7 : vector<1x1024x2048xf32> to vector<1024x2048xf32>
    %dot_general3A = arith.constant dense<0.000000e+00> : vector<128x1024xf32>
    %dot_general3A_9 = tpu.matmul %get3A_3, %get3A_8, %dot_general3A {dimension_numbers = #tpu.dot_dimension_numbers<[1], [1], [0], [0], [0, 0, 1, 0], [], []>, transpose_lhs_hint = false} : vector<128x2048xf32>, vector<1024x2048xf32>, vector<128x1024xf32> -> vector<128x1024xf32>
    %reduce_max3A = arith.constant dense<0xFF800000> : vector<128xf32>
    %reduce_max3A_10 = vector.multi_reduction <maximumf>, %dot_general3A_9, %reduce_max3A [1] : vector<128x1024xf32> to vector<128xf32>
    %broadcast_in_dim3A = vector.shape_cast %reduce_max3A_10 : vector<128xf32> to vector<128x1xf32>
    %sub3A = vector.broadcast %broadcast_in_dim3A : vector<128x1xf32> to vector<128x1024xf32>
    %sub3A_11 = arith.subf %dot_general3A_9, %sub3A : vector<128x1024xf32>
    %exp3A = math.exp %sub3A_11 : vector<128x1024xf32>
    %get3A_12 = arith.constant 0 : index
    %get3A_13 = arith.constant 0 : index
    %get3A_14 = arith.constant 0 : index
    %get3A_15 = vector.load %arg3[%get3A_12, %get3A_13, %get3A_14] : memref<1x1024x2048xf32, #tpu.memory_space<vmem>>, vector<1x1024x2048xf32>
    %get3A_16 = vector.shape_cast %get3A_15 : vector<1x1024x2048xf32> to vector<1024x2048xf32>
    %dot_general3A_17 = arith.constant dense<0.000000e+00> : vector<128x2048xf32>
    %dot_general3A_18 = tpu.matmul %exp3A, %get3A_16, %dot_general3A_17 {dimension_numbers = #tpu.dot_dimension_numbers<[1], [0], [0], [1], [0, 0, 1, 1], [], []>, transpose_lhs_hint = false} : vector<128x1024xf32>, vector<1024x2048xf32>, vector<128x2048xf32> -> vector<128x2048xf32>
    %reduce_sum3A = arith.constant dense<0.000000e+00> : vector<128xf32>
    %reduce_sum3A_19 = vector.multi_reduction <add>, %exp3A, %reduce_sum3A [1] : vector<128x1024xf32> to vector<128xf32>
    %broadcast_in_dim3A_20 = vector.shape_cast %reduce_sum3A_19 : vector<128xf32> to vector<128x1xf32>
    %div3A = vector.broadcast %broadcast_in_dim3A_20 : vector<128x1xf32> to vector<128x2048xf32>
    %div3A_21 = arith.divf %dot_general3A_18, %div3A : vector<128x2048xf32>
    %get3A_22 = arith.constant 0 : index
    %get3A_23 = arith.constant 0 : index
    %get3A_24 = arith.constant 0 : index
    %get3A_25 = vector.load %arg6[%get3A_22, %get3A_23, %get3A_24] : memref<1x128x8xf32, #tpu.memory_space<vmem>>, vector<1x128x8xf32>
    %get3A_26 = vector.shape_cast %get3A_25 : vector<1x128x8xf32> to vector<128x8xf32>
    %slice3A = vector.extract_strided_slice %get3A_26 {offsets = [0, 0], sizes = [128, 1], strides = [1, 1]} : vector<128x8xf32> to vector<128x1xf32>
    %get3A_27 = arith.constant 0 : index
    %get3A_28 = arith.constant 0 : index
    %get3A_29 = arith.constant 0 : index
    %get3A_30 = vector.load %arg4[%get3A_27, %get3A_28, %get3A_29] : memref<1x128x2048xf32, #tpu.memory_space<vmem>>, vector<1x128x2048xf32>
    %get3A_31 = vector.shape_cast %get3A_30 : vector<1x128x2048xf32> to vector<128x2048xf32>
    %mul3A = vector.broadcast %slice3A : vector<128x1xf32> to vector<128x2048xf32>
    %mul3A_32 = arith.mulf %mul3A, %get3A_31 : vector<128x2048xf32>
    %slice3A_33 = vector.extract_strided_slice %get3A_26 {offsets = [0, 1], sizes = [128, 1], strides = [1, 1]} : vector<128x8xf32> to vector<128x1xf32>
    %mul3A_34 = vector.broadcast %slice3A_33 : vector<128x1xf32> to vector<128x2048xf32>
    %mul3A_35 = arith.mulf %mul3A_34, %div3A_21 : vector<128x2048xf32>
    %add3A = arith.addf %mul3A_32, %mul3A_35 : vector<128x2048xf32>
    %slice3A_36 = vector.extract_strided_slice %get3A_26 {offsets = [0, 2], sizes = [128, 1], strides = [1, 1]} : vector<128x8xf32> to vector<128x1xf32>
    %get3A_37 = arith.constant 0 : index
    %get3A_38 = arith.constant 0 : index
    %get3A_39 = arith.constant 0 : index
    %get3A_40 = vector.load %arg5[%get3A_37, %get3A_38, %get3A_39] : memref<1x128x2048xf32, #tpu.memory_space<vmem>>, vector<1x128x2048xf32>
    %get3A_41 = vector.shape_cast %get3A_40 : vector<1x128x2048xf32> to vector<128x2048xf32>
    %mul3A_42 = vector.broadcast %slice3A_36 : vector<128x1xf32> to vector<128x2048xf32>
    %mul3A_43 = arith.mulf %mul3A_42, %get3A_41 : vector<128x2048xf32>
    %add3A_44 = arith.addf %add3A, %mul3A_43 : vector<128x2048xf32>
    %swap3A = arith.constant 0 : index
    %swap3A_45 = arith.constant 0 : index
    %swap3A_46 = arith.constant 0 : index
    %swap3A_47 = vector.load %arg7[%swap3A, %swap3A_45, %swap3A_46] : memref<1x128x2048xf32, #tpu.memory_space<vmem>>, vector<1x128x2048xf32>
    %swap3A_48 = vector.shape_cast %swap3A_47 : vector<1x128x2048xf32> to vector<128x2048xf32>
    %swap3A_49 = vector.shape_cast %add3A_44 : vector<128x2048xf32> to vector<1x128x2048xf32>
    tpu.vector_store %arg7[%swap3A, %swap3A_45, %swap3A_46], %swap3A_49 {strides = array<i32>} : memref<1x128x2048xf32, #tpu.memory_space<vmem>>, vector<1x128x2048xf32>,
    return
  }
  func.func @transform_0(%arg0: i32) -> (i32, i32, i32) {
    %c0_i32 = arith.constant 0 : i32
    %c0_i32_0 = arith.constant 0 : i32
    %c0_i32_1 = arith.constant 0 : i32
    return %arg0, %c0_i32, %c0_i32_0 : i32, i32, i32
  }
  func.func @transform_1(%arg0: i32) -> (i32, i32, i32) {
    %c0_i32 = arith.constant 0 : i32
    %c0_i32_0 = arith.constant 0 : i32
    %c0_i32_1 = arith.constant 0 : i32
    return %arg0, %c0_i32, %c0_i32_0 : i32, i32, i32
  }
  func.func @transform_2(%arg0: i32) -> (i32, i32, i32) {
    %c0_i32 = arith.constant 0 : i32
    %c0_i32_0 = arith.constant 0 : i32
    %c0_i32_1 = arith.constant 0 : i32
    return %arg0, %c0_i32, %c0_i32_0 : i32, i32, i32
  }
  func.func @transform_3(%arg0: i32) -> (i32, i32, i32) {
    %c0_i32 = arith.constant 0 : i32
    %c0_i32_0 = arith.constant 0 : i32
    %c0_i32_1 = arith.constant 0 : i32
    return %arg0, %c0_i32, %c0_i32_0 : i32, i32, i32
  }
  func.func @transform_4(%arg0: i32) -> (i32, i32, i32) {
    %c0_i32 = arith.constant 0 : i32
    %c0_i32_0 = arith.constant 0 : i32
    %c0_i32_1 = arith.constant 0 : i32
    return %arg0, %c0_i32, %c0_i32_0 : i32, i32, i32
  }
  func.func @transform_5(%arg0: i32) -> (i32, i32, i32) {
    %c0_i32 = arith.constant 0 : i32
    %c0_i32_0 = arith.constant 0 : i32
    %c0_i32_1 = arith.constant 0 : i32
    return %arg0, %c0_i32, %c0_i32_0 : i32, i32, i32
  }
  func.func @transform_6(%arg0: i32) -> (i32, i32, i32) {
    %c0_i32 = arith.constant 0 : i32
    %c0_i32_0 = arith.constant 0 : i32
    %c0_i32_1 = arith.constant 0 : i32
    return %arg0, %c0_i32, %c0_i32_0 : i32, i32, i32
  }
}

</mosaic_0001>

<sc_bundles>
// kernel: kernel.8.cloned.1.call-start
scs
__scs_entry_jumppad:
0x0: {  	(pc) =	sbr.rel $0x88, $3  }
0x1: {  	(tag) =	ssettag $0x0;
	lr =	simm.s32 $0x1  }
0x2: {  	[smem:$0x3F9A] =	sst lr;
	_ =	strace $0xD0000000  }
0x3: {  	_ = 	snop  }
0x4: {  	_ = 	snop  }
0x5: {  	_ = 	snop  }
0x6: {  	_ = 	snop  }
0x7: {  	_ = 	snop  }
__scs_overlays_trampoline_lowered:
0x8: {  	[smem:$0x3FA9] =	sst s0  }
0x9: {  	[smem:$0x3FAA] =	sst s1  }
0xa: {  	[smem:$0x3FAB] =	sst s2  }
0xb: {  	[smem:$0x3FAC] =	sst s3  }
0xc: {  	[smem:$0x3FAD] =	sst s4  }
0xd: {  	[smem:$0x3FAE] =	sst s5  }
0xe: {  	[smem:$0x3FAF] =	sst s6  }
0xf: {  	[smem:$0x3FB0] =	sst s7  }
0x10: {  	[smem:$0x3FB1] =	sst s8  }
0x11: {  	[smem:$0x3FB2] =	sst s9;
	s0 =	simm.s32 @!p0 $0x0  }
0x12: {  	s1 =	sld [smem:$0x3F98];
	s0 =	simm.s32 @p0 $0x1  }
0x13: {  	[smem:$0x3FB3] =	sst s0;
	s0 =	simm.s32 @!p1 $0x0  }
0x14: {  	s2 =	sld [smem:$0x3F97];
	s0 =	simm.s32 @p1 $0x1  }
0x15: {  	[smem:$0x3FB4] =	sst s0;
	s0 =	simm.s32 @!p2 $0x0  }
0x16: {  	s3 =	sld [smem:$0x3FDB];
	s0 =	simm.s32 @p2 $0x1  }
0x17: {  	s4 =	simm.s32 $0x1BF5;
	[smem:$0x3FB6] =	sst s0  }
0x18: {  	s0 =	sld [smem:$0x3F99];
	_ =	swait.ge [sflag:s4], $0x0  }
0x19: {  	s7 =	sld [smem:$0x3F9A]  }
0x1a: {  	s8 =	sadd.s32 $0xFFFFE003, lr  }
0x1b: {  	s9 =	sadd.s32 $0xFFFFFEF7, lr;
	s5 =	simm.s32 $0xFFFFFFFF;
	p2 =	slt.u32 s8, $0xFFFFF086  }
0x1c: {  	p1 =	slt.u32 s9, $0xF7A;
	s5 =	simm.s32 @!p2 $0x0  }
0x1d: {  	s5 =	simm.s32 @p1 $0x1;
	p0 =	seq.s32 s7, s2  }
0x1e: {  	s7 =	smul.u32 @!p0 $0xF7A, s2;
	p2 =	seq.s32 @!p0 s5, $0x0  }
0x1f: {  	s9 =	smul.u32 $0xF7A, s1;
	s8 =	simm.s32 @!p0 $0x1BF5;
	p2 =	por !p2, p0  }
0x20: {  	[sflag:s8] =	ssyncset.s32 @!p0 $0xFFFFF086;
	s6 =	sadd.s32 @!p0 s3, s7;
	s7 =	simm.s32 @!p0 $0x108  }
0x21: {  	s3 =	sadd.s32 s3, s9;
	s6 =	sadd.s32 @!p0 $0x88, s6;
	s7 =	simm.s32 @p2 $0x1082  }
0x22: {  	[simem:s7], [sflag:s8] =	dma.local @!p0 [hbm:s6], $0xF7A  }
0x23: {  	s9 =	sor.u32 $0xD0000000, s2;
	s6 =	simm.s32 $0x108;
	_ =	swait.ge @!p0 [sflag:s8], $0x0  }
0x24: {  	s3 =	sadd.s32 $0x88, s3;
	s6 =	simm.s32 @!p1 $0x1082;
	[sflag:s4] =	ssyncset.s32 $0xFFFFF086  }
0x25: {  	[simem:s6], [sflag:s4] =	dma.local [hbm:s3], $0xF7A  }
0x26: {  	[smem:$0x3F9A] =	sst s1;
	(tag) =	ssettag s2;
	_ =	strace s9  }
0x27: {  	s1 =	sld [smem:$0x3FAA]  }
0x28: {  	s2 =	sld [smem:$0x3FAB]  }
0x29: {  	s4 =	sld [smem:$0x3FAD]  }
0x2a: {  	p0 =	seq.s32 s5, $0x0;
	s5 =	sld [smem:$0x3FAE]  }
0x2b: {  	s6 =	sld [smem:$0x3FAF]  }
0x2c: {  	s7 =	sld [smem:$0x3FB0]  }
0x2d: {  	s3 =	simm.s32 $0x108;
	s8 =	sld [smem:$0x3FB1]  }
0x2e: {  	s3 =	simm.s32 @!p0 $0x1082;
	s9 =	sld [smem:$0x3FB2]  }
0x2f: {  	lr =	sadd.s32 s0, s3;
	s0 =	sld [smem:$0x3FA9]  }
0x30: {  	s3 =	sld [smem:$0x3FAC]  }
0x31: {  	[smem:$0x3FB5] =	sst s10  }
0x32: {  	s10 =	sld [smem:$0x3FB3];
	_ =	sdelay $0x3  }
0x33: {  	p0 =	seq.s32 s10, $0x1;
	s10 =	sld [smem:$0x3FB5];
	_ =	sdelay $0x3  }
0x34: {  	[smem:$0x3FB5] =	sst s10  }
0x35: {  	s10 =	sld [smem:$0x3FB4];
	_ =	sdelay $0x3  }
0x36: {  	p1 =	seq.s32 s10, $0x1;
	s10 =	sld [smem:$0x3FB5];
	_ =	sdelay $0x3  }
0x37: {  	[smem:$0x3FB5] =	sst s10  }
0x38: {  	s10 =	sld [smem:$0x3FB6]  }
0x39: {  	_ = 	snop;
	(pc) =	sbr.ind lr, $3  }
0x3a: {  	_ = 	snop  }
0x3b: {  	_ = 	snop  }
0x3c: {  	p2 =	seq.s32 s10, $0x1;
	s10 =	sld [smem:$0x3FB5]  }
0x3d: {  	_ =	shalt  }
0x3e: {  	_ =	shalt  }
0x3f: {  	_ =	shalt  }
0x40: {  	_ =	shalt  }
0x41: {  	_ =	shalt  }
0x42: {  	_ =	shalt  }
0x43: {  	_ =	shalt  }
0x44: {  	_ =	shalt  }
0x45: {  	_ =	shalt  }
0x46: {  	_ =	shalt  }
0x47: {  	_ =	shalt  }
0x48: {  	_ =	shalt  }
0x49: {  	_ =	shalt  }
0x4a: {  	_ =	shalt  }
0x4b: {  	_ =	shalt  }
0x4c: {  	_ =	shalt  }
0x4d: {  	_ =	shalt  }
0x4e: {  	_ =	shalt  }
0x4f: {  	_ =	shalt  }
0x50: {  	_ =	shalt  }
0x51: {  	_ =	shalt  }
0x52: {  	_ =	shalt  }
0x53: {  	_ =	shalt  }
0x54: {  	_ =	shalt  }
0x55: {  	_ =	shalt  }
0x56: {  	_ =	shalt  }
0x57: {  	_ =	shalt  }
0x58: {  	_ =	shalt  }
0x59: {  	_ =	shalt  }
0x5a: {  	_ =	shalt  }
0x5b: {  	_ =	shalt  }
0x5c: {  	_ =	shalt  }
0x5d: {  	_ =	shalt  }
0x5e: {  	_ =	shalt  }
0x5f: {  	_ =	shalt  }
0x60: {  	_ =	shalt  }
0x61: {  	_ =	shalt  }
0x62: {  	_ =	shalt  }
0x63: {  	_ =	shalt  }
0x64: {  	_ =	shalt  }
0x65: {  	_ =	shalt  }
0x66: {  	_ =	shalt  }
0x67: {  	_ =	shalt  }
0x68: {  	_ =	shalt  }
0x69: {  	_ =	shalt  }
0x6a: {  	_ =	shalt  }
0x6b: {  	_ =	shalt  }
0x6c: {  	_ =	shalt  }
0x6d: {  	_ =	shalt  }
0x6e: {  	_ =	shalt  }
0x6f: {  	_ =	shalt  }
0x70: {  	_ =	shalt  }
0x71: {  	_ =	shalt  }
0x72: {  	_ =	shalt  }
0x73: {  	_ =	shalt  }
0x74: {  	_ =	shalt  }
0x75: {  	_ =	shalt  }
0x76: {  	_ =	shalt  }
0x77: {  	_ =	shalt  }
0x78: {  	_ =	shalt  }
0x79: {  	_ =	shalt  }
0x7a: {  	_ =	shalt  }
0x7b: {  	_ =	shalt  }
0x7c: {  	_ =	shalt  }
0x7d: {  	_ =	shalt  }
0x7e: {  	_ =	shalt  }
0x7f: {  	_ =	shalt  }
0x80: {  	_ =	shalt  }
0x81: {  	_ =	shalt  }
0x82: {  	_ =	shalt  }
0x83: {  	_ =	shalt  }
0x84: {  	_ =	shalt  }
0x85: {  	_ =	shalt  }
0x86: {  	_ =	shalt  }
0x87: {  	_ =	shalt  }
.Lfunc_end0:
.L_simem_size_0:
called_computation_lowered:
.L_overlay_start_0:
0x88: {  	s2 =	sld [smem:$0x3FD9]  }
0x89: {  	s3 =	sld [smem:$0x3FFE];
	_ =	sdelay $0x1  }
0x8a: {  	s1 =	srdreg.scid  }
0x8b: {  	s0 =	sand.u32 $0x1, s1  }
0x8c: {  	s17 =	sshll.u32 s0, $0xA;
	s2 =	sadd.s32 s3, s2  }
0x8d: {  	s2 =	sadd.s32 s2, s17  }
0x8e: {  	[smem:$0x3FC1] =	sst s2  }
0x8f: {  	_ = 	snop  }
0x90: {  	s2 =	sld [smem:$0x3FC8]  }
0x91: {  	s18 =	sld [smem:$0x3FC7];
	(tm) =	ssettm $0x1  }
0x92: {  	s4 =	sld [smem:$0x3FFB];
	_ =	sdelay $0x3  }
0x93: {  	_ =	strace s4  }
0x94: {  	s4 =	sld [smem:$0x3FFC];
	_ =	sdelay $0x3  }
0x95: {  	_ =	strace s4  }
0x96: {  	s4 =	sld [smem:$0x3FFD];
	_ =	sdelay $0x3  }
0x97: {  	_ =	strace s4  }
0x98: {  	_ =	strace $0x8FFFFFFF  }
0x99: {  	s19 =	sld [smem:$0x3FDB];
	_ =	sdelay $0x1  }
0x9a: {  	s5 =	simm.s32 $_scs_section_size  }
0x9b: {  	s6 =	simm.s32 $_size__tile_overlayer_lowered;
	s7 =	simm.s32 $_tile_overlayer_lowered  }
0x9c: {  	s22 =	simm.s32 $0x1BFF;
	s21 =	sshll.u32 s7, $0x1;
	s4 =	sadd.s32 s5, s19  }
0x9d: {  	s8 =	simm.s32 $0x0;
	s20 =	sshll.u32 s6, $0x1;
	s6 =	sadd.s32 s21, s4  }
0x9e: {  	[timem:s8], [sflag:s22] =	dma.local [hbm:s6], s20  }
0x9f: {  	_ =	swait.ge [sflag:s22], s20  }
0xa0: {  	s5 =	ssub.s32 $0x0, s20;
	[sflag:s22] =	ssyncset.done $0x0  }
0xa1: {  	[sflag:s22] =	ssyncadd.s32 s5;
	_ =	sdelay $0x1  }
0xa2: {  	s23 =	simm.s32 $0x1B8B  }
0xa3: {  	_ =	swait.ge [sflag:s23], $0x1  }
0xa4: {  	[sflag:s23] =	ssyncset.done $0x0  }
0xa5: {  	s25 =	simm.s32 $0x1B8E;
	s24 =	sld [smem:$0x3FFE];
	[sflag:s23] =	ssyncadd.s32 $0xFFFFFFFF  }
0xa6: {  	s26 =	simm.s32 $execute0_lowered;
	[smem:$0x3FD2] =	sst s25  }
0xa7: {  	s6 =	sshll.u32 s26, $0x1;
	_ =	strace $0x80000046;
	[dreg:$0x1] =	wrdreg $0xFFFFFFFF  }
0xa8: {  	s28 =	simm.s32 $_size_execute0_lowered;
	s4 =	sadd.s32 s4, s6;
	[dreg:$0x0] =	wrdreg $0x0  }
0xa9: {  	s6 =	sshll.u32 s28, $0x1;
	[dreg:$0x2] =	wrdreg s4  }
0xaa: {  	[dreg:$0x3] =	wrdreg s6  }
0xab: {  	[dreg:$0x4] =	wrdreg $0xC0  }
0xac: {  	_ =	task [dreg:s8], $0x5FFFF  }
0xad: {  	[dreg:$0x1] =	wrdreg $0xFFFFFFFF  }
0xae: {  	[dreg:$0x0] =	wrdreg $0x60  }
0xaf: {  	[dreg:$0x2] =	wrdreg s2  }
0xb0: {  	[dreg:$0x3] =	wrdreg s18  }
0xb1: {  	[dreg:$0x4] =	wrdreg s24  }
0xb2: {  	[dreg:$0x5] =	wrdreg $0x9  }
0xb3: {  	_ =	task.clear_ibuf [dreg:s8], $0x6FFFF;
	_ =	strace $0x90000046  }
0xb4: {  	s29 =	simm.s32 $0x9;
	_ =	strace $0x80000048  }
0xb5: {  	_ =	swait.ge [sflag:s29], $0x1  }
0xb6: {  	[sflag:s29] =	ssyncadd.s32 $0xFFFFFFFF  }
0xb7: {  	_ =	strace $0x90000048  }
0xb8: {  	_ =	sfence  }
0xb9: {  	s30 =	sld [smem:$0x0];
	_ =	sdelay $0x2  }
0xba: {  	s31 =	sshll.u32 s1, $0xD;
	s1 =	sshrl.u32 s1, $0x2  }
0xbb: {  	s3 =	sand.u32 $0x4000, s31;
	s1 =	sadd.s32 s1, s30  }
0xbc: {  	s0 =	sor.u32 s3, s0;
	s1 =	sshll.u32 s1, $0x11  }
0xbd: {  	s0 =	sor.u32 s1, s0  }
0xbe: {  	s0 =	sadd.s32 $0x8F2B, s0  }
0xbf: {  	[sflag:s0] =	ssyncadd.remote.s32 $0x1  }
0xc0: {  	_ =	sfence.sel $0xFFFF  }
0xc1: {  	[dreg:$0x0] =	wrdreg $0xFFFFFFFF;
	(pc) =	sbr.abs _section_cstart, $3  }
0xc2: {  	[dreg:$0x1] =	wrdreg $0xFFFFFFFF  }
0xc3: {  	_ =	task.clear_ibuf [dreg:s8], $0x2FFFF;
	_ =	strace $0x9FFFFFFF  }
0xc4: {  	(tm) =	ssettm $0x7FFFFFFF  }
0xc5: {  	_ =	shalt  }
tec
execute0_lowered:
.L_overlay_start_1:
0x0: {  	(tag) =	ssettag $0x1  }
0x1: {  	s1 =	rddreg [dreg:$0x0];
	s0 =	srdreg.scid  }
0x2: {  	s3 =	rddreg [dreg:$0x1];
	s2 =	stileid.u32  }
0x3: {  	s28 =	rddreg [dreg:$0x2];
	s4 =	simm.s32 $0x0;
	s5 =	sand.u32 $0x1, s0  }
0x4: {  	s2 =	sshll.u32 s2, $0x8;
	[smem:$0x7FF] =	sst s4;
	s6 =	sshll.u32 s5, $0x7  }
0x5: {  	s0 =	sadd.s32 $0x143200, s28;
	s22 =	sadd.s32 $0x100, s1;
	s6 =	sor.u32 s6, s2  }
0x6: {  	_ =	strace $0x80000047;
	s2 =	sshrl.u32 s6, $0x3;
	s17 =	sshll.u32 s6, $0x8  }
0x7: {  	s5 =	ssub.s32 $0x2, s5;
	s7 =	sadd.s32 s2, s28;
	s29 =	sadd.s32 s0, s17  }
0x8: {  	s2 =	sadd.s32 $0x43200, s28;
	s7 =	sadd.s32 $0x2200, s7;
	[dreg:$0x6] =	wrdreg s29  }
0x9: {  	s30 =	sor.u32 $0x800, s17;
	s6 =	sadd.s32 s2, s17;
	[dreg:$0x4] =	wrdreg s7  }
0xa: {  	s9 =	sor.u32 $0x1000, s17;
	s31 =	sadd.s32 s2, s30;
	[dreg:$0x5] =	wrdreg s6  }
0xb: {  	s8 =	sshrl.u32 s5, $0x1;
	s10 =	sadd.s32 s2, s9;
	[dreg:$0x7] =	wrdreg s31  }
0xc: {  	s12 =	sor.u32 $0x1800, s17;
	s11 =	sadd.s32 s0, s9;
	[dreg:$0x9] =	wrdreg s10  }
0xd: {  	s14 =	sor.u32 $0x2000, s17;
	s13 =	sadd.s32 s2, s12;
	[dreg:$0xa] =	wrdreg s11  }
0xe: {  	s19 =	ssub.s32 s5, s8;
	s15 =	sadd.s32 s2, s14;
	[dreg:$0xb] =	wrdreg s13  }
0xf: {  	s19 =	smax.u32 s19, $0x1;
	s8 =	sadd.s32 s0, s14;
	[dreg:$0xd] =	wrdreg s15  }
0x10: {  	s9 =	sor.u32 $0x2800, s17;
	s7 =	sadd.s32 s0, s30;
	[dreg:$0xe] =	wrdreg s8  }
0x11: {  	s14 =	sor.u32 $0x5000, s17;
	s16 =	sadd.s32 s2, s9;
	[dreg:$0x8] =	wrdreg s7  }
0x12: {  	s6 =	sadd.s32 $0x200, s1;
	s9 =	sadd.s32 s0, s9;
	[dreg:$0xf] =	wrdreg s16  }
0x13: {  	s10 =	sor.u32 $0x3000, s17;
	s24 =	sadd.s32 s2, s14;
	[dreg:$0x10] =	wrdreg s9  }
0x14: {  	s8 =	sadd.s32 $0x400, s1;
	s14 =	sadd.s32 s0, s14;
	[dreg:$0x19] =	wrdreg s24  }
0x15: {  	s11 =	sor.u32 $0x3800, s17;
	s7 =	sadd.s32 s0, s12;
	[dreg:$0x1a] =	wrdreg s14  }
0x16: {  	s13 =	sor.u32 $0x4800, s17;
	s18 =	sadd.s32 s2, s10;
	[dreg:$0xc] =	wrdreg s7  }
0x17: {  	s15 =	sor.u32 $0x5800, s17;
	s10 =	sadd.s32 s0, s10;
	[dreg:$0x11] =	wrdreg s18  }
0x18: {  	s31 =	sor.u32 $0x7800, s17;
	s20 =	sadd.s32 s2, s11;
	[dreg:$0x12] =	wrdreg s10  }
0x19: {  	s9 =	sadd.s32 $0x500, s1;
	s11 =	sadd.s32 s0, s11;
	[dreg:$0x13] =	wrdreg s20  }
0x1a: {  	s12 =	sor.u32 $0x4000, s17;
	s23 =	sadd.s32 s2, s13;
	[dreg:$0x14] =	wrdreg s11  }
0x1b: {  	s13 =	sadd.s32 s0, s13;
	s25 =	sadd.s32 s2, s15;
	[dreg:$0x17] =	wrdreg s23  }
0x1c: {  	s15 =	sadd.s32 s0, s15;
	s16 =	sor.u32 $0x6000, s17;
	[dreg:$0x18] =	wrdreg s13  }
0x1d: {  	s14 =	sadd.s32 $0x300, s3;
	s24 =	simm.s32 $0xA;
	[dreg:$0x1b] =	wrdreg s25  }
0x1e: {  	s7 =	sadd.s32 $0x300, s1;
	s21 =	sadd.s32 s2, s12;
	[dreg:$0x1c] =	wrdreg s15  }
0x1f: {  	s10 =	sadd.s32 $0x600, s1;
	s12 =	sadd.s32 s0, s12;
	[dreg:$0x15] =	wrdreg s21  }
0x20: {  	s11 =	sadd.s32 $0x700, s1;
	s26 =	sadd.s32 s2, s16;
	[dreg:$0x16] =	wrdreg s12  }
0x21: {  	s16 =	sadd.s32 s0, s16;
	s18 =	sor.u32 $0x6800, s17;
	[dreg:$0x1d] =	wrdreg s26  }
0x22: {  	s13 =	sadd.s32 $0x200, s3;
	[dreg:$0x1e] =	wrdreg s16;
	s28 =	sadd.s32 s2, s18  }
0x23: {  	s20 =	sor.u32 $0x7000, s17;
	s18 =	sadd.s32 s0, s18;
	[dreg:$0x1f] =	wrdreg s28  }
0x24: {  	s15 =	sadd.s32 $0x400, s3;
	s29 =	sadd.s32 s2, s20;
	[smem:$0x7F9] =	sst s18  }
0x25: {  	s17 =	sadd.s32 $0x600, s3;
	s30 =	sadd.s32 s0, s20;
	[smem:$0x7FA] =	sst s29  }
0x26: {  	v0 =	vlaneseq.u32;
	s12 =	sadd.s32 $0x100, s3;
	s2 =	sadd.s32 s2, s31;
	[smem:$0x7FB] =	sst s30  }
0x27: {  	v1 =	vshrl.u32 v0, $0x3;
	s16 =	sadd.s32 $0x500, s3;
	s0 =	sadd.s32 s0, s31;
	[smem:$0x7FC] =	sst s2  }
0x28: {  	vm0 =	vmmov $0xffff;
	v0 =	vand.u32 $0x7, v0;
	v1 =	vmul.u32 $0x8, v1;
	s26 =	simm.s32 $0x7;
	s18 =	sadd.s32 $0x700, s3;
	[smem:$0x7FD] =	sst s0  }
.LBB2_1:
0x29: {  	[smem:$0x7F8] =	sst s19  }
0x2a: {  	s30 =	rddreg [dreg:$0x4];
	s23 =	simm.s32 $0xD  }
0x2b: {  	[tilespmem:s4], [sflag:$0xD] =	stream.linear.gather [hbm4b:s30+s4], $0x80, $0x38;
	[tilespmem:$0x18080] =	vst v63  }
0x2c: {  	_ =	swait.ge [sflag:s23], $0x80  }
0x2d: {  	[sflag:s23] =	ssyncset.done $0x0  }
0x2e: {  	[sflag:s23] =	ssyncadd.s32 $0xFFFFFF80  }
0x2f: {  	v2 =	vld.msk [tilespmem:$0x0], $0xff;
	_ =	sdelay $0x4  }
0x30: {  	v3 =	vshll.u32 v2, $0x4  }
0x31: {  	v2 =	vand.u32 $0x7, v2;
	v3 =	vand.u32 $0xFFFFFF80, v3  }
0x32: {  	v2 =	vor.u32 v2, v3  }
0x33: {  	v2 =	vperm.xlane v2, v0;
	_ =	sdelay $0x1  }
0x34: {  	v2 =	vadd.s32 v1, v2;
	_ =	sdelay $0x3  }
0x35: {  	s25 =	simm.s32 $0x80;
	s20 =	rddreg [dreg:$0x0]  }
0x36: {  	[tilespmem:s25], [sflag:$0x1] =	stream.indirect_vreg.gather [hbm4b:s20+s4], $0x80, v2, vm0, $0xb8;
	[tilespmem:$0x18080] =	vst v63  }
0x37: {  	s0 =	simm.s32 $0x880  }
0x38: {  	[tilespmem:s0], [sflag:$0x1] =	stream.indirect_vreg.gather [hbm4b:s22+s4], $0x80, v2, vm0, $0xb8;
	[tilespmem:$0x18080] =	vst v63  }
0x39: {  	s28 =	simm.s32 $0x1080  }
0x3a: {  	[tilespmem:s28], [sflag:$0x1] =	stream.indirect_vreg.gather [hbm4b:s6+s4], $0x80, v2, vm0, $0xb8;
	[tilespmem:$0x18080] =	vst v63  }
0x3b: {  	s30 =	simm.s32 $0x1880  }
0x3c: {  	[tilespmem:s30], [sflag:$0x1] =	stream.indirect_vreg.gather [hbm4b:s7+s4], $0x80, v2, vm0, $0xb8;
	[tilespmem:$0x18080] =	vst v63  }
0x3d: {  	s31 =	simm.s32 $0x2080  }
0x3e: {  	[tilespmem:s31], [sflag:$0x1] =	stream.indirect_vreg.gather [hbm4b:s8+s4], $0x80, v2, vm0, $0xb8;
	[tilespmem:$0x18080] =	vst v63  }
0x3f: {  	s1 =	simm.s32 $0x2880  }
0x40: {  	[tilespmem:s1], [sflag:$0x1] =	stream.indirect_vreg.gather [hbm4b:s9+s4], $0x80, v2, vm0, $0xb8;
	[tilespmem:$0x18080] =	vst v63  }
0x41: {  	s2 =	simm.s32 $0x3080  }
0x42: {  	[tilespmem:s2], [sflag:$0x1] =	stream.indirect_vreg.gather [hbm4b:s10+s4], $0x80, v2, vm0, $0xb8;
	[tilespmem:$0x18080] =	vst v63  }
0x43: {  	s3 =	simm.s32 $0x3880  }
0x44: {  	[tilespmem:s3], [sflag:$0x1] =	stream.indirect_vreg.gather [hbm4b:s11+s4], $0x80, v2, vm0, $0xb8;
	[tilespmem:$0x18080] =	vst v63  }
0x45: {  	v2 =	vld.msk [tilespmem:$0x0], $0xff;
	_ =	sdelay $0x4  }
0x46: {  	v3 =	vshll.u32 v2, $0x4  }
0x47: {  	v2 =	vand.u32 $0x7, v2;
	v3 =	vand.u32 $0xFFFFFF80, v3  }
0x48: {  	v2 =	vor.u32 v2, v3  }
0x49: {  	v2 =	vperm.xlane v2, v0;
	_ =	sdelay $0x1  }
0x4a: {  	v2 =	vadd.s32 v1, v2;
	_ =	sdelay $0x3  }
0x4b: {  	s5 =	simm.s32 $0x4080;
	s3 =	rddreg [dreg:$0x1]  }
0x4c: {  	[tilespmem:s5], [sflag:$0x2] =	stream.indirect_vreg.gather [hbm4b:s3+s4], $0x80, v2, vm0, $0xb8;
	[tilespmem:$0x18080] =	vst v63  }
0x4d: {  	s21 =	simm.s32 $0x4880  }
0x4e: {  	[tilespmem:s21], [sflag:$0x2] =	stream.indirect_vreg.gather [hbm4b:s12+s4], $0x80, v2, vm0, $0xb8;
	[tilespmem:$0x18080] =	vst v63  }
0x4f: {  	s23 =	simm.s32 $0x5080  }
0x50: {  	[tilespmem:s23], [sflag:$0x2] =	stream.indirect_vreg.gather [hbm4b:s13+s4], $0x80, v2, vm0, $0xb8;
	[tilespmem:$0x18080] =	vst v63  }
0x51: {  	s25 =	simm.s32 $0x5880  }
0x52: {  	[tilespmem:s25], [sflag:$0x2] =	stream.indirect_vreg.gather [hbm4b:s14+s4], $0x80, v2, vm0, $0xb8;
	[tilespmem:$0x18080] =	vst v63  }
0x53: {  	s28 =	simm.s32 $0x6080  }
0x54: {  	[tilespmem:s28], [sflag:$0x2] =	stream.indirect_vreg.gather [hbm4b:s15+s4], $0x80, v2, vm0, $0xb8;
	[tilespmem:$0x18080] =	vst v63  }
0x55: {  	s31 =	simm.s32 $0x6880  }
0x56: {  	[tilespmem:s31], [sflag:$0x2] =	stream.indirect_vreg.gather [hbm4b:s16+s4], $0x80, v2, vm0, $0xb8;
	[tilespmem:$0x18080] =	vst v63  }
0x57: {  	s0 =	simm.s32 $0x7080  }
0x58: {  	[tilespmem:s0], [sflag:$0x2] =	stream.indirect_vreg.gather [hbm4b:s17+s4], $0x80, v2, vm0, $0xb8;
	[tilespmem:$0x18080] =	vst v63  }
0x59: {  	s2 =	simm.s32 $0x7880;
	s5 =	simm.s32 $0x1  }
0x5a: {  	[tilespmem:s2], [sflag:$0x2] =	stream.indirect_vreg.gather [hbm4b:s18+s4], $0x80, v2, vm0, $0xb8;
	[tilespmem:$0x18080] =	vst v63  }
0x5b: {  	_ =	swait.ge [sflag:s5], $0x4000  }
0x5c: {  	[sflag:s5] =	ssyncset.done $0x0  }
0x5d: {  	s19 =	simm.s32 $0x80;
	s21 =	rddreg [dreg:$0x5];
	[sflag:s5] =	ssyncadd.s32 $0xFFFFC000  }
0x5e: {  	[hbm4b:s21+s4] =	stream.linear.scatter [tilespmem:s19], [sflag:$0x7], $0x4000, $0x38;
	[tilespmem:$0x18080] =	vst v63  }
0x5f: {  	v2 =	vld.msk [tilespmem:$0x8], $0xff;
	_ =	sdelay $0x4  }
0x60: {  	v3 =	vshll.u32 v2, $0x4  }
0x61: {  	v2 =	vand.u32 $0x7, v2;
	v3 =	vand.u32 $0xFFFFFF80, v3  }
0x62: {  	v2 =	vor.u32 v2, v3  }
0x63: {  	v2 =	vperm.xlane v2, v0;
	_ =	sdelay $0x1  }
0x64: {  	v2 =	vadd.s32 v1, v2;
	_ =	sdelay $0x3  }
0x65: {  	s2 =	simm.s32 $0x8080  }
0x66: {  	[tilespmem:s2], [sflag:$0x3] =	stream.indirect_vreg.gather [hbm4b:s20+s4], $0x80, v2, vm0, $0xb8;
	[tilespmem:$0x18080] =	vst v63  }
0x67: {  	s23 =	simm.s32 $0x8880  }
0x68: {  	[tilespmem:s23], [sflag:$0x3] =	stream.indirect_vreg.gather [hbm4b:s22+s4], $0x80, v2, vm0, $0xb8;
	[tilespmem:$0x18080] =	vst v63  }
0x69: {  	s28 =	simm.s32 $0x9080  }
0x6a: {  	[tilespmem:s28], [sflag:$0x3] =	stream.indirect_vreg.gather [hbm4b:s6+s4], $0x80, v2, vm0, $0xb8;
	[tilespmem:$0x18080] =	vst v63  }
0x6b: {  	s30 =	simm.s32 $0x9880  }
0x6c: {  	[tilespmem:s30], [sflag:$0x3] =	stream.indirect_vreg.gather [hbm4b:s7+s4], $0x80, v2, vm0, $0xb8;
	[tilespmem:$0x18080] =	vst v63  }
0x6d: {  	s31 =	simm.s32 $0xA080  }
0x6e: {  	[tilespmem:s31], [sflag:$0x3] =	stream.indirect_vreg.gather [hbm4b:s8+s4], $0x80, v2, vm0, $0xb8;
	[tilespmem:$0x18080] =	vst v63  }
0x6f: {  	s5 =	simm.s32 $0xA880  }
0x70: {  	[tilespmem:s5], [sflag:$0x3] =	stream.indirect_vreg.gather [hbm4b:s9+s4], $0x80, v2, vm0, $0xb8;
	[tilespmem:$0x18080] =	vst v63  }
0x71: {  	s0 =	smov.u32 s20;
	s20 =	simm.s32 $0xB080  }
0x72: {  	[tilespmem:s20], [sflag:$0x3] =	stream.indirect_vreg.gather [hbm4b:s10+s4], $0x80, v2, vm0, $0xb8;
	[tilespmem:$0x18080] =	vst v63  }
0x73: {  	s21 =	simm.s32 $0xB880;
	s23 =	simm.s32 $0x2  }
0x74: {  	[tilespmem:s21], [sflag:$0x3] =	stream.indirect_vreg.gather [hbm4b:s11+s4], $0x80, v2, vm0, $0xb8;
	[tilespmem:$0x18080] =	vst v63  }
0x75: {  	_ =	swait.ge [sflag:s23], $0x4000  }
0x76: {  	[sflag:s23] =	ssyncset.done $0x0  }
0x77: {  	s1 =	simm.s32 $0x4080;
	s28 =	rddreg [dreg:$0x6];
	[sflag:s23] =	ssyncadd.s32 $0xFFFFC000  }
0x78: {  	[hbm4b:s28+s4] =	stream.linear.scatter [tilespmem:s1], [sflag:$0x8], $0x4000, $0x38;
	[tilespmem:$0x18080] =	vst v63  }
0x79: {  	v2 =	vld.msk [tilespmem:$0x8], $0xff;
	_ =	sdelay $0x4  }
0x7a: {  	v3 =	vshll.u32 v2, $0x4  }
0x7b: {  	v2 =	vand.u32 $0x7, v2;
	v3 =	vand.u32 $0xFFFFFF80, v3  }
0x7c: {  	v2 =	vor.u32 v2, v3  }
0x7d: {  	v2 =	vperm.xlane v2, v0;
	_ =	sdelay $0x1  }
0x7e: {  	v2 =	vadd.s32 v1, v2;
	_ =	sdelay $0x3  }
0x7f: {  	s30 =	simm.s32 $0xC080  }
0x80: {  	[tilespmem:s30], [sflag:$0x4] =	stream.indirect_vreg.gather [hbm4b:s3+s4], $0x80, v2, vm0, $0xb8;
	[tilespmem:$0x18080] =	vst v63  }
0x81: {  	s31 =	simm.s32 $0xC880  }
0x82: {  	[tilespmem:s31], [sflag:$0x4] =	stream.indirect_vreg.gather [hbm4b:s12+s4], $0x80, v2, vm0, $0xb8;
	[tilespmem:$0x18080] =	vst v63  }
0x83: {  	s2 =	simm.s32 $0xD080  }
0x84: {  	[tilespmem:s2], [sflag:$0x4] =	stream.indirect_vreg.gather [hbm4b:s13+s4], $0x80, v2, vm0, $0xb8;
	[tilespmem:$0x18080] =	vst v63  }
0x85: {  	s21 =	simm.s32 $0xD880  }
0x86: {  	[tilespmem:s21], [sflag:$0x4] =	stream.indirect_vreg.gather [hbm4b:s14+s4], $0x80, v2, vm0, $0xb8;
	[tilespmem:$0x18080] =	vst v63  }
0x87: {  	s23 =	simm.s32 $0xE080  }
0x88: {  	[tilespmem:s23], [sflag:$0x4] =	stream.indirect_vreg.gather [hbm4b:s15+s4], $0x80, v2, vm0, $0xb8;
	[tilespmem:$0x18080] =	vst v63  }
0x89: {  	s28 =	simm.s32 $0xE880  }
0x8a: {  	[tilespmem:s28], [sflag:$0x4] =	stream.indirect_vreg.gather [hbm4b:s16+s4], $0x80, v2, vm0, $0xb8;
	[tilespmem:$0x18080] =	vst v63  }
0x8b: {  	s30 =	simm.s32 $0xF080  }
0x8c: {  	[tilespmem:s30], [sflag:$0x4] =	stream.indirect_vreg.gather [hbm4b:s17+s4], $0x80, v2, vm0, $0xb8;
	[tilespmem:$0x18080] =	vst v63  }
0x8d: {  	s31 =	simm.s32 $0xF880  }
0x8e: {  	[tilespmem:s31], [sflag:$0x4] =	stream.indirect_vreg.gather [hbm4b:s18+s4], $0x80, v2, vm0, $0xb8;
	[tilespmem:$0x18080] =	vst v63  }
0x8f: {  	s31 =	simm.s32 $0x3  }
0x90: {  	_ =	swait.ge [sflag:s31], $0x4000  }
0x91: {  	[sflag:s31] =	ssyncset.done $0x0  }
0x92: {  	s19 =	simm.s32 $0x8080;
	s2 =	rddreg [dreg:$0x7];
	[sflag:s31] =	ssyncadd.s32 $0xFFFFC000  }
0x93: {  	[hbm4b:s2+s4] =	stream.linear.scatter [tilespmem:s19], [sflag:$0x9], $0x4000, $0x38;
	[tilespmem:$0x18080] =	vst v63  }
0x94: {  	v2 =	vld.msk [tilespmem:$0x10], $0xff;
	_ =	sdelay $0x4  }
0x95: {  	v3 =	vshll.u32 v2, $0x4  }
0x96: {  	v2 =	vand.u32 $0x7, v2;
	v3 =	vand.u32 $0xFFFFFF80, v3  }
0x97: {  	v2 =	vor.u32 v2, v3  }
0x98: {  	v2 =	vperm.xlane v2, v0;
	_ =	sdelay $0x1  }
0x99: {  	v2 =	vadd.s32 v1, v2;
	_ =	sdelay $0x3  }
0x9a: {  	s21 =	simm.s32 $0x10080  }
0x9b: {  	[tilespmem:s21], [sflag:$0x5] =	stream.indirect_vreg.gather [hbm4b:s0+s4], $0x80, v2, vm0, $0xb8;
	[tilespmem:$0x18080] =	vst v63  }
0x9c: {  	s23 =	simm.s32 $0x10880  }
0x9d: {  	[tilespmem:s23], [sflag:$0x5] =	stream.indirect_vreg.gather [hbm4b:s22+s4], $0x80, v2, vm0, $0xb8;
	[tilespmem:$0x18080] =	vst v63  }
0x9e: {  	s28 =	simm.s32 $0x11080  }
0x9f: {  	[tilespmem:s28], [sflag:$0x5] =	stream.indirect_vreg.gather [hbm4b:s6+s4], $0x80, v2, vm0, $0xb8;
	[tilespmem:$0x18080] =	vst v63  }
0xa0: {  	s30 =	simm.s32 $0x11880  }
0xa1: {  	[tilespmem:s30], [sflag:$0x5] =	stream.indirect_vreg.gather [hbm4b:s7+s4], $0x80, v2, vm0, $0xb8;
	[tilespmem:$0x18080] =	vst v63  }
0xa2: {  	s2 =	simm.s32 $0x12080  }
0xa3: {  	[tilespmem:s2], [sflag:$0x5] =	stream.indirect_vreg.gather [hbm4b:s8+s4], $0x80, v2, vm0, $0xb8;
	[tilespmem:$0x18080] =	vst v63  }
0xa4: {  	s19 =	simm.s32 $0x12880  }
0xa5: {  	[tilespmem:s19], [sflag:$0x5] =	stream.indirect_vreg.gather [hbm4b:s9+s4], $0x80, v2, vm0, $0xb8;
	[tilespmem:$0x18080] =	vst v63  }
0xa6: {  	s28 =	simm.s32 $0x13080  }
0xa7: {  	[tilespmem:s28], [sflag:$0x5] =	stream.indirect_vreg.gather [hbm4b:s10+s4], $0x80, v2, vm0, $0xb8;
	[tilespmem:$0x18080] =	vst v63  }
0xa8: {  	s30 =	simm.s32 $0x13880;
	s2 =	simm.s32 $0x4  }
0xa9: {  	[tilespmem:s30], [sflag:$0x5] =	stream.indirect_vreg.gather [hbm4b:s11+s4], $0x80, v2, vm0, $0xb8;
	[tilespmem:$0x18080] =	vst v63  }
0xaa: {  	_ =	swait.ge [sflag:s2], $0x4000  }
0xab: {  	[sflag:s2] =	ssyncset.done $0x0  }
0xac: {  	s20 =	simm.s32 $0xC080;
	s19 =	rddreg [dreg:$0x8];
	[sflag:s2] =	ssyncadd.s32 $0xFFFFC000  }
0xad: {  	[hbm4b:s19+s4] =	stream.linear.scatter [tilespmem:s20], [sflag:$0xA], $0x4000, $0x38;
	[tilespmem:$0x18080] =	vst v63  }
0xae: {  	v2 =	vld.msk [tilespmem:$0x10], $0xff;
	_ =	sdelay $0x4  }
0xaf: {  	v3 =	vshll.u32 v2, $0x4  }
0xb0: {  	v2 =	vand.u32 $0x7, v2;
	v3 =	vand.u32 $0xFFFFFF80, v3  }
0xb1: {  	v2 =	vor.u32 v2, v3  }
0xb2: {  	v2 =	vperm.xlane v2, v0;
	_ =	sdelay $0x1  }
0xb3: {  	v2 =	vadd.s32 v1, v2;
	_ =	sdelay $0x3  }
0xb4: {  	s28 =	simm.s32 $0x14080  }
0xb5: {  	[tilespmem:s28], [sflag:$0x6] =	stream.indirect_vreg.gather [hbm4b:s3+s4], $0x80, v2, vm0, $0xb8;
	[tilespmem:$0x18080] =	vst v63  }
0xb6: {  	s30 =	simm.s32 $0x14880  }
0xb7: {  	[tilespmem:s30], [sflag:$0x6] =	stream.indirect_vreg.gather [hbm4b:s12+s4], $0x80, v2, vm0, $0xb8;
	[tilespmem:$0x18080] =	vst v63  }
0xb8: {  	s1 =	simm.s32 $0x15080  }
0xb9: {  	[tilespmem:s1], [sflag:$0x6] =	stream.indirect_vreg.gather [hbm4b:s13+s4], $0x80, v2, vm0, $0xb8;
	[tilespmem:$0x18080] =	vst v63  }
0xba: {  	s2 =	simm.s32 $0x15880  }
0xbb: {  	[tilespmem:s2], [sflag:$0x6] =	stream.indirect_vreg.gather [hbm4b:s14+s4], $0x80, v2, vm0, $0xb8;
	[tilespmem:$0x18080] =	vst v63  }
0xbc: {  	s28 =	smov.u32 s3;
	s3 =	simm.s32 $0x16080  }
0xbd: {  	[tilespmem:s3], [sflag:$0x6] =	stream.indirect_vreg.gather [hbm4b:s15+s4], $0x80, v2, vm0, $0xb8;
	[tilespmem:$0x18080] =	vst v63  }
0xbe: {  	s30 =	simm.s32 $0x16880  }
0xbf: {  	[tilespmem:s30], [sflag:$0x6] =	stream.indirect_vreg.gather [hbm4b:s16+s4], $0x80, v2, vm0, $0xb8;
	[tilespmem:$0x18080] =	vst v63  }
0xc0: {  	s1 =	simm.s32 $0x17080  }
0xc1: {  	[tilespmem:s1], [sflag:$0x6] =	stream.indirect_vreg.gather [hbm4b:s17+s4], $0x80, v2, vm0, $0xb8;
	[tilespmem:$0x18080] =	vst v63  }
0xc2: {  	s2 =	simm.s32 $0x17880;
	s3 =	simm.s32 $0x5  }
0xc3: {  	[tilespmem:s2], [sflag:$0x6] =	stream.indirect_vreg.gather [hbm4b:s18+s4], $0x80, v2, vm0, $0xb8;
	[tilespmem:$0x18080] =	vst v63  }
0xc4: {  	_ =	swait.ge [sflag:s3], $0x4000  }
0xc5: {  	[sflag:s3] =	ssyncset.done $0x0  }
0xc6: {  	s21 =	simm.s32 $0x10080;
	s19 =	rddreg [dreg:$0x9];
	[sflag:s3] =	ssyncadd.s32 $0xFFFFC000  }
0xc7: {  	[hbm4b:s19+s4] =	stream.linear.scatter [tilespmem:s21], [sflag:$0xB], $0x4000, $0x38;
	[tilespmem:$0x18080] =	vst v63  }
0xc8: {  	_ =	swait.ge [sflag:s26], $0x4000  }
0xc9: {  	[sflag:s26] =	ssyncset.done $0x0  }
0xca: {  	[sflag:s26] =	ssyncadd.s32 $0xFFFFC000  }
0xcb: {  	v2 =	vld.msk [tilespmem:$0x18], $0xff;
	_ =	sdelay $0x4  }
0xcc: {  	v3 =	vshll.u32 v2, $0x4  }
0xcd: {  	v2 =	vand.u32 $0x7, v2;
	v3 =	vand.u32 $0xFFFFFF80, v3  }
0xce: {  	v2 =	vor.u32 v2, v3  }
0xcf: {  	v2 =	vperm.xlane v2, v0;
	_ =	sdelay $0x1  }
0xd0: {  	v2 =	vadd.s32 v1, v2;
	_ =	sdelay $0x3  }
0xd1: {  	s25 =	simm.s32 $0x80  }
0xd2: {  	[tilespmem:s25], [sflag:$0x1] =	stream.indirect_vreg.gather [hbm4b:s0+s4], $0x80, v2, vm0, $0xb8;
	[tilespmem:$0x18080] =	vst v63  }
0xd3: {  	s29 =	simm.s32 $0x880  }
0xd4: {  	[tilespmem:s29], [sflag:$0x1] =	stream.indirect_vreg.gather [hbm4b:s22+s4], $0x80, v2, vm0, $0xb8;
	[tilespmem:$0x18080] =	vst v63  }
0xd5: {  	s1 =	simm.s32 $0x1080  }
0xd6: {  	[tilespmem:s1], [sflag:$0x1] =	stream.indirect_vreg.gather [hbm4b:s6+s4], $0x80, v2, vm0, $0xb8;
	[tilespmem:$0x18080] =	vst v63  }
0xd7: {  	s3 =	simm.s32 $0x1880  }
0xd8: {  	[tilespmem:s3], [sflag:$0x1] =	stream.indirect_vreg.gather [hbm4b:s7+s4], $0x80, v2, vm0, $0xb8;
	[tilespmem:$0x18080] =	vst v63  }
0xd9: {  	s21 =	simm.s32 $0x2080  }
0xda: {  	[tilespmem:s21], [sflag:$0x1] =	stream.indirect_vreg.gather [hbm4b:s8+s4], $0x80, v2, vm0, $0xb8;
	[tilespmem:$0x18080] =	vst v63  }
0xdb: {  	s29 =	simm.s32 $0x2880  }
0xdc: {  	[tilespmem:s29], [sflag:$0x1] =	stream.indirect_vreg.gather [hbm4b:s9+s4], $0x80, v2, vm0, $0xb8;
	[tilespmem:$0x18080] =	vst v63  }
0xdd: {  	s30 =	simm.s32 $0x3080  }
0xde: {  	[tilespmem:s30], [sflag:$0x1] =	stream.indirect_vreg.gather [hbm4b:s10+s4], $0x80, v2, vm0, $0xb8;
	[tilespmem:$0x18080] =	vst v63  }
0xdf: {  	s1 =	simm.s32 $0x3880;
	s3 =	simm.s32 $0x6  }
0xe0: {  	[tilespmem:s1], [sflag:$0x1] =	stream.indirect_vreg.gather [hbm4b:s11+s4], $0x80, v2, vm0, $0xb8;
	[tilespmem:$0x18080] =	vst v63  }
0xe1: {  	_ =	swait.ge [sflag:s3], $0x4000  }
0xe2: {  	s20 =	simm.s32 $0x14080;
	[sflag:s3] =	ssyncset.done $0x0  }
0xe3: {  	s21 =	rddreg [dreg:$0xa];
	[sflag:s3] =	ssyncadd.s32 $0xFFFFC000;
	s3 =	simm.s32 $0x8  }
0xe4: {  	[hbm4b:s21+s4] =	stream.linear.scatter [tilespmem:s20], [sflag:$0xC], $0x4000, $0x38;
	[tilespmem:$0x18080] =	vst v63  }
0xe5: {  	_ =	swait.ge [sflag:s3], $0x4000  }
0xe6: {  	[sflag:s3] =	ssyncset.done $0x0  }
0xe7: {  	[sflag:s3] =	ssyncadd.s32 $0xFFFFC000  }
0xe8: {  	v2 =	vld.msk [tilespmem:$0x18], $0xff;
	_ =	sdelay $0x4  }
0xe9: {  	v3 =	vshll.u32 v2, $0x4  }
0xea: {  	v2 =	vand.u32 $0x7, v2;
	v3 =	vand.u32 $0xFFFFFF80, v3  }
0xeb: {  	v2 =	vor.u32 v2, v3  }
0xec: {  	v2 =	vperm.xlane v2, v0;
	_ =	sdelay $0x1  }
0xed: {  	v2 =	vadd.s32 v1, v2;
	_ =	sdelay $0x3  }
0xee: {  	s21 =	simm.s32 $0x4080  }
0xef: {  	[tilespmem:s21], [sflag:$0x2] =	stream.indirect_vreg.gather [hbm4b:s28+s4], $0x80, v2, vm0, $0xb8;
	[tilespmem:$0x18080] =	vst v63  }
0xf0: {  	s19 =	smov.u32 s0;
	s0 =	smov.u32 s28;
	s28 =	simm.s32 $0x4880  }
0xf1: {  	[tilespmem:s28], [sflag:$0x2] =	stream.indirect_vreg.gather [hbm4b:s12+s4], $0x80, v2, vm0, $0xb8;
	[tilespmem:$0x18080] =	vst v63  }
0xf2: {  	s29 =	simm.s32 $0x5080  }
0xf3: {  	[tilespmem:s29], [sflag:$0x2] =	stream.indirect_vreg.gather [hbm4b:s13+s4], $0x80, v2, vm0, $0xb8;
	[tilespmem:$0x18080] =	vst v63  }
0xf4: {  	s29 =	simm.s32 $0x5880  }
0xf5: {  	[tilespmem:s29], [sflag:$0x2] =	stream.indirect_vreg.gather [hbm4b:s14+s4], $0x80, v2, vm0, $0xb8;
	[tilespmem:$0x18080] =	vst v63  }
0xf6: {  	s30 =	simm.s32 $0x6080  }
0xf7: {  	[tilespmem:s30], [sflag:$0x2] =	stream.indirect_vreg.gather [hbm4b:s15+s4], $0x80, v2, vm0, $0xb8;
	[tilespmem:$0x18080] =	vst v63  }
0xf8: {  	s20 =	simm.s32 $0x6880  }
0xf9: {  	[tilespmem:s20], [sflag:$0x2] =	stream.indirect_vreg.gather [hbm4b:s16+s4], $0x80, v2, vm0, $0xb8;
	[tilespmem:$0x18080] =	vst v63  }
0xfa: {  	s28 =	simm.s32 $0x7080  }
0xfb: {  	[tilespmem:s28], [sflag:$0x2] =	stream.indirect_vreg.gather [hbm4b:s17+s4], $0x80, v2, vm0, $0xb8;
	[tilespmem:$0x18080] =	vst v63  }
0xfc: {  	s30 =	simm.s32 $0x7880;
	s20 =	simm.s32 $0x1  }
0xfd: {  	[tilespmem:s30], [sflag:$0x2] =	stream.indirect_vreg.gather [hbm4b:s18+s4], $0x80, v2, vm0, $0xb8;
	[tilespmem:$0x18080] =	vst v63  }
0xfe: {  	_ =	swait.ge [sflag:s20], $0x4000  }
0xff: {  	[sflag:s20] =	ssyncset.done $0x0  }
0x100: {  	s28 =	rddreg [dreg:$0xb];
	[sflag:s20] =	ssyncadd.s32 $0xFFFFC000  }
0x101: {  	[hbm4b:s28+s4] =	stream.linear.scatter [tilespmem:s25], [sflag:$0x7], $0x4000, $0x38;
	[tilespmem:$0x18080] =	vst v63  }
0x102: {  	s28 =	simm.s32 $0x9  }
0x103: {  	_ =	swait.ge [sflag:s28], $0x4000  }
0x104: {  	[sflag:s28] =	ssyncset.done $0x0  }
0x105: {  	[sflag:s28] =	ssyncadd.s32 $0xFFFFC000  }
0x106: {  	v2 =	vld.msk [tilespmem:$0x20], $0xff;
	_ =	sdelay $0x4  }
0x107: {  	v3 =	vshll.u32 v2, $0x4  }
0x108: {  	v2 =	vand.u32 $0x7, v2;
	v3 =	vand.u32 $0xFFFFFF80, v3  }
0x109: {  	v2 =	vor.u32 v2, v3  }
0x10a: {  	v2 =	vperm.xlane v2, v0;
	_ =	sdelay $0x1  }
0x10b: {  	v2 =	vadd.s32 v1, v2;
	_ =	sdelay $0x3  }
0x10c: {  	s20 =	simm.s32 $0x8080  }
0x10d: {  	[tilespmem:s20], [sflag:$0x3] =	stream.indirect_vreg.gather [hbm4b:s19+s4], $0x80, v2, vm0, $0xb8;
	[tilespmem:$0x18080] =	vst v63  }
0x10e: {  	s30 =	simm.s32 $0x8880  }
0x10f: {  	[tilespmem:s30], [sflag:$0x3] =	stream.indirect_vreg.gather [hbm4b:s22+s4], $0x80, v2, vm0, $0xb8;
	[tilespmem:$0x18080] =	vst v63  }
0x110: {  	s25 =	simm.s32 $0x9080  }
0x111: {  	[tilespmem:s25], [sflag:$0x3] =	stream.indirect_vreg.gather [hbm4b:s6+s4], $0x80, v2, vm0, $0xb8;
	[tilespmem:$0x18080] =	vst v63  }
0x112: {  	s30 =	simm.s32 $0x9880  }
0x113: {  	[tilespmem:s30], [sflag:$0x3] =	stream.indirect_vreg.gather [hbm4b:s7+s4], $0x80, v2, vm0, $0xb8;
	[tilespmem:$0x18080] =	vst v63  }
0x114: {  	s25 =	simm.s32 $0xA080  }
0x115: {  	[tilespmem:s25], [sflag:$0x3] =	stream.indirect_vreg.gather [hbm4b:s8+s4], $0x80, v2, vm0, $0xb8;
	[tilespmem:$0x18080] =	vst v63  }
0x116: {  	s30 =	simm.s32 $0xA880  }
0x117: {  	[tilespmem:s30], [sflag:$0x3] =	stream.indirect_vreg.gather [hbm4b:s9+s4], $0x80, v2, vm0, $0xb8;
	[tilespmem:$0x18080] =	vst v63  }
0x118: {  	s25 =	simm.s32 $0xB080  }
0x119: {  	[tilespmem:s25], [sflag:$0x3] =	stream.indirect_vreg.gather [hbm4b:s10+s4], $0x80, v2, vm0, $0xb8;
	[tilespmem:$0x18080] =	vst v63  }
0x11a: {  	s5 =	simm.s32 $0x2;
	s30 =	simm.s32 $0xB880  }
0x11b: {  	[tilespmem:s30], [sflag:$0x3] =	stream.indirect_vreg.gather [hbm4b:s11+s4], $0x80, v2, vm0, $0xb8;
	[tilespmem:$0x18080] =	vst v63  }
0x11c: {  	_ =	swait.ge [sflag:s5], $0x4000  }
0x11d: {  	[sflag:s5] =	ssyncset.done $0x0  }
0x11e: {  	s25 =	rddreg [dreg:$0xc];
	[sflag:s5] =	ssyncadd.s32 $0xFFFFC000  }
0x11f: {  	[hbm4b:s25+s4] =	stream.linear.scatter [tilespmem:s21], [sflag:$0x8], $0x4000, $0x38;
	[tilespmem:$0x18080] =	vst v63  }
0x120: {  	_ =	swait.ge [sflag:s24], $0x4000  }
0x121: {  	[sflag:s24] =	ssyncset.done $0x0  }
0x122: {  	[sflag:s24] =	ssyncadd.s32 $0xFFFFC000  }
0x123: {  	v2 =	vld.msk [tilespmem:$0x20], $0xff;
	_ =	sdelay $0x4  }
0x124: {  	v3 =	vshll.u32 v2, $0x4  }
0x125: {  	v2 =	vand.u32 $0x7, v2;
	v3 =	vand.u32 $0xFFFFFF80, v3  }
0x126: {  	v2 =	vor.u32 v2, v3  }
0x127: {  	v2 =	vperm.xlane v2, v0;
	_ =	sdelay $0x1  }
0x128: {  	v2 =	vadd.s32 v1, v2;
	_ =	sdelay $0x3  }
0x129: {  	s21 =	simm.s32 $0xC080  }
0x12a: {  	[tilespmem:s21], [sflag:$0x4] =	stream.indirect_vreg.gather [hbm4b:s0+s4], $0x80, v2, vm0, $0xb8;
	[tilespmem:$0x18080] =	vst v63  }
0x12b: {  	s30 =	simm.s32 $0xC880  }
0x12c: {  	[tilespmem:s30], [sflag:$0x4] =	stream.indirect_vreg.gather [hbm4b:s12+s4], $0x80, v2, vm0, $0xb8;
	[tilespmem:$0x18080] =	vst v63  }
0x12d: {  	s5 =	simm.s32 $0xD080  }
0x12e: {  	[tilespmem:s5], [sflag:$0x4] =	stream.indirect_vreg.gather [hbm4b:s13+s4], $0x80, v2, vm0, $0xb8;
	[tilespmem:$0x18080] =	vst v63  }
0x12f: {  	s25 =	simm.s32 $0xD880  }
0x130: {  	[tilespmem:s25], [sflag:$0x4] =	stream.indirect_vreg.gather [hbm4b:s14+s4], $0x80, v2, vm0, $0xb8;
	[tilespmem:$0x18080] =	vst v63  }
0x131: {  	s30 =	simm.s32 $0xE080  }
0x132: {  	[tilespmem:s30], [sflag:$0x4] =	stream.indirect_vreg.gather [hbm4b:s15+s4], $0x80, v2, vm0, $0xb8;
	[tilespmem:$0x18080] =	vst v63  }
0x133: {  	s5 =	simm.s32 $0xE880  }
0x134: {  	[tilespmem:s5], [sflag:$0x4] =	stream.indirect_vreg.gather [hbm4b:s16+s4], $0x80, v2, vm0, $0xb8;
	[tilespmem:$0x18080] =	vst v63  }
0x135: {  	s25 =	simm.s32 $0xF080  }
0x136: {  	[tilespmem:s25], [sflag:$0x4] =	stream.indirect_vreg.gather [hbm4b:s17+s4], $0x80, v2, vm0, $0xb8;
	[tilespmem:$0x18080] =	vst v63  }
0x137: {  	s30 =	simm.s32 $0xF880  }
0x138: {  	[tilespmem:s30], [sflag:$0x4] =	stream.indirect_vreg.gather [hbm4b:s18+s4], $0x80, v2, vm0, $0xb8;
	[tilespmem:$0x18080] =	vst v63  }
0x139: {  	_ =	swait.ge [sflag:s31], $0x4000  }
0x13a: {  	[sflag:s31] =	ssyncset.done $0x0  }
0x13b: {  	s1 =	smov.u32 s0;
	s0 =	rddreg [dreg:$0xd];
	[sflag:s31] =	ssyncadd.s32 $0xFFFFC000  }
0x13c: {  	[hbm4b:s0+s4] =	stream.linear.scatter [tilespmem:s20], [sflag:$0x9], $0x4000, $0x38;
	[tilespmem:$0x18080] =	vst v63  }
0x13d: {  	s20 =	simm.s32 $0xB  }
0x13e: {  	_ =	swait.ge [sflag:s20], $0x4000  }
0x13f: {  	[sflag:s20] =	ssyncset.done $0x0  }
0x140: {  	[sflag:s20] =	ssyncadd.s32 $0xFFFFC000  }
0x141: {  	v2 =	vld.msk [tilespmem:$0x28], $0xff;
	_ =	sdelay $0x4  }
0x142: {  	v3 =	vshll.u32 v2, $0x4  }
0x143: {  	v2 =	vand.u32 $0x7, v2;
	v3 =	vand.u32 $0xFFFFFF80, v3  }
0x144: {  	v2 =	vor.u32 v2, v3  }
0x145: {  	v2 =	vperm.xlane v2, v0;
	_ =	sdelay $0x1  }
0x146: {  	v2 =	vadd.s32 v1, v2;
	_ =	sdelay $0x3  }
0x147: {  	s25 =	simm.s32 $0x10080  }
0x148: {  	[tilespmem:s25], [sflag:$0x5] =	stream.indirect_vreg.gather [hbm4b:s19+s4], $0x80, v2, vm0, $0xb8;
	[tilespmem:$0x18080] =	vst v63  }
0x149: {  	s23 =	simm.s32 $0x10880  }
0x14a: {  	[tilespmem:s23], [sflag:$0x5] =	stream.indirect_vreg.gather [hbm4b:s22+s4], $0x80, v2, vm0, $0xb8;
	[tilespmem:$0x18080] =	vst v63  }
0x14b: {  	s5 =	simm.s32 $0x11080  }
0x14c: {  	[tilespmem:s5], [sflag:$0x5] =	stream.indirect_vreg.gather [hbm4b:s6+s4], $0x80, v2, vm0, $0xb8;
	[tilespmem:$0x18080] =	vst v63  }
0x14d: {  	s23 =	simm.s32 $0x11880  }
0x14e: {  	[tilespmem:s23], [sflag:$0x5] =	stream.indirect_vreg.gather [hbm4b:s7+s4], $0x80, v2, vm0, $0xb8;
	[tilespmem:$0x18080] =	vst v63  }
0x14f: {  	s30 =	simm.s32 $0x12080  }
0x150: {  	[tilespmem:s30], [sflag:$0x5] =	stream.indirect_vreg.gather [hbm4b:s8+s4], $0x80, v2, vm0, $0xb8;
	[tilespmem:$0x18080] =	vst v63  }
0x151: {  	s5 =	simm.s32 $0x12880  }
0x152: {  	[tilespmem:s5], [sflag:$0x5] =	stream.indirect_vreg.gather [hbm4b:s9+s4], $0x80, v2, vm0, $0xb8;
	[tilespmem:$0x18080] =	vst v63  }
0x153: {  	s23 =	simm.s32 $0x13080  }
0x154: {  	[tilespmem:s23], [sflag:$0x5] =	stream.indirect_vreg.gather [hbm4b:s10+s4], $0x80, v2, vm0, $0xb8;
	[tilespmem:$0x18080] =	vst v63  }
0x155: {  	s30 =	simm.s32 $0x13880;
	s5 =	simm.s32 $0x4  }
0x156: {  	[tilespmem:s30], [sflag:$0x5] =	stream.indirect_vreg.gather [hbm4b:s11+s4], $0x80, v2, vm0, $0xb8;
	[tilespmem:$0x18080] =	vst v63  }
0x157: {  	_ =	swait.ge [sflag:s5], $0x4000  }
0x158: {  	[sflag:s5] =	ssyncset.done $0x0  }
0x159: {  	s23 =	rddreg [dreg:$0xe];
	[sflag:s5] =	ssyncadd.s32 $0xFFFFC000  }
0x15a: {  	[hbm4b:s23+s4] =	stream.linear.scatter [tilespmem:s21], [sflag:$0xA], $0x4000, $0x38;
	[tilespmem:$0x18080] =	vst v63  }
0x15b: {  	s21 =	simm.s32 $0xC  }
0x15c: {  	_ =	swait.ge [sflag:s21], $0x4000  }
0x15d: {  	[sflag:s21] =	ssyncset.done $0x0  }
0x15e: {  	[sflag:s21] =	ssyncadd.s32 $0xFFFFC000  }
0x15f: {  	v2 =	vld.msk [tilespmem:$0x28], $0xff;
	_ =	sdelay $0x4  }
0x160: {  	v3 =	vshll.u32 v2, $0x4  }
0x161: {  	v2 =	vand.u32 $0x7, v2;
	v3 =	vand.u32 $0xFFFFFF80, v3  }
0x162: {  	v2 =	vor.u32 v2, v3  }
0x163: {  	v2 =	vperm.xlane v2, v0;
	_ =	sdelay $0x1  }
0x164: {  	v2 =	vadd.s32 v1, v2;
	_ =	sdelay $0x3  }
0x165: {  	s0 =	simm.s32 $0x14080  }
0x166: {  	[tilespmem:s0], [sflag:$0x6] =	stream.indirect_vreg.gather [hbm4b:s1+s4], $0x80, v2, vm0, $0xb8;
	[tilespmem:$0x18080] =	vst v63  }
0x167: {  	s30 =	simm.s32 $0x14880  }
0x168: {  	[tilespmem:s30], [sflag:$0x6] =	stream.indirect_vreg.gather [hbm4b:s12+s4], $0x80, v2, vm0, $0xb8;
	[tilespmem:$0x18080] =	vst v63  }
0x169: {  	s5 =	simm.s32 $0x15080  }
0x16a: {  	[tilespmem:s5], [sflag:$0x6] =	stream.indirect_vreg.gather [hbm4b:s13+s4], $0x80, v2, vm0, $0xb8;
	[tilespmem:$0x18080] =	vst v63  }
0x16b: {  	s30 =	simm.s32 $0x15880  }
0x16c: {  	[tilespmem:s30], [sflag:$0x6] =	stream.indirect_vreg.gather [hbm4b:s14+s4], $0x80, v2, vm0, $0xb8;
	[tilespmem:$0x18080] =	vst v63  }
0x16d: {  	s5 =	simm.s32 $0x16080  }
0x16e: {  	[tilespmem:s5], [sflag:$0x6] =	stream.indirect_vreg.gather [hbm4b:s15+s4], $0x80, v2, vm0, $0xb8;
	[tilespmem:$0x18080] =	vst v63  }
0x16f: {  	s30 =	simm.s32 $0x16880  }
0x170: {  	[tilespmem:s30], [sflag:$0x6] =	stream.indirect_vreg.gather [hbm4b:s16+s4], $0x80, v2, vm0, $0xb8;
	[tilespmem:$0x18080] =	vst v63  }
0x171: {  	s5 =	simm.s32 $0x17080  }
0x172: {  	[tilespmem:s5], [sflag:$0x6] =	stream.indirect_vreg.gather [hbm4b:s17+s4], $0x80, v2, vm0, $0xb8;
	[tilespmem:$0x18080] =	vst v63  }
0x173: {  	s2 =	simm.s32 $0x5;
	s30 =	simm.s32 $0x17880  }
0x174: {  	[tilespmem:s30], [sflag:$0x6] =	stream.indirect_vreg.gather [hbm4b:s18+s4], $0x80, v2, vm0, $0xb8;
	[tilespmem:$0x18080] =	vst v63  }
0x175: {  	_ =	swait.ge [sflag:s2], $0x4000  }
0x176: {  	[sflag:s2] =	ssyncset.done $0x0  }
0x177: {  	s5 =	rddreg [dreg:$0xf];
	[sflag:s2] =	ssyncadd.s32 $0xFFFFC000  }
0x178: {  	[hbm4b:s5+s4] =	stream.linear.scatter [tilespmem:s25], [sflag:$0xB], $0x4000, $0x38;
	[tilespmem:$0x18080] =	vst v63  }
0x179: {  	_ =	swait.ge [sflag:s26], $0x4000  }
0x17a: {  	[sflag:s26] =	ssyncset.done $0x0  }
0x17b: {  	[sflag:s26] =	ssyncadd.s32 $0xFFFFC000  }
0x17c: {  	v2 =	vld.msk [tilespmem:$0x30], $0xff;
	_ =	sdelay $0x4  }
0x17d: {  	v3 =	vshll.u32 v2, $0x4  }
0x17e: {  	v2 =	vand.u32 $0x7, v2;
	v3 =	vand.u32 $0xFFFFFF80, v3  }
0x17f: {  	v2 =	vor.u32 v2, v3  }
0x180: {  	v2 =	vperm.xlane v2, v0;
	_ =	sdelay $0x1  }
0x181: {  	v2 =	vadd.s32 v1, v2;
	_ =	sdelay $0x3  }
0x182: {  	s25 =	simm.s32 $0x80  }
0x183: {  	[tilespmem:s25], [sflag:$0x1] =	stream.indirect_vreg.gather [hbm4b:s19+s4], $0x80, v2, vm0, $0xb8;
	[tilespmem:$0x18080] =	vst v63  }
0x184: {  	s30 =	simm.s32 $0x880  }
0x185: {  	[tilespmem:s30], [sflag:$0x1] =	stream.indirect_vreg.gather [hbm4b:s22+s4], $0x80, v2, vm0, $0xb8;
	[tilespmem:$0x18080] =	vst v63  }
0x186: {  	s5 =	simm.s32 $0x1080  }
0x187: {  	[tilespmem:s5], [sflag:$0x1] =	stream.indirect_vreg.gather [hbm4b:s6+s4], $0x80, v2, vm0, $0xb8;
	[tilespmem:$0x18080] =	vst v63  }
0x188: {  	s30 =	simm.s32 $0x1880  }
0x189: {  	[tilespmem:s30], [sflag:$0x1] =	stream.indirect_vreg.gather [hbm4b:s7+s4], $0x80, v2, vm0, $0xb8;
	[tilespmem:$0x18080] =	vst v63  }
0x18a: {  	s5 =	simm.s32 $0x2080  }
0x18b: {  	[tilespmem:s5], [sflag:$0x1] =	stream.indirect_vreg.gather [hbm4b:s8+s4], $0x80, v2, vm0, $0xb8;
	[tilespmem:$0x18080] =	vst v63  }
0x18c: {  	s30 =	simm.s32 $0x2880  }
0x18d: {  	[tilespmem:s30], [sflag:$0x1] =	stream.indirect_vreg.gather [hbm4b:s9+s4], $0x80, v2, vm0, $0xb8;
	[tilespmem:$0x18080] =	vst v63  }
0x18e: {  	s5 =	simm.s32 $0x3080  }
0x18f: {  	[tilespmem:s5], [sflag:$0x1] =	stream.indirect_vreg.gather [hbm4b:s10+s4], $0x80, v2, vm0, $0xb8;
	[tilespmem:$0x18080] =	vst v63  }
0x190: {  	s30 =	simm.s32 $0x3880;
	s5 =	simm.s32 $0x6  }
0x191: {  	[tilespmem:s30], [sflag:$0x1] =	stream.indirect_vreg.gather [hbm4b:s11+s4], $0x80, v2, vm0, $0xb8;
	[tilespmem:$0x18080] =	vst v63  }
0x192: {  	_ =	swait.ge [sflag:s5], $0x4000  }
0x193: {  	[sflag:s5] =	ssyncset.done $0x0  }
0x194: {  	s23 =	smov.u32 s1;
	s1 =	rddreg [dreg:$0x10];
	[sflag:s5] =	ssyncadd.s32 $0xFFFFC000  }
0x195: {  	[hbm4b:s1+s4] =	stream.linear.scatter [tilespmem:s0], [sflag:$0xC], $0x4000, $0x38;
	[tilespmem:$0x18080] =	vst v63  }
0x196: {  	_ =	swait.ge [sflag:s3], $0x4000  }
0x197: {  	[sflag:s3] =	ssyncset.done $0x0  }
0x198: {  	[sflag:s3] =	ssyncadd.s32 $0xFFFFC000  }
0x199: {  	v2 =	vld.msk [tilespmem:$0x30], $0xff;
	_ =	sdelay $0x4  }
0x19a: {  	v3 =	vshll.u32 v2, $0x4  }
0x19b: {  	v2 =	vand.u32 $0x7, v2;
	v3 =	vand.u32 $0xFFFFFF80, v3  }
0x19c: {  	v2 =	vor.u32 v2, v3  }
0x19d: {  	v2 =	vperm.xlane v2, v0;
	_ =	sdelay $0x1  }
0x19e: {  	v2 =	vadd.s32 v1, v2;
	_ =	sdelay $0x3  }
0x19f: {  	s0 =	simm.s32 $0x4080  }
0x1a0: {  	[tilespmem:s0], [sflag:$0x2] =	stream.indirect_vreg.gather [hbm4b:s23+s4], $0x80, v2, vm0, $0xb8;
	[tilespmem:$0x18080] =	vst v63  }
0x1a1: {  	s30 =	simm.s32 $0x4880  }
0x1a2: {  	[tilespmem:s30], [sflag:$0x2] =	stream.indirect_vreg.gather [hbm4b:s12+s4], $0x80, v2, vm0, $0xb8;
	[tilespmem:$0x18080] =	vst v63  }
0x1a3: {  	s5 =	simm.s32 $0x5080  }
0x1a4: {  	[tilespmem:s5], [sflag:$0x2] =	stream.indirect_vreg.gather [hbm4b:s13+s4], $0x80, v2, vm0, $0xb8;
	[tilespmem:$0x18080] =	vst v63  }
0x1a5: {  	_ = 	snop  }
0x1a6: {  	[tilespmem:s29], [sflag:$0x2] =	stream.indirect_vreg.gather [hbm4b:s14+s4], $0x80, v2, vm0, $0xb8;
	[tilespmem:$0x18080] =	vst v63  }
0x1a7: {  	s30 =	simm.s32 $0x6080  }
0x1a8: {  	[tilespmem:s30], [sflag:$0x2] =	stream.indirect_vreg.gather [hbm4b:s15+s4], $0x80, v2, vm0, $0xb8;
	[tilespmem:$0x18080] =	vst v63  }
0x1a9: {  	s5 =	simm.s32 $0x6880  }
0x1aa: {  	[tilespmem:s5], [sflag:$0x2] =	stream.indirect_vreg.gather [hbm4b:s16+s4], $0x80, v2, vm0, $0xb8;
	[tilespmem:$0x18080] =	vst v63  }
0x1ab: {  	s29 =	simm.s32 $0x7080  }
0x1ac: {  	[tilespmem:s29], [sflag:$0x2] =	stream.indirect_vreg.gather [hbm4b:s17+s4], $0x80, v2, vm0, $0xb8;
	[tilespmem:$0x18080] =	vst v63  }
0x1ad: {  	s1 =	simm.s32 $0x1;
	s30 =	simm.s32 $0x7880  }
0x1ae: {  	[tilespmem:s30], [sflag:$0x2] =	stream.indirect_vreg.gather [hbm4b:s18+s4], $0x80, v2, vm0, $0xb8;
	[tilespmem:$0x18080] =	vst v63  }
0x1af: {  	_ =	swait.ge [sflag:s1], $0x4000  }
0x1b0: {  	[sflag:s1] =	ssyncset.done $0x0  }
0x1b1: {  	s29 =	rddreg [dreg:$0x11];
	[sflag:s1] =	ssyncadd.s32 $0xFFFFC000  }
0x1b2: {  	[hbm4b:s29+s4] =	stream.linear.scatter [tilespmem:s25], [sflag:$0x7], $0x4000, $0x38;
	[tilespmem:$0x18080] =	vst v63  }
0x1b3: {  	_ =	swait.ge [sflag:s28], $0x4000  }
0x1b4: {  	[sflag:s28] =	ssyncset.done $0x0  }
0x1b5: {  	[sflag:s28] =	ssyncadd.s32 $0xFFFFC000  }
0x1b6: {  	v2 =	vld.msk [tilespmem:$0x38], $0xff;
	_ =	sdelay $0x4  }
0x1b7: {  	v3 =	vshll.u32 v2, $0x4  }
0x1b8: {  	v2 =	vand.u32 $0x7, v2;
	v3 =	vand.u32 $0xFFFFFF80, v3  }
0x1b9: {  	v2 =	vor.u32 v2, v3  }
0x1ba: {  	v2 =	vperm.xlane v2, v0;
	_ =	sdelay $0x1  }
0x1bb: {  	v2 =	vadd.s32 v1, v2;
	_ =	sdelay $0x3  }
0x1bc: {  	s29 =	simm.s32 $0x8080  }
0x1bd: {  	[tilespmem:s29], [sflag:$0x3] =	stream.indirect_vreg.gather [hbm4b:s19+s4], $0x80, v2, vm0, $0xb8;
	[tilespmem:$0x18080] =	vst v63  }
0x1be: {  	s30 =	simm.s32 $0x8880  }
0x1bf: {  	[tilespmem:s30], [sflag:$0x3] =	stream.indirect_vreg.gather [hbm4b:s22+s4], $0x80, v2, vm0, $0xb8;
	[tilespmem:$0x18080] =	vst v63  }
0x1c0: {  	s5 =	simm.s32 $0x9080  }
0x1c1: {  	[tilespmem:s5], [sflag:$0x3] =	stream.indirect_vreg.gather [hbm4b:s6+s4], $0x80, v2, vm0, $0xb8;
	[tilespmem:$0x18080] =	vst v63  }
0x1c2: {  	s25 =	simm.s32 $0x9880  }
0x1c3: {  	[tilespmem:s25], [sflag:$0x3] =	stream.indirect_vreg.gather [hbm4b:s7+s4], $0x80, v2, vm0, $0xb8;
	[tilespmem:$0x18080] =	vst v63  }
0x1c4: {  	s30 =	simm.s32 $0xA080  }
0x1c5: {  	[tilespmem:s30], [sflag:$0x3] =	stream.indirect_vreg.gather [hbm4b:s8+s4], $0x80, v2, vm0, $0xb8;
	[tilespmem:$0x18080] =	vst v63  }
0x1c6: {  	s5 =	simm.s32 $0xA880  }
0x1c7: {  	[tilespmem:s5], [sflag:$0x3] =	stream.indirect_vreg.gather [hbm4b:s9+s4], $0x80, v2, vm0, $0xb8;
	[tilespmem:$0x18080] =	vst v63  }
0x1c8: {  	s25 =	simm.s32 $0xB080  }
0x1c9: {  	[tilespmem:s25], [sflag:$0x3] =	stream.indirect_vreg.gather [hbm4b:s10+s4], $0x80, v2, vm0, $0xb8;
	[tilespmem:$0x18080] =	vst v63  }
0x1ca: {  	s1 =	simm.s32 $0x2;
	s30 =	simm.s32 $0xB880  }
0x1cb: {  	[tilespmem:s30], [sflag:$0x3] =	stream.indirect_vreg.gather [hbm4b:s11+s4], $0x80, v2, vm0, $0xb8;
	[tilespmem:$0x18080] =	vst v63  }
0x1cc: {  	_ =	swait.ge [sflag:s1], $0x4000  }
0x1cd: {  	[sflag:s1] =	ssyncset.done $0x0  }
0x1ce: {  	s25 =	rddreg [dreg:$0x12];
	[sflag:s1] =	ssyncadd.s32 $0xFFFFC000  }
0x1cf: {  	[hbm4b:s25+s4] =	stream.linear.scatter [tilespmem:s0], [sflag:$0x8], $0x4000, $0x38;
	[tilespmem:$0x18080] =	vst v63  }
0x1d0: {  	_ =	swait.ge [sflag:s24], $0x4000  }
0x1d1: {  	[sflag:s24] =	ssyncset.done $0x0  }
0x1d2: {  	[sflag:s24] =	ssyncadd.s32 $0xFFFFC000  }
0x1d3: {  	v2 =	vld.msk [tilespmem:$0x38], $0xff;
	_ =	sdelay $0x4  }
0x1d4: {  	v3 =	vshll.u32 v2, $0x4  }
0x1d5: {  	v2 =	vand.u32 $0x7, v2;
	v3 =	vand.u32 $0xFFFFFF80, v3  }
0x1d6: {  	v2 =	vor.u32 v2, v3  }
0x1d7: {  	v2 =	vperm.xlane v2, v0;
	_ =	sdelay $0x1  }
0x1d8: {  	v2 =	vadd.s32 v1, v2;
	_ =	sdelay $0x3  }
0x1d9: {  	s25 =	simm.s32 $0xC080  }
0x1da: {  	[tilespmem:s25], [sflag:$0x4] =	stream.indirect_vreg.gather [hbm4b:s23+s4], $0x80, v2, vm0, $0xb8;
	[tilespmem:$0x18080] =	vst v63  }
0x1db: {  	s30 =	simm.s32 $0xC880  }
0x1dc: {  	[tilespmem:s30], [sflag:$0x4] =	stream.indirect_vreg.gather [hbm4b:s12+s4], $0x80, v2, vm0, $0xb8;
	[tilespmem:$0x18080] =	vst v63  }
0x1dd: {  	s1 =	simm.s32 $0xD080  }
0x1de: {  	[tilespmem:s1], [sflag:$0x4] =	stream.indirect_vreg.gather [hbm4b:s13+s4], $0x80, v2, vm0, $0xb8;
	[tilespmem:$0x18080] =	vst v63  }
0x1df: {  	s5 =	simm.s32 $0xD880  }
0x1e0: {  	[tilespmem:s5], [sflag:$0x4] =	stream.indirect_vreg.gather [hbm4b:s14+s4], $0x80, v2, vm0, $0xb8;
	[tilespmem:$0x18080] =	vst v63  }
0x1e1: {  	s30 =	simm.s32 $0xE080  }
0x1e2: {  	[tilespmem:s30], [sflag:$0x4] =	stream.indirect_vreg.gather [hbm4b:s15+s4], $0x80, v2, vm0, $0xb8;
	[tilespmem:$0x18080] =	vst v63  }
0x1e3: {  	s1 =	simm.s32 $0xE880  }
0x1e4: {  	[tilespmem:s1], [sflag:$0x4] =	stream.indirect_vreg.gather [hbm4b:s16+s4], $0x80, v2, vm0, $0xb8;
	[tilespmem:$0x18080] =	vst v63  }
0x1e5: {  	s5 =	simm.s32 $0xF080  }
0x1e6: {  	[tilespmem:s5], [sflag:$0x4] =	stream.indirect_vreg.gather [hbm4b:s17+s4], $0x80, v2, vm0, $0xb8;
	[tilespmem:$0x18080] =	vst v63  }
0x1e7: {  	s30 =	simm.s32 $0xF880  }
0x1e8: {  	[tilespmem:s30], [sflag:$0x4] =	stream.indirect_vreg.gather [hbm4b:s18+s4], $0x80, v2, vm0, $0xb8;
	[tilespmem:$0x18080] =	vst v63  }
0x1e9: {  	_ =	swait.ge [sflag:s31], $0x4000  }
0x1ea: {  	[sflag:s31] =	ssyncset.done $0x0  }
0x1eb: {  	s1 =	rddreg [dreg:$0x13];
	[sflag:s31] =	ssyncadd.s32 $0xFFFFC000  }
0x1ec: {  	[hbm4b:s1+s4] =	stream.linear.scatter [tilespmem:s29], [sflag:$0x9], $0x4000, $0x38;
	[tilespmem:$0x18080] =	vst v63  }
0x1ed: {  	_ =	swait.ge [sflag:s20], $0x4000  }
0x1ee: {  	[sflag:s20] =	ssyncset.done $0x0  }
0x1ef: {  	[sflag:s20] =	ssyncadd.s32 $0xFFFFC000  }
0x1f0: {  	v2 =	vld.msk [tilespmem:$0x40], $0xff;
	_ =	sdelay $0x4  }
0x1f1: {  	v3 =	vshll.u32 v2, $0x4  }
0x1f2: {  	v2 =	vand.u32 $0x7, v2;
	v3 =	vand.u32 $0xFFFFFF80, v3  }
0x1f3: {  	v2 =	vor.u32 v2, v3  }
0x1f4: {  	v2 =	vperm.xlane v2, v0;
	_ =	sdelay $0x1  }
0x1f5: {  	v2 =	vadd.s32 v1, v2;
	_ =	sdelay $0x3  }
0x1f6: {  	s0 =	simm.s32 $0x10080  }
0x1f7: {  	[tilespmem:s0], [sflag:$0x5] =	stream.indirect_vreg.gather [hbm4b:s19+s4], $0x80, v2, vm0, $0xb8;
	[tilespmem:$0x18080] =	vst v63  }
0x1f8: {  	s5 =	simm.s32 $0x10880  }
0x1f9: {  	[tilespmem:s5], [sflag:$0x5] =	stream.indirect_vreg.gather [hbm4b:s22+s4], $0x80, v2, vm0, $0xb8;
	[tilespmem:$0x18080] =	vst v63  }
0x1fa: {  	s29 =	simm.s32 $0x11080  }
0x1fb: {  	[tilespmem:s29], [sflag:$0x5] =	stream.indirect_vreg.gather [hbm4b:s6+s4], $0x80, v2, vm0, $0xb8;
	[tilespmem:$0x18080] =	vst v63  }
0x1fc: {  	s30 =	simm.s32 $0x11880  }
0x1fd: {  	[tilespmem:s30], [sflag:$0x5] =	stream.indirect_vreg.gather [hbm4b:s7+s4], $0x80, v2, vm0, $0xb8;
	[tilespmem:$0x18080] =	vst v63  }
0x1fe: {  	s5 =	simm.s32 $0x12080  }
0x1ff: {  	[tilespmem:s5], [sflag:$0x5] =	stream.indirect_vreg.gather [hbm4b:s8+s4], $0x80, v2, vm0, $0xb8;
	[tilespmem:$0x18080] =	vst v63  }
0x200: {  	s29 =	simm.s32 $0x12880  }
0x201: {  	[tilespmem:s29], [sflag:$0x5] =	stream.indirect_vreg.gather [hbm4b:s9+s4], $0x80, v2, vm0, $0xb8;
	[tilespmem:$0x18080] =	vst v63  }
0x202: {  	s30 =	simm.s32 $0x13080  }
0x203: {  	[tilespmem:s30], [sflag:$0x5] =	stream.indirect_vreg.gather [hbm4b:s10+s4], $0x80, v2, vm0, $0xb8;
	[tilespmem:$0x18080] =	vst v63  }
0x204: {  	s5 =	simm.s32 $0x13880;
	s29 =	simm.s32 $0x4  }
0x205: {  	[tilespmem:s5], [sflag:$0x5] =	stream.indirect_vreg.gather [hbm4b:s11+s4], $0x80, v2, vm0, $0xb8;
	[tilespmem:$0x18080] =	vst v63  }
0x206: {  	_ =	swait.ge [sflag:s29], $0x4000  }
0x207: {  	[sflag:s29] =	ssyncset.done $0x0  }
0x208: {  	s5 =	rddreg [dreg:$0x14];
	[sflag:s29] =	ssyncadd.s32 $0xFFFFC000  }
0x209: {  	[hbm4b:s5+s4] =	stream.linear.scatter [tilespmem:s25], [sflag:$0xA], $0x4000, $0x38;
	[tilespmem:$0x18080] =	vst v63  }
0x20a: {  	_ =	swait.ge [sflag:s21], $0x4000  }
0x20b: {  	[sflag:s21] =	ssyncset.done $0x0  }
0x20c: {  	[sflag:s21] =	ssyncadd.s32 $0xFFFFC000  }
0x20d: {  	v2 =	vld.msk [tilespmem:$0x40], $0xff;
	_ =	sdelay $0x4  }
0x20e: {  	v3 =	vshll.u32 v2, $0x4  }
0x20f: {  	v2 =	vand.u32 $0x7, v2;
	v3 =	vand.u32 $0xFFFFFF80, v3  }
0x210: {  	v2 =	vor.u32 v2, v3  }
0x211: {  	v2 =	vperm.xlane v2, v0;
	_ =	sdelay $0x1  }
0x212: {  	v2 =	vadd.s32 v1, v2;
	_ =	sdelay $0x3  }
0x213: {  	s5 =	simm.s32 $0x14080  }
0x214: {  	[tilespmem:s5], [sflag:$0x6] =	stream.indirect_vreg.gather [hbm4b:s23+s4], $0x80, v2, vm0, $0xb8;
	[tilespmem:$0x18080] =	vst v63  }
0x215: {  	s25 =	simm.s32 $0x14880  }
0x216: {  	[tilespmem:s25], [sflag:$0x6] =	stream.indirect_vreg.gather [hbm4b:s12+s4], $0x80, v2, vm0, $0xb8;
	[tilespmem:$0x18080] =	vst v63  }
0x217: {  	s29 =	simm.s32 $0x15080  }
0x218: {  	[tilespmem:s29], [sflag:$0x6] =	stream.indirect_vreg.gather [hbm4b:s13+s4], $0x80, v2, vm0, $0xb8;
	[tilespmem:$0x18080] =	vst v63  }
0x219: {  	s30 =	simm.s32 $0x15880  }
0x21a: {  	[tilespmem:s30], [sflag:$0x6] =	stream.indirect_vreg.gather [hbm4b:s14+s4], $0x80, v2, vm0, $0xb8;
	[tilespmem:$0x18080] =	vst v63  }
0x21b: {  	s25 =	simm.s32 $0x16080  }
0x21c: {  	[tilespmem:s25], [sflag:$0x6] =	stream.indirect_vreg.gather [hbm4b:s15+s4], $0x80, v2, vm0, $0xb8;
	[tilespmem:$0x18080] =	vst v63  }
0x21d: {  	s29 =	simm.s32 $0x16880  }
0x21e: {  	[tilespmem:s29], [sflag:$0x6] =	stream.indirect_vreg.gather [hbm4b:s16+s4], $0x80, v2, vm0, $0xb8;
	[tilespmem:$0x18080] =	vst v63  }
0x21f: {  	s30 =	simm.s32 $0x17080  }
0x220: {  	[tilespmem:s30], [sflag:$0x6] =	stream.indirect_vreg.gather [hbm4b:s17+s4], $0x80, v2, vm0, $0xb8;
	[tilespmem:$0x18080] =	vst v63  }
0x221: {  	s25 =	simm.s32 $0x17880  }
0x222: {  	[tilespmem:s25], [sflag:$0x6] =	stream.indirect_vreg.gather [hbm4b:s18+s4], $0x80, v2, vm0, $0xb8;
	[tilespmem:$0x18080] =	vst v63  }
0x223: {  	_ =	swait.ge [sflag:s2], $0x4000  }
0x224: {  	[sflag:s2] =	ssyncset.done $0x0  }
0x225: {  	s29 =	rddreg [dreg:$0x15];
	[sflag:s2] =	ssyncadd.s32 $0xFFFFC000  }
0x226: {  	[hbm4b:s29+s4] =	stream.linear.scatter [tilespmem:s0], [sflag:$0xB], $0x4000, $0x38;
	[tilespmem:$0x18080] =	vst v63  }
0x227: {  	_ =	swait.ge [sflag:s26], $0x4000  }
0x228: {  	[sflag:s26] =	ssyncset.done $0x0  }
0x229: {  	[sflag:s26] =	ssyncadd.s32 $0xFFFFC000  }
0x22a: {  	v2 =	vld.msk [tilespmem:$0x48], $0xff;
	_ =	sdelay $0x4  }
0x22b: {  	v3 =	vshll.u32 v2, $0x4  }
0x22c: {  	v2 =	vand.u32 $0x7, v2;
	v3 =	vand.u32 $0xFFFFFF80, v3  }
0x22d: {  	v2 =	vor.u32 v2, v3  }
0x22e: {  	v2 =	vperm.xlane v2, v0;
	_ =	sdelay $0x1  }
0x22f: {  	v2 =	vadd.s32 v1, v2;
	_ =	sdelay $0x3  }
0x230: {  	s0 =	simm.s32 $0x80  }
0x231: {  	[tilespmem:s0], [sflag:$0x1] =	stream.indirect_vreg.gather [hbm4b:s19+s4], $0x80, v2, vm0, $0xb8;
	[tilespmem:$0x18080] =	vst v63  }
0x232: {  	s30 =	simm.s32 $0x880  }
0x233: {  	[tilespmem:s30], [sflag:$0x1] =	stream.indirect_vreg.gather [hbm4b:s22+s4], $0x80, v2, vm0, $0xb8;
	[tilespmem:$0x18080] =	vst v63  }
0x234: {  	s1 =	simm.s32 $0x1080  }
0x235: {  	[tilespmem:s1], [sflag:$0x1] =	stream.indirect_vreg.gather [hbm4b:s6+s4], $0x80, v2, vm0, $0xb8;
	[tilespmem:$0x18080] =	vst v63  }
0x236: {  	s2 =	simm.s32 $0x1880  }
0x237: {  	[tilespmem:s2], [sflag:$0x1] =	stream.indirect_vreg.gather [hbm4b:s7+s4], $0x80, v2, vm0, $0xb8;
	[tilespmem:$0x18080] =	vst v63  }
0x238: {  	s25 =	simm.s32 $0x2080  }
0x239: {  	[tilespmem:s25], [sflag:$0x1] =	stream.indirect_vreg.gather [hbm4b:s8+s4], $0x80, v2, vm0, $0xb8;
	[tilespmem:$0x18080] =	vst v63  }
0x23a: {  	s30 =	simm.s32 $0x2880  }
0x23b: {  	[tilespmem:s30], [sflag:$0x1] =	stream.indirect_vreg.gather [hbm4b:s9+s4], $0x80, v2, vm0, $0xb8;
	[tilespmem:$0x18080] =	vst v63  }
0x23c: {  	s1 =	simm.s32 $0x3080  }
0x23d: {  	[tilespmem:s1], [sflag:$0x1] =	stream.indirect_vreg.gather [hbm4b:s10+s4], $0x80, v2, vm0, $0xb8;
	[tilespmem:$0x18080] =	vst v63  }
0x23e: {  	s2 =	simm.s32 $0x3880;
	s25 =	simm.s32 $0x6  }
0x23f: {  	[tilespmem:s2], [sflag:$0x1] =	stream.indirect_vreg.gather [hbm4b:s11+s4], $0x80, v2, vm0, $0xb8;
	[tilespmem:$0x18080] =	vst v63  }
0x240: {  	_ =	swait.ge [sflag:s25], $0x4000  }
0x241: {  	[sflag:s25] =	ssyncset.done $0x0  }
0x242: {  	s29 =	rddreg [dreg:$0x16];
	[sflag:s25] =	ssyncadd.s32 $0xFFFFC000  }
0x243: {  	[hbm4b:s29+s4] =	stream.linear.scatter [tilespmem:s5], [sflag:$0xC], $0x4000, $0x38;
	[tilespmem:$0x18080] =	vst v63  }
0x244: {  	_ =	swait.ge [sflag:s3], $0x4000  }
0x245: {  	[sflag:s3] =	ssyncset.done $0x0  }
0x246: {  	[sflag:s3] =	ssyncadd.s32 $0xFFFFC000  }
0x247: {  	v2 =	vld.msk [tilespmem:$0x48], $0xff;
	_ =	sdelay $0x4  }
0x248: {  	v3 =	vshll.u32 v2, $0x4  }
0x249: {  	v2 =	vand.u32 $0x7, v2;
	v3 =	vand.u32 $0xFFFFFF80, v3  }
0x24a: {  	v2 =	vor.u32 v2, v3  }
0x24b: {  	v2 =	vperm.xlane v2, v0;
	_ =	sdelay $0x1  }
0x24c: {  	v2 =	vadd.s32 v1, v2;
	_ =	sdelay $0x3  }
0x24d: {  	s2 =	simm.s32 $0x4080  }
0x24e: {  	[tilespmem:s2], [sflag:$0x2] =	stream.indirect_vreg.gather [hbm4b:s23+s4], $0x80, v2, vm0, $0xb8;
	[tilespmem:$0x18080] =	vst v63  }
0x24f: {  	s1 =	simm.s32 $0x4880  }
0x250: {  	[tilespmem:s1], [sflag:$0x2] =	stream.indirect_vreg.gather [hbm4b:s12+s4], $0x80, v2, vm0, $0xb8;
	[tilespmem:$0x18080] =	vst v63  }
0x251: {  	s5 =	simm.s32 $0x5080  }
0x252: {  	[tilespmem:s5], [sflag:$0x2] =	stream.indirect_vreg.gather [hbm4b:s13+s4], $0x80, v2, vm0, $0xb8;
	[tilespmem:$0x18080] =	vst v63  }
0x253: {  	s25 =	simm.s32 $0x5880  }
0x254: {  	[tilespmem:s25], [sflag:$0x2] =	stream.indirect_vreg.gather [hbm4b:s14+s4], $0x80, v2, vm0, $0xb8;
	[tilespmem:$0x18080] =	vst v63  }
0x255: {  	s29 =	simm.s32 $0x6080  }
0x256: {  	[tilespmem:s29], [sflag:$0x2] =	stream.indirect_vreg.gather [hbm4b:s15+s4], $0x80, v2, vm0, $0xb8;
	[tilespmem:$0x18080] =	vst v63  }
0x257: {  	s1 =	simm.s32 $0x6880  }
0x258: {  	[tilespmem:s1], [sflag:$0x2] =	stream.indirect_vreg.gather [hbm4b:s16+s4], $0x80, v2, vm0, $0xb8;
	[tilespmem:$0x18080] =	vst v63  }
0x259: {  	s5 =	simm.s32 $0x7080  }
0x25a: {  	[tilespmem:s5], [sflag:$0x2] =	stream.indirect_vreg.gather [hbm4b:s17+s4], $0x80, v2, vm0, $0xb8;
	[tilespmem:$0x18080] =	vst v63  }
0x25b: {  	s25 =	simm.s32 $0x7880;
	s29 =	simm.s32 $0x1  }
0x25c: {  	[tilespmem:s25], [sflag:$0x2] =	stream.indirect_vreg.gather [hbm4b:s18+s4], $0x80, v2, vm0, $0xb8;
	[tilespmem:$0x18080] =	vst v63  }
0x25d: {  	_ =	swait.ge [sflag:s29], $0x4000  }
0x25e: {  	[sflag:s29] =	ssyncset.done $0x0  }
0x25f: {  	s5 =	rddreg [dreg:$0x17];
	[sflag:s29] =	ssyncadd.s32 $0xFFFFC000  }
0x260: {  	[hbm4b:s5+s4] =	stream.linear.scatter [tilespmem:s0], [sflag:$0x7], $0x4000, $0x38;
	[tilespmem:$0x18080] =	vst v63  }
0x261: {  	_ =	swait.ge [sflag:s28], $0x4000  }
0x262: {  	[sflag:s28] =	ssyncset.done $0x0  }
0x263: {  	[sflag:s28] =	ssyncadd.s32 $0xFFFFC000  }
0x264: {  	v2 =	vld.msk [tilespmem:$0x50], $0xff;
	_ =	sdelay $0x4  }
0x265: {  	v3 =	vshll.u32 v2, $0x4  }
0x266: {  	v2 =	vand.u32 $0x7, v2;
	v3 =	vand.u32 $0xFFFFFF80, v3  }
0x267: {  	v2 =	vor.u32 v2, v3  }
0x268: {  	v2 =	vperm.xlane v2, v0;
	_ =	sdelay $0x1  }
0x269: {  	v2 =	vadd.s32 v1, v2;
	_ =	sdelay $0x3  }
0x26a: {  	s29 =	simm.s32 $0x8080  }
0x26b: {  	[tilespmem:s29], [sflag:$0x3] =	stream.indirect_vreg.gather [hbm4b:s19+s4], $0x80, v2, vm0, $0xb8;
	[tilespmem:$0x18080] =	vst v63  }
0x26c: {  	s25 =	simm.s32 $0x8880  }
0x26d: {  	[tilespmem:s25], [sflag:$0x3] =	stream.indirect_vreg.gather [hbm4b:s22+s4], $0x80, v2, vm0, $0xb8;
	[tilespmem:$0x18080] =	vst v63  }
0x26e: {  	s30 =	simm.s32 $0x9080  }
0x26f: {  	[tilespmem:s30], [sflag:$0x3] =	stream.indirect_vreg.gather [hbm4b:s6+s4], $0x80, v2, vm0, $0xb8;
	[tilespmem:$0x18080] =	vst v63  }
0x270: {  	s1 =	simm.s32 $0x9880  }
0x271: {  	[tilespmem:s1], [sflag:$0x3] =	stream.indirect_vreg.gather [hbm4b:s7+s4], $0x80, v2, vm0, $0xb8;
	[tilespmem:$0x18080] =	vst v63  }
0x272: {  	s5 =	simm.s32 $0xA080  }
0x273: {  	[tilespmem:s5], [sflag:$0x3] =	stream.indirect_vreg.gather [hbm4b:s8+s4], $0x80, v2, vm0, $0xb8;
	[tilespmem:$0x18080] =	vst v63  }
0x274: {  	s25 =	simm.s32 $0xA880  }
0x275: {  	[tilespmem:s25], [sflag:$0x3] =	stream.indirect_vreg.gather [hbm4b:s9+s4], $0x80, v2, vm0, $0xb8;
	[tilespmem:$0x18080] =	vst v63  }
0x276: {  	s30 =	simm.s32 $0xB080  }
0x277: {  	[tilespmem:s30], [sflag:$0x3] =	stream.indirect_vreg.gather [hbm4b:s10+s4], $0x80, v2, vm0, $0xb8;
	[tilespmem:$0x18080] =	vst v63  }
0x278: {  	s1 =	simm.s32 $0xB880;
	s5 =	simm.s32 $0x2  }
0x279: {  	[tilespmem:s1], [sflag:$0x3] =	stream.indirect_vreg.gather [hbm4b:s11+s4], $0x80, v2, vm0, $0xb8;
	[tilespmem:$0x18080] =	vst v63  }
0x27a: {  	_ =	swait.ge [sflag:s5], $0x4000  }
0x27b: {  	[sflag:s5] =	ssyncset.done $0x0  }
0x27c: {  	s25 =	rddreg [dreg:$0x18];
	[sflag:s5] =	ssyncadd.s32 $0xFFFFC000  }
0x27d: {  	[hbm4b:s25+s4] =	stream.linear.scatter [tilespmem:s2], [sflag:$0x8], $0x4000, $0x38;
	[tilespmem:$0x18080] =	vst v63  }
0x27e: {  	_ =	swait.ge [sflag:s24], $0x4000  }
0x27f: {  	[sflag:s24] =	ssyncset.done $0x0  }
0x280: {  	[sflag:s24] =	ssyncadd.s32 $0xFFFFC000  }
0x281: {  	v2 =	vld.msk [tilespmem:$0x50], $0xff;
	_ =	sdelay $0x4  }
0x282: {  	v3 =	vshll.u32 v2, $0x4  }
0x283: {  	v2 =	vand.u32 $0x7, v2;
	v3 =	vand.u32 $0xFFFFFF80, v3  }
0x284: {  	v2 =	vor.u32 v2, v3  }
0x285: {  	v2 =	vperm.xlane v2, v0;
	_ =	sdelay $0x1  }
0x286: {  	v2 =	vadd.s32 v1, v2;
	_ =	sdelay $0x3  }
0x287: {  	s0 =	simm.s32 $0xC080  }
0x288: {  	[tilespmem:s0], [sflag:$0x4] =	stream.indirect_vreg.gather [hbm4b:s23+s4], $0x80, v2, vm0, $0xb8;
	[tilespmem:$0x18080] =	vst v63  }
0x289: {  	s30 =	simm.s32 $0xC880  }
0x28a: {  	[tilespmem:s30], [sflag:$0x4] =	stream.indirect_vreg.gather [hbm4b:s12+s4], $0x80, v2, vm0, $0xb8;
	[tilespmem:$0x18080] =	vst v63  }
0x28b: {  	s1 =	simm.s32 $0xD080  }
0x28c: {  	[tilespmem:s1], [sflag:$0x4] =	stream.indirect_vreg.gather [hbm4b:s13+s4], $0x80, v2, vm0, $0xb8;
	[tilespmem:$0x18080] =	vst v63  }
0x28d: {  	s5 =	simm.s32 $0xD880  }
0x28e: {  	[tilespmem:s5], [sflag:$0x4] =	stream.indirect_vreg.gather [hbm4b:s14+s4], $0x80, v2, vm0, $0xb8;
	[tilespmem:$0x18080] =	vst v63  }
0x28f: {  	s25 =	smov.u32 s23;
	s23 =	simm.s32 $0xE080  }
0x290: {  	[tilespmem:s23], [sflag:$0x4] =	stream.indirect_vreg.gather [hbm4b:s15+s4], $0x80, v2, vm0, $0xb8;
	[tilespmem:$0x18080] =	vst v63  }
0x291: {  	s30 =	simm.s32 $0xE880  }
0x292: {  	[tilespmem:s30], [sflag:$0x4] =	stream.indirect_vreg.gather [hbm4b:s16+s4], $0x80, v2, vm0, $0xb8;
	[tilespmem:$0x18080] =	vst v63  }
0x293: {  	s1 =	simm.s32 $0xF080  }
0x294: {  	[tilespmem:s1], [sflag:$0x4] =	stream.indirect_vreg.gather [hbm4b:s17+s4], $0x80, v2, vm0, $0xb8;
	[tilespmem:$0x18080] =	vst v63  }
0x295: {  	s5 =	simm.s32 $0xF880  }
0x296: {  	[tilespmem:s5], [sflag:$0x4] =	stream.indirect_vreg.gather [hbm4b:s18+s4], $0x80, v2, vm0, $0xb8;
	[tilespmem:$0x18080] =	vst v63  }
0x297: {  	_ =	swait.ge [sflag:s31], $0x4000  }
0x298: {  	[sflag:s31] =	ssyncset.done $0x0  }
0x299: {  	s23 =	rddreg [dreg:$0x19];
	[sflag:s31] =	ssyncadd.s32 $0xFFFFC000  }
0x29a: {  	[hbm4b:s23+s4] =	stream.linear.scatter [tilespmem:s29], [sflag:$0x9], $0x4000, $0x38;
	[tilespmem:$0x18080] =	vst v63  }
0x29b: {  	_ =	swait.ge [sflag:s20], $0x4000  }
0x29c: {  	[sflag:s20] =	ssyncset.done $0x0  }
0x29d: {  	[sflag:s20] =	ssyncadd.s32 $0xFFFFC000  }
0x29e: {  	v2 =	vld.msk [tilespmem:$0x58], $0xff;
	_ =	sdelay $0x4  }
0x29f: {  	v3 =	vshll.u32 v2, $0x4  }
0x2a0: {  	v2 =	vand.u32 $0x7, v2;
	v3 =	vand.u32 $0xFFFFFF80, v3  }
0x2a1: {  	v2 =	vor.u32 v2, v3  }
0x2a2: {  	v2 =	vperm.xlane v2, v0;
	_ =	sdelay $0x1  }
0x2a3: {  	v2 =	vadd.s32 v1, v2;
	_ =	sdelay $0x3  }
0x2a4: {  	s23 =	simm.s32 $0x10080  }
0x2a5: {  	[tilespmem:s23], [sflag:$0x5] =	stream.indirect_vreg.gather [hbm4b:s19+s4], $0x80, v2, vm0, $0xb8;
	[tilespmem:$0x18080] =	vst v63  }
0x2a6: {  	s30 =	simm.s32 $0x10880  }
0x2a7: {  	[tilespmem:s30], [sflag:$0x5] =	stream.indirect_vreg.gather [hbm4b:s22+s4], $0x80, v2, vm0, $0xb8;
	[tilespmem:$0x18080] =	vst v63  }
0x2a8: {  	s1 =	simm.s32 $0x11080  }
0x2a9: {  	[tilespmem:s1], [sflag:$0x5] =	stream.indirect_vreg.gather [hbm4b:s6+s4], $0x80, v2, vm0, $0xb8;
	[tilespmem:$0x18080] =	vst v63  }
0x2aa: {  	s5 =	simm.s32 $0x11880  }
0x2ab: {  	[tilespmem:s5], [sflag:$0x5] =	stream.indirect_vreg.gather [hbm4b:s7+s4], $0x80, v2, vm0, $0xb8;
	[tilespmem:$0x18080] =	vst v63  }
0x2ac: {  	s29 =	simm.s32 $0x12080  }
0x2ad: {  	[tilespmem:s29], [sflag:$0x5] =	stream.indirect_vreg.gather [hbm4b:s8+s4], $0x80, v2, vm0, $0xb8;
	[tilespmem:$0x18080] =	vst v63  }
0x2ae: {  	s30 =	simm.s32 $0x12880  }
0x2af: {  	[tilespmem:s30], [sflag:$0x5] =	stream.indirect_vreg.gather [hbm4b:s9+s4], $0x80, v2, vm0, $0xb8;
	[tilespmem:$0x18080] =	vst v63  }
0x2b0: {  	s1 =	simm.s32 $0x13080  }
0x2b1: {  	[tilespmem:s1], [sflag:$0x5] =	stream.indirect_vreg.gather [hbm4b:s10+s4], $0x80, v2, vm0, $0xb8;
	[tilespmem:$0x18080] =	vst v63  }
0x2b2: {  	s5 =	simm.s32 $0x13880;
	s29 =	simm.s32 $0x4  }
0x2b3: {  	[tilespmem:s5], [sflag:$0x5] =	stream.indirect_vreg.gather [hbm4b:s11+s4], $0x80, v2, vm0, $0xb8;
	[tilespmem:$0x18080] =	vst v63  }
0x2b4: {  	_ =	swait.ge [sflag:s29], $0x4000  }
0x2b5: {  	[sflag:s29] =	ssyncset.done $0x0  }
0x2b6: {  	s1 =	rddreg [dreg:$0x1a];
	[sflag:s29] =	ssyncadd.s32 $0xFFFFC000  }
0x2b7: {  	[hbm4b:s1+s4] =	stream.linear.scatter [tilespmem:s0], [sflag:$0xA], $0x4000, $0x38;
	[tilespmem:$0x18080] =	vst v63  }
0x2b8: {  	_ =	swait.ge [sflag:s21], $0x4000  }
0x2b9: {  	[sflag:s21] =	ssyncset.done $0x0  }
0x2ba: {  	[sflag:s21] =	ssyncadd.s32 $0xFFFFC000  }
0x2bb: {  	v2 =	vld.msk [tilespmem:$0x58], $0xff;
	_ =	sdelay $0x4  }
0x2bc: {  	v3 =	vshll.u32 v2, $0x4  }
0x2bd: {  	v2 =	vand.u32 $0x7, v2;
	v3 =	vand.u32 $0xFFFFFF80, v3  }
0x2be: {  	v2 =	vor.u32 v2, v3  }
0x2bf: {  	v2 =	vperm.xlane v2, v0;
	_ =	sdelay $0x1  }
0x2c0: {  	v2 =	vadd.s32 v1, v2;
	_ =	sdelay $0x3  }
0x2c1: {  	s0 =	simm.s32 $0x14080  }
0x2c2: {  	[tilespmem:s0], [sflag:$0x6] =	stream.indirect_vreg.gather [hbm4b:s25+s4], $0x80, v2, vm0, $0xb8;
	[tilespmem:$0x18080] =	vst v63  }
0x2c3: {  	s5 =	simm.s32 $0x14880  }
0x2c4: {  	[tilespmem:s5], [sflag:$0x6] =	stream.indirect_vreg.gather [hbm4b:s12+s4], $0x80, v2, vm0, $0xb8;
	[tilespmem:$0x18080] =	vst v63  }
0x2c5: {  	s29 =	simm.s32 $0x15080  }
0x2c6: {  	[tilespmem:s29], [sflag:$0x6] =	stream.indirect_vreg.gather [hbm4b:s13+s4], $0x80, v2, vm0, $0xb8;
	[tilespmem:$0x18080] =	vst v63  }
0x2c7: {  	s1 =	simm.s32 $0x15880  }
0x2c8: {  	[tilespmem:s1], [sflag:$0x6] =	stream.indirect_vreg.gather [hbm4b:s14+s4], $0x80, v2, vm0, $0xb8;
	[tilespmem:$0x18080] =	vst v63  }
0x2c9: {  	s2 =	simm.s32 $0x16080  }
0x2ca: {  	[tilespmem:s2], [sflag:$0x6] =	stream.indirect_vreg.gather [hbm4b:s15+s4], $0x80, v2, vm0, $0xb8;
	[tilespmem:$0x18080] =	vst v63  }
0x2cb: {  	s5 =	simm.s32 $0x16880  }
0x2cc: {  	[tilespmem:s5], [sflag:$0x6] =	stream.indirect_vreg.gather [hbm4b:s16+s4], $0x80, v2, vm0, $0xb8;
	[tilespmem:$0x18080] =	vst v63  }
0x2cd: {  	s29 =	simm.s32 $0x17080  }
0x2ce: {  	[tilespmem:s29], [sflag:$0x6] =	stream.indirect_vreg.gather [hbm4b:s17+s4], $0x80, v2, vm0, $0xb8;
	[tilespmem:$0x18080] =	vst v63  }
0x2cf: {  	s1 =	simm.s32 $0x17880;
	s2 =	simm.s32 $0x5  }
0x2d0: {  	[tilespmem:s1], [sflag:$0x6] =	stream.indirect_vreg.gather [hbm4b:s18+s4], $0x80, v2, vm0, $0xb8;
	[tilespmem:$0x18080] =	vst v63  }
0x2d1: {  	_ =	swait.ge [sflag:s2], $0x4000  }
0x2d2: {  	[sflag:s2] =	ssyncset.done $0x0  }
0x2d3: {  	s5 =	rddreg [dreg:$0x1b];
	[sflag:s2] =	ssyncadd.s32 $0xFFFFC000  }
0x2d4: {  	[hbm4b:s5+s4] =	stream.linear.scatter [tilespmem:s23], [sflag:$0xB], $0x4000, $0x38;
	[tilespmem:$0x18080] =	vst v63  }
0x2d5: {  	_ =	swait.ge [sflag:s26], $0x4000  }
0x2d6: {  	[sflag:s26] =	ssyncset.done $0x0  }
0x2d7: {  	[sflag:s26] =	ssyncadd.s32 $0xFFFFC000  }
0x2d8: {  	v2 =	vld.msk [tilespmem:$0x60], $0xff;
	_ =	sdelay $0x4  }
0x2d9: {  	v3 =	vshll.u32 v2, $0x4  }
0x2da: {  	v2 =	vand.u32 $0x7, v2;
	v3 =	vand.u32 $0xFFFFFF80, v3  }
0x2db: {  	v2 =	vor.u32 v2, v3  }
0x2dc: {  	v2 =	vperm.xlane v2, v0;
	_ =	sdelay $0x1  }
0x2dd: {  	v2 =	vadd.s32 v1, v2;
	_ =	sdelay $0x3  }
0x2de: {  	s23 =	simm.s32 $0x80  }
0x2df: {  	[tilespmem:s23], [sflag:$0x1] =	stream.indirect_vreg.gather [hbm4b:s19+s4], $0x80, v2, vm0, $0xb8;
	[tilespmem:$0x18080] =	vst v63  }
0x2e0: {  	s30 =	simm.s32 $0x880  }
0x2e1: {  	[tilespmem:s30], [sflag:$0x1] =	stream.indirect_vreg.gather [hbm4b:s22+s4], $0x80, v2, vm0, $0xb8;
	[tilespmem:$0x18080] =	vst v63  }
0x2e2: {  	s1 =	simm.s32 $0x1080  }
0x2e3: {  	[tilespmem:s1], [sflag:$0x1] =	stream.indirect_vreg.gather [hbm4b:s6+s4], $0x80, v2, vm0, $0xb8;
	[tilespmem:$0x18080] =	vst v63  }
0x2e4: {  	s2 =	simm.s32 $0x1880  }
0x2e5: {  	[tilespmem:s2], [sflag:$0x1] =	stream.indirect_vreg.gather [hbm4b:s7+s4], $0x80, v2, vm0, $0xb8;
	[tilespmem:$0x18080] =	vst v63  }
0x2e6: {  	s5 =	smov.u32 s19;
	s19 =	simm.s32 $0x2080  }
0x2e7: {  	[tilespmem:s19], [sflag:$0x1] =	stream.indirect_vreg.gather [hbm4b:s8+s4], $0x80, v2, vm0, $0xb8;
	[tilespmem:$0x18080] =	vst v63  }
0x2e8: {  	s1 =	simm.s32 $0x2880  }
0x2e9: {  	[tilespmem:s1], [sflag:$0x1] =	stream.indirect_vreg.gather [hbm4b:s9+s4], $0x80, v2, vm0, $0xb8;
	[tilespmem:$0x18080] =	vst v63  }
0x2ea: {  	s2 =	simm.s32 $0x3080  }
0x2eb: {  	[tilespmem:s2], [sflag:$0x1] =	stream.indirect_vreg.gather [hbm4b:s10+s4], $0x80, v2, vm0, $0xb8;
	[tilespmem:$0x18080] =	vst v63  }
0x2ec: {  	s19 =	simm.s32 $0x3880;
	s1 =	simm.s32 $0x6  }
0x2ed: {  	[tilespmem:s19], [sflag:$0x1] =	stream.indirect_vreg.gather [hbm4b:s11+s4], $0x80, v2, vm0, $0xb8;
	[tilespmem:$0x18080] =	vst v63  }
0x2ee: {  	_ =	swait.ge [sflag:s1], $0x4000  }
0x2ef: {  	[sflag:s1] =	ssyncset.done $0x0  }
0x2f0: {  	s2 =	rddreg [dreg:$0x1c];
	[sflag:s1] =	ssyncadd.s32 $0xFFFFC000  }
0x2f1: {  	[hbm4b:s2+s4] =	stream.linear.scatter [tilespmem:s0], [sflag:$0xC], $0x4000, $0x38;
	[tilespmem:$0x18080] =	vst v63  }
0x2f2: {  	_ =	swait.ge [sflag:s3], $0x4000  }
0x2f3: {  	[sflag:s3] =	ssyncset.done $0x0  }
0x2f4: {  	[sflag:s3] =	ssyncadd.s32 $0xFFFFC000  }
0x2f5: {  	v2 =	vld.msk [tilespmem:$0x60], $0xff;
	_ =	sdelay $0x4  }
0x2f6: {  	v3 =	vshll.u32 v2, $0x4  }
0x2f7: {  	v2 =	vand.u32 $0x7, v2;
	v3 =	vand.u32 $0xFFFFFF80, v3  }
0x2f8: {  	v2 =	vor.u32 v2, v3  }
0x2f9: {  	v2 =	vperm.xlane v2, v0;
	_ =	sdelay $0x1  }
0x2fa: {  	v2 =	vadd.s32 v1, v2;
	_ =	sdelay $0x3  }
0x2fb: {  	s2 =	simm.s32 $0x4080  }
0x2fc: {  	[tilespmem:s2], [sflag:$0x2] =	stream.indirect_vreg.gather [hbm4b:s25+s4], $0x80, v2, vm0, $0xb8;
	[tilespmem:$0x18080] =	vst v63  }
0x2fd: {  	s0 =	simm.s32 $0x4880  }
0x2fe: {  	[tilespmem:s0], [sflag:$0x2] =	stream.indirect_vreg.gather [hbm4b:s12+s4], $0x80, v2, vm0, $0xb8;
	[tilespmem:$0x18080] =	vst v63  }
0x2ff: {  	s1 =	simm.s32 $0x5080  }
0x300: {  	[tilespmem:s1], [sflag:$0x2] =	stream.indirect_vreg.gather [hbm4b:s13+s4], $0x80, v2, vm0, $0xb8;
	[tilespmem:$0x18080] =	vst v63  }
0x301: {  	s19 =	simm.s32 $0x5880  }
0x302: {  	[tilespmem:s19], [sflag:$0x2] =	stream.indirect_vreg.gather [hbm4b:s14+s4], $0x80, v2, vm0, $0xb8;
	[tilespmem:$0x18080] =	vst v63  }
0x303: {  	s0 =	simm.s32 $0x6080  }
0x304: {  	[tilespmem:s0], [sflag:$0x2] =	stream.indirect_vreg.gather [hbm4b:s15+s4], $0x80, v2, vm0, $0xb8;
	[tilespmem:$0x18080] =	vst v63  }
0x305: {  	s1 =	simm.s32 $0x6880  }
0x306: {  	[tilespmem:s1], [sflag:$0x2] =	stream.indirect_vreg.gather [hbm4b:s16+s4], $0x80, v2, vm0, $0xb8;
	[tilespmem:$0x18080] =	vst v63  }
0x307: {  	s19 =	simm.s32 $0x7080  }
0x308: {  	[tilespmem:s19], [sflag:$0x2] =	stream.indirect_vreg.gather [hbm4b:s17+s4], $0x80, v2, vm0, $0xb8;
	[tilespmem:$0x18080] =	vst v63  }
0x309: {  	s0 =	simm.s32 $0x7880;
	s1 =	simm.s32 $0x1  }
0x30a: {  	[tilespmem:s0], [sflag:$0x2] =	stream.indirect_vreg.gather [hbm4b:s18+s4], $0x80, v2, vm0, $0xb8;
	[tilespmem:$0x18080] =	vst v63  }
0x30b: {  	_ =	swait.ge [sflag:s1], $0x4000  }
0x30c: {  	[sflag:s1] =	ssyncset.done $0x0  }
0x30d: {  	s19 =	rddreg [dreg:$0x1d];
	[sflag:s1] =	ssyncadd.s32 $0xFFFFC000  }
0x30e: {  	[hbm4b:s19+s4] =	stream.linear.scatter [tilespmem:s23], [sflag:$0x7], $0x4000, $0x38;
	[tilespmem:$0x18080] =	vst v63  }
0x30f: {  	_ =	swait.ge [sflag:s28], $0x4000  }
0x310: {  	[sflag:s28] =	ssyncset.done $0x0  }
0x311: {  	[sflag:s28] =	ssyncadd.s32 $0xFFFFC000  }
0x312: {  	v2 =	vld.msk [tilespmem:$0x68], $0xff;
	_ =	sdelay $0x4  }
0x313: {  	v3 =	vshll.u32 v2, $0x4  }
0x314: {  	v2 =	vand.u32 $0x7, v2;
	v3 =	vand.u32 $0xFFFFFF80, v3  }
0x315: {  	v2 =	vor.u32 v2, v3  }
0x316: {  	v2 =	vperm.xlane v2, v0;
	_ =	sdelay $0x1  }
0x317: {  	v2 =	vadd.s32 v1, v2;
	_ =	sdelay $0x3  }
0x318: {  	s1 =	simm.s32 $0x8080  }
0x319: {  	[tilespmem:s1], [sflag:$0x3] =	stream.indirect_vreg.gather [hbm4b:s5+s4], $0x80, v2, vm0, $0xb8;
	[tilespmem:$0x18080] =	vst v63  }
0x31a: {  	s0 =	simm.s32 $0x8880  }
0x31b: {  	[tilespmem:s0], [sflag:$0x3] =	stream.indirect_vreg.gather [hbm4b:s22+s4], $0x80, v2, vm0, $0xb8;
	[tilespmem:$0x18080] =	vst v63  }
0x31c: {  	s19 =	smov.u32 s5;
	s5 =	simm.s32 $0x9080  }
0x31d: {  	[tilespmem:s5], [sflag:$0x3] =	stream.indirect_vreg.gather [hbm4b:s6+s4], $0x80, v2, vm0, $0xb8;
	[tilespmem:$0x18080] =	vst v63  }
0x31e: {  	s30 =	simm.s32 $0x9880  }
0x31f: {  	[tilespmem:s30], [sflag:$0x3] =	stream.indirect_vreg.gather [hbm4b:s7+s4], $0x80, v2, vm0, $0xb8;
	[tilespmem:$0x18080] =	vst v63  }
0x320: {  	s0 =	simm.s32 $0xA080  }
0x321: {  	[tilespmem:s0], [sflag:$0x3] =	stream.indirect_vreg.gather [hbm4b:s8+s4], $0x80, v2, vm0, $0xb8;
	[tilespmem:$0x18080] =	vst v63  }
0x322: {  	s5 =	simm.s32 $0xA880  }
0x323: {  	[tilespmem:s5], [sflag:$0x3] =	stream.indirect_vreg.gather [hbm4b:s9+s4], $0x80, v2, vm0, $0xb8;
	[tilespmem:$0x18080] =	vst v63  }
0x324: {  	s30 =	simm.s32 $0xB080  }
0x325: {  	[tilespmem:s30], [sflag:$0x3] =	stream.indirect_vreg.gather [hbm4b:s10+s4], $0x80, v2, vm0, $0xb8;
	[tilespmem:$0x18080] =	vst v63  }
0x326: {  	s0 =	simm.s32 $0xB880;
	s5 =	simm.s32 $0x2  }
0x327: {  	[tilespmem:s0], [sflag:$0x3] =	stream.indirect_vreg.gather [hbm4b:s11+s4], $0x80, v2, vm0, $0xb8;
	[tilespmem:$0x18080] =	vst v63  }
0x328: {  	_ =	swait.ge [sflag:s5], $0x4000  }
0x329: {  	[sflag:s5] =	ssyncset.done $0x0  }
0x32a: {  	s23 =	rddreg [dreg:$0x1e];
	[sflag:s5] =	ssyncadd.s32 $0xFFFFC000  }
0x32b: {  	[hbm4b:s23+s4] =	stream.linear.scatter [tilespmem:s2], [sflag:$0x8], $0x4000, $0x38;
	[tilespmem:$0x18080] =	vst v63  }
0x32c: {  	_ =	swait.ge [sflag:s24], $0x4000  }
0x32d: {  	[sflag:s24] =	ssyncset.done $0x0  }
0x32e: {  	[sflag:s24] =	ssyncadd.s32 $0xFFFFC000  }
0x32f: {  	v2 =	vld.msk [tilespmem:$0x68], $0xff;
	_ =	sdelay $0x4  }
0x330: {  	v3 =	vshll.u32 v2, $0x4  }
0x331: {  	v2 =	vand.u32 $0x7, v2;
	v3 =	vand.u32 $0xFFFFFF80, v3  }
0x332: {  	v2 =	vor.u32 v2, v3  }
0x333: {  	v2 =	vperm.xlane v2, v0;
	_ =	sdelay $0x1  }
0x334: {  	v2 =	vadd.s32 v1, v2;
	_ =	sdelay $0x3  }
0x335: {  	s0 =	simm.s32 $0xC080  }
0x336: {  	[tilespmem:s0], [sflag:$0x4] =	stream.indirect_vreg.gather [hbm4b:s25+s4], $0x80, v2, vm0, $0xb8;
	[tilespmem:$0x18080] =	vst v63  }
0x337: {  	s2 =	simm.s32 $0xC880  }
0x338: {  	[tilespmem:s2], [sflag:$0x4] =	stream.indirect_vreg.gather [hbm4b:s12+s4], $0x80, v2, vm0, $0xb8;
	[tilespmem:$0x18080] =	vst v63  }
0x339: {  	s30 =	simm.s32 $0xD080  }
0x33a: {  	[tilespmem:s30], [sflag:$0x4] =	stream.indirect_vreg.gather [hbm4b:s13+s4], $0x80, v2, vm0, $0xb8;
	[tilespmem:$0x18080] =	vst v63  }
0x33b: {  	s2 =	simm.s32 $0xD880  }
0x33c: {  	[tilespmem:s2], [sflag:$0x4] =	stream.indirect_vreg.gather [hbm4b:s14+s4], $0x80, v2, vm0, $0xb8;
	[tilespmem:$0x18080] =	vst v63  }
0x33d: {  	s30 =	simm.s32 $0xE080  }
0x33e: {  	[tilespmem:s30], [sflag:$0x4] =	stream.indirect_vreg.gather [hbm4b:s15+s4], $0x80, v2, vm0, $0xb8;
	[tilespmem:$0x18080] =	vst v63  }
0x33f: {  	s2 =	simm.s32 $0xE880  }
0x340: {  	[tilespmem:s2], [sflag:$0x4] =	stream.indirect_vreg.gather [hbm4b:s16+s4], $0x80, v2, vm0, $0xb8;
	[tilespmem:$0x18080] =	vst v63  }
0x341: {  	s30 =	simm.s32 $0xF080  }
0x342: {  	[tilespmem:s30], [sflag:$0x4] =	stream.indirect_vreg.gather [hbm4b:s17+s4], $0x80, v2, vm0, $0xb8;
	[tilespmem:$0x18080] =	vst v63  }
0x343: {  	s2 =	simm.s32 $0xF880  }
0x344: {  	[tilespmem:s2], [sflag:$0x4] =	stream.indirect_vreg.gather [hbm4b:s18+s4], $0x80, v2, vm0, $0xb8;
	[tilespmem:$0x18080] =	vst v63  }
0x345: {  	_ =	swait.ge [sflag:s31], $0x4000  }
0x346: {  	[sflag:s31] =	ssyncset.done $0x0  }
0x347: {  	s23 =	rddreg [dreg:$0x1f];
	[sflag:s31] =	ssyncadd.s32 $0xFFFFC000  }
0x348: {  	[hbm4b:s23+s4] =	stream.linear.scatter [tilespmem:s1], [sflag:$0x9], $0x4000, $0x38;
	[tilespmem:$0x18080] =	vst v63  }
0x349: {  	_ =	swait.ge [sflag:s20], $0x4000  }
0x34a: {  	[sflag:s20] =	ssyncset.done $0x0  }
0x34b: {  	[sflag:s20] =	ssyncadd.s32 $0xFFFFC000  }
0x34c: {  	v2 =	vld.msk [tilespmem:$0x70], $0xff;
	_ =	sdelay $0x4  }
0x34d: {  	v3 =	vshll.u32 v2, $0x4  }
0x34e: {  	v2 =	vand.u32 $0x7, v2;
	v3 =	vand.u32 $0xFFFFFF80, v3  }
0x34f: {  	v2 =	vor.u32 v2, v3  }
0x350: {  	v2 =	vperm.xlane v2, v0;
	_ =	sdelay $0x1  }
0x351: {  	v2 =	vadd.s32 v1, v2;
	_ =	sdelay $0x3  }
0x352: {  	s31 =	simm.s32 $0x10080  }
0x353: {  	[tilespmem:s31], [sflag:$0x5] =	stream.indirect_vreg.gather [hbm4b:s19+s4], $0x80, v2, vm0, $0xb8;
	[tilespmem:$0x18080] =	vst v63  }
0x354: {  	s1 =	simm.s32 $0x10880  }
0x355: {  	[tilespmem:s1], [sflag:$0x5] =	stream.indirect_vreg.gather [hbm4b:s22+s4], $0x80, v2, vm0, $0xb8;
	[tilespmem:$0x18080] =	vst v63  }
0x356: {  	s2 =	simm.s32 $0x11080  }
0x357: {  	[tilespmem:s2], [sflag:$0x5] =	stream.indirect_vreg.gather [hbm4b:s6+s4], $0x80, v2, vm0, $0xb8;
	[tilespmem:$0x18080] =	vst v63  }
0x358: {  	s30 =	simm.s32 $0x11880  }
0x359: {  	[tilespmem:s30], [sflag:$0x5] =	stream.indirect_vreg.gather [hbm4b:s7+s4], $0x80, v2, vm0, $0xb8;
	[tilespmem:$0x18080] =	vst v63  }
0x35a: {  	s1 =	simm.s32 $0x12080  }
0x35b: {  	[tilespmem:s1], [sflag:$0x5] =	stream.indirect_vreg.gather [hbm4b:s8+s4], $0x80, v2, vm0, $0xb8;
	[tilespmem:$0x18080] =	vst v63  }
0x35c: {  	s2 =	simm.s32 $0x12880  }
0x35d: {  	[tilespmem:s2], [sflag:$0x5] =	stream.indirect_vreg.gather [hbm4b:s9+s4], $0x80, v2, vm0, $0xb8;
	[tilespmem:$0x18080] =	vst v63  }
0x35e: {  	s30 =	simm.s32 $0x13080  }
0x35f: {  	[tilespmem:s30], [sflag:$0x5] =	stream.indirect_vreg.gather [hbm4b:s10+s4], $0x80, v2, vm0, $0xb8;
	[tilespmem:$0x18080] =	vst v63  }
0x360: {  	s1 =	simm.s32 $0x13880;
	s2 =	simm.s32 $0x4  }
0x361: {  	[tilespmem:s1], [sflag:$0x5] =	stream.indirect_vreg.gather [hbm4b:s11+s4], $0x80, v2, vm0, $0xb8;
	[tilespmem:$0x18080] =	vst v63  }
0x362: {  	_ =	swait.ge [sflag:s2], $0x4000  }
0x363: {  	s23 =	sld [smem:$0x7F9]  }
0x364: {  	[sflag:s2] =	ssyncset.done $0x0  }
0x365: {  	[sflag:s2] =	ssyncadd.s32 $0xFFFFC000  }
0x366: {  	[hbm4b:s23+s4] =	stream.linear.scatter [tilespmem:s0], [sflag:$0xA], $0x4000, $0x38;
	[tilespmem:$0x18080] =	vst v63  }
0x367: {  	_ =	swait.ge [sflag:s21], $0x4000  }
0x368: {  	[sflag:s21] =	ssyncset.done $0x0  }
0x369: {  	[sflag:s21] =	ssyncadd.s32 $0xFFFFC000  }
0x36a: {  	v2 =	vld.msk [tilespmem:$0x70], $0xff;
	_ =	sdelay $0x4  }
0x36b: {  	v3 =	vshll.u32 v2, $0x4  }
0x36c: {  	v2 =	vand.u32 $0x7, v2;
	v3 =	vand.u32 $0xFFFFFF80, v3  }
0x36d: {  	v2 =	vor.u32 v2, v3  }
0x36e: {  	v2 =	vperm.xlane v2, v0;
	_ =	sdelay $0x1  }
0x36f: {  	v2 =	vadd.s32 v1, v2;
	_ =	sdelay $0x3  }
0x370: {  	s23 =	simm.s32 $0x14080  }
0x371: {  	[tilespmem:s23], [sflag:$0x6] =	stream.indirect_vreg.gather [hbm4b:s25+s4], $0x80, v2, vm0, $0xb8;
	[tilespmem:$0x18080] =	vst v63  }
0x372: {  	s1 =	simm.s32 $0x14880  }
0x373: {  	[tilespmem:s1], [sflag:$0x6] =	stream.indirect_vreg.gather [hbm4b:s12+s4], $0x80, v2, vm0, $0xb8;
	[tilespmem:$0x18080] =	vst v63  }
0x374: {  	s30 =	simm.s32 $0x15080  }
0x375: {  	[tilespmem:s30], [sflag:$0x6] =	stream.indirect_vreg.gather [hbm4b:s13+s4], $0x80, v2, vm0, $0xb8;
	[tilespmem:$0x18080] =	vst v63  }
0x376: {  	s0 =	simm.s32 $0x15880  }
0x377: {  	[tilespmem:s0], [sflag:$0x6] =	stream.indirect_vreg.gather [hbm4b:s14+s4], $0x80, v2, vm0, $0xb8;
	[tilespmem:$0x18080] =	vst v63  }
0x378: {  	s1 =	simm.s32 $0x16080  }
0x379: {  	[tilespmem:s1], [sflag:$0x6] =	stream.indirect_vreg.gather [hbm4b:s15+s4], $0x80, v2, vm0, $0xb8;
	[tilespmem:$0x18080] =	vst v63  }
0x37a: {  	s30 =	simm.s32 $0x16880  }
0x37b: {  	[tilespmem:s30], [sflag:$0x6] =	stream.indirect_vreg.gather [hbm4b:s16+s4], $0x80, v2, vm0, $0xb8;
	[tilespmem:$0x18080] =	vst v63  }
0x37c: {  	s0 =	simm.s32 $0x17080  }
0x37d: {  	[tilespmem:s0], [sflag:$0x6] =	stream.indirect_vreg.gather [hbm4b:s17+s4], $0x80, v2, vm0, $0xb8;
	[tilespmem:$0x18080] =	vst v63  }
0x37e: {  	s29 =	simm.s32 $0x5;
	s1 =	simm.s32 $0x17880  }
0x37f: {  	[tilespmem:s1], [sflag:$0x6] =	stream.indirect_vreg.gather [hbm4b:s18+s4], $0x80, v2, vm0, $0xb8;
	[tilespmem:$0x18080] =	vst v63  }
0x380: {  	_ =	swait.ge [sflag:s29], $0x4000  }
0x381: {  	s2 =	sld [smem:$0x7FA]  }
0x382: {  	[sflag:s29] =	ssyncset.done $0x0  }
0x383: {  	[sflag:s29] =	ssyncadd.s32 $0xFFFFC000  }
0x384: {  	[hbm4b:s2+s4] =	stream.linear.scatter [tilespmem:s31], [sflag:$0xB], $0x4000, $0x38;
	[tilespmem:$0x18080] =	vst v63  }
0x385: {  	_ =	swait.ge [sflag:s26], $0x4000  }
0x386: {  	[sflag:s26] =	ssyncset.done $0x0  }
0x387: {  	[sflag:s26] =	ssyncadd.s32 $0xFFFFC000  }
0x388: {  	v2 =	vld.msk [tilespmem:$0x78], $0xff;
	_ =	sdelay $0x4  }
0x389: {  	v3 =	vshll.u32 v2, $0x4  }
0x38a: {  	v2 =	vand.u32 $0x7, v2;
	v3 =	vand.u32 $0xFFFFFF80, v3  }
0x38b: {  	v2 =	vor.u32 v2, v3  }
0x38c: {  	v2 =	vperm.xlane v2, v0;
	_ =	sdelay $0x1  }
0x38d: {  	v2 =	vadd.s32 v1, v2;
	_ =	sdelay $0x3  }
0x38e: {  	s0 =	simm.s32 $0x80  }
0x38f: {  	[tilespmem:s0], [sflag:$0x1] =	stream.indirect_vreg.gather [hbm4b:s19+s4], $0x80, v2, vm0, $0xb8;
	[tilespmem:$0x18080] =	vst v63  }
0x390: {  	s29 =	simm.s32 $0x880  }
0x391: {  	[tilespmem:s29], [sflag:$0x1] =	stream.indirect_vreg.gather [hbm4b:s22+s4], $0x80, v2, vm0, $0xb8;
	[tilespmem:$0x18080] =	vst v63  }
0x392: {  	s30 =	simm.s32 $0x1080  }
0x393: {  	[tilespmem:s30], [sflag:$0x1] =	stream.indirect_vreg.gather [hbm4b:s6+s4], $0x80, v2, vm0, $0xb8;
	[tilespmem:$0x18080] =	vst v63  }
0x394: {  	s31 =	simm.s32 $0x1880  }
0x395: {  	[tilespmem:s31], [sflag:$0x1] =	stream.indirect_vreg.gather [hbm4b:s7+s4], $0x80, v2, vm0, $0xb8;
	[tilespmem:$0x18080] =	vst v63  }
0x396: {  	s2 =	simm.s32 $0x2080  }
0x397: {  	[tilespmem:s2], [sflag:$0x1] =	stream.indirect_vreg.gather [hbm4b:s8+s4], $0x80, v2, vm0, $0xb8;
	[tilespmem:$0x18080] =	vst v63  }
0x398: {  	s19 =	simm.s32 $0x2880  }
0x399: {  	[tilespmem:s19], [sflag:$0x1] =	stream.indirect_vreg.gather [hbm4b:s9+s4], $0x80, v2, vm0, $0xb8;
	[tilespmem:$0x18080] =	vst v63  }
0x39a: {  	s29 =	simm.s32 $0x3080  }
0x39b: {  	[tilespmem:s29], [sflag:$0x1] =	stream.indirect_vreg.gather [hbm4b:s10+s4], $0x80, v2, vm0, $0xb8;
	[tilespmem:$0x18080] =	vst v63  }
0x39c: {  	s30 =	simm.s32 $0x3880;
	s31 =	simm.s32 $0x6  }
0x39d: {  	[tilespmem:s30], [sflag:$0x1] =	stream.indirect_vreg.gather [hbm4b:s11+s4], $0x80, v2, vm0, $0xb8;
	[tilespmem:$0x18080] =	vst v63  }
0x39e: {  	_ =	swait.ge [sflag:s31], $0x4000  }
0x39f: {  	s2 =	sld [smem:$0x7FB]  }
0x3a0: {  	[sflag:s31] =	ssyncset.done $0x0  }
0x3a1: {  	[sflag:s31] =	ssyncadd.s32 $0xFFFFC000  }
0x3a2: {  	[hbm4b:s2+s4] =	stream.linear.scatter [tilespmem:s23], [sflag:$0xC], $0x4000, $0x38;
	[tilespmem:$0x18080] =	vst v63  }
0x3a3: {  	_ =	swait.ge [sflag:s3], $0x4000  }
0x3a4: {  	[sflag:s3] =	ssyncset.done $0x0  }
0x3a5: {  	[sflag:s3] =	ssyncadd.s32 $0xFFFFC000  }
0x3a6: {  	v2 =	vld.msk [tilespmem:$0x78], $0xff;
	_ =	sdelay $0x4  }
0x3a7: {  	v3 =	vshll.u32 v2, $0x4  }
0x3a8: {  	v2 =	vand.u32 $0x7, v2;
	v3 =	vand.u32 $0xFFFFFF80, v3  }
0x3a9: {  	v2 =	vor.u32 v2, v3  }
0x3aa: {  	v2 =	vperm.xlane v2, v0;
	_ =	sdelay $0x1  }
0x3ab: {  	v2 =	vadd.s32 v1, v2;
	_ =	sdelay $0x3  }
0x3ac: {  	s1 =	simm.s32 $0x4080  }
0x3ad: {  	[tilespmem:s1], [sflag:$0x2] =	stream.indirect_vreg.gather [hbm4b:s25+s4], $0x80, v2, vm0, $0xb8;
	[tilespmem:$0x18080] =	vst v63  }
0x3ae: {  	s19 =	simm.s32 $0x4880  }
0x3af: {  	[tilespmem:s19], [sflag:$0x2] =	stream.indirect_vreg.gather [hbm4b:s12+s4], $0x80, v2, vm0, $0xb8;
	[tilespmem:$0x18080] =	vst v63  }
0x3b0: {  	s23 =	simm.s32 $0x5080  }
0x3b1: {  	[tilespmem:s23], [sflag:$0x2] =	stream.indirect_vreg.gather [hbm4b:s13+s4], $0x80, v2, vm0, $0xb8;
	[tilespmem:$0x18080] =	vst v63  }
0x3b2: {  	s25 =	simm.s32 $0x5880  }
0x3b3: {  	[tilespmem:s25], [sflag:$0x2] =	stream.indirect_vreg.gather [hbm4b:s14+s4], $0x80, v2, vm0, $0xb8;
	[tilespmem:$0x18080] =	vst v63  }
0x3b4: {  	s29 =	simm.s32 $0x6080  }
0x3b5: {  	[tilespmem:s29], [sflag:$0x2] =	stream.indirect_vreg.gather [hbm4b:s15+s4], $0x80, v2, vm0, $0xb8;
	[tilespmem:$0x18080] =	vst v63  }
0x3b6: {  	s30 =	simm.s32 $0x6880  }
0x3b7: {  	[tilespmem:s30], [sflag:$0x2] =	stream.indirect_vreg.gather [hbm4b:s16+s4], $0x80, v2, vm0, $0xb8;
	[tilespmem:$0x18080] =	vst v63  }
0x3b8: {  	s31 =	simm.s32 $0x7080  }
0x3b9: {  	[tilespmem:s31], [sflag:$0x2] =	stream.indirect_vreg.gather [hbm4b:s17+s4], $0x80, v2, vm0, $0xb8;
	[tilespmem:$0x18080] =	vst v63  }
0x3ba: {  	s19 =	simm.s32 $0x7880;
	s23 =	simm.s32 $0x1  }
0x3bb: {  	[tilespmem:s19], [sflag:$0x2] =	stream.indirect_vreg.gather [hbm4b:s18+s4], $0x80, v2, vm0, $0xb8;
	[tilespmem:$0x18080] =	vst v63  }
0x3bc: {  	_ =	swait.ge [sflag:s23], $0x4000  }
0x3bd: {  	s25 =	sld [smem:$0x7FC]  }
0x3be: {  	[sflag:s23] =	ssyncset.done $0x0  }
0x3bf: {  	s5 =	simm.s32 $0x2;
	[sflag:s23] =	ssyncadd.s32 $0xFFFFC000  }
0x3c0: {  	[hbm4b:s25+s4] =	stream.linear.scatter [tilespmem:s0], [sflag:$0x7], $0x4000, $0x38;
	[tilespmem:$0x18080] =	vst v63  }
0x3c1: {  	s29 =	sld [smem:$0x7F8];
	_ =	swait.ge [sflag:s5], $0x4000  }
0x3c2: {  	s31 =	sld [smem:$0x7FD]  }
0x3c3: {  	[sflag:s5] =	ssyncset.done $0x0  }
0x3c4: {  	[sflag:s5] =	ssyncadd.s32 $0xFFFFC000  }
0x3c5: {  	[hbm4b:s31+s4] =	stream.linear.scatter [tilespmem:s1], [sflag:$0x8], $0x4000, $0x38;
	[tilespmem:$0x18080] =	vst v63  }
0x3c6: {  	_ =	swait.ge [sflag:s28], $0x4000  }
0x3c7: {  	[sflag:s28] =	ssyncset.done $0x0  }
0x3c8: {  	[sflag:s28] =	ssyncadd.s32 $0xFFFFC000  }
0x3c9: {  	_ =	swait.ge [sflag:s24], $0x4000  }
0x3ca: {  	[sflag:s24] =	ssyncset.done $0x0  }
0x3cb: {  	[sflag:s24] =	ssyncadd.s32 $0xFFFFC000  }
0x3cc: {  	_ =	swait.ge [sflag:s20], $0x4000  }
0x3cd: {  	[sflag:s20] =	ssyncset.done $0x0  }
0x3ce: {  	[sflag:s20] =	ssyncadd.s32 $0xFFFFC000  }
0x3cf: {  	_ =	swait.ge [sflag:s21], $0x4000  }
0x3d0: {  	[sflag:s21] =	ssyncset.done $0x0  }
0x3d1: {  	[sflag:s21] =	ssyncadd.s32 $0xFFFFC000  }
0x3d2: {  	p0 =	sne.s32 s29, $0x1;
	_ =	swait.ge [sflag:s26], $0x4000  }
.Ltmp0:
0x3d3: {  	[sflag:s26] =	ssyncset.done $0x0;
	(pc) =	sbr.rel @p0 .LBB2_1-.Ltmp0, $4  }
0x3d4: {  	[sflag:s26] =	ssyncadd.s32 $0xFFFFC000  }
0x3d5: {  	_ =	swait.ge [sflag:s3], $0x4000  }
0x3d6: {  	[sflag:s3] =	ssyncset.done $0x0  }
0x3d7: {  	s19 =	sadd.s32 $0xFFFFFFFF, s29;
	[sflag:s3] =	ssyncadd.s32 $0xFFFFC000  }
0x3d8: {  	_ =	sfence.sel $0x180000  }
0x3d9: {  	[bflag:$0x0] =	sbarrier.arrive $0xFFFF  }
0x3da: {  	_ =	strace $0x90000047  }
0x3db: {  	s0 =	stileid.u32;
	[bflag:$0x2] =	sbarrier.arrive $0xFFFF  }
0x3dc: {  	p0 =	sne.s32 s0, $0x0;
	s0 =	rddreg [dreg:$0x3]  }
0x3dd: {  	s0 =	sadd.s32 @!p0 $0x100000, s0  }
0x3de: {  	[sflag:s0] =	ssyncadd.tile.s32 @!p0 $0x1;
	_ =	shalt  }
.Lfunc_end2:
_tile_overlayer_lowered:
.L_overlay_start_2:
0x3df: {  	(tag) =	ssettag $0x2  }
0x3e0: {  	s0 =	rddreg [dreg:$0x0];
	s2 =	stileid.u32  }
0x3e1: {  	s1 =	rddreg [dreg:$0x1];
	p0 =	sne.s32 s2, $0x0  }
0x3e2: {  	s3 =	rddreg [dreg:$0x2];
	[bflag:$0x3] =	sbarrier.arrive $0xFFFF;
	s2 =	simm.s32 @!p0 $0x1C0D  }
0x3e3: {  	[timem:s3], [sflag:s2] =	dma.local @!p0 [hbm:s0], s1  }
0x3e4: {  	s0 =	simm.s32 @!p0 $0xD  }
0x3e5: {  	_ =	swait.ge @!p0 [sflag:s0], s1  }
0x3e6: {  	s1 =	ssub.s32 @!p0 $0x0, s1;
	[sflag:s0] =	ssyncset.done @!p0 $0x0  }
0x3e7: {  	[sflag:s0] =	ssyncadd.s32 @!p0 s1  }
0x3e8: {  	[bflag:$0x3] =	sbarrier.arrive $0xFFFF  }
0x3e9: {  	_ =	shalt  }

</sc_bundles>
